<compile_context>
chip_gen: v7x
topology: tpu7x:2x2x1
jax: 0.10.2.dev20260603
libtpu: 0.0.44.dev20260713+nightly
codegen_flags: <defaults>
</compile_context>

<pallas_src>
import jax
import jax.numpy as jnp
from jax import lax
from jax.experimental import pallas as pl
from jax.experimental.pallas import tpu as pltpu
from jax.experimental.pallas import tpu_sc as plsc

BS = 4096
NUM_AXIOMS = 200
N = BS * NUM_AXIOMS
EMBED_DIM = 64
EPAD = 128
VOCAB_ = 1000000

NC = 2
NS = 16
NW = NC * NS
PW = N // NW
CHUNK = 128
ROWS = 2 * CHUNK
NSTREAM = ROWS // 128
IDXROWS = 2 * PW // 128
NCHUNK = PW // CHUNK
RING = 4


def _body(emb_hbm, xi_hbm, out_hbm,
          idx_v, rows0, rows1, rows2, rows3, sc0, sc1, sc2, sc3,
          isem, gsem0, gsem1, gsem2, gsem3, osem0, osem1, osem2, osem3):
    rows = (rows0, rows1, rows2, rows3)
    sc = (sc0, sc1, sc2, sc3)
    gsem = (gsem0, gsem1, gsem2, gsem3)
    osem = (osem0, osem1, osem2, osem3)

    wid = lax.axis_index("c") * NS + lax.axis_index("s")
    lanes = lax.iota(jnp.int32, 16)
    lane15 = lanes == 15

    pltpu.async_copy(
        xi_hbm.at[pl.ds(wid * IDXROWS, IDXROWS)], idx_v, isem).wait()

    def gather_start(c, b):
        for j in range(NSTREAM):
            pltpu.async_copy(
                emb_hbm.at[idx_v.at[c * NSTREAM + j]],
                rows[b].at[pl.ds(j * 128, 128)], gsem[b])

    def gather_wait(b):
        for j in range(NSTREAM):
            pltpu.make_async_copy(
                emb_hbm.at[idx_v.at[j]],
                rows[b].at[pl.ds(j * 128, 128)], gsem[b]).wait()

    def out_start(c, b):
        pltpu.async_copy(
            sc[b], out_hbm.at[pl.ds(wid * PW + c * CHUNK, CHUNK)], osem[b])

    def out_wait(b):
        pltpu.make_async_copy(
            sc[b], out_hbm.at[pl.ds(0, CHUNK)], osem[b]).wait()

    def compute(b):
        rb, sb = rows[b], sc[b]

        def pair_body(p, _):
            prods = []
            for q in range(4):
                lv = rb[2 * p, pl.ds(q * 16, 16)]
                rv = rb[2 * p + 1, pl.ds(q * 16, 16)]
                prods.append(lv * rv)
            part = (prods[0] + prods[1]) + (prods[2] + prods[3])
            cum = plsc.cumsum(part)
            idx = jnp.full((16,), p, jnp.int32)
            plsc.store_scatter(sb, [idx], cum, mask=lane15)
            return _

        lax.fori_loop(0, CHUNK, pair_body, 0, unroll=4)

    for b in range(RING):
        gather_start(b, b)

    def ring_body(i, _):
        for b in range(RING):
            c = i * RING + b
            gather_wait(b)
            out_wait(b)
            compute(b)
            out_start(c, b)
            gather_start((c + RING) % NCHUNK, b)
        return _

    for b in range(RING):
        gather_wait(b)
        compute(b)
        out_start(b, b)
        gather_start(b + RING, b)

    lax.fori_loop(1, NCHUNK // RING, ring_body, 0, unroll=False)

    for b in range(RING):
        gather_wait(b)
        out_wait(b)


@jax.jit
def _scores(xi2, emb):
    mesh = plsc.VectorSubcoreMesh(
        core_axis_name="c", subcore_axis_name="s",
        num_cores=NC, num_subcores=NS)
    f = pl.kernel(
        _body,
        out_type=jax.ShapeDtypeStruct((N,), jnp.float32),
        mesh=mesh,
        scratch_types=[
            pltpu.VMEM((IDXROWS, 128), jnp.int32),
            pltpu.VMEM((ROWS, EMBED_DIM), jnp.float32),
            pltpu.VMEM((ROWS, EMBED_DIM), jnp.float32),
            pltpu.VMEM((ROWS, EMBED_DIM), jnp.float32),
            pltpu.VMEM((ROWS, EMBED_DIM), jnp.float32),
            pltpu.VMEM((CHUNK,), jnp.float32),
            pltpu.VMEM((CHUNK,), jnp.float32),
            pltpu.VMEM((CHUNK,), jnp.float32),
            pltpu.VMEM((CHUNK,), jnp.float32),
            pltpu.SemaphoreType.DMA,
            pltpu.SemaphoreType.DMA,
            pltpu.SemaphoreType.DMA,
            pltpu.SemaphoreType.DMA,
            pltpu.SemaphoreType.DMA,
            pltpu.SemaphoreType.DMA,
            pltpu.SemaphoreType.DMA,
            pltpu.SemaphoreType.DMA,
            pltpu.SemaphoreType.DMA,
        ],
        compiler_params=pltpu.CompilerParams(
            needs_layout_passes=False, use_tc_tiling_on_sc=False),
    )
    return f(emb, xi2)


PBLK = 8000


def _pad_body(in_ref, out_ref):
    out_ref[:, :EMBED_DIM] = in_ref[...]
    out_ref[:, EMBED_DIM:] = jnp.zeros((PBLK, EPAD - EMBED_DIM), jnp.float32)


def _pad_table(emb):
    return pl.pallas_call(
        _pad_body,
        grid=(VOCAB_ // PBLK,),
        in_specs=[pl.BlockSpec((PBLK, EMBED_DIM), lambda i: (i, 0))],
        out_specs=pl.BlockSpec((PBLK, EPAD), lambda i: (i, 0)),
        out_shape=jax.ShapeDtypeStruct((VOCAB_, EPAD), jnp.float32),
    )(emb)


def kernel(x, emb):
    bs, num_axioms, ents = x.shape
    xi2 = x.reshape(-1).astype(jnp.int32).reshape(2 * N // 128, 128)
    scores = _scores(xi2, emb)
    return scores.reshape(bs, num_axioms)

# --- scband reference (transcript-rebuilt; emitter-appended) ---
"""Pipeline reference for scband-test-module-subsumption-9878424781508 (READ-ONLY COPY).

The authoritative reference and input builder live on the scoring server;
editing this copy changes nothing except your own understanding.
"""

import jax, jax.numpy as jnp
import numpy as np

VOCAB = 1000000
EMBED_DIM = 64
BS = 4096
NUM_AXIOMS = 200


def setup_inputs(seed: int = 0) -> dict:
    key = jax.random.key(seed)
    k1, k2 = jax.random.split(key)
    # axiom pairs: [bs, num_axioms, 2] indices into the embedding table
    x = jax.random.randint(k1, (BS, NUM_AXIOMS, 2), 0, VOCAB, dtype=jnp.int64)
    # learned embedding table, sized per init (len(embeddings) x dim)
    emb = jax.random.normal(k2, (VOCAB, EMBED_DIM), dtype=jnp.float32) * 0.02
    return {"x": x, "emb": emb}


def reference(x, emb):
    bs, num_axioms, ents = x.shape
    assert ents == 2
    xf = x.reshape(-1, ents)
    c_left = xf[:, 0]
    c_right = xf[:, 1]
    # entailment scorer: embedding gather for both concepts + dot-product score
    e_left = jnp.take(emb, c_left, axis=0)
    e_right = jnp.take(emb, c_right, axis=0)
    scores = jnp.sum(e_left * e_right, axis=-1)
    return scores.reshape(bs, num_axioms)

if __name__ == "__main__":
    import jax
    _d = setup_inputs()
    print(jax.jit(kernel)(*tuple(_d.values())))

</pallas_src>

<mosaic_0001>
#map = affine_map<(d0, d1) -> (0, 0)>
#map1 = affine_map<(d0, d1) -> (0)>
module attributes {stable_mosaic.version = 14 : i64} {
  func.func @_body(%arg0: i32, %arg1: i32, %arg2: memref<1000000x64xf32, #tpu.memory_space<hbm>>, %arg3: memref<12800x128xi32, #tpu.memory_space<hbm>>, %arg4: memref<819200xf32, #tpu.memory_space<hbm>>, %arg5: memref<400x128xi32, #tpu.memory_space<vmem>>, %arg6: memref<256x64xf32, #tpu.memory_space<vmem>>, %arg7: memref<256x64xf32, #tpu.memory_space<vmem>>, %arg8: memref<256x64xf32, #tpu.memory_space<vmem>>, %arg9: memref<256x64xf32, #tpu.memory_space<vmem>>, %arg10: memref<128xf32, #tpu.memory_space<vmem>>, %arg11: memref<128xf32, #tpu.memory_space<vmem>>, %arg12: memref<128xf32, #tpu.memory_space<vmem>>, %arg13: memref<128xf32, #tpu.memory_space<vmem>>, %arg14: memref<!tpu.dma_semaphore, #tpu.memory_space<semaphore_mem>>, %arg15: memref<!tpu.dma_semaphore, #tpu.memory_space<semaphore_mem>>, %arg16: memref<!tpu.dma_semaphore, #tpu.memory_space<semaphore_mem>>, %arg17: memref<!tpu.dma_semaphore, #tpu.memory_space<semaphore_mem>>, %arg18: memref<!tpu.dma_semaphore, #tpu.memory_space<semaphore_mem>>, %arg19: memref<!tpu.dma_semaphore, #tpu.memory_space<semaphore_mem>>, %arg20: memref<!tpu.dma_semaphore, #tpu.memory_space<semaphore_mem>>, %arg21: memref<!tpu.dma_semaphore, #tpu.memory_space<semaphore_mem>>, %arg22: memref<!tpu.dma_semaphore, #tpu.memory_space<semaphore_mem>>) attributes {dimension_semantics = [#tpu.dimension_semantics<core_parallel>, #tpu.dimension_semantics<subcore_parallel>], iteration_bounds = array<i64: 2, 16>, scalar_prefetch = 0 : i64, scratch_operands = 18 : i64, tpu.core_type = #tpu.core_type<sc_vector_subcore>, window_params = [{transform_indices = #map}, {transform_indices = #map}, {transform_indices = #map1}]} {
    %mul3A = arith.constant 16 : i32
    %mul3A_0 = arith.muli %arg0, %mul3A : i32
    %add3A = arith.addi %mul3A_0, %arg1 : i32
    %iota3A = tpu.iota {dimensions = array<i32: 0>} : vector<16xi32>
    %eq3A = arith.constant 15 : i32
    %eq3A_1 = vector.broadcast %eq3A : i32 to vector<16xi32>
    %eq3A_2 = arith.cmpi eq, %iota3A, %eq3A_1 : vector<16xi32>
    %mul3A_3 = arith.constant 400 : i32
    %mul3A_4 = arith.muli %add3A, %mul3A_3 : i32
    %dma_start3A = arith.constant 0 : i32
    %dma_start3A_5 = tpu.memref_slice %arg3[%mul3A_4, %dma_start3A] : memref<12800x128xi32, #tpu.memory_space<hbm>> -> memref<400x128xi32, #tpu.memory_space<hbm>>
    %dma_start3A_6 = arith.constant 0 : i32
    %dma_start3A_7 = tpu.memref_slice %arg3[%mul3A_4, %dma_start3A_6] : memref<12800x128xi32, #tpu.memory_space<hbm>> -> memref<400x128xi32, #tpu.memory_space<hbm>>
    tpu.enqueue_dma source(%dma_start3A_7 : memref<400x128xi32, #tpu.memory_space<hbm>>) target(%arg5 : memref<400x128xi32, #tpu.memory_space<vmem>>) target_semaphore(%arg14 : memref<!tpu.dma_semaphore, #tpu.memory_space<semaphore_mem>>)
    %dma_wait3A = arith.constant 0 : i32
    %dma_wait3A_8 = tpu.memref_slice %arg3[%mul3A_4, %dma_wait3A] : memref<12800x128xi32, #tpu.memory_space<hbm>> -> memref<400x128xi32, #tpu.memory_space<hbm>>
    %dma_wait3A_9 = arith.constant 0 : i32
    %dma_wait3A_10 = tpu.memref_slice %arg3[%mul3A_4, %dma_wait3A_9] : memref<12800x128xi32, #tpu.memory_space<hbm>> -> memref<400x128xi32, #tpu.memory_space<hbm>>
    tpu.wait_dma2 semaphore(%arg14 : memref<!tpu.dma_semaphore, #tpu.memory_space<semaphore_mem>>) src(%dma_wait3A_10 : memref<400x128xi32, #tpu.memory_space<hbm>>) dst(%arg5 : memref<400x128xi32, #tpu.memory_space<vmem>>)
    %dma_start3A_11 = arith.constant 0 : i32
    %dma_start3A_12 = arith.constant 0 : i32
    %dma_start3A_13 = arith.constant 0 : i32
    %dma_start3A_14 = tpu.memref_slice %arg6[%dma_start3A_12, %dma_start3A_13] : memref<256x64xf32, #tpu.memory_space<vmem>> -> memref<128x64xf32, #tpu.memory_space<vmem>>
    %dma_start3A_15 = arith.constant 0 : i32
    %dma_start3A_16 = tpu.memref_slice %arg5[%dma_start3A_11, %dma_start3A_15] : memref<400x128xi32, #tpu.memory_space<vmem>> -> memref<1x128xi32, #tpu.memory_space<vmem>>
    %dma_start3A_17 = tpu.memref_squeeze %dma_start3A_16 : memref<1x128xi32, #tpu.memory_space<vmem>> -> memref<128xi32, #tpu.memory_space<vmem>>
    %dma_start3A_18 = arith.constant 0 : i32
    %dma_start3A_19 = arith.constant 0 : i32
    %dma_start3A_20 = tpu.memref_slice %arg2[%dma_start3A_18, %dma_start3A_19] : memref<1000000x64xf32, #tpu.memory_space<hbm>> -> memref<1000000x64xf32, #tpu.memory_space<hbm>>
    tpu.enqueue_indirect_dma source(%dma_start3A_20 : memref<1000000x64xf32, #tpu.memory_space<hbm>>) target(%dma_start3A_14 : memref<128x64xf32, #tpu.memory_space<vmem>>) offsets(%dma_start3A_17 : memref<128xi32, #tpu.memory_space<vmem>>) semaphore(%arg15 : memref<!tpu.dma_semaphore, #tpu.memory_space<semaphore_mem>>)
    %dma_start3A_21 = arith.constant 1 : i32
    %dma_start3A_22 = arith.constant 128 : i32
    %dma_start3A_23 = arith.constant 0 : i32
    %dma_start3A_24 = tpu.memref_slice %arg6[%dma_start3A_22, %dma_start3A_23] : memref<256x64xf32, #tpu.memory_space<vmem>> -> memref<128x64xf32, #tpu.memory_space<vmem>>
    %dma_start3A_25 = arith.constant 0 : i32
    %dma_start3A_26 = tpu.memref_slice %arg5[%dma_start3A_21, %dma_start3A_25] : memref<400x128xi32, #tpu.memory_space<vmem>> -> memref<1x128xi32, #tpu.memory_space<vmem>>
    %dma_start3A_27 = tpu.memref_squeeze %dma_start3A_26 : memref<1x128xi32, #tpu.memory_space<vmem>> -> memref<128xi32, #tpu.memory_space<vmem>>
    %dma_start3A_28 = arith.constant 0 : i32
    %dma_start3A_29 = arith.constant 0 : i32
    %dma_start3A_30 = tpu.memref_slice %arg2[%dma_start3A_28, %dma_start3A_29] : memref<1000000x64xf32, #tpu.memory_space<hbm>> -> memref<1000000x64xf32, #tpu.memory_space<hbm>>
    tpu.enqueue_indirect_dma source(%dma_start3A_30 : memref<1000000x64xf32, #tpu.memory_space<hbm>>) target(%dma_start3A_24 : memref<128x64xf32, #tpu.memory_space<vmem>>) offsets(%dma_start3A_27 : memref<128xi32, #tpu.memory_space<vmem>>) semaphore(%arg15 : memref<!tpu.dma_semaphore, #tpu.memory_space<semaphore_mem>>)
    %dma_start3A_31 = arith.constant 2 : i32
    %dma_start3A_32 = arith.constant 0 : i32
    %dma_start3A_33 = arith.constant 0 : i32
    %dma_start3A_34 = tpu.memref_slice %arg7[%dma_start3A_32, %dma_start3A_33] : memref<256x64xf32, #tpu.memory_space<vmem>> -> memref<128x64xf32, #tpu.memory_space<vmem>>
    %dma_start3A_35 = arith.constant 0 : i32
    %dma_start3A_36 = tpu.memref_slice %arg5[%dma_start3A_31, %dma_start3A_35] : memref<400x128xi32, #tpu.memory_space<vmem>> -> memref<1x128xi32, #tpu.memory_space<vmem>>
    %dma_start3A_37 = tpu.memref_squeeze %dma_start3A_36 : memref<1x128xi32, #tpu.memory_space<vmem>> -> memref<128xi32, #tpu.memory_space<vmem>>
    %dma_start3A_38 = arith.constant 0 : i32
    %dma_start3A_39 = arith.constant 0 : i32
    %dma_start3A_40 = tpu.memref_slice %arg2[%dma_start3A_38, %dma_start3A_39] : memref<1000000x64xf32, #tpu.memory_space<hbm>> -> memref<1000000x64xf32, #tpu.memory_space<hbm>>
    tpu.enqueue_indirect_dma source(%dma_start3A_40 : memref<1000000x64xf32, #tpu.memory_space<hbm>>) target(%dma_start3A_34 : memref<128x64xf32, #tpu.memory_space<vmem>>) offsets(%dma_start3A_37 : memref<128xi32, #tpu.memory_space<vmem>>) semaphore(%arg16 : memref<!tpu.dma_semaphore, #tpu.memory_space<semaphore_mem>>)
    %dma_start3A_41 = arith.constant 3 : i32
    %dma_start3A_42 = arith.constant 128 : i32
    %dma_start3A_43 = arith.constant 0 : i32
    %dma_start3A_44 = tpu.memref_slice %arg7[%dma_start3A_42, %dma_start3A_43] : memref<256x64xf32, #tpu.memory_space<vmem>> -> memref<128x64xf32, #tpu.memory_space<vmem>>
    %dma_start3A_45 = arith.constant 0 : i32
    %dma_start3A_46 = tpu.memref_slice %arg5[%dma_start3A_41, %dma_start3A_45] : memref<400x128xi32, #tpu.memory_space<vmem>> -> memref<1x128xi32, #tpu.memory_space<vmem>>
    %dma_start3A_47 = tpu.memref_squeeze %dma_start3A_46 : memref<1x128xi32, #tpu.memory_space<vmem>> -> memref<128xi32, #tpu.memory_space<vmem>>
    %dma_start3A_48 = arith.constant 0 : i32
    %dma_start3A_49 = arith.constant 0 : i32
    %dma_start3A_50 = tpu.memref_slice %arg2[%dma_start3A_48, %dma_start3A_49] : memref<1000000x64xf32, #tpu.memory_space<hbm>> -> memref<1000000x64xf32, #tpu.memory_space<hbm>>
    tpu.enqueue_indirect_dma source(%dma_start3A_50 : memref<1000000x64xf32, #tpu.memory_space<hbm>>) target(%dma_start3A_44 : memref<128x64xf32, #tpu.memory_space<vmem>>) offsets(%dma_start3A_47 : memref<128xi32, #tpu.memory_space<vmem>>) semaphore(%arg16 : memref<!tpu.dma_semaphore, #tpu.memory_space<semaphore_mem>>)
    %dma_start3A_51 = arith.constant 4 : i32
    %dma_start3A_52 = arith.constant 0 : i32
    %dma_start3A_53 = arith.constant 0 : i32
    %dma_start3A_54 = tpu.memref_slice %arg8[%dma_start3A_52, %dma_start3A_53] : memref<256x64xf32, #tpu.memory_space<vmem>> -> memref<128x64xf32, #tpu.memory_space<vmem>>
    %dma_start3A_55 = arith.constant 0 : i32
    %dma_start3A_56 = tpu.memref_slice %arg5[%dma_start3A_51, %dma_start3A_55] : memref<400x128xi32, #tpu.memory_space<vmem>> -> memref<1x128xi32, #tpu.memory_space<vmem>>
    %dma_start3A_57 = tpu.memref_squeeze %dma_start3A_56 : memref<1x128xi32, #tpu.memory_space<vmem>> -> memref<128xi32, #tpu.memory_space<vmem>>
    %dma_start3A_58 = arith.constant 0 : i32
    %dma_start3A_59 = arith.constant 0 : i32
    %dma_start3A_60 = tpu.memref_slice %arg2[%dma_start3A_58, %dma_start3A_59] : memref<1000000x64xf32, #tpu.memory_space<hbm>> -> memref<1000000x64xf32, #tpu.memory_space<hbm>>
    tpu.enqueue_indirect_dma source(%dma_start3A_60 : memref<1000000x64xf32, #tpu.memory_space<hbm>>) target(%dma_start3A_54 : memref<128x64xf32, #tpu.memory_space<vmem>>) offsets(%dma_start3A_57 : memref<128xi32, #tpu.memory_space<vmem>>) semaphore(%arg17 : memref<!tpu.dma_semaphore, #tpu.memory_space<semaphore_mem>>)
    %dma_start3A_61 = arith.constant 5 : i32
    %dma_start3A_62 = arith.constant 128 : i32
    %dma_start3A_63 = arith.constant 0 : i32
    %dma_start3A_64 = tpu.memref_slice %arg8[%dma_start3A_62, %dma_start3A_63] : memref<256x64xf32, #tpu.memory_space<vmem>> -> memref<128x64xf32, #tpu.memory_space<vmem>>
    %dma_start3A_65 = arith.constant 0 : i32
    %dma_start3A_66 = tpu.memref_slice %arg5[%dma_start3A_61, %dma_start3A_65] : memref<400x128xi32, #tpu.memory_space<vmem>> -> memref<1x128xi32, #tpu.memory_space<vmem>>
    %dma_start3A_67 = tpu.memref_squeeze %dma_start3A_66 : memref<1x128xi32, #tpu.memory_space<vmem>> -> memref<128xi32, #tpu.memory_space<vmem>>
    %dma_start3A_68 = arith.constant 0 : i32
    %dma_start3A_69 = arith.constant 0 : i32
    %dma_start3A_70 = tpu.memref_slice %arg2[%dma_start3A_68, %dma_start3A_69] : memref<1000000x64xf32, #tpu.memory_space<hbm>> -> memref<1000000x64xf32, #tpu.memory_space<hbm>>
    tpu.enqueue_indirect_dma source(%dma_start3A_70 : memref<1000000x64xf32, #tpu.memory_space<hbm>>) target(%dma_start3A_64 : memref<128x64xf32, #tpu.memory_space<vmem>>) offsets(%dma_start3A_67 : memref<128xi32, #tpu.memory_space<vmem>>) semaphore(%arg17 : memref<!tpu.dma_semaphore, #tpu.memory_space<semaphore_mem>>)
    %dma_start3A_71 = arith.constant 6 : i32
    %dma_start3A_72 = arith.constant 0 : i32
    %dma_start3A_73 = arith.constant 0 : i32
    %dma_start3A_74 = tpu.memref_slice %arg9[%dma_start3A_72, %dma_start3A_73] : memref<256x64xf32, #tpu.memory_space<vmem>> -> memref<128x64xf32, #tpu.memory_space<vmem>>
    %dma_start3A_75 = arith.constant 0 : i32
    %dma_start3A_76 = tpu.memref_slice %arg5[%dma_start3A_71, %dma_start3A_75] : memref<400x128xi32, #tpu.memory_space<vmem>> -> memref<1x128xi32, #tpu.memory_space<vmem>>
    %dma_start3A_77 = tpu.memref_squeeze %dma_start3A_76 : memref<1x128xi32, #tpu.memory_space<vmem>> -> memref<128xi32, #tpu.memory_space<vmem>>
    %dma_start3A_78 = arith.constant 0 : i32
    %dma_start3A_79 = arith.constant 0 : i32
    %dma_start3A_80 = tpu.memref_slice %arg2[%dma_start3A_78, %dma_start3A_79] : memref<1000000x64xf32, #tpu.memory_space<hbm>> -> memref<1000000x64xf32, #tpu.memory_space<hbm>>
    tpu.enqueue_indirect_dma source(%dma_start3A_80 : memref<1000000x64xf32, #tpu.memory_space<hbm>>) target(%dma_start3A_74 : memref<128x64xf32, #tpu.memory_space<vmem>>) offsets(%dma_start3A_77 : memref<128xi32, #tpu.memory_space<vmem>>) semaphore(%arg18 : memref<!tpu.dma_semaphore, #tpu.memory_space<semaphore_mem>>)
    %dma_start3A_81 = arith.constant 7 : i32
    %dma_start3A_82 = arith.constant 128 : i32
    %dma_start3A_83 = arith.constant 0 : i32
    %dma_start3A_84 = tpu.memref_slice %arg9[%dma_start3A_82, %dma_start3A_83] : memref<256x64xf32, #tpu.memory_space<vmem>> -> memref<128x64xf32, #tpu.memory_space<vmem>>
    %dma_start3A_85 = arith.constant 0 : i32
    %dma_start3A_86 = tpu.memref_slice %arg5[%dma_start3A_81, %dma_start3A_85] : memref<400x128xi32, #tpu.memory_space<vmem>> -> memref<1x128xi32, #tpu.memory_space<vmem>>
    %dma_start3A_87 = tpu.memref_squeeze %dma_start3A_86 : memref<1x128xi32, #tpu.memory_space<vmem>> -> memref<128xi32, #tpu.memory_space<vmem>>
    %dma_start3A_88 = arith.constant 0 : i32
    %dma_start3A_89 = arith.constant 0 : i32
    %dma_start3A_90 = tpu.memref_slice %arg2[%dma_start3A_88, %dma_start3A_89] : memref<1000000x64xf32, #tpu.memory_space<hbm>> -> memref<1000000x64xf32, #tpu.memory_space<hbm>>
    tpu.enqueue_indirect_dma source(%dma_start3A_90 : memref<1000000x64xf32, #tpu.memory_space<hbm>>) target(%dma_start3A_84 : memref<128x64xf32, #tpu.memory_space<vmem>>) offsets(%dma_start3A_87 : memref<128xi32, #tpu.memory_space<vmem>>) semaphore(%arg18 : memref<!tpu.dma_semaphore, #tpu.memory_space<semaphore_mem>>)
    %dma_wait3A_91 = arith.constant 0 : i32
    %dma_wait3A_92 = arith.constant 0 : i32
    %dma_wait3A_93 = arith.constant 0 : i32
    %dma_wait3A_94 = tpu.memref_slice %arg6[%dma_wait3A_92, %dma_wait3A_93] : memref<256x64xf32, #tpu.memory_space<vmem>> -> memref<128x64xf32, #tpu.memory_space<vmem>>
    %dma_wait3A_95 = arith.constant 0 : i32
    %dma_wait3A_96 = tpu.memref_slice %arg5[%dma_wait3A_91, %dma_wait3A_95] : memref<400x128xi32, #tpu.memory_space<vmem>> -> memref<1x128xi32, #tpu.memory_space<vmem>>
    %dma_wait3A_97 = tpu.memref_squeeze %dma_wait3A_96 : memref<1x128xi32, #tpu.memory_space<vmem>> -> memref<128xi32, #tpu.memory_space<vmem>>
    %dma_wait3A_98 = arith.constant 0 : i32
    %dma_wait3A_99 = arith.constant 0 : i32
    %dma_wait3A_100 = tpu.memref_slice %arg2[%dma_wait3A_98, %dma_wait3A_99] : memref<1000000x64xf32, #tpu.memory_space<hbm>> -> memref<1000000x64xf32, #tpu.memory_space<hbm>>
    tpu.wait_indirect_dma semaphore(%arg15 : memref<!tpu.dma_semaphore, #tpu.memory_space<semaphore_mem>>) src(%dma_wait3A_100 : memref<1000000x64xf32, #tpu.memory_space<hbm>>) dst(%dma_wait3A_94 : memref<128x64xf32, #tpu.memory_space<vmem>>)
    %dma_wait3A_101 = arith.constant 1 : i32
    %dma_wait3A_102 = arith.constant 128 : i32
    %dma_wait3A_103 = arith.constant 0 : i32
    %dma_wait3A_104 = tpu.memref_slice %arg6[%dma_wait3A_102, %dma_wait3A_103] : memref<256x64xf32, #tpu.memory_space<vmem>> -> memref<128x64xf32, #tpu.memory_space<vmem>>
    %dma_wait3A_105 = arith.constant 0 : i32
    %dma_wait3A_106 = tpu.memref_slice %arg5[%dma_wait3A_101, %dma_wait3A_105] : memref<400x128xi32, #tpu.memory_space<vmem>> -> memref<1x128xi32, #tpu.memory_space<vmem>>
    %dma_wait3A_107 = tpu.memref_squeeze %dma_wait3A_106 : memref<1x128xi32, #tpu.memory_space<vmem>> -> memref<128xi32, #tpu.memory_space<vmem>>
    %dma_wait3A_108 = arith.constant 0 : i32
    %dma_wait3A_109 = arith.constant 0 : i32
    %dma_wait3A_110 = tpu.memref_slice %arg2[%dma_wait3A_108, %dma_wait3A_109] : memref<1000000x64xf32, #tpu.memory_space<hbm>> -> memref<1000000x64xf32, #tpu.memory_space<hbm>>
    tpu.wait_indirect_dma semaphore(%arg15 : memref<!tpu.dma_semaphore, #tpu.memory_space<semaphore_mem>>) src(%dma_wait3A_110 : memref<1000000x64xf32, #tpu.memory_space<hbm>>) dst(%dma_wait3A_104 : memref<128x64xf32, #tpu.memory_space<vmem>>)
    %scan3A = arith.constant 0 : i32
    %scan3A_111 = arith.constant 0 : i32
    %scan3A_112 = arith.constant 128 : i32
    %scan3A_113 = arith.addi %scan3A_111, %scan3A_112 : i32
    %scan3A_114 = arith.constant 4 : i32
    scf.for %scan3A_400 = %scan3A_111 to %scan3A_113 step %scan3A_114  : i32 {
      %mul3A_401 = arith.constant 2 : i32
      %mul3A_402 = arith.muli %mul3A_401, %scan3A_400 : i32
      %get3A = arith.index_cast %mul3A_402 : i32 to index
      %get3A_403 = arith.constant 0 : index
      %get3A_404 = tpu.vector_load %arg6[%get3A, %get3A_403] {strides = array<i32>} : memref<256x64xf32, #tpu.memory_space<vmem>>, vector<16xf32>,
      %mul3A_405 = arith.constant 2 : i32
      %mul3A_406 = arith.muli %mul3A_405, %scan3A_400 : i32
      %add3A_407 = arith.constant 1 : i32
      %add3A_408 = arith.addi %mul3A_406, %add3A_407 : i32
      %get3A_409 = arith.index_cast %add3A_408 : i32 to index
      %get3A_410 = arith.constant 0 : index
      %get3A_411 = tpu.vector_load %arg6[%get3A_409, %get3A_410] {strides = array<i32>} : memref<256x64xf32, #tpu.memory_space<vmem>>, vector<16xf32>,
      %mul3A_412 = arith.mulf %get3A_404, %get3A_411 : vector<16xf32>
      %mul3A_413 = arith.constant 2 : i32
      %mul3A_414 = arith.muli %mul3A_413, %scan3A_400 : i32
      %get3A_415 = arith.index_cast %mul3A_414 : i32 to index
      %get3A_416 = arith.constant 16 : index
      %get3A_417 = tpu.vector_load %arg6[%get3A_415, %get3A_416] {strides = array<i32>} : memref<256x64xf32, #tpu.memory_space<vmem>>, vector<16xf32>,
      %mul3A_418 = arith.constant 2 : i32
      %mul3A_419 = arith.muli %mul3A_418, %scan3A_400 : i32
      %add3A_420 = arith.constant 1 : i32
      %add3A_421 = arith.addi %mul3A_419, %add3A_420 : i32
      %get3A_422 = arith.index_cast %add3A_421 : i32 to index
      %get3A_423 = arith.constant 16 : index
      %get3A_424 = tpu.vector_load %arg6[%get3A_422, %get3A_423] {strides = array<i32>} : memref<256x64xf32, #tpu.memory_space<vmem>>, vector<16xf32>,
      %mul3A_425 = arith.mulf %get3A_417, %get3A_424 : vector<16xf32>
      %mul3A_426 = arith.constant 2 : i32
      %mul3A_427 = arith.muli %mul3A_426, %scan3A_400 : i32
      %get3A_428 = arith.index_cast %mul3A_427 : i32 to index
      %get3A_429 = arith.constant 32 : index
      %get3A_430 = tpu.vector_load %arg6[%get3A_428, %get3A_429] {strides = array<i32>} : memref<256x64xf32, #tpu.memory_space<vmem>>, vector<16xf32>,
      %mul3A_431 = arith.constant 2 : i32
      %mul3A_432 = arith.muli %mul3A_431, %scan3A_400 : i32
      %add3A_433 = arith.constant 1 : i32
      %add3A_434 = arith.addi %mul3A_432, %add3A_433 : i32
      %get3A_435 = arith.index_cast %add3A_434 : i32 to index
      %get3A_436 = arith.constant 32 : index
      %get3A_437 = tpu.vector_load %arg6[%get3A_435, %get3A_436] {strides = array<i32>} : memref<256x64xf32, #tpu.memory_space<vmem>>, vector<16xf32>,
      %mul3A_438 = arith.mulf %get3A_430, %get3A_437 : vector<16xf32>
      %mul3A_439 = arith.constant 2 : i32
      %mul3A_440 = arith.muli %mul3A_439, %scan3A_400 : i32
      %get3A_441 = arith.index_cast %mul3A_440 : i32 to index
      %get3A_442 = arith.constant 48 : index
      %get3A_443 = tpu.vector_load %arg6[%get3A_441, %get3A_442] {strides = array<i32>} : memref<256x64xf32, #tpu.memory_space<vmem>>, vector<16xf32>,
      %mul3A_444 = arith.constant 2 : i32
      %mul3A_445 = arith.muli %mul3A_444, %scan3A_400 : i32
      %add3A_446 = arith.constant 1 : i32
      %add3A_447 = arith.addi %mul3A_445, %add3A_446 : i32
      %get3A_448 = arith.index_cast %add3A_447 : i32 to index
      %get3A_449 = arith.constant 48 : index
      %get3A_450 = tpu.vector_load %arg6[%get3A_448, %get3A_449] {strides = array<i32>} : memref<256x64xf32, #tpu.memory_space<vmem>>, vector<16xf32>,
      %mul3A_451 = arith.mulf %get3A_443, %get3A_450 : vector<16xf32>
      %add3A_452 = arith.addf %mul3A_412, %mul3A_425 : vector<16xf32>
      %add3A_453 = arith.addf %mul3A_438, %mul3A_451 : vector<16xf32>
      %add3A_454 = arith.addf %add3A_452, %add3A_453 : vector<16xf32>
      %broadcast_in_dim3A = arith.constant true
      %broadcast_in_dim3A_455 = vector.broadcast %broadcast_in_dim3A : i1 to vector<16xi1>
      %masked_cumsum3A = tpu.scan <sum>, %add3A_454 masked %broadcast_in_dim3A_455 : vector<16xf32>, vector<16xi1> -> vector<16xf32>
      %broadcast_in_dim3A_456 = vector.broadcast %scan3A_400 : i32 to vector<16xi32>
      tpu.vector_store_idx %arg10[%broadcast_in_dim3A_456], %masked_cumsum3A masked %eq3A_2 : memref<128xf32, #tpu.memory_space<vmem>>[vector<16xi32>], vector<16xf32>, vector<16xi1>
      %scan3A_457 = arith.constant 1 : i32
      %scan3A_458 = arith.addi %scan3A_400, %scan3A_457 : i32
      %mul3A_459 = arith.constant 2 : i32
      %mul3A_460 = arith.muli %mul3A_459, %scan3A_458 : i32
      %get3A_461 = arith.index_cast %mul3A_460 : i32 to index
      %get3A_462 = arith.constant 0 : index
      %get3A_463 = tpu.vector_load %arg6[%get3A_461, %get3A_462] {strides = array<i32>} : memref<256x64xf32, #tpu.memory_space<vmem>>, vector<16xf32>,
      %mul3A_464 = arith.constant 2 : i32
      %mul3A_465 = arith.muli %mul3A_464, %scan3A_458 : i32
      %add3A_466 = arith.constant 1 : i32
      %add3A_467 = arith.addi %mul3A_465, %add3A_466 : i32
      %get3A_468 = arith.index_cast %add3A_467 : i32 to index
      %get3A_469 = arith.constant 0 : index
      %get3A_470 = tpu.vector_load %arg6[%get3A_468, %get3A_469] {strides = array<i32>} : memref<256x64xf32, #tpu.memory_space<vmem>>, vector<16xf32>,
      %mul3A_471 = arith.mulf %get3A_463, %get3A_470 : vector<16xf32>
      %mul3A_472 = arith.constant 2 : i32
      %mul3A_473 = arith.muli %mul3A_472, %scan3A_458 : i32
      %get3A_474 = arith.index_cast %mul3A_473 : i32 to index
      %get3A_475 = arith.constant 16 : index
      %get3A_476 = tpu.vector_load %arg6[%get3A_474, %get3A_475] {strides = array<i32>} : memref<256x64xf32, #tpu.memory_space<vmem>>, vector<16xf32>,
      %mul3A_477 = arith.constant 2 : i32
      %mul3A_478 = arith.muli %mul3A_477, %scan3A_458 : i32
      %add3A_479 = arith.constant 1 : i32
      %add3A_480 = arith.addi %mul3A_478, %add3A_479 : i32
      %get3A_481 = arith.index_cast %add3A_480 : i32 to index
      %get3A_482 = arith.constant 16 : index
      %get3A_483 = tpu.vector_load %arg6[%get3A_481, %get3A_482] {strides = array<i32>} : memref<256x64xf32, #tpu.memory_space<vmem>>, vector<16xf32>,
      %mul3A_484 = arith.mulf %get3A_476, %get3A_483 : vector<16xf32>
      %mul3A_485 = arith.constant 2 : i32
      %mul3A_486 = arith.muli %mul3A_485, %scan3A_458 : i32
      %get3A_487 = arith.index_cast %mul3A_486 : i32 to index
      %get3A_488 = arith.constant 32 : index
      %get3A_489 = tpu.vector_load %arg6[%get3A_487, %get3A_488] {strides = array<i32>} : memref<256x64xf32, #tpu.memory_space<vmem>>, vector<16xf32>,
      %mul3A_490 = arith.constant 2 : i32
      %mul3A_491 = arith.muli %mul3A_490, %scan3A_458 : i32
      %add3A_492 = arith.constant 1 : i32
      %add3A_493 = arith.addi %mul3A_491, %add3A_492 : i32
      %get3A_494 = arith.index_cast %add3A_493 : i32 to index
      %get3A_495 = arith.constant 32 : index
      %get3A_496 = tpu.vector_load %arg6[%get3A_494, %get3A_495] {strides = array<i32>} : memref<256x64xf32, #tpu.memory_space<vmem>>, vector<16xf32>,
      %mul3A_497 = arith.mulf %get3A_489, %get3A_496 : vector<16xf32>
      %mul3A_498 = arith.constant 2 : i32
      %mul3A_499 = arith.muli %mul3A_498, %scan3A_458 : i32
      %get3A_500 = arith.index_cast %mul3A_499 : i32 to index
      %get3A_501 = arith.constant 48 : index
      %get3A_502 = tpu.vector_load %arg6[%get3A_500, %get3A_501] {strides = array<i32>} : memref<256x64xf32, #tpu.memory_space<vmem>>, vector<16xf32>,
      %mul3A_503 = arith.constant 2 : i32
      %mul3A_504 = arith.muli %mul3A_503, %scan3A_458 : i32
      %add3A_505 = arith.constant 1 : i32
      %add3A_506 = arith.addi %mul3A_504, %add3A_505 : i32
      %get3A_507 = arith.index_cast %add3A_506 : i32 to index
      %get3A_508 = arith.constant 48 : index
      %get3A_509 = tpu.vector_load %arg6[%get3A_507, %get3A_508] {strides = array<i32>} : memref<256x64xf32, #tpu.memory_space<vmem>>, vector<16xf32>,
      %mul3A_510 = arith.mulf %get3A_502, %get3A_509 : vector<16xf32>
      %add3A_511 = arith.addf %mul3A_471, %mul3A_484 : vector<16xf32>
      %add3A_512 = arith.addf %mul3A_497, %mul3A_510 : vector<16xf32>
      %add3A_513 = arith.addf %add3A_511, %add3A_512 : vector<16xf32>
      %broadcast_in_dim3A_514 = arith.constant true
      %broadcast_in_dim3A_515 = vector.broadcast %broadcast_in_dim3A_514 : i1 to vector<16xi1>
      %masked_cumsum3A_516 = tpu.scan <sum>, %add3A_513 masked %broadcast_in_dim3A_515 : vector<16xf32>, vector<16xi1> -> vector<16xf32>
      %broadcast_in_dim3A_517 = vector.broadcast %scan3A_458 : i32 to vector<16xi32>
      tpu.vector_store_idx %arg10[%broadcast_in_dim3A_517], %masked_cumsum3A_516 masked %eq3A_2 : memref<128xf32, #tpu.memory_space<vmem>>[vector<16xi32>], vector<16xf32>, vector<16xi1>
      %scan3A_518 = arith.constant 2 : i32
      %scan3A_519 = arith.addi %scan3A_400, %scan3A_518 : i32
      %mul3A_520 = arith.constant 2 : i32
      %mul3A_521 = arith.muli %mul3A_520, %scan3A_519 : i32
      %get3A_522 = arith.index_cast %mul3A_521 : i32 to index
      %get3A_523 = arith.constant 0 : index
      %get3A_524 = tpu.vector_load %arg6[%get3A_522, %get3A_523] {strides = array<i32>} : memref<256x64xf32, #tpu.memory_space<vmem>>, vector<16xf32>,
      %mul3A_525 = arith.constant 2 : i32
      %mul3A_526 = arith.muli %mul3A_525, %scan3A_519 : i32
      %add3A_527 = arith.constant 1 : i32
      %add3A_528 = arith.addi %mul3A_526, %add3A_527 : i32
      %get3A_529 = arith.index_cast %add3A_528 : i32 to index
      %get3A_530 = arith.constant 0 : index
      %get3A_531 = tpu.vector_load %arg6[%get3A_529, %get3A_530] {strides = array<i32>} : memref<256x64xf32, #tpu.memory_space<vmem>>, vector<16xf32>,
      %mul3A_532 = arith.mulf %get3A_524, %get3A_531 : vector<16xf32>
      %mul3A_533 = arith.constant 2 : i32
      %mul3A_534 = arith.muli %mul3A_533, %scan3A_519 : i32
      %get3A_535 = arith.index_cast %mul3A_534 : i32 to index
      %get3A_536 = arith.constant 16 : index
      %get3A_537 = tpu.vector_load %arg6[%get3A_535, %get3A_536] {strides = array<i32>} : memref<256x64xf32, #tpu.memory_space<vmem>>, vector<16xf32>,
      %mul3A_538 = arith.constant 2 : i32
      %mul3A_539 = arith.muli %mul3A_538, %scan3A_519 : i32
      %add3A_540 = arith.constant 1 : i32
      %add3A_541 = arith.addi %mul3A_539, %add3A_540 : i32
      %get3A_542 = arith.index_cast %add3A_541 : i32 to index
      %get3A_543 = arith.constant 16 : index
      %get3A_544 = tpu.vector_load %arg6[%get3A_542, %get3A_543] {strides = array<i32>} : memref<256x64xf32, #tpu.memory_space<vmem>>, vector<16xf32>,
      %mul3A_545 = arith.mulf %get3A_537, %get3A_544 : vector<16xf32>
      %mul3A_546 = arith.constant 2 : i32
      %mul3A_547 = arith.muli %mul3A_546, %scan3A_519 : i32
      %get3A_548 = arith.index_cast %mul3A_547 : i32 to index
      %get3A_549 = arith.constant 32 : index
      %get3A_550 = tpu.vector_load %arg6[%get3A_548, %get3A_549] {strides = array<i32>} : memref<256x64xf32, #tpu.memory_space<vmem>>, vector<16xf32>,
      %mul3A_551 = arith.constant 2 : i32
      %mul3A_552 = arith.muli %mul3A_551, %scan3A_519 : i32
      %add3A_553 = arith.constant 1 : i32
      %add3A_554 = arith.addi %mul3A_552, %add3A_553 : i32
      %get3A_555 = arith.index_cast %add3A_554 : i32 to index
      %get3A_556 = arith.constant 32 : index
      %get3A_557 = tpu.vector_load %arg6[%get3A_555, %get3A_556] {strides = array<i32>} : memref<256x64xf32, #tpu.memory_space<vmem>>, vector<16xf32>,
      %mul3A_558 = arith.mulf %get3A_550, %get3A_557 : vector<16xf32>
      %mul3A_559 = arith.constant 2 : i32
      %mul3A_560 = arith.muli %mul3A_559, %scan3A_519 : i32
      %get3A_561 = arith.index_cast %mul3A_560 : i32 to index
      %get3A_562 = arith.constant 48 : index
      %get3A_563 = tpu.vector_load %arg6[%get3A_561, %get3A_562] {strides = array<i32>} : memref<256x64xf32, #tpu.memory_space<vmem>>, vector<16xf32>,
      %mul3A_564 = arith.constant 2 : i32
      %mul3A_565 = arith.muli %mul3A_564, %scan3A_519 : i32
      %add3A_566 = arith.constant 1 : i32
      %add3A_567 = arith.addi %mul3A_565, %add3A_566 : i32
      %get3A_568 = arith.index_cast %add3A_567 : i32 to index
      %get3A_569 = arith.constant 48 : index
      %get3A_570 = tpu.vector_load %arg6[%get3A_568, %get3A_569] {strides = array<i32>} : memref<256x64xf32, #tpu.memory_space<vmem>>, vector<16xf32>,
      %mul3A_571 = arith.mulf %get3A_563, %get3A_570 : vector<16xf32>
      %add3A_572 = arith.addf %mul3A_532, %mul3A_545 : vector<16xf32>
      %add3A_573 = arith.addf %mul3A_558, %mul3A_571 : vector<16xf32>
      %add3A_574 = arith.addf %add3A_572, %add3A_573 : vector<16xf32>
      %broadcast_in_dim3A_575 = arith.constant true
      %broadcast_in_dim3A_576 = vector.broadcast %broadcast_in_dim3A_575 : i1 to vector<16xi1>
      %masked_cumsum3A_577 = tpu.scan <sum>, %add3A_574 masked %broadcast_in_dim3A_576 : vector<16xf32>, vector<16xi1> -> vector<16xf32>
      %broadcast_in_dim3A_578 = vector.broadcast %scan3A_519 : i32 to vector<16xi32>
      tpu.vector_store_idx %arg10[%broadcast_in_dim3A_578], %masked_cumsum3A_577 masked %eq3A_2 : memref<128xf32, #tpu.memory_space<vmem>>[vector<16xi32>], vector<16xf32>, vector<16xi1>
      %scan3A_579 = arith.constant 3 : i32
      %scan3A_580 = arith.addi %scan3A_400, %scan3A_579 : i32
      %mul3A_581 = arith.constant 2 : i32
      %mul3A_582 = arith.muli %mul3A_581, %scan3A_580 : i32
      %get3A_583 = arith.index_cast %mul3A_582 : i32 to index
      %get3A_584 = arith.constant 0 : index
      %get3A_585 = tpu.vector_load %arg6[%get3A_583, %get3A_584] {strides = array<i32>} : memref<256x64xf32, #tpu.memory_space<vmem>>, vector<16xf32>,
      %mul3A_586 = arith.constant 2 : i32
      %mul3A_587 = arith.muli %mul3A_586, %scan3A_580 : i32
      %add3A_588 = arith.constant 1 : i32
      %add3A_589 = arith.addi %mul3A_587, %add3A_588 : i32
      %get3A_590 = arith.index_cast %add3A_589 : i32 to index
      %get3A_591 = arith.constant 0 : index
      %get3A_592 = tpu.vector_load %arg6[%get3A_590, %get3A_591] {strides = array<i32>} : memref<256x64xf32, #tpu.memory_space<vmem>>, vector<16xf32>,
      %mul3A_593 = arith.mulf %get3A_585, %get3A_592 : vector<16xf32>
      %mul3A_594 = arith.constant 2 : i32
      %mul3A_595 = arith.muli %mul3A_594, %scan3A_580 : i32
      %get3A_596 = arith.index_cast %mul3A_595 : i32 to index
      %get3A_597 = arith.constant 16 : index
      %get3A_598 = tpu.vector_load %arg6[%get3A_596, %get3A_597] {strides = array<i32>} : memref<256x64xf32, #tpu.memory_space<vmem>>, vector<16xf32>,
      %mul3A_599 = arith.constant 2 : i32
      %mul3A_600 = arith.muli %mul3A_599, %scan3A_580 : i32
      %add3A_601 = arith.constant 1 : i32
      %add3A_602 = arith.addi %mul3A_600, %add3A_601 : i32
      %get3A_603 = arith.index_cast %add3A_602 : i32 to index
      %get3A_604 = arith.constant 16 : index
      %get3A_605 = tpu.vector_load %arg6[%get3A_603, %get3A_604] {strides = array<i32>} : memref<256x64xf32, #tpu.memory_space<vmem>>, vector<16xf32>,
      %mul3A_606 = arith.mulf %get3A_598, %get3A_605 : vector<16xf32>
      %mul3A_607 = arith.constant 2 : i32
      %mul3A_608 = arith.muli %mul3A_607, %scan3A_580 : i32
      %get3A_609 = arith.index_cast %mul3A_608 : i32 to index
      %get3A_610 = arith.constant 32 : index
      %get3A_611 = tpu.vector_load %arg6[%get3A_609, %get3A_610] {strides = array<i32>} : memref<256x64xf32, #tpu.memory_space<vmem>>, vector<16xf32>,
      %mul3A_612 = arith.constant 2 : i32
      %mul3A_613 = arith.muli %mul3A_612, %scan3A_580 : i32
      %add3A_614 = arith.constant 1 : i32
      %add3A_615 = arith.addi %mul3A_613, %add3A_614 : i32
      %get3A_616 = arith.index_cast %add3A_615 : i32 to index
      %get3A_617 = arith.constant 32 : index
      %get3A_618 = tpu.vector_load %arg6[%get3A_616, %get3A_617] {strides = array<i32>} : memref<256x64xf32, #tpu.memory_space<vmem>>, vector<16xf32>,
      %mul3A_619 = arith.mulf %get3A_611, %get3A_618 : vector<16xf32>
      %mul3A_620 = arith.constant 2 : i32
      %mul3A_621 = arith.muli %mul3A_620, %scan3A_580 : i32
      %get3A_622 = arith.index_cast %mul3A_621 : i32 to index
      %get3A_623 = arith.constant 48 : index
      %get3A_624 = tpu.vector_load %arg6[%get3A_622, %get3A_623] {strides = array<i32>} : memref<256x64xf32, #tpu.memory_space<vmem>>, vector<16xf32>,
      %mul3A_625 = arith.constant 2 : i32
      %mul3A_626 = arith.muli %mul3A_625, %scan3A_580 : i32
      %add3A_627 = arith.constant 1 : i32
      %add3A_628 = arith.addi %mul3A_626, %add3A_627 : i32
      %get3A_629 = arith.index_cast %add3A_628 : i32 to index
      %get3A_630 = arith.constant 48 : index
      %get3A_631 = tpu.vector_load %arg6[%get3A_629, %get3A_630] {strides = array<i32>} : memref<256x64xf32, #tpu.memory_space<vmem>>, vector<16xf32>,
      %mul3A_632 = arith.mulf %get3A_624, %get3A_631 : vector<16xf32>
      %add3A_633 = arith.addf %mul3A_593, %mul3A_606 : vector<16xf32>
      %add3A_634 = arith.addf %mul3A_619, %mul3A_632 : vector<16xf32>
      %add3A_635 = arith.addf %add3A_633, %add3A_634 : vector<16xf32>
      %broadcast_in_dim3A_636 = arith.constant true
      %broadcast_in_dim3A_637 = vector.broadcast %broadcast_in_dim3A_636 : i1 to vector<16xi1>
      %masked_cumsum3A_638 = tpu.scan <sum>, %add3A_635 masked %broadcast_in_dim3A_637 : vector<16xf32>, vector<16xi1> -> vector<16xf32>
      %broadcast_in_dim3A_639 = vector.broadcast %scan3A_580 : i32 to vector<16xi32>
      tpu.vector_store_idx %arg10[%broadcast_in_dim3A_639], %masked_cumsum3A_638 masked %eq3A_2 : memref<128xf32, #tpu.memory_space<vmem>>[vector<16xi32>], vector<16xf32>, vector<16xi1>
    }
    %scan3A_115 = arith.constant 128 : i32
    %mul3A_116 = arith.constant 25600 : i32
    %mul3A_117 = arith.muli %add3A, %mul3A_116 : i32
    %add3A_118 = arith.constant 0 : i32
    %add3A_119 = arith.addi %mul3A_117, %add3A_118 : i32
    %dma_start3A_120 = tpu.memref_slice %arg4[%add3A_119] : memref<819200xf32, #tpu.memory_space<hbm>> -> memref<128xf32, #tpu.memory_space<hbm>>
    %dma_start3A_121 = tpu.memref_slice %arg4[%add3A_119] : memref<819200xf32, #tpu.memory_space<hbm>> -> memref<128xf32, #tpu.memory_space<hbm>>
    tpu.enqueue_dma source(%arg10 : memref<128xf32, #tpu.memory_space<vmem>>) target(%dma_start3A_121 : memref<128xf32, #tpu.memory_space<hbm>>) target_semaphore(%arg19 : memref<!tpu.dma_semaphore, #tpu.memory_space<semaphore_mem>>)
    %dma_start3A_122 = arith.constant 8 : i32
    %dma_start3A_123 = arith.constant 0 : i32
    %dma_start3A_124 = arith.constant 0 : i32
    %dma_start3A_125 = tpu.memref_slice %arg6[%dma_start3A_123, %dma_start3A_124] : memref<256x64xf32, #tpu.memory_space<vmem>> -> memref<128x64xf32, #tpu.memory_space<vmem>>
    %dma_start3A_126 = arith.constant 0 : i32
    %dma_start3A_127 = tpu.memref_slice %arg5[%dma_start3A_122, %dma_start3A_126] : memref<400x128xi32, #tpu.memory_space<vmem>> -> memref<1x128xi32, #tpu.memory_space<vmem>>
    %dma_start3A_128 = tpu.memref_squeeze %dma_start3A_127 : memref<1x128xi32, #tpu.memory_space<vmem>> -> memref<128xi32, #tpu.memory_space<vmem>>
    %dma_start3A_129 = arith.constant 0 : i32
    %dma_start3A_130 = arith.constant 0 : i32
    %dma_start3A_131 = tpu.memref_slice %arg2[%dma_start3A_129, %dma_start3A_130] : memref<1000000x64xf32, #tpu.memory_space<hbm>> -> memref<1000000x64xf32, #tpu.memory_space<hbm>>
    tpu.enqueue_indirect_dma source(%dma_start3A_131 : memref<1000000x64xf32, #tpu.memory_space<hbm>>) target(%dma_start3A_125 : memref<128x64xf32, #tpu.memory_space<vmem>>) offsets(%dma_start3A_128 : memref<128xi32, #tpu.memory_space<vmem>>) semaphore(%arg15 : memref<!tpu.dma_semaphore, #tpu.memory_space<semaphore_mem>>)
    %dma_start3A_132 = arith.constant 9 : i32
    %dma_start3A_133 = arith.constant 128 : i32
    %dma_start3A_134 = arith.constant 0 : i32
    %dma_start3A_135 = tpu.memref_slice %arg6[%dma_start3A_133, %dma_start3A_134] : memref<256x64xf32, #tpu.memory_space<vmem>> -> memref<128x64xf32, #tpu.memory_space<vmem>>
    %dma_start3A_136 = arith.constant 0 : i32
    %dma_start3A_137 = tpu.memref_slice %arg5[%dma_start3A_132, %dma_start3A_136] : memref<400x128xi32, #tpu.memory_space<vmem>> -> memref<1x128xi32, #tpu.memory_space<vmem>>
    %dma_start3A_138 = tpu.memref_squeeze %dma_start3A_137 : memref<1x128xi32, #tpu.memory_space<vmem>> -> memref<128xi32, #tpu.memory_space<vmem>>
    %dma_start3A_139 = arith.constant 0 : i32
    %dma_start3A_140 = arith.constant 0 : i32
    %dma_start3A_141 = tpu.memref_slice %arg2[%dma_start3A_139, %dma_start3A_140] : memref<1000000x64xf32, #tpu.memory_space<hbm>> -> memref<1000000x64xf32, #tpu.memory_space<hbm>>
    tpu.enqueue_indirect_dma source(%dma_start3A_141 : memref<1000000x64xf32, #tpu.memory_space<hbm>>) target(%dma_start3A_135 : memref<128x64xf32, #tpu.memory_space<vmem>>) offsets(%dma_start3A_138 : memref<128xi32, #tpu.memory_space<vmem>>) semaphore(%arg15 : memref<!tpu.dma_semaphore, #tpu.memory_space<semaphore_mem>>)
    %dma_wait3A_142 = arith.constant 0 : i32
    %dma_wait3A_143 = arith.constant 0 : i32
    %dma_wait3A_144 = arith.constant 0 : i32
    %dma_wait3A_145 = tpu.memref_slice %arg7[%dma_wait3A_143, %dma_wait3A_144] : memref<256x64xf32, #tpu.memory_space<vmem>> -> memref<128x64xf32, #tpu.memory_space<vmem>>
    %dma_wait3A_146 = arith.constant 0 : i32
    %dma_wait3A_147 = tpu.memref_slice %arg5[%dma_wait3A_142, %dma_wait3A_146] : memref<400x128xi32, #tpu.memory_space<vmem>> -> memref<1x128xi32, #tpu.memory_space<vmem>>
    %dma_wait3A_148 = tpu.memref_squeeze %dma_wait3A_147 : memref<1x128xi32, #tpu.memory_space<vmem>> -> memref<128xi32, #tpu.memory_space<vmem>>
    %dma_wait3A_149 = arith.constant 0 : i32
    %dma_wait3A_150 = arith.constant 0 : i32
    %dma_wait3A_151 = tpu.memref_slice %arg2[%dma_wait3A_149, %dma_wait3A_150] : memref<1000000x64xf32, #tpu.memory_space<hbm>> -> memref<1000000x64xf32, #tpu.memory_space<hbm>>
    tpu.wait_indirect_dma semaphore(%arg16 : memref<!tpu.dma_semaphore, #tpu.memory_space<semaphore_mem>>) src(%dma_wait3A_151 : memref<1000000x64xf32, #tpu.memory_space<hbm>>) dst(%dma_wait3A_145 : memref<128x64xf32, #tpu.memory_space<vmem>>)
    %dma_wait3A_152 = arith.constant 1 : i32
    %dma_wait3A_153 = arith.constant 128 : i32
    %dma_wait3A_154 = arith.constant 0 : i32
    %dma_wait3A_155 = tpu.memref_slice %arg7[%dma_wait3A_153, %dma_wait3A_154] : memref<256x64xf32, #tpu.memory_space<vmem>> -> memref<128x64xf32, #tpu.memory_space<vmem>>
    %dma_wait3A_156 = arith.constant 0 : i32
    %dma_wait3A_157 = tpu.memref_slice %arg5[%dma_wait3A_152, %dma_wait3A_156] : memref<400x128xi32, #tpu.memory_space<vmem>> -> memref<1x128xi32, #tpu.memory_space<vmem>>
    %dma_wait3A_158 = tpu.memref_squeeze %dma_wait3A_157 : memref<1x128xi32, #tpu.memory_space<vmem>> -> memref<128xi32, #tpu.memory_space<vmem>>
    %dma_wait3A_159 = arith.constant 0 : i32
    %dma_wait3A_160 = arith.constant 0 : i32
    %dma_wait3A_161 = tpu.memref_slice %arg2[%dma_wait3A_159, %dma_wait3A_160] : memref<1000000x64xf32, #tpu.memory_space<hbm>> -> memref<1000000x64xf32, #tpu.memory_space<hbm>>
    tpu.wait_indirect_dma semaphore(%arg16 : memref<!tpu.dma_semaphore, #tpu.memory_space<semaphore_mem>>) src(%dma_wait3A_161 : memref<1000000x64xf32, #tpu.memory_space<hbm>>) dst(%dma_wait3A_155 : memref<128x64xf32, #tpu.memory_space<vmem>>)
    %scan3A_162 = arith.constant 0 : i32
    %scan3A_163 = arith.constant 0 : i32
    %scan3A_164 = arith.constant 128 : i32
    %scan3A_165 = arith.addi %scan3A_163, %scan3A_164 : i32
    %scan3A_166 = arith.constant 4 : i32
    scf.for %scan3A_400 = %scan3A_163 to %scan3A_165 step %scan3A_166  : i32 {
      %mul3A_401 = arith.constant 2 : i32
      %mul3A_402 = arith.muli %mul3A_401, %scan3A_400 : i32
      %get3A = arith.index_cast %mul3A_402 : i32 to index
      %get3A_403 = arith.constant 0 : index
      %get3A_404 = tpu.vector_load %arg7[%get3A, %get3A_403] {strides = array<i32>} : memref<256x64xf32, #tpu.memory_space<vmem>>, vector<16xf32>,
      %mul3A_405 = arith.constant 2 : i32
      %mul3A_406 = arith.muli %mul3A_405, %scan3A_400 : i32
      %add3A_407 = arith.constant 1 : i32
      %add3A_408 = arith.addi %mul3A_406, %add3A_407 : i32
      %get3A_409 = arith.index_cast %add3A_408 : i32 to index
      %get3A_410 = arith.constant 0 : index
      %get3A_411 = tpu.vector_load %arg7[%get3A_409, %get3A_410] {strides = array<i32>} : memref<256x64xf32, #tpu.memory_space<vmem>>, vector<16xf32>,
      %mul3A_412 = arith.mulf %get3A_404, %get3A_411 : vector<16xf32>
      %mul3A_413 = arith.constant 2 : i32
      %mul3A_414 = arith.muli %mul3A_413, %scan3A_400 : i32
      %get3A_415 = arith.index_cast %mul3A_414 : i32 to index
      %get3A_416 = arith.constant 16 : index
      %get3A_417 = tpu.vector_load %arg7[%get3A_415, %get3A_416] {strides = array<i32>} : memref<256x64xf32, #tpu.memory_space<vmem>>, vector<16xf32>,
      %mul3A_418 = arith.constant 2 : i32
      %mul3A_419 = arith.muli %mul3A_418, %scan3A_400 : i32
      %add3A_420 = arith.constant 1 : i32
      %add3A_421 = arith.addi %mul3A_419, %add3A_420 : i32
      %get3A_422 = arith.index_cast %add3A_421 : i32 to index
      %get3A_423 = arith.constant 16 : index
      %get3A_424 = tpu.vector_load %arg7[%get3A_422, %get3A_423] {strides = array<i32>} : memref<256x64xf32, #tpu.memory_space<vmem>>, vector<16xf32>,
      %mul3A_425 = arith.mulf %get3A_417, %get3A_424 : vector<16xf32>
      %mul3A_426 = arith.constant 2 : i32
      %mul3A_427 = arith.muli %mul3A_426, %scan3A_400 : i32
      %get3A_428 = arith.index_cast %mul3A_427 : i32 to index
      %get3A_429 = arith.constant 32 : index
      %get3A_430 = tpu.vector_load %arg7[%get3A_428, %get3A_429] {strides = array<i32>} : memref<256x64xf32, #tpu.memory_space<vmem>>, vector<16xf32>,
      %mul3A_431 = arith.constant 2 : i32
      %mul3A_432 = arith.muli %mul3A_431, %scan3A_400 : i32
      %add3A_433 = arith.constant 1 : i32
      %add3A_434 = arith.addi %mul3A_432, %add3A_433 : i32
      %get3A_435 = arith.index_cast %add3A_434 : i32 to index
      %get3A_436 = arith.constant 32 : index
      %get3A_437 = tpu.vector_load %arg7[%get3A_435, %get3A_436] {strides = array<i32>} : memref<256x64xf32, #tpu.memory_space<vmem>>, vector<16xf32>,
      %mul3A_438 = arith.mulf %get3A_430, %get3A_437 : vector<16xf32>
      %mul3A_439 = arith.constant 2 : i32
      %mul3A_440 = arith.muli %mul3A_439, %scan3A_400 : i32
      %get3A_441 = arith.index_cast %mul3A_440 : i32 to index
      %get3A_442 = arith.constant 48 : index
      %get3A_443 = tpu.vector_load %arg7[%get3A_441, %get3A_442] {strides = array<i32>} : memref<256x64xf32, #tpu.memory_space<vmem>>, vector<16xf32>,
      %mul3A_444 = arith.constant 2 : i32
      %mul3A_445 = arith.muli %mul3A_444, %scan3A_400 : i32
      %add3A_446 = arith.constant 1 : i32
      %add3A_447 = arith.addi %mul3A_445, %add3A_446 : i32
      %get3A_448 = arith.index_cast %add3A_447 : i32 to index
      %get3A_449 = arith.constant 48 : index
      %get3A_450 = tpu.vector_load %arg7[%get3A_448, %get3A_449] {strides = array<i32>} : memref<256x64xf32, #tpu.memory_space<vmem>>, vector<16xf32>,
      %mul3A_451 = arith.mulf %get3A_443, %get3A_450 : vector<16xf32>
      %add3A_452 = arith.addf %mul3A_412, %mul3A_425 : vector<16xf32>
      %add3A_453 = arith.addf %mul3A_438, %mul3A_451 : vector<16xf32>
      %add3A_454 = arith.addf %add3A_452, %add3A_453 : vector<16xf32>
      %broadcast_in_dim3A = arith.constant true
      %broadcast_in_dim3A_455 = vector.broadcast %broadcast_in_dim3A : i1 to vector<16xi1>
      %masked_cumsum3A = tpu.scan <sum>, %add3A_454 masked %broadcast_in_dim3A_455 : vector<16xf32>, vector<16xi1> -> vector<16xf32>
      %broadcast_in_dim3A_456 = vector.broadcast %scan3A_400 : i32 to vector<16xi32>
      tpu.vector_store_idx %arg11[%broadcast_in_dim3A_456], %masked_cumsum3A masked %eq3A_2 : memref<128xf32, #tpu.memory_space<vmem>>[vector<16xi32>], vector<16xf32>, vector<16xi1>
      %scan3A_457 = arith.constant 1 : i32
      %scan3A_458 = arith.addi %scan3A_400, %scan3A_457 : i32
      %mul3A_459 = arith.constant 2 : i32
      %mul3A_460 = arith.muli %mul3A_459, %scan3A_458 : i32
      %get3A_461 = arith.index_cast %mul3A_460 : i32 to index
      %get3A_462 = arith.constant 0 : index
      %get3A_463 = tpu.vector_load %arg7[%get3A_461, %get3A_462] {strides = array<i32>} : memref<256x64xf32, #tpu.memory_space<vmem>>, vector<16xf32>,
      %mul3A_464 = arith.constant 2 : i32
      %mul3A_465 = arith.muli %mul3A_464, %scan3A_458 : i32
      %add3A_466 = arith.constant 1 : i32
      %add3A_467 = arith.addi %mul3A_465, %add3A_466 : i32
      %get3A_468 = arith.index_cast %add3A_467 : i32 to index
      %get3A_469 = arith.constant 0 : index
      %get3A_470 = tpu.vector_load %arg7[%get3A_468, %get3A_469] {strides = array<i32>} : memref<256x64xf32, #tpu.memory_space<vmem>>, vector<16xf32>,
      %mul3A_471 = arith.mulf %get3A_463, %get3A_470 : vector<16xf32>
      %mul3A_472 = arith.constant 2 : i32
      %mul3A_473 = arith.muli %mul3A_472, %scan3A_458 : i32
      %get3A_474 = arith.index_cast %mul3A_473 : i32 to index
      %get3A_475 = arith.constant 16 : index
      %get3A_476 = tpu.vector_load %arg7[%get3A_474, %get3A_475] {strides = array<i32>} : memref<256x64xf32, #tpu.memory_space<vmem>>, vector<16xf32>,
      %mul3A_477 = arith.constant 2 : i32
      %mul3A_478 = arith.muli %mul3A_477, %scan3A_458 : i32
      %add3A_479 = arith.constant 1 : i32
      %add3A_480 = arith.addi %mul3A_478, %add3A_479 : i32
      %get3A_481 = arith.index_cast %add3A_480 : i32 to index
      %get3A_482 = arith.constant 16 : index
      %get3A_483 = tpu.vector_load %arg7[%get3A_481, %get3A_482] {strides = array<i32>} : memref<256x64xf32, #tpu.memory_space<vmem>>, vector<16xf32>,
      %mul3A_484 = arith.mulf %get3A_476, %get3A_483 : vector<16xf32>
      %mul3A_485 = arith.constant 2 : i32
      %mul3A_486 = arith.muli %mul3A_485, %scan3A_458 : i32
      %get3A_487 = arith.index_cast %mul3A_486 : i32 to index
      %get3A_488 = arith.constant 32 : index
      %get3A_489 = tpu.vector_load %arg7[%get3A_487, %get3A_488] {strides = array<i32>} : memref<256x64xf32, #tpu.memory_space<vmem>>, vector<16xf32>,
      %mul3A_490 = arith.constant 2 : i32
      %mul3A_491 = arith.muli %mul3A_490, %scan3A_458 : i32
      %add3A_492 = arith.constant 1 : i32
      %add3A_493 = arith.addi %mul3A_491, %add3A_492 : i32
      %get3A_494 = arith.index_cast %add3A_493 : i32 to index
      %get3A_495 = arith.constant 32 : index
      %get3A_496 = tpu.vector_load %arg7[%get3A_494, %get3A_495] {strides = array<i32>} : memref<256x64xf32, #tpu.memory_space<vmem>>, vector<16xf32>,
      %mul3A_497 = arith.mulf %get3A_489, %get3A_496 : vector<16xf32>
      %mul3A_498 = arith.constant 2 : i32
      %mul3A_499 = arith.muli %mul3A_498, %scan3A_458 : i32
      %get3A_500 = arith.index_cast %mul3A_499 : i32 to index
      %get3A_501 = arith.constant 48 : index
      %get3A_502 = tpu.vector_load %arg7[%get3A_500, %get3A_501] {strides = array<i32>} : memref<256x64xf32, #tpu.memory_space<vmem>>, vector<16xf32>,
      %mul3A_503 = arith.constant 2 : i32
      %mul3A_504 = arith.muli %mul3A_503, %scan3A_458 : i32
      %add3A_505 = arith.constant 1 : i32
      %add3A_506 = arith.addi %mul3A_504, %add3A_505 : i32
      %get3A_507 = arith.index_cast %add3A_506 : i32 to index
      %get3A_508 = arith.constant 48 : index
      %get3A_509 = tpu.vector_load %arg7[%get3A_507, %get3A_508] {strides = array<i32>} : memref<256x64xf32, #tpu.memory_space<vmem>>, vector<16xf32>,
      %mul3A_510 = arith.mulf %get3A_502, %get3A_509 : vector<16xf32>
      %add3A_511 = arith.addf %mul3A_471, %mul3A_484 : vector<16xf32>
      %add3A_512 = arith.addf %mul3A_497, %mul3A_510 : vector<16xf32>
      %add3A_513 = arith.addf %add3A_511, %add3A_512 : vector<16xf32>
      %broadcast_in_dim3A_514 = arith.constant true
      %broadcast_in_dim3A_515 = vector.broadcast %broadcast_in_dim3A_514 : i1 to vector<16xi1>
      %masked_cumsum3A_516 = tpu.scan <sum>, %add3A_513 masked %broadcast_in_dim3A_515 : vector<16xf32>, vector<16xi1> -> vector<16xf32>
      %broadcast_in_dim3A_517 = vector.broadcast %scan3A_458 : i32 to vector<16xi32>
      tpu.vector_store_idx %arg11[%broadcast_in_dim3A_517], %masked_cumsum3A_516 masked %eq3A_2 : memref<128xf32, #tpu.memory_space<vmem>>[vector<16xi32>], vector<16xf32>, vector<16xi1>
      %scan3A_518 = arith.constant 2 : i32
      %scan3A_519 = arith.addi %scan3A_400, %scan3A_518 : i32
      %mul3A_520 = arith.constant 2 : i32
      %mul3A_521 = arith.muli %mul3A_520, %scan3A_519 : i32
      %get3A_522 = arith.index_cast %mul3A_521 : i32 to index
      %get3A_523 = arith.constant 0 : index
      %get3A_524 = tpu.vector_load %arg7[%get3A_522, %get3A_523] {strides = array<i32>} : memref<256x64xf32, #tpu.memory_space<vmem>>, vector<16xf32>,
      %mul3A_525 = arith.constant 2 : i32
      %mul3A_526 = arith.muli %mul3A_525, %scan3A_519 : i32
      %add3A_527 = arith.constant 1 : i32
      %add3A_528 = arith.addi %mul3A_526, %add3A_527 : i32
      %get3A_529 = arith.index_cast %add3A_528 : i32 to index
      %get3A_530 = arith.constant 0 : index
      %get3A_531 = tpu.vector_load %arg7[%get3A_529, %get3A_530] {strides = array<i32>} : memref<256x64xf32, #tpu.memory_space<vmem>>, vector<16xf32>,
      %mul3A_532 = arith.mulf %get3A_524, %get3A_531 : vector<16xf32>
      %mul3A_533 = arith.constant 2 : i32
      %mul3A_534 = arith.muli %mul3A_533, %scan3A_519 : i32
      %get3A_535 = arith.index_cast %mul3A_534 : i32 to index
      %get3A_536 = arith.constant 16 : index
      %get3A_537 = tpu.vector_load %arg7[%get3A_535, %get3A_536] {strides = array<i32>} : memref<256x64xf32, #tpu.memory_space<vmem>>, vector<16xf32>,
      %mul3A_538 = arith.constant 2 : i32
      %mul3A_539 = arith.muli %mul3A_538, %scan3A_519 : i32
      %add3A_540 = arith.constant 1 : i32
      %add3A_541 = arith.addi %mul3A_539, %add3A_540 : i32
      %get3A_542 = arith.index_cast %add3A_541 : i32 to index
      %get3A_543 = arith.constant 16 : index
      %get3A_544 = tpu.vector_load %arg7[%get3A_542, %get3A_543] {strides = array<i32>} : memref<256x64xf32, #tpu.memory_space<vmem>>, vector<16xf32>,
      %mul3A_545 = arith.mulf %get3A_537, %get3A_544 : vector<16xf32>
      %mul3A_546 = arith.constant 2 : i32
      %mul3A_547 = arith.muli %mul3A_546, %scan3A_519 : i32
      %get3A_548 = arith.index_cast %mul3A_547 : i32 to index
      %get3A_549 = arith.constant 32 : index
      %get3A_550 = tpu.vector_load %arg7[%get3A_548, %get3A_549] {strides = array<i32>} : memref<256x64xf32, #tpu.memory_space<vmem>>, vector<16xf32>,
      %mul3A_551 = arith.constant 2 : i32
      %mul3A_552 = arith.muli %mul3A_551, %scan3A_519 : i32
      %add3A_553 = arith.constant 1 : i32
      %add3A_554 = arith.addi %mul3A_552, %add3A_553 : i32
      %get3A_555 = arith.index_cast %add3A_554 : i32 to index
      %get3A_556 = arith.constant 32 : index
      %get3A_557 = tpu.vector_load %arg7[%get3A_555, %get3A_556] {strides = array<i32>} : memref<256x64xf32, #tpu.memory_space<vmem>>, vector<16xf32>,
      %mul3A_558 = arith.mulf %get3A_550, %get3A_557 : vector<16xf32>
      %mul3A_559 = arith.constant 2 : i32
      %mul3A_560 = arith.muli %mul3A_559, %scan3A_519 : i32
      %get3A_561 = arith.index_cast %mul3A_560 : i32 to index
      %get3A_562 = arith.constant 48 : index
      %get3A_563 = tpu.vector_load %arg7[%get3A_561, %get3A_562] {strides = array<i32>} : memref<256x64xf32, #tpu.memory_space<vmem>>, vector<16xf32>,
      %mul3A_564 = arith.constant 2 : i32
      %mul3A_565 = arith.muli %mul3A_564, %scan3A_519 : i32
      %add3A_566 = arith.constant 1 : i32
      %add3A_567 = arith.addi %mul3A_565, %add3A_566 : i32
      %get3A_568 = arith.index_cast %add3A_567 : i32 to index
      %get3A_569 = arith.constant 48 : index
      %get3A_570 = tpu.vector_load %arg7[%get3A_568, %get3A_569] {strides = array<i32>} : memref<256x64xf32, #tpu.memory_space<vmem>>, vector<16xf32>,
      %mul3A_571 = arith.mulf %get3A_563, %get3A_570 : vector<16xf32>
      %add3A_572 = arith.addf %mul3A_532, %mul3A_545 : vector<16xf32>
      %add3A_573 = arith.addf %mul3A_558, %mul3A_571 : vector<16xf32>
      %add3A_574 = arith.addf %add3A_572, %add3A_573 : vector<16xf32>
      %broadcast_in_dim3A_575 = arith.constant true
      %broadcast_in_dim3A_576 = vector.broadcast %broadcast_in_dim3A_575 : i1 to vector<16xi1>
      %masked_cumsum3A_577 = tpu.scan <sum>, %add3A_574 masked %broadcast_in_dim3A_576 : vector<16xf32>, vector<16xi1> -> vector<16xf32>
      %broadcast_in_dim3A_578 = vector.broadcast %scan3A_519 : i32 to vector<16xi32>
      tpu.vector_store_idx %arg11[%broadcast_in_dim3A_578], %masked_cumsum3A_577 masked %eq3A_2 : memref<128xf32, #tpu.memory_space<vmem>>[vector<16xi32>], vector<16xf32>, vector<16xi1>
      %scan3A_579 = arith.constant 3 : i32
      %scan3A_580 = arith.addi %scan3A_400, %scan3A_579 : i32
      %mul3A_581 = arith.constant 2 : i32
      %mul3A_582 = arith.muli %mul3A_581, %scan3A_580 : i32
      %get3A_583 = arith.index_cast %mul3A_582 : i32 to index
      %get3A_584 = arith.constant 0 : index
      %get3A_585 = tpu.vector_load %arg7[%get3A_583, %get3A_584] {strides = array<i32>} : memref<256x64xf32, #tpu.memory_space<vmem>>, vector<16xf32>,
      %mul3A_586 = arith.constant 2 : i32
      %mul3A_587 = arith.muli %mul3A_586, %scan3A_580 : i32
      %add3A_588 = arith.constant 1 : i32
      %add3A_589 = arith.addi %mul3A_587, %add3A_588 : i32
      %get3A_590 = arith.index_cast %add3A_589 : i32 to index
      %get3A_591 = arith.constant 0 : index
      %get3A_592 = tpu.vector_load %arg7[%get3A_590, %get3A_591] {strides = array<i32>} : memref<256x64xf32, #tpu.memory_space<vmem>>, vector<16xf32>,
      %mul3A_593 = arith.mulf %get3A_585, %get3A_592 : vector<16xf32>
      %mul3A_594 = arith.constant 2 : i32
      %mul3A_595 = arith.muli %mul3A_594, %scan3A_580 : i32
      %get3A_596 = arith.index_cast %mul3A_595 : i32 to index
      %get3A_597 = arith.constant 16 : index
      %get3A_598 = tpu.vector_load %arg7[%get3A_596, %get3A_597] {strides = array<i32>} : memref<256x64xf32, #tpu.memory_space<vmem>>, vector<16xf32>,
      %mul3A_599 = arith.constant 2 : i32
      %mul3A_600 = arith.muli %mul3A_599, %scan3A_580 : i32
      %add3A_601 = arith.constant 1 : i32
      %add3A_602 = arith.addi %mul3A_600, %add3A_601 : i32
      %get3A_603 = arith.index_cast %add3A_602 : i32 to index
      %get3A_604 = arith.constant 16 : index
      %get3A_605 = tpu.vector_load %arg7[%get3A_603, %get3A_604] {strides = array<i32>} : memref<256x64xf32, #tpu.memory_space<vmem>>, vector<16xf32>,
      %mul3A_606 = arith.mulf %get3A_598, %get3A_605 : vector<16xf32>
      %mul3A_607 = arith.constant 2 : i32
      %mul3A_608 = arith.muli %mul3A_607, %scan3A_580 : i32
      %get3A_609 = arith.index_cast %mul3A_608 : i32 to index
      %get3A_610 = arith.constant 32 : index
      %get3A_611 = tpu.vector_load %arg7[%get3A_609, %get3A_610] {strides = array<i32>} : memref<256x64xf32, #tpu.memory_space<vmem>>, vector<16xf32>,
      %mul3A_612 = arith.constant 2 : i32
      %mul3A_613 = arith.muli %mul3A_612, %scan3A_580 : i32
      %add3A_614 = arith.constant 1 : i32
      %add3A_615 = arith.addi %mul3A_613, %add3A_614 : i32
      %get3A_616 = arith.index_cast %add3A_615 : i32 to index
      %get3A_617 = arith.constant 32 : index
      %get3A_618 = tpu.vector_load %arg7[%get3A_616, %get3A_617] {strides = array<i32>} : memref<256x64xf32, #tpu.memory_space<vmem>>, vector<16xf32>,
      %mul3A_619 = arith.mulf %get3A_611, %get3A_618 : vector<16xf32>
      %mul3A_620 = arith.constant 2 : i32
      %mul3A_621 = arith.muli %mul3A_620, %scan3A_580 : i32
      %get3A_622 = arith.index_cast %mul3A_621 : i32 to index
      %get3A_623 = arith.constant 48 : index
      %get3A_624 = tpu.vector_load %arg7[%get3A_622, %get3A_623] {strides = array<i32>} : memref<256x64xf32, #tpu.memory_space<vmem>>, vector<16xf32>,
      %mul3A_625 = arith.constant 2 : i32
      %mul3A_626 = arith.muli %mul3A_625, %scan3A_580 : i32
      %add3A_627 = arith.constant 1 : i32
      %add3A_628 = arith.addi %mul3A_626, %add3A_627 : i32
      %get3A_629 = arith.index_cast %add3A_628 : i32 to index
      %get3A_630 = arith.constant 48 : index
      %get3A_631 = tpu.vector_load %arg7[%get3A_629, %get3A_630] {strides = array<i32>} : memref<256x64xf32, #tpu.memory_space<vmem>>, vector<16xf32>,
      %mul3A_632 = arith.mulf %get3A_624, %get3A_631 : vector<16xf32>
      %add3A_633 = arith.addf %mul3A_593, %mul3A_606 : vector<16xf32>
      %add3A_634 = arith.addf %mul3A_619, %mul3A_632 : vector<16xf32>
      %add3A_635 = arith.addf %add3A_633, %add3A_634 : vector<16xf32>
      %broadcast_in_dim3A_636 = arith.constant true
      %broadcast_in_dim3A_637 = vector.broadcast %broadcast_in_dim3A_636 : i1 to vector<16xi1>
      %masked_cumsum3A_638 = tpu.scan <sum>, %add3A_635 masked %broadcast_in_dim3A_637 : vector<16xf32>, vector<16xi1> -> vector<16xf32>
      %broadcast_in_dim3A_639 = vector.broadcast %scan3A_580 : i32 to vector<16xi32>
      tpu.vector_store_idx %arg11[%broadcast_in_dim3A_639], %masked_cumsum3A_638 masked %eq3A_2 : memref<128xf32, #tpu.memory_space<vmem>>[vector<16xi32>], vector<16xf32>, vector<16xi1>
    }
    %scan3A_167 = arith.constant 128 : i32
    %mul3A_168 = arith.constant 25600 : i32
    %mul3A_169 = arith.muli %add3A, %mul3A_168 : i32
    %add3A_170 = arith.constant 128 : i32
    %add3A_171 = arith.addi %mul3A_169, %add3A_170 : i32
    %dma_start3A_172 = tpu.memref_slice %arg4[%add3A_171] : memref<819200xf32, #tpu.memory_space<hbm>> -> memref<128xf32, #tpu.memory_space<hbm>>
    %dma_start3A_173 = tpu.memref_slice %arg4[%add3A_171] : memref<819200xf32, #tpu.memory_space<hbm>> -> memref<128xf32, #tpu.memory_space<hbm>>
    tpu.enqueue_dma source(%arg11 : memref<128xf32, #tpu.memory_space<vmem>>) target(%dma_start3A_173 : memref<128xf32, #tpu.memory_space<hbm>>) target_semaphore(%arg20 : memref<!tpu.dma_semaphore, #tpu.memory_space<semaphore_mem>>)
    %dma_start3A_174 = arith.constant 10 : i32
    %dma_start3A_175 = arith.constant 0 : i32
    %dma_start3A_176 = arith.constant 0 : i32
    %dma_start3A_177 = tpu.memref_slice %arg7[%dma_start3A_175, %dma_start3A_176] : memref<256x64xf32, #tpu.memory_space<vmem>> -> memref<128x64xf32, #tpu.memory_space<vmem>>
    %dma_start3A_178 = arith.constant 0 : i32
    %dma_start3A_179 = tpu.memref_slice %arg5[%dma_start3A_174, %dma_start3A_178] : memref<400x128xi32, #tpu.memory_space<vmem>> -> memref<1x128xi32, #tpu.memory_space<vmem>>
    %dma_start3A_180 = tpu.memref_squeeze %dma_start3A_179 : memref<1x128xi32, #tpu.memory_space<vmem>> -> memref<128xi32, #tpu.memory_space<vmem>>
    %dma_start3A_181 = arith.constant 0 : i32
    %dma_start3A_182 = arith.constant 0 : i32
    %dma_start3A_183 = tpu.memref_slice %arg2[%dma_start3A_181, %dma_start3A_182] : memref<1000000x64xf32, #tpu.memory_space<hbm>> -> memref<1000000x64xf32, #tpu.memory_space<hbm>>
    tpu.enqueue_indirect_dma source(%dma_start3A_183 : memref<1000000x64xf32, #tpu.memory_space<hbm>>) target(%dma_start3A_177 : memref<128x64xf32, #tpu.memory_space<vmem>>) offsets(%dma_start3A_180 : memref<128xi32, #tpu.memory_space<vmem>>) semaphore(%arg16 : memref<!tpu.dma_semaphore, #tpu.memory_space<semaphore_mem>>)
    %dma_start3A_184 = arith.constant 11 : i32
    %dma_start3A_185 = arith.constant 128 : i32
    %dma_start3A_186 = arith.constant 0 : i32
    %dma_start3A_187 = tpu.memref_slice %arg7[%dma_start3A_185, %dma_start3A_186] : memref<256x64xf32, #tpu.memory_space<vmem>> -> memref<128x64xf32, #tpu.memory_space<vmem>>
    %dma_start3A_188 = arith.constant 0 : i32
    %dma_start3A_189 = tpu.memref_slice %arg5[%dma_start3A_184, %dma_start3A_188] : memref<400x128xi32, #tpu.memory_space<vmem>> -> memref<1x128xi32, #tpu.memory_space<vmem>>
    %dma_start3A_190 = tpu.memref_squeeze %dma_start3A_189 : memref<1x128xi32, #tpu.memory_space<vmem>> -> memref<128xi32, #tpu.memory_space<vmem>>
    %dma_start3A_191 = arith.constant 0 : i32
    %dma_start3A_192 = arith.constant 0 : i32
    %dma_start3A_193 = tpu.memref_slice %arg2[%dma_start3A_191, %dma_start3A_192] : memref<1000000x64xf32, #tpu.memory_space<hbm>> -> memref<1000000x64xf32, #tpu.memory_space<hbm>>
    tpu.enqueue_indirect_dma source(%dma_start3A_193 : memref<1000000x64xf32, #tpu.memory_space<hbm>>) target(%dma_start3A_187 : memref<128x64xf32, #tpu.memory_space<vmem>>) offsets(%dma_start3A_190 : memref<128xi32, #tpu.memory_space<vmem>>) semaphore(%arg16 : memref<!tpu.dma_semaphore, #tpu.memory_space<semaphore_mem>>)
    %dma_wait3A_194 = arith.constant 0 : i32
    %dma_wait3A_195 = arith.constant 0 : i32
    %dma_wait3A_196 = arith.constant 0 : i32
    %dma_wait3A_197 = tpu.memref_slice %arg8[%dma_wait3A_195, %dma_wait3A_196] : memref<256x64xf32, #tpu.memory_space<vmem>> -> memref<128x64xf32, #tpu.memory_space<vmem>>
    %dma_wait3A_198 = arith.constant 0 : i32
    %dma_wait3A_199 = tpu.memref_slice %arg5[%dma_wait3A_194, %dma_wait3A_198] : memref<400x128xi32, #tpu.memory_space<vmem>> -> memref<1x128xi32, #tpu.memory_space<vmem>>
    %dma_wait3A_200 = tpu.memref_squeeze %dma_wait3A_199 : memref<1x128xi32, #tpu.memory_space<vmem>> -> memref<128xi32, #tpu.memory_space<vmem>>
    %dma_wait3A_201 = arith.constant 0 : i32
    %dma_wait3A_202 = arith.constant 0 : i32
    %dma_wait3A_203 = tpu.memref_slice %arg2[%dma_wait3A_201, %dma_wait3A_202] : memref<1000000x64xf32, #tpu.memory_space<hbm>> -> memref<1000000x64xf32, #tpu.memory_space<hbm>>
    tpu.wait_indirect_dma semaphore(%arg17 : memref<!tpu.dma_semaphore, #tpu.memory_space<semaphore_mem>>) src(%dma_wait3A_203 : memref<1000000x64xf32, #tpu.memory_space<hbm>>) dst(%dma_wait3A_197 : memref<128x64xf32, #tpu.memory_space<vmem>>)
    %dma_wait3A_204 = arith.constant 1 : i32
    %dma_wait3A_205 = arith.constant 128 : i32
    %dma_wait3A_206 = arith.constant 0 : i32
    %dma_wait3A_207 = tpu.memref_slice %arg8[%dma_wait3A_205, %dma_wait3A_206] : memref<256x64xf32, #tpu.memory_space<vmem>> -> memref<128x64xf32, #tpu.memory_space<vmem>>
    %dma_wait3A_208 = arith.constant 0 : i32
    %dma_wait3A_209 = tpu.memref_slice %arg5[%dma_wait3A_204, %dma_wait3A_208] : memref<400x128xi32, #tpu.memory_space<vmem>> -> memref<1x128xi32, #tpu.memory_space<vmem>>
    %dma_wait3A_210 = tpu.memref_squeeze %dma_wait3A_209 : memref<1x128xi32, #tpu.memory_space<vmem>> -> memref<128xi32, #tpu.memory_space<vmem>>
    %dma_wait3A_211 = arith.constant 0 : i32
    %dma_wait3A_212 = arith.constant 0 : i32
    %dma_wait3A_213 = tpu.memref_slice %arg2[%dma_wait3A_211, %dma_wait3A_212] : memref<1000000x64xf32, #tpu.memory_space<hbm>> -> memref<1000000x64xf32, #tpu.memory_space<hbm>>
    tpu.wait_indirect_dma semaphore(%arg17 : memref<!tpu.dma_semaphore, #tpu.memory_space<semaphore_mem>>) src(%dma_wait3A_213 : memref<1000000x64xf32, #tpu.memory_space<hbm>>) dst(%dma_wait3A_207 : memref<128x64xf32, #tpu.memory_space<vmem>>)
    %scan3A_214 = arith.constant 0 : i32
    %scan3A_215 = arith.constant 0 : i32
    %scan3A_216 = arith.constant 128 : i32
    %scan3A_217 = arith.addi %scan3A_215, %scan3A_216 : i32
    %scan3A_218 = arith.constant 4 : i32
    scf.for %scan3A_400 = %scan3A_215 to %scan3A_217 step %scan3A_218  : i32 {
      %mul3A_401 = arith.constant 2 : i32
      %mul3A_402 = arith.muli %mul3A_401, %scan3A_400 : i32
      %get3A = arith.index_cast %mul3A_402 : i32 to index
      %get3A_403 = arith.constant 0 : index
      %get3A_404 = tpu.vector_load %arg8[%get3A, %get3A_403] {strides = array<i32>} : memref<256x64xf32, #tpu.memory_space<vmem>>, vector<16xf32>,
      %mul3A_405 = arith.constant 2 : i32
      %mul3A_406 = arith.muli %mul3A_405, %scan3A_400 : i32
      %add3A_407 = arith.constant 1 : i32
      %add3A_408 = arith.addi %mul3A_406, %add3A_407 : i32
      %get3A_409 = arith.index_cast %add3A_408 : i32 to index
      %get3A_410 = arith.constant 0 : index
      %get3A_411 = tpu.vector_load %arg8[%get3A_409, %get3A_410] {strides = array<i32>} : memref<256x64xf32, #tpu.memory_space<vmem>>, vector<16xf32>,
      %mul3A_412 = arith.mulf %get3A_404, %get3A_411 : vector<16xf32>
      %mul3A_413 = arith.constant 2 : i32
      %mul3A_414 = arith.muli %mul3A_413, %scan3A_400 : i32
      %get3A_415 = arith.index_cast %mul3A_414 : i32 to index
      %get3A_416 = arith.constant 16 : index
      %get3A_417 = tpu.vector_load %arg8[%get3A_415, %get3A_416] {strides = array<i32>} : memref<256x64xf32, #tpu.memory_space<vmem>>, vector<16xf32>,
      %mul3A_418 = arith.constant 2 : i32
      %mul3A_419 = arith.muli %mul3A_418, %scan3A_400 : i32
      %add3A_420 = arith.constant 1 : i32
      %add3A_421 = arith.addi %mul3A_419, %add3A_420 : i32
      %get3A_422 = arith.index_cast %add3A_421 : i32 to index
      %get3A_423 = arith.constant 16 : index
      %get3A_424 = tpu.vector_load %arg8[%get3A_422, %get3A_423] {strides = array<i32>} : memref<256x64xf32, #tpu.memory_space<vmem>>, vector<16xf32>,
      %mul3A_425 = arith.mulf %get3A_417, %get3A_424 : vector<16xf32>
      %mul3A_426 = arith.constant 2 : i32
      %mul3A_427 = arith.muli %mul3A_426, %scan3A_400 : i32
      %get3A_428 = arith.index_cast %mul3A_427 : i32 to index
      %get3A_429 = arith.constant 32 : index
      %get3A_430 = tpu.vector_load %arg8[%get3A_428, %get3A_429] {strides = array<i32>} : memref<256x64xf32, #tpu.memory_space<vmem>>, vector<16xf32>,
      %mul3A_431 = arith.constant 2 : i32
      %mul3A_432 = arith.muli %mul3A_431, %scan3A_400 : i32
      %add3A_433 = arith.constant 1 : i32
      %add3A_434 = arith.addi %mul3A_432, %add3A_433 : i32
      %get3A_435 = arith.index_cast %add3A_434 : i32 to index
      %get3A_436 = arith.constant 32 : index
      %get3A_437 = tpu.vector_load %arg8[%get3A_435, %get3A_436] {strides = array<i32>} : memref<256x64xf32, #tpu.memory_space<vmem>>, vector<16xf32>,
      %mul3A_438 = arith.mulf %get3A_430, %get3A_437 : vector<16xf32>
      %mul3A_439 = arith.constant 2 : i32
      %mul3A_440 = arith.muli %mul3A_439, %scan3A_400 : i32
      %get3A_441 = arith.index_cast %mul3A_440 : i32 to index
      %get3A_442 = arith.constant 48 : index
      %get3A_443 = tpu.vector_load %arg8[%get3A_441, %get3A_442] {strides = array<i32>} : memref<256x64xf32, #tpu.memory_space<vmem>>, vector<16xf32>,
      %mul3A_444 = arith.constant 2 : i32
      %mul3A_445 = arith.muli %mul3A_444, %scan3A_400 : i32
      %add3A_446 = arith.constant 1 : i32
      %add3A_447 = arith.addi %mul3A_445, %add3A_446 : i32
      %get3A_448 = arith.index_cast %add3A_447 : i32 to index
      %get3A_449 = arith.constant 48 : index
      %get3A_450 = tpu.vector_load %arg8[%get3A_448, %get3A_449] {strides = array<i32>} : memref<256x64xf32, #tpu.memory_space<vmem>>, vector<16xf32>,
      %mul3A_451 = arith.mulf %get3A_443, %get3A_450 : vector<16xf32>
      %add3A_452 = arith.addf %mul3A_412, %mul3A_425 : vector<16xf32>
      %add3A_453 = arith.addf %mul3A_438, %mul3A_451 : vector<16xf32>
      %add3A_454 = arith.addf %add3A_452, %add3A_453 : vector<16xf32>
      %broadcast_in_dim3A = arith.constant true
      %broadcast_in_dim3A_455 = vector.broadcast %broadcast_in_dim3A : i1 to vector<16xi1>
      %masked_cumsum3A = tpu.scan <sum>, %add3A_454 masked %broadcast_in_dim3A_455 : vector<16xf32>, vector<16xi1> -> vector<16xf32>
      %broadcast_in_dim3A_456 = vector.broadcast %scan3A_400 : i32 to vector<16xi32>
      tpu.vector_store_idx %arg12[%broadcast_in_dim3A_456], %masked_cumsum3A masked %eq3A_2 : memref<128xf32, #tpu.memory_space<vmem>>[vector<16xi32>], vector<16xf32>, vector<16xi1>
      %scan3A_457 = arith.constant 1 : i32
      %scan3A_458 = arith.addi %scan3A_400, %scan3A_457 : i32
      %mul3A_459 = arith.constant 2 : i32
      %mul3A_460 = arith.muli %mul3A_459, %scan3A_458 : i32
      %get3A_461 = arith.index_cast %mul3A_460 : i32 to index
      %get3A_462 = arith.constant 0 : index
      %get3A_463 = tpu.vector_load %arg8[%get3A_461, %get3A_462] {strides = array<i32>} : memref<256x64xf32, #tpu.memory_space<vmem>>, vector<16xf32>,
      %mul3A_464 = arith.constant 2 : i32
      %mul3A_465 = arith.muli %mul3A_464, %scan3A_458 : i32
      %add3A_466 = arith.constant 1 : i32
      %add3A_467 = arith.addi %mul3A_465, %add3A_466 : i32
      %get3A_468 = arith.index_cast %add3A_467 : i32 to index
      %get3A_469 = arith.constant 0 : index
      %get3A_470 = tpu.vector_load %arg8[%get3A_468, %get3A_469] {strides = array<i32>} : memref<256x64xf32, #tpu.memory_space<vmem>>, vector<16xf32>,
      %mul3A_471 = arith.mulf %get3A_463, %get3A_470 : vector<16xf32>
      %mul3A_472 = arith.constant 2 : i32
      %mul3A_473 = arith.muli %mul3A_472, %scan3A_458 : i32
      %get3A_474 = arith.index_cast %mul3A_473 : i32 to index
      %get3A_475 = arith.constant 16 : index
      %get3A_476 = tpu.vector_load %arg8[%get3A_474, %get3A_475] {strides = array<i32>} : memref<256x64xf32, #tpu.memory_space<vmem>>, vector<16xf32>,
      %mul3A_477 = arith.constant 2 : i32
      %mul3A_478 = arith.muli %mul3A_477, %scan3A_458 : i32
      %add3A_479 = arith.constant 1 : i32
      %add3A_480 = arith.addi %mul3A_478, %add3A_479 : i32
      %get3A_481 = arith.index_cast %add3A_480 : i32 to index
      %get3A_482 = arith.constant 16 : index
      %get3A_483 = tpu.vector_load %arg8[%get3A_481, %get3A_482] {strides = array<i32>} : memref<256x64xf32, #tpu.memory_space<vmem>>, vector<16xf32>,
      %mul3A_484 = arith.mulf %get3A_476, %get3A_483 : vector<16xf32>
      %mul3A_485 = arith.constant 2 : i32
      %mul3A_486 = arith.muli %mul3A_485, %scan3A_458 : i32
      %get3A_487 = arith.index_cast %mul3A_486 : i32 to index
      %get3A_488 = arith.constant 32 : index
      %get3A_489 = tpu.vector_load %arg8[%get3A_487, %get3A_488] {strides = array<i32>} : memref<256x64xf32, #tpu.memory_space<vmem>>, vector<16xf32>,
      %mul3A_490 = arith.constant 2 : i32
      %mul3A_491 = arith.muli %mul3A_490, %scan3A_458 : i32
      %add3A_492 = arith.constant 1 : i32
      %add3A_493 = arith.addi %mul3A_491, %add3A_492 : i32
      %get3A_494 = arith.index_cast %add3A_493 : i32 to index
      %get3A_495 = arith.constant 32 : index
      %get3A_496 = tpu.vector_load %arg8[%get3A_494, %get3A_495] {strides = array<i32>} : memref<256x64xf32, #tpu.memory_space<vmem>>, vector<16xf32>,
      %mul3A_497 = arith.mulf %get3A_489, %get3A_496 : vector<16xf32>
      %mul3A_498 = arith.constant 2 : i32
      %mul3A_499 = arith.muli %mul3A_498, %scan3A_458 : i32
      %get3A_500 = arith.index_cast %mul3A_499 : i32 to index
      %get3A_501 = arith.constant 48 : index
      %get3A_502 = tpu.vector_load %arg8[%get3A_500, %get3A_501] {strides = array<i32>} : memref<256x64xf32, #tpu.memory_space<vmem>>, vector<16xf32>,
      %mul3A_503 = arith.constant 2 : i32
      %mul3A_504 = arith.muli %mul3A_503, %scan3A_458 : i32
      %add3A_505 = arith.constant 1 : i32
      %add3A_506 = arith.addi %mul3A_504, %add3A_505 : i32
      %get3A_507 = arith.index_cast %add3A_506 : i32 to index
      %get3A_508 = arith.constant 48 : index
      %get3A_509 = tpu.vector_load %arg8[%get3A_507, %get3A_508] {strides = array<i32>} : memref<256x64xf32, #tpu.memory_space<vmem>>, vector<16xf32>,
      %mul3A_510 = arith.mulf %get3A_502, %get3A_509 : vector<16xf32>
      %add3A_511 = arith.addf %mul3A_471, %mul3A_484 : vector<16xf32>
      %add3A_512 = arith.addf %mul3A_497, %mul3A_510 : vector<16xf32>
      %add3A_513 = arith.addf %add3A_511, %add3A_512 : vector<16xf32>
      %broadcast_in_dim3A_514 = arith.constant true
      %broadcast_in_dim3A_515 = vector.broadcast %broadcast_in_dim3A_514 : i1 to vector<16xi1>
      %masked_cumsum3A_516 = tpu.scan <sum>, %add3A_513 masked %broadcast_in_dim3A_515 : vector<16xf32>, vector<16xi1> -> vector<16xf32>
      %broadcast_in_dim3A_517 = vector.broadcast %scan3A_458 : i32 to vector<16xi32>
      tpu.vector_store_idx %arg12[%broadcast_in_dim3A_517], %masked_cumsum3A_516 masked %eq3A_2 : memref<128xf32, #tpu.memory_space<vmem>>[vector<16xi32>], vector<16xf32>, vector<16xi1>
      %scan3A_518 = arith.constant 2 : i32
      %scan3A_519 = arith.addi %scan3A_400, %scan3A_518 : i32
      %mul3A_520 = arith.constant 2 : i32
      %mul3A_521 = arith.muli %mul3A_520, %scan3A_519 : i32
      %get3A_522 = arith.index_cast %mul3A_521 : i32 to index
      %get3A_523 = arith.constant 0 : index
      %get3A_524 = tpu.vector_load %arg8[%get3A_522, %get3A_523] {strides = array<i32>} : memref<256x64xf32, #tpu.memory_space<vmem>>, vector<16xf32>,
      %mul3A_525 = arith.constant 2 : i32
      %mul3A_526 = arith.muli %mul3A_525, %scan3A_519 : i32
      %add3A_527 = arith.constant 1 : i32
      %add3A_528 = arith.addi %mul3A_526, %add3A_527 : i32
      %get3A_529 = arith.index_cast %add3A_528 : i32 to index
      %get3A_530 = arith.constant 0 : index
      %get3A_531 = tpu.vector_load %arg8[%get3A_529, %get3A_530] {strides = array<i32>} : memref<256x64xf32, #tpu.memory_space<vmem>>, vector<16xf32>,
      %mul3A_532 = arith.mulf %get3A_524, %get3A_531 : vector<16xf32>
      %mul3A_533 = arith.constant 2 : i32
      %mul3A_534 = arith.muli %mul3A_533, %scan3A_519 : i32
      %get3A_535 = arith.index_cast %mul3A_534 : i32 to index
      %get3A_536 = arith.constant 16 : index
      %get3A_537 = tpu.vector_load %arg8[%get3A_535, %get3A_536] {strides = array<i32>} : memref<256x64xf32, #tpu.memory_space<vmem>>, vector<16xf32>,
      %mul3A_538 = arith.constant 2 : i32
      %mul3A_539 = arith.muli %mul3A_538, %scan3A_519 : i32
      %add3A_540 = arith.constant 1 : i32
      %add3A_541 = arith.addi %mul3A_539, %add3A_540 : i32
      %get3A_542 = arith.index_cast %add3A_541 : i32 to index
      %get3A_543 = arith.constant 16 : index
      %get3A_544 = tpu.vector_load %arg8[%get3A_542, %get3A_543] {strides = array<i32>} : memref<256x64xf32, #tpu.memory_space<vmem>>, vector<16xf32>,
      %mul3A_545 = arith.mulf %get3A_537, %get3A_544 : vector<16xf32>
      %mul3A_546 = arith.constant 2 : i32
      %mul3A_547 = arith.muli %mul3A_546, %scan3A_519 : i32
      %get3A_548 = arith.index_cast %mul3A_547 : i32 to index
      %get3A_549 = arith.constant 32 : index
      %get3A_550 = tpu.vector_load %arg8[%get3A_548, %get3A_549] {strides = array<i32>} : memref<256x64xf32, #tpu.memory_space<vmem>>, vector<16xf32>,
      %mul3A_551 = arith.constant 2 : i32
      %mul3A_552 = arith.muli %mul3A_551, %scan3A_519 : i32
      %add3A_553 = arith.constant 1 : i32
      %add3A_554 = arith.addi %mul3A_552, %add3A_553 : i32
      %get3A_555 = arith.index_cast %add3A_554 : i32 to index
      %get3A_556 = arith.constant 32 : index
      %get3A_557 = tpu.vector_load %arg8[%get3A_555, %get3A_556] {strides = array<i32>} : memref<256x64xf32, #tpu.memory_space<vmem>>, vector<16xf32>,
      %mul3A_558 = arith.mulf %get3A_550, %get3A_557 : vector<16xf32>
      %mul3A_559 = arith.constant 2 : i32
      %mul3A_560 = arith.muli %mul3A_559, %scan3A_519 : i32
      %get3A_561 = arith.index_cast %mul3A_560 : i32 to index
      %get3A_562 = arith.constant 48 : index
      %get3A_563 = tpu.vector_load %arg8[%get3A_561, %get3A_562] {strides = array<i32>} : memref<256x64xf32, #tpu.memory_space<vmem>>, vector<16xf32>,
      %mul3A_564 = arith.constant 2 : i32
      %mul3A_565 = arith.muli %mul3A_564, %scan3A_519 : i32
      %add3A_566 = arith.constant 1 : i32
      %add3A_567 = arith.addi %mul3A_565, %add3A_566 : i32
      %get3A_568 = arith.index_cast %add3A_567 : i32 to index
      %get3A_569 = arith.constant 48 : index
      %get3A_570 = tpu.vector_load %arg8[%get3A_568, %get3A_569] {strides = array<i32>} : memref<256x64xf32, #tpu.memory_space<vmem>>, vector<16xf32>,
      %mul3A_571 = arith.mulf %get3A_563, %get3A_570 : vector<16xf32>
      %add3A_572 = arith.addf %mul3A_532, %mul3A_545 : vector<16xf32>
      %add3A_573 = arith.addf %mul3A_558, %mul3A_571 : vector<16xf32>
      %add3A_574 = arith.addf %add3A_572, %add3A_573 : vector<16xf32>
      %broadcast_in_dim3A_575 = arith.constant true
      %broadcast_in_dim3A_576 = vector.broadcast %broadcast_in_dim3A_575 : i1 to vector<16xi1>
      %masked_cumsum3A_577 = tpu.scan <sum>, %add3A_574 masked %broadcast_in_dim3A_576 : vector<16xf32>, vector<16xi1> -> vector<16xf32>
      %broadcast_in_dim3A_578 = vector.broadcast %scan3A_519 : i32 to vector<16xi32>
      tpu.vector_store_idx %arg12[%broadcast_in_dim3A_578], %masked_cumsum3A_577 masked %eq3A_2 : memref<128xf32, #tpu.memory_space<vmem>>[vector<16xi32>], vector<16xf32>, vector<16xi1>
      %scan3A_579 = arith.constant 3 : i32
      %scan3A_580 = arith.addi %scan3A_400, %scan3A_579 : i32
      %mul3A_581 = arith.constant 2 : i32
      %mul3A_582 = arith.muli %mul3A_581, %scan3A_580 : i32
      %get3A_583 = arith.index_cast %mul3A_582 : i32 to index
      %get3A_584 = arith.constant 0 : index
      %get3A_585 = tpu.vector_load %arg8[%get3A_583, %get3A_584] {strides = array<i32>} : memref<256x64xf32, #tpu.memory_space<vmem>>, vector<16xf32>,
      %mul3A_586 = arith.constant 2 : i32
      %mul3A_587 = arith.muli %mul3A_586, %scan3A_580 : i32
      %add3A_588 = arith.constant 1 : i32
      %add3A_589 = arith.addi %mul3A_587, %add3A_588 : i32
      %get3A_590 = arith.index_cast %add3A_589 : i32 to index
      %get3A_591 = arith.constant 0 : index
      %get3A_592 = tpu.vector_load %arg8[%get3A_590, %get3A_591] {strides = array<i32>} : memref<256x64xf32, #tpu.memory_space<vmem>>, vector<16xf32>,
      %mul3A_593 = arith.mulf %get3A_585, %get3A_592 : vector<16xf32>
      %mul3A_594 = arith.constant 2 : i32
      %mul3A_595 = arith.muli %mul3A_594, %scan3A_580 : i32
      %get3A_596 = arith.index_cast %mul3A_595 : i32 to index
      %get3A_597 = arith.constant 16 : index
      %get3A_598 = tpu.vector_load %arg8[%get3A_596, %get3A_597] {strides = array<i32>} : memref<256x64xf32, #tpu.memory_space<vmem>>, vector<16xf32>,
      %mul3A_599 = arith.constant 2 : i32
      %mul3A_600 = arith.muli %mul3A_599, %scan3A_580 : i32
      %add3A_601 = arith.constant 1 : i32
      %add3A_602 = arith.addi %mul3A_600, %add3A_601 : i32
      %get3A_603 = arith.index_cast %add3A_602 : i32 to index
      %get3A_604 = arith.constant 16 : index
      %get3A_605 = tpu.vector_load %arg8[%get3A_603, %get3A_604] {strides = array<i32>} : memref<256x64xf32, #tpu.memory_space<vmem>>, vector<16xf32>,
      %mul3A_606 = arith.mulf %get3A_598, %get3A_605 : vector<16xf32>
      %mul3A_607 = arith.constant 2 : i32
      %mul3A_608 = arith.muli %mul3A_607, %scan3A_580 : i32
      %get3A_609 = arith.index_cast %mul3A_608 : i32 to index
      %get3A_610 = arith.constant 32 : index
      %get3A_611 = tpu.vector_load %arg8[%get3A_609, %get3A_610] {strides = array<i32>} : memref<256x64xf32, #tpu.memory_space<vmem>>, vector<16xf32>,
      %mul3A_612 = arith.constant 2 : i32
      %mul3A_613 = arith.muli %mul3A_612, %scan3A_580 : i32
      %add3A_614 = arith.constant 1 : i32
      %add3A_615 = arith.addi %mul3A_613, %add3A_614 : i32
      %get3A_616 = arith.index_cast %add3A_615 : i32 to index
      %get3A_617 = arith.constant 32 : index
      %get3A_618 = tpu.vector_load %arg8[%get3A_616, %get3A_617] {strides = array<i32>} : memref<256x64xf32, #tpu.memory_space<vmem>>, vector<16xf32>,
      %mul3A_619 = arith.mulf %get3A_611, %get3A_618 : vector<16xf32>
      %mul3A_620 = arith.constant 2 : i32
      %mul3A_621 = arith.muli %mul3A_620, %scan3A_580 : i32
      %get3A_622 = arith.index_cast %mul3A_621 : i32 to index
      %get3A_623 = arith.constant 48 : index
      %get3A_624 = tpu.vector_load %arg8[%get3A_622, %get3A_623] {strides = array<i32>} : memref<256x64xf32, #tpu.memory_space<vmem>>, vector<16xf32>,
      %mul3A_625 = arith.constant 2 : i32
      %mul3A_626 = arith.muli %mul3A_625, %scan3A_580 : i32
      %add3A_627 = arith.constant 1 : i32
      %add3A_628 = arith.addi %mul3A_626, %add3A_627 : i32
      %get3A_629 = arith.index_cast %add3A_628 : i32 to index
      %get3A_630 = arith.constant 48 : index
      %get3A_631 = tpu.vector_load %arg8[%get3A_629, %get3A_630] {strides = array<i32>} : memref<256x64xf32, #tpu.memory_space<vmem>>, vector<16xf32>,
      %mul3A_632 = arith.mulf %get3A_624, %get3A_631 : vector<16xf32>
      %add3A_633 = arith.addf %mul3A_593, %mul3A_606 : vector<16xf32>
      %add3A_634 = arith.addf %mul3A_619, %mul3A_632 : vector<16xf32>
      %add3A_635 = arith.addf %add3A_633, %add3A_634 : vector<16xf32>
      %broadcast_in_dim3A_636 = arith.constant true
      %broadcast_in_dim3A_637 = vector.broadcast %broadcast_in_dim3A_636 : i1 to vector<16xi1>
      %masked_cumsum3A_638 = tpu.scan <sum>, %add3A_635 masked %broadcast_in_dim3A_637 : vector<16xf32>, vector<16xi1> -> vector<16xf32>
      %broadcast_in_dim3A_639 = vector.broadcast %scan3A_580 : i32 to vector<16xi32>
      tpu.vector_store_idx %arg12[%broadcast_in_dim3A_639], %masked_cumsum3A_638 masked %eq3A_2 : memref<128xf32, #tpu.memory_space<vmem>>[vector<16xi32>], vector<16xf32>, vector<16xi1>
    }
    %scan3A_219 = arith.constant 128 : i32
    %mul3A_220 = arith.constant 25600 : i32
    %mul3A_221 = arith.muli %add3A, %mul3A_220 : i32
    %add3A_222 = arith.constant 256 : i32
    %add3A_223 = arith.addi %mul3A_221, %add3A_222 : i32
    %dma_start3A_224 = tpu.memref_slice %arg4[%add3A_223] : memref<819200xf32, #tpu.memory_space<hbm>> -> memref<128xf32, #tpu.memory_space<hbm>>
    %dma_start3A_225 = tpu.memref_slice %arg4[%add3A_223] : memref<819200xf32, #tpu.memory_space<hbm>> -> memref<128xf32, #tpu.memory_space<hbm>>
    tpu.enqueue_dma source(%arg12 : memref<128xf32, #tpu.memory_space<vmem>>) target(%dma_start3A_225 : memref<128xf32, #tpu.memory_space<hbm>>) target_semaphore(%arg21 : memref<!tpu.dma_semaphore, #tpu.memory_space<semaphore_mem>>)
    %dma_start3A_226 = arith.constant 12 : i32
    %dma_start3A_227 = arith.constant 0 : i32
    %dma_start3A_228 = arith.constant 0 : i32
    %dma_start3A_229 = tpu.memref_slice %arg8[%dma_start3A_227, %dma_start3A_228] : memref<256x64xf32, #tpu.memory_space<vmem>> -> memref<128x64xf32, #tpu.memory_space<vmem>>
    %dma_start3A_230 = arith.constant 0 : i32
    %dma_start3A_231 = tpu.memref_slice %arg5[%dma_start3A_226, %dma_start3A_230] : memref<400x128xi32, #tpu.memory_space<vmem>> -> memref<1x128xi32, #tpu.memory_space<vmem>>
    %dma_start3A_232 = tpu.memref_squeeze %dma_start3A_231 : memref<1x128xi32, #tpu.memory_space<vmem>> -> memref<128xi32, #tpu.memory_space<vmem>>
    %dma_start3A_233 = arith.constant 0 : i32
    %dma_start3A_234 = arith.constant 0 : i32
    %dma_start3A_235 = tpu.memref_slice %arg2[%dma_start3A_233, %dma_start3A_234] : memref<1000000x64xf32, #tpu.memory_space<hbm>> -> memref<1000000x64xf32, #tpu.memory_space<hbm>>
    tpu.enqueue_indirect_dma source(%dma_start3A_235 : memref<1000000x64xf32, #tpu.memory_space<hbm>>) target(%dma_start3A_229 : memref<128x64xf32, #tpu.memory_space<vmem>>) offsets(%dma_start3A_232 : memref<128xi32, #tpu.memory_space<vmem>>) semaphore(%arg17 : memref<!tpu.dma_semaphore, #tpu.memory_space<semaphore_mem>>)
    %dma_start3A_236 = arith.constant 13 : i32
    %dma_start3A_237 = arith.constant 128 : i32
    %dma_start3A_238 = arith.constant 0 : i32
    %dma_start3A_239 = tpu.memref_slice %arg8[%dma_start3A_237, %dma_start3A_238] : memref<256x64xf32, #tpu.memory_space<vmem>> -> memref<128x64xf32, #tpu.memory_space<vmem>>
    %dma_start3A_240 = arith.constant 0 : i32
    %dma_start3A_241 = tpu.memref_slice %arg5[%dma_start3A_236, %dma_start3A_240] : memref<400x128xi32, #tpu.memory_space<vmem>> -> memref<1x128xi32, #tpu.memory_space<vmem>>
    %dma_start3A_242 = tpu.memref_squeeze %dma_start3A_241 : memref<1x128xi32, #tpu.memory_space<vmem>> -> memref<128xi32, #tpu.memory_space<vmem>>
    %dma_start3A_243 = arith.constant 0 : i32
    %dma_start3A_244 = arith.constant 0 : i32
    %dma_start3A_245 = tpu.memref_slice %arg2[%dma_start3A_243, %dma_start3A_244] : memref<1000000x64xf32, #tpu.memory_space<hbm>> -> memref<1000000x64xf32, #tpu.memory_space<hbm>>
    tpu.enqueue_indirect_dma source(%dma_start3A_245 : memref<1000000x64xf32, #tpu.memory_space<hbm>>) target(%dma_start3A_239 : memref<128x64xf32, #tpu.memory_space<vmem>>) offsets(%dma_start3A_242 : memref<128xi32, #tpu.memory_space<vmem>>) semaphore(%arg17 : memref<!tpu.dma_semaphore, #tpu.memory_space<semaphore_mem>>)
    %dma_wait3A_246 = arith.constant 0 : i32
    %dma_wait3A_247 = arith.constant 0 : i32
    %dma_wait3A_248 = arith.constant 0 : i32
    %dma_wait3A_249 = tpu.memref_slice %arg9[%dma_wait3A_247, %dma_wait3A_248] : memref<256x64xf32, #tpu.memory_space<vmem>> -> memref<128x64xf32, #tpu.memory_space<vmem>>
    %dma_wait3A_250 = arith.constant 0 : i32
    %dma_wait3A_251 = tpu.memref_slice %arg5[%dma_wait3A_246, %dma_wait3A_250] : memref<400x128xi32, #tpu.memory_space<vmem>> -> memref<1x128xi32, #tpu.memory_space<vmem>>
    %dma_wait3A_252 = tpu.memref_squeeze %dma_wait3A_251 : memref<1x128xi32, #tpu.memory_space<vmem>> -> memref<128xi32, #tpu.memory_space<vmem>>
    %dma_wait3A_253 = arith.constant 0 : i32
    %dma_wait3A_254 = arith.constant 0 : i32
    %dma_wait3A_255 = tpu.memref_slice %arg2[%dma_wait3A_253, %dma_wait3A_254] : memref<1000000x64xf32, #tpu.memory_space<hbm>> -> memref<1000000x64xf32, #tpu.memory_space<hbm>>
    tpu.wait_indirect_dma semaphore(%arg18 : memref<!tpu.dma_semaphore, #tpu.memory_space<semaphore_mem>>) src(%dma_wait3A_255 : memref<1000000x64xf32, #tpu.memory_space<hbm>>) dst(%dma_wait3A_249 : memref<128x64xf32, #tpu.memory_space<vmem>>)
    %dma_wait3A_256 = arith.constant 1 : i32
    %dma_wait3A_257 = arith.constant 128 : i32
    %dma_wait3A_258 = arith.constant 0 : i32
    %dma_wait3A_259 = tpu.memref_slice %arg9[%dma_wait3A_257, %dma_wait3A_258] : memref<256x64xf32, #tpu.memory_space<vmem>> -> memref<128x64xf32, #tpu.memory_space<vmem>>
    %dma_wait3A_260 = arith.constant 0 : i32
    %dma_wait3A_261 = tpu.memref_slice %arg5[%dma_wait3A_256, %dma_wait3A_260] : memref<400x128xi32, #tpu.memory_space<vmem>> -> memref<1x128xi32, #tpu.memory_space<vmem>>
    %dma_wait3A_262 = tpu.memref_squeeze %dma_wait3A_261 : memref<1x128xi32, #tpu.memory_space<vmem>> -> memref<128xi32, #tpu.memory_space<vmem>>
    %dma_wait3A_263 = arith.constant 0 : i32
    %dma_wait3A_264 = arith.constant 0 : i32
    %dma_wait3A_265 = tpu.memref_slice %arg2[%dma_wait3A_263, %dma_wait3A_264] : memref<1000000x64xf32, #tpu.memory_space<hbm>> -> memref<1000000x64xf32, #tpu.memory_space<hbm>>
    tpu.wait_indirect_dma semaphore(%arg18 : memref<!tpu.dma_semaphore, #tpu.memory_space<semaphore_mem>>) src(%dma_wait3A_265 : memref<1000000x64xf32, #tpu.memory_space<hbm>>) dst(%dma_wait3A_259 : memref<128x64xf32, #tpu.memory_space<vmem>>)
    %scan3A_266 = arith.constant 0 : i32
    %scan3A_267 = arith.constant 0 : i32
    %scan3A_268 = arith.constant 128 : i32
    %scan3A_269 = arith.addi %scan3A_267, %scan3A_268 : i32
    %scan3A_270 = arith.constant 4 : i32
    scf.for %scan3A_400 = %scan3A_267 to %scan3A_269 step %scan3A_270  : i32 {
      %mul3A_401 = arith.constant 2 : i32
      %mul3A_402 = arith.muli %mul3A_401, %scan3A_400 : i32
      %get3A = arith.index_cast %mul3A_402 : i32 to index
      %get3A_403 = arith.constant 0 : index
      %get3A_404 = tpu.vector_load %arg9[%get3A, %get3A_403] {strides = array<i32>} : memref<256x64xf32, #tpu.memory_space<vmem>>, vector<16xf32>,
      %mul3A_405 = arith.constant 2 : i32
      %mul3A_406 = arith.muli %mul3A_405, %scan3A_400 : i32
      %add3A_407 = arith.constant 1 : i32
      %add3A_408 = arith.addi %mul3A_406, %add3A_407 : i32
      %get3A_409 = arith.index_cast %add3A_408 : i32 to index
      %get3A_410 = arith.constant 0 : index
      %get3A_411 = tpu.vector_load %arg9[%get3A_409, %get3A_410] {strides = array<i32>} : memref<256x64xf32, #tpu.memory_space<vmem>>, vector<16xf32>,
      %mul3A_412 = arith.mulf %get3A_404, %get3A_411 : vector<16xf32>
      %mul3A_413 = arith.constant 2 : i32
      %mul3A_414 = arith.muli %mul3A_413, %scan3A_400 : i32
      %get3A_415 = arith.index_cast %mul3A_414 : i32 to index
      %get3A_416 = arith.constant 16 : index
      %get3A_417 = tpu.vector_load %arg9[%get3A_415, %get3A_416] {strides = array<i32>} : memref<256x64xf32, #tpu.memory_space<vmem>>, vector<16xf32>,
      %mul3A_418 = arith.constant 2 : i32
      %mul3A_419 = arith.muli %mul3A_418, %scan3A_400 : i32
      %add3A_420 = arith.constant 1 : i32
      %add3A_421 = arith.addi %mul3A_419, %add3A_420 : i32
      %get3A_422 = arith.index_cast %add3A_421 : i32 to index
      %get3A_423 = arith.constant 16 : index
      %get3A_424 = tpu.vector_load %arg9[%get3A_422, %get3A_423] {strides = array<i32>} : memref<256x64xf32, #tpu.memory_space<vmem>>, vector<16xf32>,
      %mul3A_425 = arith.mulf %get3A_417, %get3A_424 : vector<16xf32>
      %mul3A_426 = arith.constant 2 : i32
      %mul3A_427 = arith.muli %mul3A_426, %scan3A_400 : i32
      %get3A_428 = arith.index_cast %mul3A_427 : i32 to index
      %get3A_429 = arith.constant 32 : index
      %get3A_430 = tpu.vector_load %arg9[%get3A_428, %get3A_429] {strides = array<i32>} : memref<256x64xf32, #tpu.memory_space<vmem>>, vector<16xf32>,
      %mul3A_431 = arith.constant 2 : i32
      %mul3A_432 = arith.muli %mul3A_431, %scan3A_400 : i32
      %add3A_433 = arith.constant 1 : i32
      %add3A_434 = arith.addi %mul3A_432, %add3A_433 : i32
      %get3A_435 = arith.index_cast %add3A_434 : i32 to index
      %get3A_436 = arith.constant 32 : index
      %get3A_437 = tpu.vector_load %arg9[%get3A_435, %get3A_436] {strides = array<i32>} : memref<256x64xf32, #tpu.memory_space<vmem>>, vector<16xf32>,
      %mul3A_438 = arith.mulf %get3A_430, %get3A_437 : vector<16xf32>
      %mul3A_439 = arith.constant 2 : i32
      %mul3A_440 = arith.muli %mul3A_439, %scan3A_400 : i32
      %get3A_441 = arith.index_cast %mul3A_440 : i32 to index
      %get3A_442 = arith.constant 48 : index
      %get3A_443 = tpu.vector_load %arg9[%get3A_441, %get3A_442] {strides = array<i32>} : memref<256x64xf32, #tpu.memory_space<vmem>>, vector<16xf32>,
      %mul3A_444 = arith.constant 2 : i32
      %mul3A_445 = arith.muli %mul3A_444, %scan3A_400 : i32
      %add3A_446 = arith.constant 1 : i32
      %add3A_447 = arith.addi %mul3A_445, %add3A_446 : i32
      %get3A_448 = arith.index_cast %add3A_447 : i32 to index
      %get3A_449 = arith.constant 48 : index
      %get3A_450 = tpu.vector_load %arg9[%get3A_448, %get3A_449] {strides = array<i32>} : memref<256x64xf32, #tpu.memory_space<vmem>>, vector<16xf32>,
      %mul3A_451 = arith.mulf %get3A_443, %get3A_450 : vector<16xf32>
      %add3A_452 = arith.addf %mul3A_412, %mul3A_425 : vector<16xf32>
      %add3A_453 = arith.addf %mul3A_438, %mul3A_451 : vector<16xf32>
      %add3A_454 = arith.addf %add3A_452, %add3A_453 : vector<16xf32>
      %broadcast_in_dim3A = arith.constant true
      %broadcast_in_dim3A_455 = vector.broadcast %broadcast_in_dim3A : i1 to vector<16xi1>
      %masked_cumsum3A = tpu.scan <sum>, %add3A_454 masked %broadcast_in_dim3A_455 : vector<16xf32>, vector<16xi1> -> vector<16xf32>
      %broadcast_in_dim3A_456 = vector.broadcast %scan3A_400 : i32 to vector<16xi32>
      tpu.vector_store_idx %arg13[%broadcast_in_dim3A_456], %masked_cumsum3A masked %eq3A_2 : memref<128xf32, #tpu.memory_space<vmem>>[vector<16xi32>], vector<16xf32>, vector<16xi1>
      %scan3A_457 = arith.constant 1 : i32
      %scan3A_458 = arith.addi %scan3A_400, %scan3A_457 : i32
      %mul3A_459 = arith.constant 2 : i32
      %mul3A_460 = arith.muli %mul3A_459, %scan3A_458 : i32
      %get3A_461 = arith.index_cast %mul3A_460 : i32 to index
      %get3A_462 = arith.constant 0 : index
      %get3A_463 = tpu.vector_load %arg9[%get3A_461, %get3A_462] {strides = array<i32>} : memref<256x64xf32, #tpu.memory_space<vmem>>, vector<16xf32>,
      %mul3A_464 = arith.constant 2 : i32
      %mul3A_465 = arith.muli %mul3A_464, %scan3A_458 : i32
      %add3A_466 = arith.constant 1 : i32
      %add3A_467 = arith.addi %mul3A_465, %add3A_466 : i32
      %get3A_468 = arith.index_cast %add3A_467 : i32 to index
      %get3A_469 = arith.constant 0 : index
      %get3A_470 = tpu.vector_load %arg9[%get3A_468, %get3A_469] {strides = array<i32>} : memref<256x64xf32, #tpu.memory_space<vmem>>, vector<16xf32>,
      %mul3A_471 = arith.mulf %get3A_463, %get3A_470 : vector<16xf32>
      %mul3A_472 = arith.constant 2 : i32
      %mul3A_473 = arith.muli %mul3A_472, %scan3A_458 : i32
      %get3A_474 = arith.index_cast %mul3A_473 : i32 to index
      %get3A_475 = arith.constant 16 : index
      %get3A_476 = tpu.vector_load %arg9[%get3A_474, %get3A_475] {strides = array<i32>} : memref<256x64xf32, #tpu.memory_space<vmem>>, vector<16xf32>,
      %mul3A_477 = arith.constant 2 : i32
      %mul3A_478 = arith.muli %mul3A_477, %scan3A_458 : i32
      %add3A_479 = arith.constant 1 : i32
      %add3A_480 = arith.addi %mul3A_478, %add3A_479 : i32
      %get3A_481 = arith.index_cast %add3A_480 : i32 to index
      %get3A_482 = arith.constant 16 : index
      %get3A_483 = tpu.vector_load %arg9[%get3A_481, %get3A_482] {strides = array<i32>} : memref<256x64xf32, #tpu.memory_space<vmem>>, vector<16xf32>,
      %mul3A_484 = arith.mulf %get3A_476, %get3A_483 : vector<16xf32>
      %mul3A_485 = arith.constant 2 : i32
      %mul3A_486 = arith.muli %mul3A_485, %scan3A_458 : i32
      %get3A_487 = arith.index_cast %mul3A_486 : i32 to index
      %get3A_488 = arith.constant 32 : index
      %get3A_489 = tpu.vector_load %arg9[%get3A_487, %get3A_488] {strides = array<i32>} : memref<256x64xf32, #tpu.memory_space<vmem>>, vector<16xf32>,
      %mul3A_490 = arith.constant 2 : i32
      %mul3A_491 = arith.muli %mul3A_490, %scan3A_458 : i32
      %add3A_492 = arith.constant 1 : i32
      %add3A_493 = arith.addi %mul3A_491, %add3A_492 : i32
      %get3A_494 = arith.index_cast %add3A_493 : i32 to index
      %get3A_495 = arith.constant 32 : index
      %get3A_496 = tpu.vector_load %arg9[%get3A_494, %get3A_495] {strides = array<i32>} : memref<256x64xf32, #tpu.memory_space<vmem>>, vector<16xf32>,
      %mul3A_497 = arith.mulf %get3A_489, %get3A_496 : vector<16xf32>
      %mul3A_498 = arith.constant 2 : i32
      %mul3A_499 = arith.muli %mul3A_498, %scan3A_458 : i32
      %get3A_500 = arith.index_cast %mul3A_499 : i32 to index
      %get3A_501 = arith.constant 48 : index
      %get3A_502 = tpu.vector_load %arg9[%get3A_500, %get3A_501] {strides = array<i32>} : memref<256x64xf32, #tpu.memory_space<vmem>>, vector<16xf32>,
      %mul3A_503 = arith.constant 2 : i32
      %mul3A_504 = arith.muli %mul3A_503, %scan3A_458 : i32
      %add3A_505 = arith.constant 1 : i32
      %add3A_506 = arith.addi %mul3A_504, %add3A_505 : i32
      %get3A_507 = arith.index_cast %add3A_506 : i32 to index
      %get3A_508 = arith.constant 48 : index
      %get3A_509 = tpu.vector_load %arg9[%get3A_507, %get3A_508] {strides = array<i32>} : memref<256x64xf32, #tpu.memory_space<vmem>>, vector<16xf32>,
      %mul3A_510 = arith.mulf %get3A_502, %get3A_509 : vector<16xf32>
      %add3A_511 = arith.addf %mul3A_471, %mul3A_484 : vector<16xf32>
      %add3A_512 = arith.addf %mul3A_497, %mul3A_510 : vector<16xf32>
      %add3A_513 = arith.addf %add3A_511, %add3A_512 : vector<16xf32>
      %broadcast_in_dim3A_514 = arith.constant true
      %broadcast_in_dim3A_515 = vector.broadcast %broadcast_in_dim3A_514 : i1 to vector<16xi1>
      %masked_cumsum3A_516 = tpu.scan <sum>, %add3A_513 masked %broadcast_in_dim3A_515 : vector<16xf32>, vector<16xi1> -> vector<16xf32>
      %broadcast_in_dim3A_517 = vector.broadcast %scan3A_458 : i32 to vector<16xi32>
      tpu.vector_store_idx %arg13[%broadcast_in_dim3A_517], %masked_cumsum3A_516 masked %eq3A_2 : memref<128xf32, #tpu.memory_space<vmem>>[vector<16xi32>], vector<16xf32>, vector<16xi1>
      %scan3A_518 = arith.constant 2 : i32
      %scan3A_519 = arith.addi %scan3A_400, %scan3A_518 : i32
      %mul3A_520 = arith.constant 2 : i32
      %mul3A_521 = arith.muli %mul3A_520, %scan3A_519 : i32
      %get3A_522 = arith.index_cast %mul3A_521 : i32 to index
      %get3A_523 = arith.constant 0 : index
      %get3A_524 = tpu.vector_load %arg9[%get3A_522, %get3A_523] {strides = array<i32>} : memref<256x64xf32, #tpu.memory_space<vmem>>, vector<16xf32>,
      %mul3A_525 = arith.constant 2 : i32
      %mul3A_526 = arith.muli %mul3A_525, %scan3A_519 : i32
      %add3A_527 = arith.constant 1 : i32
      %add3A_528 = arith.addi %mul3A_526, %add3A_527 : i32
      %get3A_529 = arith.index_cast %add3A_528 : i32 to index
      %get3A_530 = arith.constant 0 : index
      %get3A_531 = tpu.vector_load %arg9[%get3A_529, %get3A_530] {strides = array<i32>} : memref<256x64xf32, #tpu.memory_space<vmem>>, vector<16xf32>,
      %mul3A_532 = arith.mulf %get3A_524, %get3A_531 : vector<16xf32>
      %mul3A_533 = arith.constant 2 : i32
      %mul3A_534 = arith.muli %mul3A_533, %scan3A_519 : i32
      %get3A_535 = arith.index_cast %mul3A_534 : i32 to index
      %get3A_536 = arith.constant 16 : index
      %get3A_537 = tpu.vector_load %arg9[%get3A_535, %get3A_536] {strides = array<i32>} : memref<256x64xf32, #tpu.memory_space<vmem>>, vector<16xf32>,
      %mul3A_538 = arith.constant 2 : i32
      %mul3A_539 = arith.muli %mul3A_538, %scan3A_519 : i32
      %add3A_540 = arith.constant 1 : i32
      %add3A_541 = arith.addi %mul3A_539, %add3A_540 : i32
      %get3A_542 = arith.index_cast %add3A_541 : i32 to index
      %get3A_543 = arith.constant 16 : index
      %get3A_544 = tpu.vector_load %arg9[%get3A_542, %get3A_543] {strides = array<i32>} : memref<256x64xf32, #tpu.memory_space<vmem>>, vector<16xf32>,
      %mul3A_545 = arith.mulf %get3A_537, %get3A_544 : vector<16xf32>
      %mul3A_546 = arith.constant 2 : i32
      %mul3A_547 = arith.muli %mul3A_546, %scan3A_519 : i32
      %get3A_548 = arith.index_cast %mul3A_547 : i32 to index
      %get3A_549 = arith.constant 32 : index
      %get3A_550 = tpu.vector_load %arg9[%get3A_548, %get3A_549] {strides = array<i32>} : memref<256x64xf32, #tpu.memory_space<vmem>>, vector<16xf32>,
      %mul3A_551 = arith.constant 2 : i32
      %mul3A_552 = arith.muli %mul3A_551, %scan3A_519 : i32
      %add3A_553 = arith.constant 1 : i32
      %add3A_554 = arith.addi %mul3A_552, %add3A_553 : i32
      %get3A_555 = arith.index_cast %add3A_554 : i32 to index
      %get3A_556 = arith.constant 32 : index
      %get3A_557 = tpu.vector_load %arg9[%get3A_555, %get3A_556] {strides = array<i32>} : memref<256x64xf32, #tpu.memory_space<vmem>>, vector<16xf32>,
      %mul3A_558 = arith.mulf %get3A_550, %get3A_557 : vector<16xf32>
      %mul3A_559 = arith.constant 2 : i32
      %mul3A_560 = arith.muli %mul3A_559, %scan3A_519 : i32
      %get3A_561 = arith.index_cast %mul3A_560 : i32 to index
      %get3A_562 = arith.constant 48 : index
      %get3A_563 = tpu.vector_load %arg9[%get3A_561, %get3A_562] {strides = array<i32>} : memref<256x64xf32, #tpu.memory_space<vmem>>, vector<16xf32>,
      %mul3A_564 = arith.constant 2 : i32
      %mul3A_565 = arith.muli %mul3A_564, %scan3A_519 : i32
      %add3A_566 = arith.constant 1 : i32
      %add3A_567 = arith.addi %mul3A_565, %add3A_566 : i32
      %get3A_568 = arith.index_cast %add3A_567 : i32 to index
      %get3A_569 = arith.constant 48 : index
      %get3A_570 = tpu.vector_load %arg9[%get3A_568, %get3A_569] {strides = array<i32>} : memref<256x64xf32, #tpu.memory_space<vmem>>, vector<16xf32>,
      %mul3A_571 = arith.mulf %get3A_563, %get3A_570 : vector<16xf32>
      %add3A_572 = arith.addf %mul3A_532, %mul3A_545 : vector<16xf32>
      %add3A_573 = arith.addf %mul3A_558, %mul3A_571 : vector<16xf32>
      %add3A_574 = arith.addf %add3A_572, %add3A_573 : vector<16xf32>
      %broadcast_in_dim3A_575 = arith.constant true
      %broadcast_in_dim3A_576 = vector.broadcast %broadcast_in_dim3A_575 : i1 to vector<16xi1>
      %masked_cumsum3A_577 = tpu.scan <sum>, %add3A_574 masked %broadcast_in_dim3A_576 : vector<16xf32>, vector<16xi1> -> vector<16xf32>
      %broadcast_in_dim3A_578 = vector.broadcast %scan3A_519 : i32 to vector<16xi32>
      tpu.vector_store_idx %arg13[%broadcast_in_dim3A_578], %masked_cumsum3A_577 masked %eq3A_2 : memref<128xf32, #tpu.memory_space<vmem>>[vector<16xi32>], vector<16xf32>, vector<16xi1>
      %scan3A_579 = arith.constant 3 : i32
      %scan3A_580 = arith.addi %scan3A_400, %scan3A_579 : i32
      %mul3A_581 = arith.constant 2 : i32
      %mul3A_582 = arith.muli %mul3A_581, %scan3A_580 : i32
      %get3A_583 = arith.index_cast %mul3A_582 : i32 to index
      %get3A_584 = arith.constant 0 : index
      %get3A_585 = tpu.vector_load %arg9[%get3A_583, %get3A_584] {strides = array<i32>} : memref<256x64xf32, #tpu.memory_space<vmem>>, vector<16xf32>,
      %mul3A_586 = arith.constant 2 : i32
      %mul3A_587 = arith.muli %mul3A_586, %scan3A_580 : i32
      %add3A_588 = arith.constant 1 : i32
      %add3A_589 = arith.addi %mul3A_587, %add3A_588 : i32
      %get3A_590 = arith.index_cast %add3A_589 : i32 to index
      %get3A_591 = arith.constant 0 : index
      %get3A_592 = tpu.vector_load %arg9[%get3A_590, %get3A_591] {strides = array<i32>} : memref<256x64xf32, #tpu.memory_space<vmem>>, vector<16xf32>,
      %mul3A_593 = arith.mulf %get3A_585, %get3A_592 : vector<16xf32>
      %mul3A_594 = arith.constant 2 : i32
      %mul3A_595 = arith.muli %mul3A_594, %scan3A_580 : i32
      %get3A_596 = arith.index_cast %mul3A_595 : i32 to index
      %get3A_597 = arith.constant 16 : index
      %get3A_598 = tpu.vector_load %arg9[%get3A_596, %get3A_597] {strides = array<i32>} : memref<256x64xf32, #tpu.memory_space<vmem>>, vector<16xf32>,
      %mul3A_599 = arith.constant 2 : i32
      %mul3A_600 = arith.muli %mul3A_599, %scan3A_580 : i32
      %add3A_601 = arith.constant 1 : i32
      %add3A_602 = arith.addi %mul3A_600, %add3A_601 : i32
      %get3A_603 = arith.index_cast %add3A_602 : i32 to index
      %get3A_604 = arith.constant 16 : index
      %get3A_605 = tpu.vector_load %arg9[%get3A_603, %get3A_604] {strides = array<i32>} : memref<256x64xf32, #tpu.memory_space<vmem>>, vector<16xf32>,
      %mul3A_606 = arith.mulf %get3A_598, %get3A_605 : vector<16xf32>
      %mul3A_607 = arith.constant 2 : i32
      %mul3A_608 = arith.muli %mul3A_607, %scan3A_580 : i32
      %get3A_609 = arith.index_cast %mul3A_608 : i32 to index
      %get3A_610 = arith.constant 32 : index
      %get3A_611 = tpu.vector_load %arg9[%get3A_609, %get3A_610] {strides = array<i32>} : memref<256x64xf32, #tpu.memory_space<vmem>>, vector<16xf32>,
      %mul3A_612 = arith.constant 2 : i32
      %mul3A_613 = arith.muli %mul3A_612, %scan3A_580 : i32
      %add3A_614 = arith.constant 1 : i32
      %add3A_615 = arith.addi %mul3A_613, %add3A_614 : i32
      %get3A_616 = arith.index_cast %add3A_615 : i32 to index
      %get3A_617 = arith.constant 32 : index
      %get3A_618 = tpu.vector_load %arg9[%get3A_616, %get3A_617] {strides = array<i32>} : memref<256x64xf32, #tpu.memory_space<vmem>>, vector<16xf32>,
      %mul3A_619 = arith.mulf %get3A_611, %get3A_618 : vector<16xf32>
      %mul3A_620 = arith.constant 2 : i32
      %mul3A_621 = arith.muli %mul3A_620, %scan3A_580 : i32
      %get3A_622 = arith.index_cast %mul3A_621 : i32 to index
      %get3A_623 = arith.constant 48 : index
      %get3A_624 = tpu.vector_load %arg9[%get3A_622, %get3A_623] {strides = array<i32>} : memref<256x64xf32, #tpu.memory_space<vmem>>, vector<16xf32>,
      %mul3A_625 = arith.constant 2 : i32
      %mul3A_626 = arith.muli %mul3A_625, %scan3A_580 : i32
      %add3A_627 = arith.constant 1 : i32
      %add3A_628 = arith.addi %mul3A_626, %add3A_627 : i32
      %get3A_629 = arith.index_cast %add3A_628 : i32 to index
      %get3A_630 = arith.constant 48 : index
      %get3A_631 = tpu.vector_load %arg9[%get3A_629, %get3A_630] {strides = array<i32>} : memref<256x64xf32, #tpu.memory_space<vmem>>, vector<16xf32>,
      %mul3A_632 = arith.mulf %get3A_624, %get3A_631 : vector<16xf32>
      %add3A_633 = arith.addf %mul3A_593, %mul3A_606 : vector<16xf32>
      %add3A_634 = arith.addf %mul3A_619, %mul3A_632 : vector<16xf32>
      %add3A_635 = arith.addf %add3A_633, %add3A_634 : vector<16xf32>
      %broadcast_in_dim3A_636 = arith.constant true
      %broadcast_in_dim3A_637 = vector.broadcast %broadcast_in_dim3A_636 : i1 to vector<16xi1>
      %masked_cumsum3A_638 = tpu.scan <sum>, %add3A_635 masked %broadcast_in_dim3A_637 : vector<16xf32>, vector<16xi1> -> vector<16xf32>
      %broadcast_in_dim3A_639 = vector.broadcast %scan3A_580 : i32 to vector<16xi32>
      tpu.vector_store_idx %arg13[%broadcast_in_dim3A_639], %masked_cumsum3A_638 masked %eq3A_2 : memref<128xf32, #tpu.memory_space<vmem>>[vector<16xi32>], vector<16xf32>, vector<16xi1>
    }
    %scan3A_271 = arith.constant 128 : i32
    %mul3A_272 = arith.constant 25600 : i32
    %mul3A_273 = arith.muli %add3A, %mul3A_272 : i32
    %add3A_274 = arith.constant 384 : i32
    %add3A_275 = arith.addi %mul3A_273, %add3A_274 : i32
    %dma_start3A_276 = tpu.memref_slice %arg4[%add3A_275] : memref<819200xf32, #tpu.memory_space<hbm>> -> memref<128xf32, #tpu.memory_space<hbm>>
    %dma_start3A_277 = tpu.memref_slice %arg4[%add3A_275] : memref<819200xf32, #tpu.memory_space<hbm>> -> memref<128xf32, #tpu.memory_space<hbm>>
    tpu.enqueue_dma source(%arg13 : memref<128xf32, #tpu.memory_space<vmem>>) target(%dma_start3A_277 : memref<128xf32, #tpu.memory_space<hbm>>) target_semaphore(%arg22 : memref<!tpu.dma_semaphore, #tpu.memory_space<semaphore_mem>>)
    %dma_start3A_278 = arith.constant 14 : i32
    %dma_start3A_279 = arith.constant 0 : i32
    %dma_start3A_280 = arith.constant 0 : i32
    %dma_start3A_281 = tpu.memref_slice %arg9[%dma_start3A_279, %dma_start3A_280] : memref<256x64xf32, #tpu.memory_space<vmem>> -> memref<128x64xf32, #tpu.memory_space<vmem>>
    %dma_start3A_282 = arith.constant 0 : i32
    %dma_start3A_283 = tpu.memref_slice %arg5[%dma_start3A_278, %dma_start3A_282] : memref<400x128xi32, #tpu.memory_space<vmem>> -> memref<1x128xi32, #tpu.memory_space<vmem>>
    %dma_start3A_284 = tpu.memref_squeeze %dma_start3A_283 : memref<1x128xi32, #tpu.memory_space<vmem>> -> memref<128xi32, #tpu.memory_space<vmem>>
    %dma_start3A_285 = arith.constant 0 : i32
    %dma_start3A_286 = arith.constant 0 : i32
    %dma_start3A_287 = tpu.memref_slice %arg2[%dma_start3A_285, %dma_start3A_286] : memref<1000000x64xf32, #tpu.memory_space<hbm>> -> memref<1000000x64xf32, #tpu.memory_space<hbm>>
    tpu.enqueue_indirect_dma source(%dma_start3A_287 : memref<1000000x64xf32, #tpu.memory_space<hbm>>) target(%dma_start3A_281 : memref<128x64xf32, #tpu.memory_space<vmem>>) offsets(%dma_start3A_284 : memref<128xi32, #tpu.memory_space<vmem>>) semaphore(%arg18 : memref<!tpu.dma_semaphore, #tpu.memory_space<semaphore_mem>>)
    %dma_start3A_288 = arith.constant 15 : i32
    %dma_start3A_289 = arith.constant 128 : i32
    %dma_start3A_290 = arith.constant 0 : i32
    %dma_start3A_291 = tpu.memref_slice %arg9[%dma_start3A_289, %dma_start3A_290] : memref<256x64xf32, #tpu.memory_space<vmem>> -> memref<128x64xf32, #tpu.memory_space<vmem>>
    %dma_start3A_292 = arith.constant 0 : i32
    %dma_start3A_293 = tpu.memref_slice %arg5[%dma_start3A_288, %dma_start3A_292] : memref<400x128xi32, #tpu.memory_space<vmem>> -> memref<1x128xi32, #tpu.memory_space<vmem>>
    %dma_start3A_294 = tpu.memref_squeeze %dma_start3A_293 : memref<1x128xi32, #tpu.memory_space<vmem>> -> memref<128xi32, #tpu.memory_space<vmem>>
    %dma_start3A_295 = arith.constant 0 : i32
    %dma_start3A_296 = arith.constant 0 : i32
    %dma_start3A_297 = tpu.memref_slice %arg2[%dma_start3A_295, %dma_start3A_296] : memref<1000000x64xf32, #tpu.memory_space<hbm>> -> memref<1000000x64xf32, #tpu.memory_space<hbm>>
    tpu.enqueue_indirect_dma source(%dma_start3A_297 : memref<1000000x64xf32, #tpu.memory_space<hbm>>) target(%dma_start3A_291 : memref<128x64xf32, #tpu.memory_space<vmem>>) offsets(%dma_start3A_294 : memref<128xi32, #tpu.memory_space<vmem>>) semaphore(%arg18 : memref<!tpu.dma_semaphore, #tpu.memory_space<semaphore_mem>>)
    %scan3A_298 = arith.constant 0 : i32
    %scan3A_299 = arith.constant 1 : i32
    %scan3A_300 = arith.constant 49 : i32
    %scan3A_301 = arith.addi %scan3A_299, %scan3A_300 : i32
    %scan3A_302 = arith.constant 1 : i32
    scf.for %scan3A_400 = %scan3A_299 to %scan3A_301 step %scan3A_302  : i32 {
      %mul3A_401 = arith.constant 4 : i32
      %mul3A_402 = arith.muli %scan3A_400, %mul3A_401 : i32
      %add3A_403 = arith.constant 0 : i32
      %add3A_404 = arith.addi %mul3A_402, %add3A_403 : i32
      %dma_wait3A_405 = arith.constant 0 : i32
      %dma_wait3A_406 = arith.constant 0 : i32
      %dma_wait3A_407 = arith.constant 0 : i32
      %dma_wait3A_408 = tpu.memref_slice %arg6[%dma_wait3A_406, %dma_wait3A_407] : memref<256x64xf32, #tpu.memory_space<vmem>> -> memref<128x64xf32, #tpu.memory_space<vmem>>
      %dma_wait3A_409 = arith.constant 0 : i32
      %dma_wait3A_410 = tpu.memref_slice %arg5[%dma_wait3A_405, %dma_wait3A_409] : memref<400x128xi32, #tpu.memory_space<vmem>> -> memref<1x128xi32, #tpu.memory_space<vmem>>
      %dma_wait3A_411 = tpu.memref_squeeze %dma_wait3A_410 : memref<1x128xi32, #tpu.memory_space<vmem>> -> memref<128xi32, #tpu.memory_space<vmem>>
      %dma_wait3A_412 = arith.constant 0 : i32
      %dma_wait3A_413 = arith.constant 0 : i32
      %dma_wait3A_414 = tpu.memref_slice %arg2[%dma_wait3A_412, %dma_wait3A_413] : memref<1000000x64xf32, #tpu.memory_space<hbm>> -> memref<1000000x64xf32, #tpu.memory_space<hbm>>
      tpu.wait_indirect_dma semaphore(%arg15 : memref<!tpu.dma_semaphore, #tpu.memory_space<semaphore_mem>>) src(%dma_wait3A_414 : memref<1000000x64xf32, #tpu.memory_space<hbm>>) dst(%dma_wait3A_408 : memref<128x64xf32, #tpu.memory_space<vmem>>)
      %dma_wait3A_415 = arith.constant 1 : i32
      %dma_wait3A_416 = arith.constant 128 : i32
      %dma_wait3A_417 = arith.constant 0 : i32
      %dma_wait3A_418 = tpu.memref_slice %arg6[%dma_wait3A_416, %dma_wait3A_417] : memref<256x64xf32, #tpu.memory_space<vmem>> -> memref<128x64xf32, #tpu.memory_space<vmem>>
      %dma_wait3A_419 = arith.constant 0 : i32
      %dma_wait3A_420 = tpu.memref_slice %arg5[%dma_wait3A_415, %dma_wait3A_419] : memref<400x128xi32, #tpu.memory_space<vmem>> -> memref<1x128xi32, #tpu.memory_space<vmem>>
      %dma_wait3A_421 = tpu.memref_squeeze %dma_wait3A_420 : memref<1x128xi32, #tpu.memory_space<vmem>> -> memref<128xi32, #tpu.memory_space<vmem>>
      %dma_wait3A_422 = arith.constant 0 : i32
      %dma_wait3A_423 = arith.constant 0 : i32
      %dma_wait3A_424 = tpu.memref_slice %arg2[%dma_wait3A_422, %dma_wait3A_423] : memref<1000000x64xf32, #tpu.memory_space<hbm>> -> memref<1000000x64xf32, #tpu.memory_space<hbm>>
      tpu.wait_indirect_dma semaphore(%arg15 : memref<!tpu.dma_semaphore, #tpu.memory_space<semaphore_mem>>) src(%dma_wait3A_424 : memref<1000000x64xf32, #tpu.memory_space<hbm>>) dst(%dma_wait3A_418 : memref<128x64xf32, #tpu.memory_space<vmem>>)
      %dma_wait3A_425 = arith.constant 0 : i32
      %dma_wait3A_426 = tpu.memref_slice %arg4[%dma_wait3A_425] : memref<819200xf32, #tpu.memory_space<hbm>> -> memref<128xf32, #tpu.memory_space<hbm>>
      %dma_wait3A_427 = arith.constant 0 : i32
      %dma_wait3A_428 = tpu.memref_slice %arg4[%dma_wait3A_427] : memref<819200xf32, #tpu.memory_space<hbm>> -> memref<128xf32, #tpu.memory_space<hbm>>
      tpu.wait_dma2 semaphore(%arg19 : memref<!tpu.dma_semaphore, #tpu.memory_space<semaphore_mem>>) src(%arg10 : memref<128xf32, #tpu.memory_space<vmem>>) dst(%dma_wait3A_428 : memref<128xf32, #tpu.memory_space<hbm>>)
      %scan3A_429 = arith.constant 0 : i32
      %scan3A_430 = arith.constant 0 : i32
      %scan3A_431 = arith.constant 128 : i32
      %scan3A_432 = arith.addi %scan3A_430, %scan3A_431 : i32
      %scan3A_433 = arith.constant 4 : i32
      scf.for %scan3A_735 = %scan3A_430 to %scan3A_432 step %scan3A_433  : i32 {
        %mul3A_736 = arith.constant 2 : i32
        %mul3A_737 = arith.muli %mul3A_736, %scan3A_735 : i32
        %get3A = arith.index_cast %mul3A_737 : i32 to index
        %get3A_738 = arith.constant 0 : index
        %get3A_739 = tpu.vector_load %arg6[%get3A, %get3A_738] {strides = array<i32>} : memref<256x64xf32, #tpu.memory_space<vmem>>, vector<16xf32>,
        %mul3A_740 = arith.constant 2 : i32
        %mul3A_741 = arith.muli %mul3A_740, %scan3A_735 : i32
        %add3A_742 = arith.constant 1 : i32
        %add3A_743 = arith.addi %mul3A_741, %add3A_742 : i32
        %get3A_744 = arith.index_cast %add3A_743 : i32 to index
        %get3A_745 = arith.constant 0 : index
        %get3A_746 = tpu.vector_load %arg6[%get3A_744, %get3A_745] {strides = array<i32>} : memref<256x64xf32, #tpu.memory_space<vmem>>, vector<16xf32>,
        %mul3A_747 = arith.mulf %get3A_739, %get3A_746 : vector<16xf32>
        %mul3A_748 = arith.constant 2 : i32
        %mul3A_749 = arith.muli %mul3A_748, %scan3A_735 : i32
        %get3A_750 = arith.index_cast %mul3A_749 : i32 to index
        %get3A_751 = arith.constant 16 : index
        %get3A_752 = tpu.vector_load %arg6[%get3A_750, %get3A_751] {strides = array<i32>} : memref<256x64xf32, #tpu.memory_space<vmem>>, vector<16xf32>,
        %mul3A_753 = arith.constant 2 : i32
        %mul3A_754 = arith.muli %mul3A_753, %scan3A_735 : i32
        %add3A_755 = arith.constant 1 : i32
        %add3A_756 = arith.addi %mul3A_754, %add3A_755 : i32
        %get3A_757 = arith.index_cast %add3A_756 : i32 to index
        %get3A_758 = arith.constant 16 : index
        %get3A_759 = tpu.vector_load %arg6[%get3A_757, %get3A_758] {strides = array<i32>} : memref<256x64xf32, #tpu.memory_space<vmem>>, vector<16xf32>,
        %mul3A_760 = arith.mulf %get3A_752, %get3A_759 : vector<16xf32>
        %mul3A_761 = arith.constant 2 : i32
        %mul3A_762 = arith.muli %mul3A_761, %scan3A_735 : i32
        %get3A_763 = arith.index_cast %mul3A_762 : i32 to index
        %get3A_764 = arith.constant 32 : index
        %get3A_765 = tpu.vector_load %arg6[%get3A_763, %get3A_764] {strides = array<i32>} : memref<256x64xf32, #tpu.memory_space<vmem>>, vector<16xf32>,
        %mul3A_766 = arith.constant 2 : i32
        %mul3A_767 = arith.muli %mul3A_766, %scan3A_735 : i32
        %add3A_768 = arith.constant 1 : i32
        %add3A_769 = arith.addi %mul3A_767, %add3A_768 : i32
        %get3A_770 = arith.index_cast %add3A_769 : i32 to index
        %get3A_771 = arith.constant 32 : index
        %get3A_772 = tpu.vector_load %arg6[%get3A_770, %get3A_771] {strides = array<i32>} : memref<256x64xf32, #tpu.memory_space<vmem>>, vector<16xf32>,
        %mul3A_773 = arith.mulf %get3A_765, %get3A_772 : vector<16xf32>
        %mul3A_774 = arith.constant 2 : i32
        %mul3A_775 = arith.muli %mul3A_774, %scan3A_735 : i32
        %get3A_776 = arith.index_cast %mul3A_775 : i32 to index
        %get3A_777 = arith.constant 48 : index
        %get3A_778 = tpu.vector_load %arg6[%get3A_776, %get3A_777] {strides = array<i32>} : memref<256x64xf32, #tpu.memory_space<vmem>>, vector<16xf32>,
        %mul3A_779 = arith.constant 2 : i32
        %mul3A_780 = arith.muli %mul3A_779, %scan3A_735 : i32
        %add3A_781 = arith.constant 1 : i32
        %add3A_782 = arith.addi %mul3A_780, %add3A_781 : i32
        %get3A_783 = arith.index_cast %add3A_782 : i32 to index
        %get3A_784 = arith.constant 48 : index
        %get3A_785 = tpu.vector_load %arg6[%get3A_783, %get3A_784] {strides = array<i32>} : memref<256x64xf32, #tpu.memory_space<vmem>>, vector<16xf32>,
        %mul3A_786 = arith.mulf %get3A_778, %get3A_785 : vector<16xf32>
        %add3A_787 = arith.addf %mul3A_747, %mul3A_760 : vector<16xf32>
        %add3A_788 = arith.addf %mul3A_773, %mul3A_786 : vector<16xf32>
        %add3A_789 = arith.addf %add3A_787, %add3A_788 : vector<16xf32>
        %broadcast_in_dim3A = arith.constant true
        %broadcast_in_dim3A_790 = vector.broadcast %broadcast_in_dim3A : i1 to vector<16xi1>
        %masked_cumsum3A = tpu.scan <sum>, %add3A_789 masked %broadcast_in_dim3A_790 : vector<16xf32>, vector<16xi1> -> vector<16xf32>
        %broadcast_in_dim3A_791 = vector.broadcast %scan3A_735 : i32 to vector<16xi32>
        tpu.vector_store_idx %arg10[%broadcast_in_dim3A_791], %masked_cumsum3A masked %eq3A_2 : memref<128xf32, #tpu.memory_space<vmem>>[vector<16xi32>], vector<16xf32>, vector<16xi1>
        %scan3A_792 = arith.constant 1 : i32
        %scan3A_793 = arith.addi %scan3A_735, %scan3A_792 : i32
        %mul3A_794 = arith.constant 2 : i32
        %mul3A_795 = arith.muli %mul3A_794, %scan3A_793 : i32
        %get3A_796 = arith.index_cast %mul3A_795 : i32 to index
        %get3A_797 = arith.constant 0 : index
        %get3A_798 = tpu.vector_load %arg6[%get3A_796, %get3A_797] {strides = array<i32>} : memref<256x64xf32, #tpu.memory_space<vmem>>, vector<16xf32>,
        %mul3A_799 = arith.constant 2 : i32
        %mul3A_800 = arith.muli %mul3A_799, %scan3A_793 : i32
        %add3A_801 = arith.constant 1 : i32
        %add3A_802 = arith.addi %mul3A_800, %add3A_801 : i32
        %get3A_803 = arith.index_cast %add3A_802 : i32 to index
        %get3A_804 = arith.constant 0 : index
        %get3A_805 = tpu.vector_load %arg6[%get3A_803, %get3A_804] {strides = array<i32>} : memref<256x64xf32, #tpu.memory_space<vmem>>, vector<16xf32>,
        %mul3A_806 = arith.mulf %get3A_798, %get3A_805 : vector<16xf32>
        %mul3A_807 = arith.constant 2 : i32
        %mul3A_808 = arith.muli %mul3A_807, %scan3A_793 : i32
        %get3A_809 = arith.index_cast %mul3A_808 : i32 to index
        %get3A_810 = arith.constant 16 : index
        %get3A_811 = tpu.vector_load %arg6[%get3A_809, %get3A_810] {strides = array<i32>} : memref<256x64xf32, #tpu.memory_space<vmem>>, vector<16xf32>,
        %mul3A_812 = arith.constant 2 : i32
        %mul3A_813 = arith.muli %mul3A_812, %scan3A_793 : i32
        %add3A_814 = arith.constant 1 : i32
        %add3A_815 = arith.addi %mul3A_813, %add3A_814 : i32
        %get3A_816 = arith.index_cast %add3A_815 : i32 to index
        %get3A_817 = arith.constant 16 : index
        %get3A_818 = tpu.vector_load %arg6[%get3A_816, %get3A_817] {strides = array<i32>} : memref<256x64xf32, #tpu.memory_space<vmem>>, vector<16xf32>,
        %mul3A_819 = arith.mulf %get3A_811, %get3A_818 : vector<16xf32>
        %mul3A_820 = arith.constant 2 : i32
        %mul3A_821 = arith.muli %mul3A_820, %scan3A_793 : i32
        %get3A_822 = arith.index_cast %mul3A_821 : i32 to index
        %get3A_823 = arith.constant 32 : index
        %get3A_824 = tpu.vector_load %arg6[%get3A_822, %get3A_823] {strides = array<i32>} : memref<256x64xf32, #tpu.memory_space<vmem>>, vector<16xf32>,
        %mul3A_825 = arith.constant 2 : i32
        %mul3A_826 = arith.muli %mul3A_825, %scan3A_793 : i32
        %add3A_827 = arith.constant 1 : i32
        %add3A_828 = arith.addi %mul3A_826, %add3A_827 : i32
        %get3A_829 = arith.index_cast %add3A_828 : i32 to index
        %get3A_830 = arith.constant 32 : index
        %get3A_831 = tpu.vector_load %arg6[%get3A_829, %get3A_830] {strides = array<i32>} : memref<256x64xf32, #tpu.memory_space<vmem>>, vector<16xf32>,
        %mul3A_832 = arith.mulf %get3A_824, %get3A_831 : vector<16xf32>
        %mul3A_833 = arith.constant 2 : i32
        %mul3A_834 = arith.muli %mul3A_833, %scan3A_793 : i32
        %get3A_835 = arith.index_cast %mul3A_834 : i32 to index
        %get3A_836 = arith.constant 48 : index
        %get3A_837 = tpu.vector_load %arg6[%get3A_835, %get3A_836] {strides = array<i32>} : memref<256x64xf32, #tpu.memory_space<vmem>>, vector<16xf32>,
        %mul3A_838 = arith.constant 2 : i32
        %mul3A_839 = arith.muli %mul3A_838, %scan3A_793 : i32
        %add3A_840 = arith.constant 1 : i32
        %add3A_841 = arith.addi %mul3A_839, %add3A_840 : i32
        %get3A_842 = arith.index_cast %add3A_841 : i32 to index
        %get3A_843 = arith.constant 48 : index
        %get3A_844 = tpu.vector_load %arg6[%get3A_842, %get3A_843] {strides = array<i32>} : memref<256x64xf32, #tpu.memory_space<vmem>>, vector<16xf32>,
        %mul3A_845 = arith.mulf %get3A_837, %get3A_844 : vector<16xf32>
        %add3A_846 = arith.addf %mul3A_806, %mul3A_819 : vector<16xf32>
        %add3A_847 = arith.addf %mul3A_832, %mul3A_845 : vector<16xf32>
        %add3A_848 = arith.addf %add3A_846, %add3A_847 : vector<16xf32>
        %broadcast_in_dim3A_849 = arith.constant true
        %broadcast_in_dim3A_850 = vector.broadcast %broadcast_in_dim3A_849 : i1 to vector<16xi1>
        %masked_cumsum3A_851 = tpu.scan <sum>, %add3A_848 masked %broadcast_in_dim3A_850 : vector<16xf32>, vector<16xi1> -> vector<16xf32>
        %broadcast_in_dim3A_852 = vector.broadcast %scan3A_793 : i32 to vector<16xi32>
        tpu.vector_store_idx %arg10[%broadcast_in_dim3A_852], %masked_cumsum3A_851 masked %eq3A_2 : memref<128xf32, #tpu.memory_space<vmem>>[vector<16xi32>], vector<16xf32>, vector<16xi1>
        %scan3A_853 = arith.constant 2 : i32
        %scan3A_854 = arith.addi %scan3A_735, %scan3A_853 : i32
        %mul3A_855 = arith.constant 2 : i32
        %mul3A_856 = arith.muli %mul3A_855, %scan3A_854 : i32
        %get3A_857 = arith.index_cast %mul3A_856 : i32 to index
        %get3A_858 = arith.constant 0 : index
        %get3A_859 = tpu.vector_load %arg6[%get3A_857, %get3A_858] {strides = array<i32>} : memref<256x64xf32, #tpu.memory_space<vmem>>, vector<16xf32>,
        %mul3A_860 = arith.constant 2 : i32
        %mul3A_861 = arith.muli %mul3A_860, %scan3A_854 : i32
        %add3A_862 = arith.constant 1 : i32
        %add3A_863 = arith.addi %mul3A_861, %add3A_862 : i32
        %get3A_864 = arith.index_cast %add3A_863 : i32 to index
        %get3A_865 = arith.constant 0 : index
        %get3A_866 = tpu.vector_load %arg6[%get3A_864, %get3A_865] {strides = array<i32>} : memref<256x64xf32, #tpu.memory_space<vmem>>, vector<16xf32>,
        %mul3A_867 = arith.mulf %get3A_859, %get3A_866 : vector<16xf32>
        %mul3A_868 = arith.constant 2 : i32
        %mul3A_869 = arith.muli %mul3A_868, %scan3A_854 : i32
        %get3A_870 = arith.index_cast %mul3A_869 : i32 to index
        %get3A_871 = arith.constant 16 : index
        %get3A_872 = tpu.vector_load %arg6[%get3A_870, %get3A_871] {strides = array<i32>} : memref<256x64xf32, #tpu.memory_space<vmem>>, vector<16xf32>,
        %mul3A_873 = arith.constant 2 : i32
        %mul3A_874 = arith.muli %mul3A_873, %scan3A_854 : i32
        %add3A_875 = arith.constant 1 : i32
        %add3A_876 = arith.addi %mul3A_874, %add3A_875 : i32
        %get3A_877 = arith.index_cast %add3A_876 : i32 to index
        %get3A_878 = arith.constant 16 : index
        %get3A_879 = tpu.vector_load %arg6[%get3A_877, %get3A_878] {strides = array<i32>} : memref<256x64xf32, #tpu.memory_space<vmem>>, vector<16xf32>,
        %mul3A_880 = arith.mulf %get3A_872, %get3A_879 : vector<16xf32>
        %mul3A_881 = arith.constant 2 : i32
        %mul3A_882 = arith.muli %mul3A_881, %scan3A_854 : i32
        %get3A_883 = arith.index_cast %mul3A_882 : i32 to index
        %get3A_884 = arith.constant 32 : index
        %get3A_885 = tpu.vector_load %arg6[%get3A_883, %get3A_884] {strides = array<i32>} : memref<256x64xf32, #tpu.memory_space<vmem>>, vector<16xf32>,
        %mul3A_886 = arith.constant 2 : i32
        %mul3A_887 = arith.muli %mul3A_886, %scan3A_854 : i32
        %add3A_888 = arith.constant 1 : i32
        %add3A_889 = arith.addi %mul3A_887, %add3A_888 : i32
        %get3A_890 = arith.index_cast %add3A_889 : i32 to index
        %get3A_891 = arith.constant 32 : index
        %get3A_892 = tpu.vector_load %arg6[%get3A_890, %get3A_891] {strides = array<i32>} : memref<256x64xf32, #tpu.memory_space<vmem>>, vector<16xf32>,
        %mul3A_893 = arith.mulf %get3A_885, %get3A_892 : vector<16xf32>
        %mul3A_894 = arith.constant 2 : i32
        %mul3A_895 = arith.muli %mul3A_894, %scan3A_854 : i32
        %get3A_896 = arith.index_cast %mul3A_895 : i32 to index
        %get3A_897 = arith.constant 48 : index
        %get3A_898 = tpu.vector_load %arg6[%get3A_896, %get3A_897] {strides = array<i32>} : memref<256x64xf32, #tpu.memory_space<vmem>>, vector<16xf32>,
        %mul3A_899 = arith.constant 2 : i32
        %mul3A_900 = arith.muli %mul3A_899, %scan3A_854 : i32
        %add3A_901 = arith.constant 1 : i32
        %add3A_902 = arith.addi %mul3A_900, %add3A_901 : i32
        %get3A_903 = arith.index_cast %add3A_902 : i32 to index
        %get3A_904 = arith.constant 48 : index
        %get3A_905 = tpu.vector_load %arg6[%get3A_903, %get3A_904] {strides = array<i32>} : memref<256x64xf32, #tpu.memory_space<vmem>>, vector<16xf32>,
        %mul3A_906 = arith.mulf %get3A_898, %get3A_905 : vector<16xf32>
        %add3A_907 = arith.addf %mul3A_867, %mul3A_880 : vector<16xf32>
        %add3A_908 = arith.addf %mul3A_893, %mul3A_906 : vector<16xf32>
        %add3A_909 = arith.addf %add3A_907, %add3A_908 : vector<16xf32>
        %broadcast_in_dim3A_910 = arith.constant true
        %broadcast_in_dim3A_911 = vector.broadcast %broadcast_in_dim3A_910 : i1 to vector<16xi1>
        %masked_cumsum3A_912 = tpu.scan <sum>, %add3A_909 masked %broadcast_in_dim3A_911 : vector<16xf32>, vector<16xi1> -> vector<16xf32>
        %broadcast_in_dim3A_913 = vector.broadcast %scan3A_854 : i32 to vector<16xi32>
        tpu.vector_store_idx %arg10[%broadcast_in_dim3A_913], %masked_cumsum3A_912 masked %eq3A_2 : memref<128xf32, #tpu.memory_space<vmem>>[vector<16xi32>], vector<16xf32>, vector<16xi1>
        %scan3A_914 = arith.constant 3 : i32
        %scan3A_915 = arith.addi %scan3A_735, %scan3A_914 : i32
        %mul3A_916 = arith.constant 2 : i32
        %mul3A_917 = arith.muli %mul3A_916, %scan3A_915 : i32
        %get3A_918 = arith.index_cast %mul3A_917 : i32 to index
        %get3A_919 = arith.constant 0 : index
        %get3A_920 = tpu.vector_load %arg6[%get3A_918, %get3A_919] {strides = array<i32>} : memref<256x64xf32, #tpu.memory_space<vmem>>, vector<16xf32>,
        %mul3A_921 = arith.constant 2 : i32
        %mul3A_922 = arith.muli %mul3A_921, %scan3A_915 : i32
        %add3A_923 = arith.constant 1 : i32
        %add3A_924 = arith.addi %mul3A_922, %add3A_923 : i32
        %get3A_925 = arith.index_cast %add3A_924 : i32 to index
        %get3A_926 = arith.constant 0 : index
        %get3A_927 = tpu.vector_load %arg6[%get3A_925, %get3A_926] {strides = array<i32>} : memref<256x64xf32, #tpu.memory_space<vmem>>, vector<16xf32>,
        %mul3A_928 = arith.mulf %get3A_920, %get3A_927 : vector<16xf32>
        %mul3A_929 = arith.constant 2 : i32
        %mul3A_930 = arith.muli %mul3A_929, %scan3A_915 : i32
        %get3A_931 = arith.index_cast %mul3A_930 : i32 to index
        %get3A_932 = arith.constant 16 : index
        %get3A_933 = tpu.vector_load %arg6[%get3A_931, %get3A_932] {strides = array<i32>} : memref<256x64xf32, #tpu.memory_space<vmem>>, vector<16xf32>,
        %mul3A_934 = arith.constant 2 : i32
        %mul3A_935 = arith.muli %mul3A_934, %scan3A_915 : i32
        %add3A_936 = arith.constant 1 : i32
        %add3A_937 = arith.addi %mul3A_935, %add3A_936 : i32
        %get3A_938 = arith.index_cast %add3A_937 : i32 to index
        %get3A_939 = arith.constant 16 : index
        %get3A_940 = tpu.vector_load %arg6[%get3A_938, %get3A_939] {strides = array<i32>} : memref<256x64xf32, #tpu.memory_space<vmem>>, vector<16xf32>,
        %mul3A_941 = arith.mulf %get3A_933, %get3A_940 : vector<16xf32>
        %mul3A_942 = arith.constant 2 : i32
        %mul3A_943 = arith.muli %mul3A_942, %scan3A_915 : i32
        %get3A_944 = arith.index_cast %mul3A_943 : i32 to index
        %get3A_945 = arith.constant 32 : index
        %get3A_946 = tpu.vector_load %arg6[%get3A_944, %get3A_945] {strides = array<i32>} : memref<256x64xf32, #tpu.memory_space<vmem>>, vector<16xf32>,
        %mul3A_947 = arith.constant 2 : i32
        %mul3A_948 = arith.muli %mul3A_947, %scan3A_915 : i32
        %add3A_949 = arith.constant 1 : i32
        %add3A_950 = arith.addi %mul3A_948, %add3A_949 : i32
        %get3A_951 = arith.index_cast %add3A_950 : i32 to index
        %get3A_952 = arith.constant 32 : index
        %get3A_953 = tpu.vector_load %arg6[%get3A_951, %get3A_952] {strides = array<i32>} : memref<256x64xf32, #tpu.memory_space<vmem>>, vector<16xf32>,
        %mul3A_954 = arith.mulf %get3A_946, %get3A_953 : vector<16xf32>
        %mul3A_955 = arith.constant 2 : i32
        %mul3A_956 = arith.muli %mul3A_955, %scan3A_915 : i32
        %get3A_957 = arith.index_cast %mul3A_956 : i32 to index
        %get3A_958 = arith.constant 48 : index
        %get3A_959 = tpu.vector_load %arg6[%get3A_957, %get3A_958] {strides = array<i32>} : memref<256x64xf32, #tpu.memory_space<vmem>>, vector<16xf32>,
        %mul3A_960 = arith.constant 2 : i32
        %mul3A_961 = arith.muli %mul3A_960, %scan3A_915 : i32
        %add3A_962 = arith.constant 1 : i32
        %add3A_963 = arith.addi %mul3A_961, %add3A_962 : i32
        %get3A_964 = arith.index_cast %add3A_963 : i32 to index
        %get3A_965 = arith.constant 48 : index
        %get3A_966 = tpu.vector_load %arg6[%get3A_964, %get3A_965] {strides = array<i32>} : memref<256x64xf32, #tpu.memory_space<vmem>>, vector<16xf32>,
        %mul3A_967 = arith.mulf %get3A_959, %get3A_966 : vector<16xf32>
        %add3A_968 = arith.addf %mul3A_928, %mul3A_941 : vector<16xf32>
        %add3A_969 = arith.addf %mul3A_954, %mul3A_967 : vector<16xf32>
        %add3A_970 = arith.addf %add3A_968, %add3A_969 : vector<16xf32>
        %broadcast_in_dim3A_971 = arith.constant true
        %broadcast_in_dim3A_972 = vector.broadcast %broadcast_in_dim3A_971 : i1 to vector<16xi1>
        %masked_cumsum3A_973 = tpu.scan <sum>, %add3A_970 masked %broadcast_in_dim3A_972 : vector<16xf32>, vector<16xi1> -> vector<16xf32>
        %broadcast_in_dim3A_974 = vector.broadcast %scan3A_915 : i32 to vector<16xi32>
        tpu.vector_store_idx %arg10[%broadcast_in_dim3A_974], %masked_cumsum3A_973 masked %eq3A_2 : memref<128xf32, #tpu.memory_space<vmem>>[vector<16xi32>], vector<16xf32>, vector<16xi1>
      }
      %scan3A_434 = arith.constant 128 : i32
      %mul3A_435 = arith.constant 25600 : i32
      %mul3A_436 = arith.muli %add3A, %mul3A_435 : i32
      %mul3A_437 = arith.constant 128 : i32
      %mul3A_438 = arith.muli %add3A_404, %mul3A_437 : i32
      %add3A_439 = arith.addi %mul3A_436, %mul3A_438 : i32
      %dma_start3A_440 = tpu.memref_slice %arg4[%add3A_439] : memref<819200xf32, #tpu.memory_space<hbm>> -> memref<128xf32, #tpu.memory_space<hbm>>
      %dma_start3A_441 = tpu.memref_slice %arg4[%add3A_439] : memref<819200xf32, #tpu.memory_space<hbm>> -> memref<128xf32, #tpu.memory_space<hbm>>
      tpu.enqueue_dma source(%arg10 : memref<128xf32, #tpu.memory_space<vmem>>) target(%dma_start3A_441 : memref<128xf32, #tpu.memory_space<hbm>>) target_semaphore(%arg19 : memref<!tpu.dma_semaphore, #tpu.memory_space<semaphore_mem>>)
      %add3A_442 = arith.constant 4 : i32
      %add3A_443 = arith.addi %add3A_404, %add3A_442 : i32
      %jit3A = arith.constant 200 : i32
      %eq3A_444 = arith.constant 0 : i32
      %eq3A_445 = arith.cmpi eq, %jit3A, %eq3A_444 : i32
      %jit3A_446 = arith.constant 1 : i32
      %select_n3A = arith.select %eq3A_445, %jit3A_446, %jit3A : i32
      %rem3A = arith.remsi %add3A_443, %select_n3A : i32
      %ne3A = arith.constant 0 : i32
      %ne3A_447 = arith.cmpi ne, %rem3A, %ne3A : i32
      %lt3A = arith.constant 0 : i32
      %lt3A_448 = arith.cmpi slt, %rem3A, %lt3A : i32
      %lt3A_449 = arith.constant 0 : i32
      %lt3A_450 = arith.cmpi slt, %select_n3A, %lt3A_449 : i32
      %ne3A_451 = arith.xori %lt3A_448, %lt3A_450 : i1
      %and3A = arith.andi %ne3A_451, %ne3A_447 : i1
      %add3A_452 = arith.addi %rem3A, %select_n3A : i32
      %select_n3A_453 = arith.select %and3A, %add3A_452, %rem3A : i32
      %mul3A_454 = arith.constant 2 : i32
      %mul3A_455 = arith.muli %select_n3A_453, %mul3A_454 : i32
      %add3A_456 = arith.constant 0 : i32
      %add3A_457 = arith.addi %mul3A_455, %add3A_456 : i32
      %dma_start3A_458 = arith.constant 0 : i32
      %dma_start3A_459 = arith.constant 0 : i32
      %dma_start3A_460 = tpu.memref_slice %arg6[%dma_start3A_458, %dma_start3A_459] : memref<256x64xf32, #tpu.memory_space<vmem>> -> memref<128x64xf32, #tpu.memory_space<vmem>>
      %dma_start3A_461 = arith.constant 0 : i32
      %dma_start3A_462 = tpu.memref_slice %arg5[%add3A_457, %dma_start3A_461] : memref<400x128xi32, #tpu.memory_space<vmem>> -> memref<1x128xi32, #tpu.memory_space<vmem>>
      %dma_start3A_463 = tpu.memref_squeeze %dma_start3A_462 : memref<1x128xi32, #tpu.memory_space<vmem>> -> memref<128xi32, #tpu.memory_space<vmem>>
      %dma_start3A_464 = arith.constant 0 : i32
      %dma_start3A_465 = arith.constant 0 : i32
      %dma_start3A_466 = tpu.memref_slice %arg2[%dma_start3A_464, %dma_start3A_465] : memref<1000000x64xf32, #tpu.memory_space<hbm>> -> memref<1000000x64xf32, #tpu.memory_space<hbm>>
      tpu.enqueue_indirect_dma source(%dma_start3A_466 : memref<1000000x64xf32, #tpu.memory_space<hbm>>) target(%dma_start3A_460 : memref<128x64xf32, #tpu.memory_space<vmem>>) offsets(%dma_start3A_463 : memref<128xi32, #tpu.memory_space<vmem>>) semaphore(%arg15 : memref<!tpu.dma_semaphore, #tpu.memory_space<semaphore_mem>>)
      %mul3A_467 = arith.constant 2 : i32
      %mul3A_468 = arith.muli %select_n3A_453, %mul3A_467 : i32
      %add3A_469 = arith.constant 1 : i32
      %add3A_470 = arith.addi %mul3A_468, %add3A_469 : i32
      %dma_start3A_471 = arith.constant 128 : i32
      %dma_start3A_472 = arith.constant 0 : i32
      %dma_start3A_473 = tpu.memref_slice %arg6[%dma_start3A_471, %dma_start3A_472] : memref<256x64xf32, #tpu.memory_space<vmem>> -> memref<128x64xf32, #tpu.memory_space<vmem>>
      %dma_start3A_474 = arith.constant 0 : i32
      %dma_start3A_475 = tpu.memref_slice %arg5[%add3A_470, %dma_start3A_474] : memref<400x128xi32, #tpu.memory_space<vmem>> -> memref<1x128xi32, #tpu.memory_space<vmem>>
      %dma_start3A_476 = tpu.memref_squeeze %dma_start3A_475 : memref<1x128xi32, #tpu.memory_space<vmem>> -> memref<128xi32, #tpu.memory_space<vmem>>
      %dma_start3A_477 = arith.constant 0 : i32
      %dma_start3A_478 = arith.constant 0 : i32
      %dma_start3A_479 = tpu.memref_slice %arg2[%dma_start3A_477, %dma_start3A_478] : memref<1000000x64xf32, #tpu.memory_space<hbm>> -> memref<1000000x64xf32, #tpu.memory_space<hbm>>
      tpu.enqueue_indirect_dma source(%dma_start3A_479 : memref<1000000x64xf32, #tpu.memory_space<hbm>>) target(%dma_start3A_473 : memref<128x64xf32, #tpu.memory_space<vmem>>) offsets(%dma_start3A_476 : memref<128xi32, #tpu.memory_space<vmem>>) semaphore(%arg15 : memref<!tpu.dma_semaphore, #tpu.memory_space<semaphore_mem>>)
      %mul3A_480 = arith.constant 4 : i32
      %mul3A_481 = arith.muli %scan3A_400, %mul3A_480 : i32
      %add3A_482 = arith.constant 1 : i32
      %add3A_483 = arith.addi %mul3A_481, %add3A_482 : i32
      %dma_wait3A_484 = arith.constant 0 : i32
      %dma_wait3A_485 = arith.constant 0 : i32
      %dma_wait3A_486 = arith.constant 0 : i32
      %dma_wait3A_487 = tpu.memref_slice %arg7[%dma_wait3A_485, %dma_wait3A_486] : memref<256x64xf32, #tpu.memory_space<vmem>> -> memref<128x64xf32, #tpu.memory_space<vmem>>
      %dma_wait3A_488 = arith.constant 0 : i32
      %dma_wait3A_489 = tpu.memref_slice %arg5[%dma_wait3A_484, %dma_wait3A_488] : memref<400x128xi32, #tpu.memory_space<vmem>> -> memref<1x128xi32, #tpu.memory_space<vmem>>
      %dma_wait3A_490 = tpu.memref_squeeze %dma_wait3A_489 : memref<1x128xi32, #tpu.memory_space<vmem>> -> memref<128xi32, #tpu.memory_space<vmem>>
      %dma_wait3A_491 = arith.constant 0 : i32
      %dma_wait3A_492 = arith.constant 0 : i32
      %dma_wait3A_493 = tpu.memref_slice %arg2[%dma_wait3A_491, %dma_wait3A_492] : memref<1000000x64xf32, #tpu.memory_space<hbm>> -> memref<1000000x64xf32, #tpu.memory_space<hbm>>
      tpu.wait_indirect_dma semaphore(%arg16 : memref<!tpu.dma_semaphore, #tpu.memory_space<semaphore_mem>>) src(%dma_wait3A_493 : memref<1000000x64xf32, #tpu.memory_space<hbm>>) dst(%dma_wait3A_487 : memref<128x64xf32, #tpu.memory_space<vmem>>)
      %dma_wait3A_494 = arith.constant 1 : i32
      %dma_wait3A_495 = arith.constant 128 : i32
      %dma_wait3A_496 = arith.constant 0 : i32
      %dma_wait3A_497 = tpu.memref_slice %arg7[%dma_wait3A_495, %dma_wait3A_496] : memref<256x64xf32, #tpu.memory_space<vmem>> -> memref<128x64xf32, #tpu.memory_space<vmem>>
      %dma_wait3A_498 = arith.constant 0 : i32
      %dma_wait3A_499 = tpu.memref_slice %arg5[%dma_wait3A_494, %dma_wait3A_498] : memref<400x128xi32, #tpu.memory_space<vmem>> -> memref<1x128xi32, #tpu.memory_space<vmem>>
      %dma_wait3A_500 = tpu.memref_squeeze %dma_wait3A_499 : memref<1x128xi32, #tpu.memory_space<vmem>> -> memref<128xi32, #tpu.memory_space<vmem>>
      %dma_wait3A_501 = arith.constant 0 : i32
      %dma_wait3A_502 = arith.constant 0 : i32
      %dma_wait3A_503 = tpu.memref_slice %arg2[%dma_wait3A_501, %dma_wait3A_502] : memref<1000000x64xf32, #tpu.memory_space<hbm>> -> memref<1000000x64xf32, #tpu.memory_space<hbm>>
      tpu.wait_indirect_dma semaphore(%arg16 : memref<!tpu.dma_semaphore, #tpu.memory_space<semaphore_mem>>) src(%dma_wait3A_503 : memref<1000000x64xf32, #tpu.memory_space<hbm>>) dst(%dma_wait3A_497 : memref<128x64xf32, #tpu.memory_space<vmem>>)
      %dma_wait3A_504 = arith.constant 0 : i32
      %dma_wait3A_505 = tpu.memref_slice %arg4[%dma_wait3A_504] : memref<819200xf32, #tpu.memory_space<hbm>> -> memref<128xf32, #tpu.memory_space<hbm>>
      %dma_wait3A_506 = arith.constant 0 : i32
      %dma_wait3A_507 = tpu.memref_slice %arg4[%dma_wait3A_506] : memref<819200xf32, #tpu.memory_space<hbm>> -> memref<128xf32, #tpu.memory_space<hbm>>
      tpu.wait_dma2 semaphore(%arg20 : memref<!tpu.dma_semaphore, #tpu.memory_space<semaphore_mem>>) src(%arg11 : memref<128xf32, #tpu.memory_space<vmem>>) dst(%dma_wait3A_507 : memref<128xf32, #tpu.memory_space<hbm>>)
      %scan3A_508 = arith.constant 0 : i32
      %scan3A_509 = arith.constant 0 : i32
      %scan3A_510 = arith.constant 128 : i32
      %scan3A_511 = arith.addi %scan3A_509, %scan3A_510 : i32
      %scan3A_512 = arith.constant 4 : i32
      scf.for %scan3A_735 = %scan3A_509 to %scan3A_511 step %scan3A_512  : i32 {
        %mul3A_736 = arith.constant 2 : i32
        %mul3A_737 = arith.muli %mul3A_736, %scan3A_735 : i32
        %get3A = arith.index_cast %mul3A_737 : i32 to index
        %get3A_738 = arith.constant 0 : index
        %get3A_739 = tpu.vector_load %arg7[%get3A, %get3A_738] {strides = array<i32>} : memref<256x64xf32, #tpu.memory_space<vmem>>, vector<16xf32>,
        %mul3A_740 = arith.constant 2 : i32
        %mul3A_741 = arith.muli %mul3A_740, %scan3A_735 : i32
        %add3A_742 = arith.constant 1 : i32
        %add3A_743 = arith.addi %mul3A_741, %add3A_742 : i32
        %get3A_744 = arith.index_cast %add3A_743 : i32 to index
        %get3A_745 = arith.constant 0 : index
        %get3A_746 = tpu.vector_load %arg7[%get3A_744, %get3A_745] {strides = array<i32>} : memref<256x64xf32, #tpu.memory_space<vmem>>, vector<16xf32>,
        %mul3A_747 = arith.mulf %get3A_739, %get3A_746 : vector<16xf32>
        %mul3A_748 = arith.constant 2 : i32
        %mul3A_749 = arith.muli %mul3A_748, %scan3A_735 : i32
        %get3A_750 = arith.index_cast %mul3A_749 : i32 to index
        %get3A_751 = arith.constant 16 : index
        %get3A_752 = tpu.vector_load %arg7[%get3A_750, %get3A_751] {strides = array<i32>} : memref<256x64xf32, #tpu.memory_space<vmem>>, vector<16xf32>,
        %mul3A_753 = arith.constant 2 : i32
        %mul3A_754 = arith.muli %mul3A_753, %scan3A_735 : i32
        %add3A_755 = arith.constant 1 : i32
        %add3A_756 = arith.addi %mul3A_754, %add3A_755 : i32
        %get3A_757 = arith.index_cast %add3A_756 : i32 to index
        %get3A_758 = arith.constant 16 : index
        %get3A_759 = tpu.vector_load %arg7[%get3A_757, %get3A_758] {strides = array<i32>} : memref<256x64xf32, #tpu.memory_space<vmem>>, vector<16xf32>,
        %mul3A_760 = arith.mulf %get3A_752, %get3A_759 : vector<16xf32>
        %mul3A_761 = arith.constant 2 : i32
        %mul3A_762 = arith.muli %mul3A_761, %scan3A_735 : i32
        %get3A_763 = arith.index_cast %mul3A_762 : i32 to index
        %get3A_764 = arith.constant 32 : index
        %get3A_765 = tpu.vector_load %arg7[%get3A_763, %get3A_764] {strides = array<i32>} : memref<256x64xf32, #tpu.memory_space<vmem>>, vector<16xf32>,
        %mul3A_766 = arith.constant 2 : i32
        %mul3A_767 = arith.muli %mul3A_766, %scan3A_735 : i32
        %add3A_768 = arith.constant 1 : i32
        %add3A_769 = arith.addi %mul3A_767, %add3A_768 : i32
        %get3A_770 = arith.index_cast %add3A_769 : i32 to index
        %get3A_771 = arith.constant 32 : index
        %get3A_772 = tpu.vector_load %arg7[%get3A_770, %get3A_771] {strides = array<i32>} : memref<256x64xf32, #tpu.memory_space<vmem>>, vector<16xf32>,
        %mul3A_773 = arith.mulf %get3A_765, %get3A_772 : vector<16xf32>
        %mul3A_774 = arith.constant 2 : i32
        %mul3A_775 = arith.muli %mul3A_774, %scan3A_735 : i32
        %get3A_776 = arith.index_cast %mul3A_775 : i32 to index
        %get3A_777 = arith.constant 48 : index
        %get3A_778 = tpu.vector_load %arg7[%get3A_776, %get3A_777] {strides = array<i32>} : memref<256x64xf32, #tpu.memory_space<vmem>>, vector<16xf32>,
        %mul3A_779 = arith.constant 2 : i32
        %mul3A_780 = arith.muli %mul3A_779, %scan3A_735 : i32
        %add3A_781 = arith.constant 1 : i32
        %add3A_782 = arith.addi %mul3A_780, %add3A_781 : i32
        %get3A_783 = arith.index_cast %add3A_782 : i32 to index
        %get3A_784 = arith.constant 48 : index
        %get3A_785 = tpu.vector_load %arg7[%get3A_783, %get3A_784] {strides = array<i32>} : memref<256x64xf32, #tpu.memory_space<vmem>>, vector<16xf32>,
        %mul3A_786 = arith.mulf %get3A_778, %get3A_785 : vector<16xf32>
        %add3A_787 = arith.addf %mul3A_747, %mul3A_760 : vector<16xf32>
        %add3A_788 = arith.addf %mul3A_773, %mul3A_786 : vector<16xf32>
        %add3A_789 = arith.addf %add3A_787, %add3A_788 : vector<16xf32>
        %broadcast_in_dim3A = arith.constant true
        %broadcast_in_dim3A_790 = vector.broadcast %broadcast_in_dim3A : i1 to vector<16xi1>
        %masked_cumsum3A = tpu.scan <sum>, %add3A_789 masked %broadcast_in_dim3A_790 : vector<16xf32>, vector<16xi1> -> vector<16xf32>
        %broadcast_in_dim3A_791 = vector.broadcast %scan3A_735 : i32 to vector<16xi32>
        tpu.vector_store_idx %arg11[%broadcast_in_dim3A_791], %masked_cumsum3A masked %eq3A_2 : memref<128xf32, #tpu.memory_space<vmem>>[vector<16xi32>], vector<16xf32>, vector<16xi1>
        %scan3A_792 = arith.constant 1 : i32
        %scan3A_793 = arith.addi %scan3A_735, %scan3A_792 : i32
        %mul3A_794 = arith.constant 2 : i32
        %mul3A_795 = arith.muli %mul3A_794, %scan3A_793 : i32
        %get3A_796 = arith.index_cast %mul3A_795 : i32 to index
        %get3A_797 = arith.constant 0 : index
        %get3A_798 = tpu.vector_load %arg7[%get3A_796, %get3A_797] {strides = array<i32>} : memref<256x64xf32, #tpu.memory_space<vmem>>, vector<16xf32>,
        %mul3A_799 = arith.constant 2 : i32
        %mul3A_800 = arith.muli %mul3A_799, %scan3A_793 : i32
        %add3A_801 = arith.constant 1 : i32
        %add3A_802 = arith.addi %mul3A_800, %add3A_801 : i32
        %get3A_803 = arith.index_cast %add3A_802 : i32 to index
        %get3A_804 = arith.constant 0 : index
        %get3A_805 = tpu.vector_load %arg7[%get3A_803, %get3A_804] {strides = array<i32>} : memref<256x64xf32, #tpu.memory_space<vmem>>, vector<16xf32>,
        %mul3A_806 = arith.mulf %get3A_798, %get3A_805 : vector<16xf32>
        %mul3A_807 = arith.constant 2 : i32
        %mul3A_808 = arith.muli %mul3A_807, %scan3A_793 : i32
        %get3A_809 = arith.index_cast %mul3A_808 : i32 to index
        %get3A_810 = arith.constant 16 : index
        %get3A_811 = tpu.vector_load %arg7[%get3A_809, %get3A_810] {strides = array<i32>} : memref<256x64xf32, #tpu.memory_space<vmem>>, vector<16xf32>,
        %mul3A_812 = arith.constant 2 : i32
        %mul3A_813 = arith.muli %mul3A_812, %scan3A_793 : i32
        %add3A_814 = arith.constant 1 : i32
        %add3A_815 = arith.addi %mul3A_813, %add3A_814 : i32
        %get3A_816 = arith.index_cast %add3A_815 : i32 to index
        %get3A_817 = arith.constant 16 : index
        %get3A_818 = tpu.vector_load %arg7[%get3A_816, %get3A_817] {strides = array<i32>} : memref<256x64xf32, #tpu.memory_space<vmem>>, vector<16xf32>,
        %mul3A_819 = arith.mulf %get3A_811, %get3A_818 : vector<16xf32>
        %mul3A_820 = arith.constant 2 : i32
        %mul3A_821 = arith.muli %mul3A_820, %scan3A_793 : i32
        %get3A_822 = arith.index_cast %mul3A_821 : i32 to index
        %get3A_823 = arith.constant 32 : index
        %get3A_824 = tpu.vector_load %arg7[%get3A_822, %get3A_823] {strides = array<i32>} : memref<256x64xf32, #tpu.memory_space<vmem>>, vector<16xf32>,
        %mul3A_825 = arith.constant 2 : i32
        %mul3A_826 = arith.muli %mul3A_825, %scan3A_793 : i32
        %add3A_827 = arith.constant 1 : i32
        %add3A_828 = arith.addi %mul3A_826, %add3A_827 : i32
        %get3A_829 = arith.index_cast %add3A_828 : i32 to index
        %get3A_830 = arith.constant 32 : index
        %get3A_831 = tpu.vector_load %arg7[%get3A_829, %get3A_830] {strides = array<i32>} : memref<256x64xf32, #tpu.memory_space<vmem>>, vector<16xf32>,
        %mul3A_832 = arith.mulf %get3A_824, %get3A_831 : vector<16xf32>
        %mul3A_833 = arith.constant 2 : i32
        %mul3A_834 = arith.muli %mul3A_833, %scan3A_793 : i32
        %get3A_835 = arith.index_cast %mul3A_834 : i32 to index
        %get3A_836 = arith.constant 48 : index
        %get3A_837 = tpu.vector_load %arg7[%get3A_835, %get3A_836] {strides = array<i32>} : memref<256x64xf32, #tpu.memory_space<vmem>>, vector<16xf32>,
        %mul3A_838 = arith.constant 2 : i32
        %mul3A_839 = arith.muli %mul3A_838, %scan3A_793 : i32
        %add3A_840 = arith.constant 1 : i32
        %add3A_841 = arith.addi %mul3A_839, %add3A_840 : i32
        %get3A_842 = arith.index_cast %add3A_841 : i32 to index
        %get3A_843 = arith.constant 48 : index
        %get3A_844 = tpu.vector_load %arg7[%get3A_842, %get3A_843] {strides = array<i32>} : memref<256x64xf32, #tpu.memory_space<vmem>>, vector<16xf32>,
        %mul3A_845 = arith.mulf %get3A_837, %get3A_844 : vector<16xf32>
        %add3A_846 = arith.addf %mul3A_806, %mul3A_819 : vector<16xf32>
        %add3A_847 = arith.addf %mul3A_832, %mul3A_845 : vector<16xf32>
        %add3A_848 = arith.addf %add3A_846, %add3A_847 : vector<16xf32>
        %broadcast_in_dim3A_849 = arith.constant true
        %broadcast_in_dim3A_850 = vector.broadcast %broadcast_in_dim3A_849 : i1 to vector<16xi1>
        %masked_cumsum3A_851 = tpu.scan <sum>, %add3A_848 masked %broadcast_in_dim3A_850 : vector<16xf32>, vector<16xi1> -> vector<16xf32>
        %broadcast_in_dim3A_852 = vector.broadcast %scan3A_793 : i32 to vector<16xi32>
        tpu.vector_store_idx %arg11[%broadcast_in_dim3A_852], %masked_cumsum3A_851 masked %eq3A_2 : memref<128xf32, #tpu.memory_space<vmem>>[vector<16xi32>], vector<16xf32>, vector<16xi1>
        %scan3A_853 = arith.constant 2 : i32
        %scan3A_854 = arith.addi %scan3A_735, %scan3A_853 : i32
        %mul3A_855 = arith.constant 2 : i32
        %mul3A_856 = arith.muli %mul3A_855, %scan3A_854 : i32
        %get3A_857 = arith.index_cast %mul3A_856 : i32 to index
        %get3A_858 = arith.constant 0 : index
        %get3A_859 = tpu.vector_load %arg7[%get3A_857, %get3A_858] {strides = array<i32>} : memref<256x64xf32, #tpu.memory_space<vmem>>, vector<16xf32>,
        %mul3A_860 = arith.constant 2 : i32
        %mul3A_861 = arith.muli %mul3A_860, %scan3A_854 : i32
        %add3A_862 = arith.constant 1 : i32
        %add3A_863 = arith.addi %mul3A_861, %add3A_862 : i32
        %get3A_864 = arith.index_cast %add3A_863 : i32 to index
        %get3A_865 = arith.constant 0 : index
        %get3A_866 = tpu.vector_load %arg7[%get3A_864, %get3A_865] {strides = array<i32>} : memref<256x64xf32, #tpu.memory_space<vmem>>, vector<16xf32>,
        %mul3A_867 = arith.mulf %get3A_859, %get3A_866 : vector<16xf32>
        %mul3A_868 = arith.constant 2 : i32
        %mul3A_869 = arith.muli %mul3A_868, %scan3A_854 : i32
        %get3A_870 = arith.index_cast %mul3A_869 : i32 to index
        %get3A_871 = arith.constant 16 : index
        %get3A_872 = tpu.vector_load %arg7[%get3A_870, %get3A_871] {strides = array<i32>} : memref<256x64xf32, #tpu.memory_space<vmem>>, vector<16xf32>,
        %mul3A_873 = arith.constant 2 : i32
        %mul3A_874 = arith.muli %mul3A_873, %scan3A_854 : i32
        %add3A_875 = arith.constant 1 : i32
        %add3A_876 = arith.addi %mul3A_874, %add3A_875 : i32
        %get3A_877 = arith.index_cast %add3A_876 : i32 to index
        %get3A_878 = arith.constant 16 : index
        %get3A_879 = tpu.vector_load %arg7[%get3A_877, %get3A_878] {strides = array<i32>} : memref<256x64xf32, #tpu.memory_space<vmem>>, vector<16xf32>,
        %mul3A_880 = arith.mulf %get3A_872, %get3A_879 : vector<16xf32>
        %mul3A_881 = arith.constant 2 : i32
        %mul3A_882 = arith.muli %mul3A_881, %scan3A_854 : i32
        %get3A_883 = arith.index_cast %mul3A_882 : i32 to index
        %get3A_884 = arith.constant 32 : index
        %get3A_885 = tpu.vector_load %arg7[%get3A_883, %get3A_884] {strides = array<i32>} : memref<256x64xf32, #tpu.memory_space<vmem>>, vector<16xf32>,
        %mul3A_886 = arith.constant 2 : i32
        %mul3A_887 = arith.muli %mul3A_886, %scan3A_854 : i32
        %add3A_888 = arith.constant 1 : i32
        %add3A_889 = arith.addi %mul3A_887, %add3A_888 : i32
        %get3A_890 = arith.index_cast %add3A_889 : i32 to index
        %get3A_891 = arith.constant 32 : index
        %get3A_892 = tpu.vector_load %arg7[%get3A_890, %get3A_891] {strides = array<i32>} : memref<256x64xf32, #tpu.memory_space<vmem>>, vector<16xf32>,
        %mul3A_893 = arith.mulf %get3A_885, %get3A_892 : vector<16xf32>
        %mul3A_894 = arith.constant 2 : i32
        %mul3A_895 = arith.muli %mul3A_894, %scan3A_854 : i32
        %get3A_896 = arith.index_cast %mul3A_895 : i32 to index
        %get3A_897 = arith.constant 48 : index
        %get3A_898 = tpu.vector_load %arg7[%get3A_896, %get3A_897] {strides = array<i32>} : memref<256x64xf32, #tpu.memory_space<vmem>>, vector<16xf32>,
        %mul3A_899 = arith.constant 2 : i32
        %mul3A_900 = arith.muli %mul3A_899, %scan3A_854 : i32
        %add3A_901 = arith.constant 1 : i32
        %add3A_902 = arith.addi %mul3A_900, %add3A_901 : i32
        %get3A_903 = arith.index_cast %add3A_902 : i32 to index
        %get3A_904 = arith.constant 48 : index
        %get3A_905 = tpu.vector_load %arg7[%get3A_903, %get3A_904] {strides = array<i32>} : memref<256x64xf32, #tpu.memory_space<vmem>>, vector<16xf32>,
        %mul3A_906 = arith.mulf %get3A_898, %get3A_905 : vector<16xf32>
        %add3A_907 = arith.addf %mul3A_867, %mul3A_880 : vector<16xf32>
        %add3A_908 = arith.addf %mul3A_893, %mul3A_906 : vector<16xf32>
        %add3A_909 = arith.addf %add3A_907, %add3A_908 : vector<16xf32>
        %broadcast_in_dim3A_910 = arith.constant true
        %broadcast_in_dim3A_911 = vector.broadcast %broadcast_in_dim3A_910 : i1 to vector<16xi1>
        %masked_cumsum3A_912 = tpu.scan <sum>, %add3A_909 masked %broadcast_in_dim3A_911 : vector<16xf32>, vector<16xi1> -> vector<16xf32>
        %broadcast_in_dim3A_913 = vector.broadcast %scan3A_854 : i32 to vector<16xi32>
        tpu.vector_store_idx %arg11[%broadcast_in_dim3A_913], %masked_cumsum3A_912 masked %eq3A_2 : memref<128xf32, #tpu.memory_space<vmem>>[vector<16xi32>], vector<16xf32>, vector<16xi1>
        %scan3A_914 = arith.constant 3 : i32
        %scan3A_915 = arith.addi %scan3A_735, %scan3A_914 : i32
        %mul3A_916 = arith.constant 2 : i32
        %mul3A_917 = arith.muli %mul3A_916, %scan3A_915 : i32
        %get3A_918 = arith.index_cast %mul3A_917 : i32 to index
        %get3A_919 = arith.constant 0 : index
        %get3A_920 = tpu.vector_load %arg7[%get3A_918, %get3A_919] {strides = array<i32>} : memref<256x64xf32, #tpu.memory_space<vmem>>, vector<16xf32>,
        %mul3A_921 = arith.constant 2 : i32
        %mul3A_922 = arith.muli %mul3A_921, %scan3A_915 : i32
        %add3A_923 = arith.constant 1 : i32
        %add3A_924 = arith.addi %mul3A_922, %add3A_923 : i32
        %get3A_925 = arith.index_cast %add3A_924 : i32 to index
        %get3A_926 = arith.constant 0 : index
        %get3A_927 = tpu.vector_load %arg7[%get3A_925, %get3A_926] {strides = array<i32>} : memref<256x64xf32, #tpu.memory_space<vmem>>, vector<16xf32>,
        %mul3A_928 = arith.mulf %get3A_920, %get3A_927 : vector<16xf32>
        %mul3A_929 = arith.constant 2 : i32
        %mul3A_930 = arith.muli %mul3A_929, %scan3A_915 : i32
        %get3A_931 = arith.index_cast %mul3A_930 : i32 to index
        %get3A_932 = arith.constant 16 : index
        %get3A_933 = tpu.vector_load %arg7[%get3A_931, %get3A_932] {strides = array<i32>} : memref<256x64xf32, #tpu.memory_space<vmem>>, vector<16xf32>,
        %mul3A_934 = arith.constant 2 : i32
        %mul3A_935 = arith.muli %mul3A_934, %scan3A_915 : i32
        %add3A_936 = arith.constant 1 : i32
        %add3A_937 = arith.addi %mul3A_935, %add3A_936 : i32
        %get3A_938 = arith.index_cast %add3A_937 : i32 to index
        %get3A_939 = arith.constant 16 : index
        %get3A_940 = tpu.vector_load %arg7[%get3A_938, %get3A_939] {strides = array<i32>} : memref<256x64xf32, #tpu.memory_space<vmem>>, vector<16xf32>,
        %mul3A_941 = arith.mulf %get3A_933, %get3A_940 : vector<16xf32>
        %mul3A_942 = arith.constant 2 : i32
        %mul3A_943 = arith.muli %mul3A_942, %scan3A_915 : i32
        %get3A_944 = arith.index_cast %mul3A_943 : i32 to index
        %get3A_945 = arith.constant 32 : index
        %get3A_946 = tpu.vector_load %arg7[%get3A_944, %get3A_945] {strides = array<i32>} : memref<256x64xf32, #tpu.memory_space<vmem>>, vector<16xf32>,
        %mul3A_947 = arith.constant 2 : i32
        %mul3A_948 = arith.muli %mul3A_947, %scan3A_915 : i32
        %add3A_949 = arith.constant 1 : i32
        %add3A_950 = arith.addi %mul3A_948, %add3A_949 : i32
        %get3A_951 = arith.index_cast %add3A_950 : i32 to index
        %get3A_952 = arith.constant 32 : index
        %get3A_953 = tpu.vector_load %arg7[%get3A_951, %get3A_952] {strides = array<i32>} : memref<256x64xf32, #tpu.memory_space<vmem>>, vector<16xf32>,
        %mul3A_954 = arith.mulf %get3A_946, %get3A_953 : vector<16xf32>
        %mul3A_955 = arith.constant 2 : i32
        %mul3A_956 = arith.muli %mul3A_955, %scan3A_915 : i32
        %get3A_957 = arith.index_cast %mul3A_956 : i32 to index
        %get3A_958 = arith.constant 48 : index
        %get3A_959 = tpu.vector_load %arg7[%get3A_957, %get3A_958] {strides = array<i32>} : memref<256x64xf32, #tpu.memory_space<vmem>>, vector<16xf32>,
        %mul3A_960 = arith.constant 2 : i32
        %mul3A_961 = arith.muli %mul3A_960, %scan3A_915 : i32
        %add3A_962 = arith.constant 1 : i32
        %add3A_963 = arith.addi %mul3A_961, %add3A_962 : i32
        %get3A_964 = arith.index_cast %add3A_963 : i32 to index
        %get3A_965 = arith.constant 48 : index
        %get3A_966 = tpu.vector_load %arg7[%get3A_964, %get3A_965] {strides = array<i32>} : memref<256x64xf32, #tpu.memory_space<vmem>>, vector<16xf32>,
        %mul3A_967 = arith.mulf %get3A_959, %get3A_966 : vector<16xf32>
        %add3A_968 = arith.addf %mul3A_928, %mul3A_941 : vector<16xf32>
        %add3A_969 = arith.addf %mul3A_954, %mul3A_967 : vector<16xf32>
        %add3A_970 = arith.addf %add3A_968, %add3A_969 : vector<16xf32>
        %broadcast_in_dim3A_971 = arith.constant true
        %broadcast_in_dim3A_972 = vector.broadcast %broadcast_in_dim3A_971 : i1 to vector<16xi1>
        %masked_cumsum3A_973 = tpu.scan <sum>, %add3A_970 masked %broadcast_in_dim3A_972 : vector<16xf32>, vector<16xi1> -> vector<16xf32>
        %broadcast_in_dim3A_974 = vector.broadcast %scan3A_915 : i32 to vector<16xi32>
        tpu.vector_store_idx %arg11[%broadcast_in_dim3A_974], %masked_cumsum3A_973 masked %eq3A_2 : memref<128xf32, #tpu.memory_space<vmem>>[vector<16xi32>], vector<16xf32>, vector<16xi1>
      }
      %scan3A_513 = arith.constant 128 : i32
      %mul3A_514 = arith.constant 25600 : i32
      %mul3A_515 = arith.muli %add3A, %mul3A_514 : i32
      %mul3A_516 = arith.constant 128 : i32
      %mul3A_517 = arith.muli %add3A_483, %mul3A_516 : i32
      %add3A_518 = arith.addi %mul3A_515, %mul3A_517 : i32
      %dma_start3A_519 = tpu.memref_slice %arg4[%add3A_518] : memref<819200xf32, #tpu.memory_space<hbm>> -> memref<128xf32, #tpu.memory_space<hbm>>
      %dma_start3A_520 = tpu.memref_slice %arg4[%add3A_518] : memref<819200xf32, #tpu.memory_space<hbm>> -> memref<128xf32, #tpu.memory_space<hbm>>
      tpu.enqueue_dma source(%arg11 : memref<128xf32, #tpu.memory_space<vmem>>) target(%dma_start3A_520 : memref<128xf32, #tpu.memory_space<hbm>>) target_semaphore(%arg20 : memref<!tpu.dma_semaphore, #tpu.memory_space<semaphore_mem>>)
      %add3A_521 = arith.constant 4 : i32
      %add3A_522 = arith.addi %add3A_483, %add3A_521 : i32
      %jit3A_523 = arith.constant 200 : i32
      %eq3A_524 = arith.constant 0 : i32
      %eq3A_525 = arith.cmpi eq, %jit3A_523, %eq3A_524 : i32
      %jit3A_526 = arith.constant 1 : i32
      %select_n3A_527 = arith.select %eq3A_525, %jit3A_526, %jit3A_523 : i32
      %rem3A_528 = arith.remsi %add3A_522, %select_n3A_527 : i32
      %ne3A_529 = arith.constant 0 : i32
      %ne3A_530 = arith.cmpi ne, %rem3A_528, %ne3A_529 : i32
      %lt3A_531 = arith.constant 0 : i32
      %lt3A_532 = arith.cmpi slt, %rem3A_528, %lt3A_531 : i32
      %lt3A_533 = arith.constant 0 : i32
      %lt3A_534 = arith.cmpi slt, %select_n3A_527, %lt3A_533 : i32
      %ne3A_535 = arith.xori %lt3A_532, %lt3A_534 : i1
      %and3A_536 = arith.andi %ne3A_535, %ne3A_530 : i1
      %add3A_537 = arith.addi %rem3A_528, %select_n3A_527 : i32
      %select_n3A_538 = arith.select %and3A_536, %add3A_537, %rem3A_528 : i32
      %mul3A_539 = arith.constant 2 : i32
      %mul3A_540 = arith.muli %select_n3A_538, %mul3A_539 : i32
      %add3A_541 = arith.constant 0 : i32
      %add3A_542 = arith.addi %mul3A_540, %add3A_541 : i32
      %dma_start3A_543 = arith.constant 0 : i32
      %dma_start3A_544 = arith.constant 0 : i32
      %dma_start3A_545 = tpu.memref_slice %arg7[%dma_start3A_543, %dma_start3A_544] : memref<256x64xf32, #tpu.memory_space<vmem>> -> memref<128x64xf32, #tpu.memory_space<vmem>>
      %dma_start3A_546 = arith.constant 0 : i32
      %dma_start3A_547 = tpu.memref_slice %arg5[%add3A_542, %dma_start3A_546] : memref<400x128xi32, #tpu.memory_space<vmem>> -> memref<1x128xi32, #tpu.memory_space<vmem>>
      %dma_start3A_548 = tpu.memref_squeeze %dma_start3A_547 : memref<1x128xi32, #tpu.memory_space<vmem>> -> memref<128xi32, #tpu.memory_space<vmem>>
      %dma_start3A_549 = arith.constant 0 : i32
      %dma_start3A_550 = arith.constant 0 : i32
      %dma_start3A_551 = tpu.memref_slice %arg2[%dma_start3A_549, %dma_start3A_550] : memref<1000000x64xf32, #tpu.memory_space<hbm>> -> memref<1000000x64xf32, #tpu.memory_space<hbm>>
      tpu.enqueue_indirect_dma source(%dma_start3A_551 : memref<1000000x64xf32, #tpu.memory_space<hbm>>) target(%dma_start3A_545 : memref<128x64xf32, #tpu.memory_space<vmem>>) offsets(%dma_start3A_548 : memref<128xi32, #tpu.memory_space<vmem>>) semaphore(%arg16 : memref<!tpu.dma_semaphore, #tpu.memory_space<semaphore_mem>>)
      %mul3A_552 = arith.constant 2 : i32
      %mul3A_553 = arith.muli %select_n3A_538, %mul3A_552 : i32
      %add3A_554 = arith.constant 1 : i32
      %add3A_555 = arith.addi %mul3A_553, %add3A_554 : i32
      %dma_start3A_556 = arith.constant 128 : i32
      %dma_start3A_557 = arith.constant 0 : i32
      %dma_start3A_558 = tpu.memref_slice %arg7[%dma_start3A_556, %dma_start3A_557] : memref<256x64xf32, #tpu.memory_space<vmem>> -> memref<128x64xf32, #tpu.memory_space<vmem>>
      %dma_start3A_559 = arith.constant 0 : i32
      %dma_start3A_560 = tpu.memref_slice %arg5[%add3A_555, %dma_start3A_559] : memref<400x128xi32, #tpu.memory_space<vmem>> -> memref<1x128xi32, #tpu.memory_space<vmem>>
      %dma_start3A_561 = tpu.memref_squeeze %dma_start3A_560 : memref<1x128xi32, #tpu.memory_space<vmem>> -> memref<128xi32, #tpu.memory_space<vmem>>
      %dma_start3A_562 = arith.constant 0 : i32
      %dma_start3A_563 = arith.constant 0 : i32
      %dma_start3A_564 = tpu.memref_slice %arg2[%dma_start3A_562, %dma_start3A_563] : memref<1000000x64xf32, #tpu.memory_space<hbm>> -> memref<1000000x64xf32, #tpu.memory_space<hbm>>
      tpu.enqueue_indirect_dma source(%dma_start3A_564 : memref<1000000x64xf32, #tpu.memory_space<hbm>>) target(%dma_start3A_558 : memref<128x64xf32, #tpu.memory_space<vmem>>) offsets(%dma_start3A_561 : memref<128xi32, #tpu.memory_space<vmem>>) semaphore(%arg16 : memref<!tpu.dma_semaphore, #tpu.memory_space<semaphore_mem>>)
      %mul3A_565 = arith.constant 4 : i32
      %mul3A_566 = arith.muli %scan3A_400, %mul3A_565 : i32
      %add3A_567 = arith.constant 2 : i32
      %add3A_568 = arith.addi %mul3A_566, %add3A_567 : i32
      %dma_wait3A_569 = arith.constant 0 : i32
      %dma_wait3A_570 = arith.constant 0 : i32
      %dma_wait3A_571 = arith.constant 0 : i32
      %dma_wait3A_572 = tpu.memref_slice %arg8[%dma_wait3A_570, %dma_wait3A_571] : memref<256x64xf32, #tpu.memory_space<vmem>> -> memref<128x64xf32, #tpu.memory_space<vmem>>
      %dma_wait3A_573 = arith.constant 0 : i32
      %dma_wait3A_574 = tpu.memref_slice %arg5[%dma_wait3A_569, %dma_wait3A_573] : memref<400x128xi32, #tpu.memory_space<vmem>> -> memref<1x128xi32, #tpu.memory_space<vmem>>
      %dma_wait3A_575 = tpu.memref_squeeze %dma_wait3A_574 : memref<1x128xi32, #tpu.memory_space<vmem>> -> memref<128xi32, #tpu.memory_space<vmem>>
      %dma_wait3A_576 = arith.constant 0 : i32
      %dma_wait3A_577 = arith.constant 0 : i32
      %dma_wait3A_578 = tpu.memref_slice %arg2[%dma_wait3A_576, %dma_wait3A_577] : memref<1000000x64xf32, #tpu.memory_space<hbm>> -> memref<1000000x64xf32, #tpu.memory_space<hbm>>
      tpu.wait_indirect_dma semaphore(%arg17 : memref<!tpu.dma_semaphore, #tpu.memory_space<semaphore_mem>>) src(%dma_wait3A_578 : memref<1000000x64xf32, #tpu.memory_space<hbm>>) dst(%dma_wait3A_572 : memref<128x64xf32, #tpu.memory_space<vmem>>)
      %dma_wait3A_579 = arith.constant 1 : i32
      %dma_wait3A_580 = arith.constant 128 : i32
      %dma_wait3A_581 = arith.constant 0 : i32
      %dma_wait3A_582 = tpu.memref_slice %arg8[%dma_wait3A_580, %dma_wait3A_581] : memref<256x64xf32, #tpu.memory_space<vmem>> -> memref<128x64xf32, #tpu.memory_space<vmem>>
      %dma_wait3A_583 = arith.constant 0 : i32
      %dma_wait3A_584 = tpu.memref_slice %arg5[%dma_wait3A_579, %dma_wait3A_583] : memref<400x128xi32, #tpu.memory_space<vmem>> -> memref<1x128xi32, #tpu.memory_space<vmem>>
      %dma_wait3A_585 = tpu.memref_squeeze %dma_wait3A_584 : memref<1x128xi32, #tpu.memory_space<vmem>> -> memref<128xi32, #tpu.memory_space<vmem>>
      %dma_wait3A_586 = arith.constant 0 : i32
      %dma_wait3A_587 = arith.constant 0 : i32
      %dma_wait3A_588 = tpu.memref_slice %arg2[%dma_wait3A_586, %dma_wait3A_587] : memref<1000000x64xf32, #tpu.memory_space<hbm>> -> memref<1000000x64xf32, #tpu.memory_space<hbm>>
      tpu.wait_indirect_dma semaphore(%arg17 : memref<!tpu.dma_semaphore, #tpu.memory_space<semaphore_mem>>) src(%dma_wait3A_588 : memref<1000000x64xf32, #tpu.memory_space<hbm>>) dst(%dma_wait3A_582 : memref<128x64xf32, #tpu.memory_space<vmem>>)
      %dma_wait3A_589 = arith.constant 0 : i32
      %dma_wait3A_590 = tpu.memref_slice %arg4[%dma_wait3A_589] : memref<819200xf32, #tpu.memory_space<hbm>> -> memref<128xf32, #tpu.memory_space<hbm>>
      %dma_wait3A_591 = arith.constant 0 : i32
      %dma_wait3A_592 = tpu.memref_slice %arg4[%dma_wait3A_591] : memref<819200xf32, #tpu.memory_space<hbm>> -> memref<128xf32, #tpu.memory_space<hbm>>
      tpu.wait_dma2 semaphore(%arg21 : memref<!tpu.dma_semaphore, #tpu.memory_space<semaphore_mem>>) src(%arg12 : memref<128xf32, #tpu.memory_space<vmem>>) dst(%dma_wait3A_592 : memref<128xf32, #tpu.memory_space<hbm>>)
      %scan3A_593 = arith.constant 0 : i32
      %scan3A_594 = arith.constant 0 : i32
      %scan3A_595 = arith.constant 128 : i32
      %scan3A_596 = arith.addi %scan3A_594, %scan3A_595 : i32
      %scan3A_597 = arith.constant 4 : i32
      scf.for %scan3A_735 = %scan3A_594 to %scan3A_596 step %scan3A_597  : i32 {
        %mul3A_736 = arith.constant 2 : i32
        %mul3A_737 = arith.muli %mul3A_736, %scan3A_735 : i32
        %get3A = arith.index_cast %mul3A_737 : i32 to index
        %get3A_738 = arith.constant 0 : index
        %get3A_739 = tpu.vector_load %arg8[%get3A, %get3A_738] {strides = array<i32>} : memref<256x64xf32, #tpu.memory_space<vmem>>, vector<16xf32>,
        %mul3A_740 = arith.constant 2 : i32
        %mul3A_741 = arith.muli %mul3A_740, %scan3A_735 : i32
        %add3A_742 = arith.constant 1 : i32
        %add3A_743 = arith.addi %mul3A_741, %add3A_742 : i32
        %get3A_744 = arith.index_cast %add3A_743 : i32 to index
        %get3A_745 = arith.constant 0 : index
        %get3A_746 = tpu.vector_load %arg8[%get3A_744, %get3A_745] {strides = array<i32>} : memref<256x64xf32, #tpu.memory_space<vmem>>, vector<16xf32>,
        %mul3A_747 = arith.mulf %get3A_739, %get3A_746 : vector<16xf32>
        %mul3A_748 = arith.constant 2 : i32
        %mul3A_749 = arith.muli %mul3A_748, %scan3A_735 : i32
        %get3A_750 = arith.index_cast %mul3A_749 : i32 to index
        %get3A_751 = arith.constant 16 : index
        %get3A_752 = tpu.vector_load %arg8[%get3A_750, %get3A_751] {strides = array<i32>} : memref<256x64xf32, #tpu.memory_space<vmem>>, vector<16xf32>,
        %mul3A_753 = arith.constant 2 : i32
        %mul3A_754 = arith.muli %mul3A_753, %scan3A_735 : i32
        %add3A_755 = arith.constant 1 : i32
        %add3A_756 = arith.addi %mul3A_754, %add3A_755 : i32
        %get3A_757 = arith.index_cast %add3A_756 : i32 to index
        %get3A_758 = arith.constant 16 : index
        %get3A_759 = tpu.vector_load %arg8[%get3A_757, %get3A_758] {strides = array<i32>} : memref<256x64xf32, #tpu.memory_space<vmem>>, vector<16xf32>,
        %mul3A_760 = arith.mulf %get3A_752, %get3A_759 : vector<16xf32>
        %mul3A_761 = arith.constant 2 : i32
        %mul3A_762 = arith.muli %mul3A_761, %scan3A_735 : i32
        %get3A_763 = arith.index_cast %mul3A_762 : i32 to index
        %get3A_764 = arith.constant 32 : index
        %get3A_765 = tpu.vector_load %arg8[%get3A_763, %get3A_764] {strides = array<i32>} : memref<256x64xf32, #tpu.memory_space<vmem>>, vector<16xf32>,
        %mul3A_766 = arith.constant 2 : i32
        %mul3A_767 = arith.muli %mul3A_766, %scan3A_735 : i32
        %add3A_768 = arith.constant 1 : i32
        %add3A_769 = arith.addi %mul3A_767, %add3A_768 : i32
        %get3A_770 = arith.index_cast %add3A_769 : i32 to index
        %get3A_771 = arith.constant 32 : index
        %get3A_772 = tpu.vector_load %arg8[%get3A_770, %get3A_771] {strides = array<i32>} : memref<256x64xf32, #tpu.memory_space<vmem>>, vector<16xf32>,
        %mul3A_773 = arith.mulf %get3A_765, %get3A_772 : vector<16xf32>
        %mul3A_774 = arith.constant 2 : i32
        %mul3A_775 = arith.muli %mul3A_774, %scan3A_735 : i32
        %get3A_776 = arith.index_cast %mul3A_775 : i32 to index
        %get3A_777 = arith.constant 48 : index
        %get3A_778 = tpu.vector_load %arg8[%get3A_776, %get3A_777] {strides = array<i32>} : memref<256x64xf32, #tpu.memory_space<vmem>>, vector<16xf32>,
        %mul3A_779 = arith.constant 2 : i32
        %mul3A_780 = arith.muli %mul3A_779, %scan3A_735 : i32
        %add3A_781 = arith.constant 1 : i32
        %add3A_782 = arith.addi %mul3A_780, %add3A_781 : i32
        %get3A_783 = arith.index_cast %add3A_782 : i32 to index
        %get3A_784 = arith.constant 48 : index
        %get3A_785 = tpu.vector_load %arg8[%get3A_783, %get3A_784] {strides = array<i32>} : memref<256x64xf32, #tpu.memory_space<vmem>>, vector<16xf32>,
        %mul3A_786 = arith.mulf %get3A_778, %get3A_785 : vector<16xf32>
        %add3A_787 = arith.addf %mul3A_747, %mul3A_760 : vector<16xf32>
        %add3A_788 = arith.addf %mul3A_773, %mul3A_786 : vector<16xf32>
        %add3A_789 = arith.addf %add3A_787, %add3A_788 : vector<16xf32>
        %broadcast_in_dim3A = arith.constant true
        %broadcast_in_dim3A_790 = vector.broadcast %broadcast_in_dim3A : i1 to vector<16xi1>
        %masked_cumsum3A = tpu.scan <sum>, %add3A_789 masked %broadcast_in_dim3A_790 : vector<16xf32>, vector<16xi1> -> vector<16xf32>
        %broadcast_in_dim3A_791 = vector.broadcast %scan3A_735 : i32 to vector<16xi32>
        tpu.vector_store_idx %arg12[%broadcast_in_dim3A_791], %masked_cumsum3A masked %eq3A_2 : memref<128xf32, #tpu.memory_space<vmem>>[vector<16xi32>], vector<16xf32>, vector<16xi1>
        %scan3A_792 = arith.constant 1 : i32
        %scan3A_793 = arith.addi %scan3A_735, %scan3A_792 : i32
        %mul3A_794 = arith.constant 2 : i32
        %mul3A_795 = arith.muli %mul3A_794, %scan3A_793 : i32
        %get3A_796 = arith.index_cast %mul3A_795 : i32 to index
        %get3A_797 = arith.constant 0 : index
        %get3A_798 = tpu.vector_load %arg8[%get3A_796, %get3A_797] {strides = array<i32>} : memref<256x64xf32, #tpu.memory_space<vmem>>, vector<16xf32>,
        %mul3A_799 = arith.constant 2 : i32
        %mul3A_800 = arith.muli %mul3A_799, %scan3A_793 : i32
        %add3A_801 = arith.constant 1 : i32
        %add3A_802 = arith.addi %mul3A_800, %add3A_801 : i32
        %get3A_803 = arith.index_cast %add3A_802 : i32 to index
        %get3A_804 = arith.constant 0 : index
        %get3A_805 = tpu.vector_load %arg8[%get3A_803, %get3A_804] {strides = array<i32>} : memref<256x64xf32, #tpu.memory_space<vmem>>, vector<16xf32>,
        %mul3A_806 = arith.mulf %get3A_798, %get3A_805 : vector<16xf32>
        %mul3A_807 = arith.constant 2 : i32
        %mul3A_808 = arith.muli %mul3A_807, %scan3A_793 : i32
        %get3A_809 = arith.index_cast %mul3A_808 : i32 to index
        %get3A_810 = arith.constant 16 : index
        %get3A_811 = tpu.vector_load %arg8[%get3A_809, %get3A_810] {strides = array<i32>} : memref<256x64xf32, #tpu.memory_space<vmem>>, vector<16xf32>,
        %mul3A_812 = arith.constant 2 : i32
        %mul3A_813 = arith.muli %mul3A_812, %scan3A_793 : i32
        %add3A_814 = arith.constant 1 : i32
        %add3A_815 = arith.addi %mul3A_813, %add3A_814 : i32
        %get3A_816 = arith.index_cast %add3A_815 : i32 to index
        %get3A_817 = arith.constant 16 : index
        %get3A_818 = tpu.vector_load %arg8[%get3A_816, %get3A_817] {strides = array<i32>} : memref<256x64xf32, #tpu.memory_space<vmem>>, vector<16xf32>,
        %mul3A_819 = arith.mulf %get3A_811, %get3A_818 : vector<16xf32>
        %mul3A_820 = arith.constant 2 : i32
        %mul3A_821 = arith.muli %mul3A_820, %scan3A_793 : i32
        %get3A_822 = arith.index_cast %mul3A_821 : i32 to index
        %get3A_823 = arith.constant 32 : index
        %get3A_824 = tpu.vector_load %arg8[%get3A_822, %get3A_823] {strides = array<i32>} : memref<256x64xf32, #tpu.memory_space<vmem>>, vector<16xf32>,
        %mul3A_825 = arith.constant 2 : i32
        %mul3A_826 = arith.muli %mul3A_825, %scan3A_793 : i32
        %add3A_827 = arith.constant 1 : i32
        %add3A_828 = arith.addi %mul3A_826, %add3A_827 : i32
        %get3A_829 = arith.index_cast %add3A_828 : i32 to index
        %get3A_830 = arith.constant 32 : index
        %get3A_831 = tpu.vector_load %arg8[%get3A_829, %get3A_830] {strides = array<i32>} : memref<256x64xf32, #tpu.memory_space<vmem>>, vector<16xf32>,
        %mul3A_832 = arith.mulf %get3A_824, %get3A_831 : vector<16xf32>
        %mul3A_833 = arith.constant 2 : i32
        %mul3A_834 = arith.muli %mul3A_833, %scan3A_793 : i32
        %get3A_835 = arith.index_cast %mul3A_834 : i32 to index
        %get3A_836 = arith.constant 48 : index
        %get3A_837 = tpu.vector_load %arg8[%get3A_835, %get3A_836] {strides = array<i32>} : memref<256x64xf32, #tpu.memory_space<vmem>>, vector<16xf32>,
        %mul3A_838 = arith.constant 2 : i32
        %mul3A_839 = arith.muli %mul3A_838, %scan3A_793 : i32
        %add3A_840 = arith.constant 1 : i32
        %add3A_841 = arith.addi %mul3A_839, %add3A_840 : i32
        %get3A_842 = arith.index_cast %add3A_841 : i32 to index
        %get3A_843 = arith.constant 48 : index
        %get3A_844 = tpu.vector_load %arg8[%get3A_842, %get3A_843] {strides = array<i32>} : memref<256x64xf32, #tpu.memory_space<vmem>>, vector<16xf32>,
        %mul3A_845 = arith.mulf %get3A_837, %get3A_844 : vector<16xf32>
        %add3A_846 = arith.addf %mul3A_806, %mul3A_819 : vector<16xf32>
        %add3A_847 = arith.addf %mul3A_832, %mul3A_845 : vector<16xf32>
        %add3A_848 = arith.addf %add3A_846, %add3A_847 : vector<16xf32>
        %broadcast_in_dim3A_849 = arith.constant true
        %broadcast_in_dim3A_850 = vector.broadcast %broadcast_in_dim3A_849 : i1 to vector<16xi1>
        %masked_cumsum3A_851 = tpu.scan <sum>, %add3A_848 masked %broadcast_in_dim3A_850 : vector<16xf32>, vector<16xi1> -> vector<16xf32>
        %broadcast_in_dim3A_852 = vector.broadcast %scan3A_793 : i32 to vector<16xi32>
        tpu.vector_store_idx %arg12[%broadcast_in_dim3A_852], %masked_cumsum3A_851 masked %eq3A_2 : memref<128xf32, #tpu.memory_space<vmem>>[vector<16xi32>], vector<16xf32>, vector<16xi1>
        %scan3A_853 = arith.constant 2 : i32
        %scan3A_854 = arith.addi %scan3A_735, %scan3A_853 : i32
        %mul3A_855 = arith.constant 2 : i32
        %mul3A_856 = arith.muli %mul3A_855, %scan3A_854 : i32
        %get3A_857 = arith.index_cast %mul3A_856 : i32 to index
        %get3A_858 = arith.constant 0 : index
        %get3A_859 = tpu.vector_load %arg8[%get3A_857, %get3A_858] {strides = array<i32>} : memref<256x64xf32, #tpu.memory_space<vmem>>, vector<16xf32>,
        %mul3A_860 = arith.constant 2 : i32
        %mul3A_861 = arith.muli %mul3A_860, %scan3A_854 : i32
        %add3A_862 = arith.constant 1 : i32
        %add3A_863 = arith.addi %mul3A_861, %add3A_862 : i32
        %get3A_864 = arith.index_cast %add3A_863 : i32 to index
        %get3A_865 = arith.constant 0 : index
        %get3A_866 = tpu.vector_load %arg8[%get3A_864, %get3A_865] {strides = array<i32>} : memref<256x64xf32, #tpu.memory_space<vmem>>, vector<16xf32>,
        %mul3A_867 = arith.mulf %get3A_859, %get3A_866 : vector<16xf32>
        %mul3A_868 = arith.constant 2 : i32
        %mul3A_869 = arith.muli %mul3A_868, %scan3A_854 : i32
        %get3A_870 = arith.index_cast %mul3A_869 : i32 to index
        %get3A_871 = arith.constant 16 : index
        %get3A_872 = tpu.vector_load %arg8[%get3A_870, %get3A_871] {strides = array<i32>} : memref<256x64xf32, #tpu.memory_space<vmem>>, vector<16xf32>,
        %mul3A_873 = arith.constant 2 : i32
        %mul3A_874 = arith.muli %mul3A_873, %scan3A_854 : i32
        %add3A_875 = arith.constant 1 : i32
        %add3A_876 = arith.addi %mul3A_874, %add3A_875 : i32
        %get3A_877 = arith.index_cast %add3A_876 : i32 to index
        %get3A_878 = arith.constant 16 : index
        %get3A_879 = tpu.vector_load %arg8[%get3A_877, %get3A_878] {strides = array<i32>} : memref<256x64xf32, #tpu.memory_space<vmem>>, vector<16xf32>,
        %mul3A_880 = arith.mulf %get3A_872, %get3A_879 : vector<16xf32>
        %mul3A_881 = arith.constant 2 : i32
        %mul3A_882 = arith.muli %mul3A_881, %scan3A_854 : i32
        %get3A_883 = arith.index_cast %mul3A_882 : i32 to index
        %get3A_884 = arith.constant 32 : index
        %get3A_885 = tpu.vector_load %arg8[%get3A_883, %get3A_884] {strides = array<i32>} : memref<256x64xf32, #tpu.memory_space<vmem>>, vector<16xf32>,
        %mul3A_886 = arith.constant 2 : i32
        %mul3A_887 = arith.muli %mul3A_886, %scan3A_854 : i32
        %add3A_888 = arith.constant 1 : i32
        %add3A_889 = arith.addi %mul3A_887, %add3A_888 : i32
        %get3A_890 = arith.index_cast %add3A_889 : i32 to index
        %get3A_891 = arith.constant 32 : index
        %get3A_892 = tpu.vector_load %arg8[%get3A_890, %get3A_891] {strides = array<i32>} : memref<256x64xf32, #tpu.memory_space<vmem>>, vector<16xf32>,
        %mul3A_893 = arith.mulf %get3A_885, %get3A_892 : vector<16xf32>
        %mul3A_894 = arith.constant 2 : i32
        %mul3A_895 = arith.muli %mul3A_894, %scan3A_854 : i32
        %get3A_896 = arith.index_cast %mul3A_895 : i32 to index
        %get3A_897 = arith.constant 48 : index
        %get3A_898 = tpu.vector_load %arg8[%get3A_896, %get3A_897] {strides = array<i32>} : memref<256x64xf32, #tpu.memory_space<vmem>>, vector<16xf32>,
        %mul3A_899 = arith.constant 2 : i32
        %mul3A_900 = arith.muli %mul3A_899, %scan3A_854 : i32
        %add3A_901 = arith.constant 1 : i32
        %add3A_902 = arith.addi %mul3A_900, %add3A_901 : i32
        %get3A_903 = arith.index_cast %add3A_902 : i32 to index
        %get3A_904 = arith.constant 48 : index
        %get3A_905 = tpu.vector_load %arg8[%get3A_903, %get3A_904] {strides = array<i32>} : memref<256x64xf32, #tpu.memory_space<vmem>>, vector<16xf32>,
        %mul3A_906 = arith.mulf %get3A_898, %get3A_905 : vector<16xf32>
        %add3A_907 = arith.addf %mul3A_867, %mul3A_880 : vector<16xf32>
        %add3A_908 = arith.addf %mul3A_893, %mul3A_906 : vector<16xf32>
        %add3A_909 = arith.addf %add3A_907, %add3A_908 : vector<16xf32>
        %broadcast_in_dim3A_910 = arith.constant true
        %broadcast_in_dim3A_911 = vector.broadcast %broadcast_in_dim3A_910 : i1 to vector<16xi1>
        %masked_cumsum3A_912 = tpu.scan <sum>, %add3A_909 masked %broadcast_in_dim3A_911 : vector<16xf32>, vector<16xi1> -> vector<16xf32>
        %broadcast_in_dim3A_913 = vector.broadcast %scan3A_854 : i32 to vector<16xi32>
        tpu.vector_store_idx %arg12[%broadcast_in_dim3A_913], %masked_cumsum3A_912 masked %eq3A_2 : memref<128xf32, #tpu.memory_space<vmem>>[vector<16xi32>], vector<16xf32>, vector<16xi1>
        %scan3A_914 = arith.constant 3 : i32
        %scan3A_915 = arith.addi %scan3A_735, %scan3A_914 : i32
        %mul3A_916 = arith.constant 2 : i32
        %mul3A_917 = arith.muli %mul3A_916, %scan3A_915 : i32
        %get3A_918 = arith.index_cast %mul3A_917 : i32 to index
        %get3A_919 = arith.constant 0 : index
        %get3A_920 = tpu.vector_load %arg8[%get3A_918, %get3A_919] {strides = array<i32>} : memref<256x64xf32, #tpu.memory_space<vmem>>, vector<16xf32>,
        %mul3A_921 = arith.constant 2 : i32
        %mul3A_922 = arith.muli %mul3A_921, %scan3A_915 : i32
        %add3A_923 = arith.constant 1 : i32
        %add3A_924 = arith.addi %mul3A_922, %add3A_923 : i32
        %get3A_925 = arith.index_cast %add3A_924 : i32 to index
        %get3A_926 = arith.constant 0 : index
        %get3A_927 = tpu.vector_load %arg8[%get3A_925, %get3A_926] {strides = array<i32>} : memref<256x64xf32, #tpu.memory_space<vmem>>, vector<16xf32>,
        %mul3A_928 = arith.mulf %get3A_920, %get3A_927 : vector<16xf32>
        %mul3A_929 = arith.constant 2 : i32
        %mul3A_930 = arith.muli %mul3A_929, %scan3A_915 : i32
        %get3A_931 = arith.index_cast %mul3A_930 : i32 to index
        %get3A_932 = arith.constant 16 : index
        %get3A_933 = tpu.vector_load %arg8[%get3A_931, %get3A_932] {strides = array<i32>} : memref<256x64xf32, #tpu.memory_space<vmem>>, vector<16xf32>,
        %mul3A_934 = arith.constant 2 : i32
        %mul3A_935 = arith.muli %mul3A_934, %scan3A_915 : i32
        %add3A_936 = arith.constant 1 : i32
        %add3A_937 = arith.addi %mul3A_935, %add3A_936 : i32
        %get3A_938 = arith.index_cast %add3A_937 : i32 to index
        %get3A_939 = arith.constant 16 : index
        %get3A_940 = tpu.vector_load %arg8[%get3A_938, %get3A_939] {strides = array<i32>} : memref<256x64xf32, #tpu.memory_space<vmem>>, vector<16xf32>,
        %mul3A_941 = arith.mulf %get3A_933, %get3A_940 : vector<16xf32>
        %mul3A_942 = arith.constant 2 : i32
        %mul3A_943 = arith.muli %mul3A_942, %scan3A_915 : i32
        %get3A_944 = arith.index_cast %mul3A_943 : i32 to index
        %get3A_945 = arith.constant 32 : index
        %get3A_946 = tpu.vector_load %arg8[%get3A_944, %get3A_945] {strides = array<i32>} : memref<256x64xf32, #tpu.memory_space<vmem>>, vector<16xf32>,
        %mul3A_947 = arith.constant 2 : i32
        %mul3A_948 = arith.muli %mul3A_947, %scan3A_915 : i32
        %add3A_949 = arith.constant 1 : i32
        %add3A_950 = arith.addi %mul3A_948, %add3A_949 : i32
        %get3A_951 = arith.index_cast %add3A_950 : i32 to index
        %get3A_952 = arith.constant 32 : index
        %get3A_953 = tpu.vector_load %arg8[%get3A_951, %get3A_952] {strides = array<i32>} : memref<256x64xf32, #tpu.memory_space<vmem>>, vector<16xf32>,
        %mul3A_954 = arith.mulf %get3A_946, %get3A_953 : vector<16xf32>
        %mul3A_955 = arith.constant 2 : i32
        %mul3A_956 = arith.muli %mul3A_955, %scan3A_915 : i32
        %get3A_957 = arith.index_cast %mul3A_956 : i32 to index
        %get3A_958 = arith.constant 48 : index
        %get3A_959 = tpu.vector_load %arg8[%get3A_957, %get3A_958] {strides = array<i32>} : memref<256x64xf32, #tpu.memory_space<vmem>>, vector<16xf32>,
        %mul3A_960 = arith.constant 2 : i32
        %mul3A_961 = arith.muli %mul3A_960, %scan3A_915 : i32
        %add3A_962 = arith.constant 1 : i32
        %add3A_963 = arith.addi %mul3A_961, %add3A_962 : i32
        %get3A_964 = arith.index_cast %add3A_963 : i32 to index
        %get3A_965 = arith.constant 48 : index
        %get3A_966 = tpu.vector_load %arg8[%get3A_964, %get3A_965] {strides = array<i32>} : memref<256x64xf32, #tpu.memory_space<vmem>>, vector<16xf32>,
        %mul3A_967 = arith.mulf %get3A_959, %get3A_966 : vector<16xf32>
        %add3A_968 = arith.addf %mul3A_928, %mul3A_941 : vector<16xf32>
        %add3A_969 = arith.addf %mul3A_954, %mul3A_967 : vector<16xf32>
        %add3A_970 = arith.addf %add3A_968, %add3A_969 : vector<16xf32>
        %broadcast_in_dim3A_971 = arith.constant true
        %broadcast_in_dim3A_972 = vector.broadcast %broadcast_in_dim3A_971 : i1 to vector<16xi1>
        %masked_cumsum3A_973 = tpu.scan <sum>, %add3A_970 masked %broadcast_in_dim3A_972 : vector<16xf32>, vector<16xi1> -> vector<16xf32>
        %broadcast_in_dim3A_974 = vector.broadcast %scan3A_915 : i32 to vector<16xi32>
        tpu.vector_store_idx %arg12[%broadcast_in_dim3A_974], %masked_cumsum3A_973 masked %eq3A_2 : memref<128xf32, #tpu.memory_space<vmem>>[vector<16xi32>], vector<16xf32>, vector<16xi1>
      }
      %scan3A_598 = arith.constant 128 : i32
      %mul3A_599 = arith.constant 25600 : i32
      %mul3A_600 = arith.muli %add3A, %mul3A_599 : i32
      %mul3A_601 = arith.constant 128 : i32
      %mul3A_602 = arith.muli %add3A_568, %mul3A_601 : i32
      %add3A_603 = arith.addi %mul3A_600, %mul3A_602 : i32
      %dma_start3A_604 = tpu.memref_slice %arg4[%add3A_603] : memref<819200xf32, #tpu.memory_space<hbm>> -> memref<128xf32, #tpu.memory_space<hbm>>
      %dma_start3A_605 = tpu.memref_slice %arg4[%add3A_603] : memref<819200xf32, #tpu.memory_space<hbm>> -> memref<128xf32, #tpu.memory_space<hbm>>
      tpu.enqueue_dma source(%arg12 : memref<128xf32, #tpu.memory_space<vmem>>) target(%dma_start3A_605 : memref<128xf32, #tpu.memory_space<hbm>>) target_semaphore(%arg21 : memref<!tpu.dma_semaphore, #tpu.memory_space<semaphore_mem>>)
      %add3A_606 = arith.constant 4 : i32
      %add3A_607 = arith.addi %add3A_568, %add3A_606 : i32
      %jit3A_608 = arith.constant 200 : i32
      %eq3A_609 = arith.constant 0 : i32
      %eq3A_610 = arith.cmpi eq, %jit3A_608, %eq3A_609 : i32
      %jit3A_611 = arith.constant 1 : i32
      %select_n3A_612 = arith.select %eq3A_610, %jit3A_611, %jit3A_608 : i32
      %rem3A_613 = arith.remsi %add3A_607, %select_n3A_612 : i32
      %ne3A_614 = arith.constant 0 : i32
      %ne3A_615 = arith.cmpi ne, %rem3A_613, %ne3A_614 : i32
      %lt3A_616 = arith.constant 0 : i32
      %lt3A_617 = arith.cmpi slt, %rem3A_613, %lt3A_616 : i32
      %lt3A_618 = arith.constant 0 : i32
      %lt3A_619 = arith.cmpi slt, %select_n3A_612, %lt3A_618 : i32
      %ne3A_620 = arith.xori %lt3A_617, %lt3A_619 : i1
      %and3A_621 = arith.andi %ne3A_620, %ne3A_615 : i1
      %add3A_622 = arith.addi %rem3A_613, %select_n3A_612 : i32
      %select_n3A_623 = arith.select %and3A_621, %add3A_622, %rem3A_613 : i32
      %mul3A_624 = arith.constant 2 : i32
      %mul3A_625 = arith.muli %select_n3A_623, %mul3A_624 : i32
      %add3A_626 = arith.constant 0 : i32
      %add3A_627 = arith.addi %mul3A_625, %add3A_626 : i32
      %dma_start3A_628 = arith.constant 0 : i32
      %dma_start3A_629 = arith.constant 0 : i32
      %dma_start3A_630 = tpu.memref_slice %arg8[%dma_start3A_628, %dma_start3A_629] : memref<256x64xf32, #tpu.memory_space<vmem>> -> memref<128x64xf32, #tpu.memory_space<vmem>>
      %dma_start3A_631 = arith.constant 0 : i32
      %dma_start3A_632 = tpu.memref_slice %arg5[%add3A_627, %dma_start3A_631] : memref<400x128xi32, #tpu.memory_space<vmem>> -> memref<1x128xi32, #tpu.memory_space<vmem>>
      %dma_start3A_633 = tpu.memref_squeeze %dma_start3A_632 : memref<1x128xi32, #tpu.memory_space<vmem>> -> memref<128xi32, #tpu.memory_space<vmem>>
      %dma_start3A_634 = arith.constant 0 : i32
      %dma_start3A_635 = arith.constant 0 : i32
      %dma_start3A_636 = tpu.memref_slice %arg2[%dma_start3A_634, %dma_start3A_635] : memref<1000000x64xf32, #tpu.memory_space<hbm>> -> memref<1000000x64xf32, #tpu.memory_space<hbm>>
      tpu.enqueue_indirect_dma source(%dma_start3A_636 : memref<1000000x64xf32, #tpu.memory_space<hbm>>) target(%dma_start3A_630 : memref<128x64xf32, #tpu.memory_space<vmem>>) offsets(%dma_start3A_633 : memref<128xi32, #tpu.memory_space<vmem>>) semaphore(%arg17 : memref<!tpu.dma_semaphore, #tpu.memory_space<semaphore_mem>>)
      %mul3A_637 = arith.constant 2 : i32
      %mul3A_638 = arith.muli %select_n3A_623, %mul3A_637 : i32
      %add3A_639 = arith.constant 1 : i32
      %add3A_640 = arith.addi %mul3A_638, %add3A_639 : i32
      %dma_start3A_641 = arith.constant 128 : i32
      %dma_start3A_642 = arith.constant 0 : i32
      %dma_start3A_643 = tpu.memref_slice %arg8[%dma_start3A_641, %dma_start3A_642] : memref<256x64xf32, #tpu.memory_space<vmem>> -> memref<128x64xf32, #tpu.memory_space<vmem>>
      %dma_start3A_644 = arith.constant 0 : i32
      %dma_start3A_645 = tpu.memref_slice %arg5[%add3A_640, %dma_start3A_644] : memref<400x128xi32, #tpu.memory_space<vmem>> -> memref<1x128xi32, #tpu.memory_space<vmem>>
      %dma_start3A_646 = tpu.memref_squeeze %dma_start3A_645 : memref<1x128xi32, #tpu.memory_space<vmem>> -> memref<128xi32, #tpu.memory_space<vmem>>
      %dma_start3A_647 = arith.constant 0 : i32
      %dma_start3A_648 = arith.constant 0 : i32
      %dma_start3A_649 = tpu.memref_slice %arg2[%dma_start3A_647, %dma_start3A_648] : memref<1000000x64xf32, #tpu.memory_space<hbm>> -> memref<1000000x64xf32, #tpu.memory_space<hbm>>
      tpu.enqueue_indirect_dma source(%dma_start3A_649 : memref<1000000x64xf32, #tpu.memory_space<hbm>>) target(%dma_start3A_643 : memref<128x64xf32, #tpu.memory_space<vmem>>) offsets(%dma_start3A_646 : memref<128xi32, #tpu.memory_space<vmem>>) semaphore(%arg17 : memref<!tpu.dma_semaphore, #tpu.memory_space<semaphore_mem>>)
      %mul3A_650 = arith.constant 4 : i32
      %mul3A_651 = arith.muli %scan3A_400, %mul3A_650 : i32
      %add3A_652 = arith.constant 3 : i32
      %add3A_653 = arith.addi %mul3A_651, %add3A_652 : i32
      %dma_wait3A_654 = arith.constant 0 : i32
      %dma_wait3A_655 = arith.constant 0 : i32
      %dma_wait3A_656 = arith.constant 0 : i32
      %dma_wait3A_657 = tpu.memref_slice %arg9[%dma_wait3A_655, %dma_wait3A_656] : memref<256x64xf32, #tpu.memory_space<vmem>> -> memref<128x64xf32, #tpu.memory_space<vmem>>
      %dma_wait3A_658 = arith.constant 0 : i32
      %dma_wait3A_659 = tpu.memref_slice %arg5[%dma_wait3A_654, %dma_wait3A_658] : memref<400x128xi32, #tpu.memory_space<vmem>> -> memref<1x128xi32, #tpu.memory_space<vmem>>
      %dma_wait3A_660 = tpu.memref_squeeze %dma_wait3A_659 : memref<1x128xi32, #tpu.memory_space<vmem>> -> memref<128xi32, #tpu.memory_space<vmem>>
      %dma_wait3A_661 = arith.constant 0 : i32
      %dma_wait3A_662 = arith.constant 0 : i32
      %dma_wait3A_663 = tpu.memref_slice %arg2[%dma_wait3A_661, %dma_wait3A_662] : memref<1000000x64xf32, #tpu.memory_space<hbm>> -> memref<1000000x64xf32, #tpu.memory_space<hbm>>
      tpu.wait_indirect_dma semaphore(%arg18 : memref<!tpu.dma_semaphore, #tpu.memory_space<semaphore_mem>>) src(%dma_wait3A_663 : memref<1000000x64xf32, #tpu.memory_space<hbm>>) dst(%dma_wait3A_657 : memref<128x64xf32, #tpu.memory_space<vmem>>)
      %dma_wait3A_664 = arith.constant 1 : i32
      %dma_wait3A_665 = arith.constant 128 : i32
      %dma_wait3A_666 = arith.constant 0 : i32
      %dma_wait3A_667 = tpu.memref_slice %arg9[%dma_wait3A_665, %dma_wait3A_666] : memref<256x64xf32, #tpu.memory_space<vmem>> -> memref<128x64xf32, #tpu.memory_space<vmem>>
      %dma_wait3A_668 = arith.constant 0 : i32
      %dma_wait3A_669 = tpu.memref_slice %arg5[%dma_wait3A_664, %dma_wait3A_668] : memref<400x128xi32, #tpu.memory_space<vmem>> -> memref<1x128xi32, #tpu.memory_space<vmem>>
      %dma_wait3A_670 = tpu.memref_squeeze %dma_wait3A_669 : memref<1x128xi32, #tpu.memory_space<vmem>> -> memref<128xi32, #tpu.memory_space<vmem>>
      %dma_wait3A_671 = arith.constant 0 : i32
      %dma_wait3A_672 = arith.constant 0 : i32
      %dma_wait3A_673 = tpu.memref_slice %arg2[%dma_wait3A_671, %dma_wait3A_672] : memref<1000000x64xf32, #tpu.memory_space<hbm>> -> memref<1000000x64xf32, #tpu.memory_space<hbm>>
      tpu.wait_indirect_dma semaphore(%arg18 : memref<!tpu.dma_semaphore, #tpu.memory_space<semaphore_mem>>) src(%dma_wait3A_673 : memref<1000000x64xf32, #tpu.memory_space<hbm>>) dst(%dma_wait3A_667 : memref<128x64xf32, #tpu.memory_space<vmem>>)
      %dma_wait3A_674 = arith.constant 0 : i32
      %dma_wait3A_675 = tpu.memref_slice %arg4[%dma_wait3A_674] : memref<819200xf32, #tpu.memory_space<hbm>> -> memref<128xf32, #tpu.memory_space<hbm>>
      %dma_wait3A_676 = arith.constant 0 : i32
      %dma_wait3A_677 = tpu.memref_slice %arg4[%dma_wait3A_676] : memref<819200xf32, #tpu.memory_space<hbm>> -> memref<128xf32, #tpu.memory_space<hbm>>
      tpu.wait_dma2 semaphore(%arg22 : memref<!tpu.dma_semaphore, #tpu.memory_space<semaphore_mem>>) src(%arg13 : memref<128xf32, #tpu.memory_space<vmem>>) dst(%dma_wait3A_677 : memref<128xf32, #tpu.memory_space<hbm>>)
      %scan3A_678 = arith.constant 0 : i32
      %scan3A_679 = arith.constant 0 : i32
      %scan3A_680 = arith.constant 128 : i32
      %scan3A_681 = arith.addi %scan3A_679, %scan3A_680 : i32
      %scan3A_682 = arith.constant 4 : i32
      scf.for %scan3A_735 = %scan3A_679 to %scan3A_681 step %scan3A_682  : i32 {
        %mul3A_736 = arith.constant 2 : i32
        %mul3A_737 = arith.muli %mul3A_736, %scan3A_735 : i32
        %get3A = arith.index_cast %mul3A_737 : i32 to index
        %get3A_738 = arith.constant 0 : index
        %get3A_739 = tpu.vector_load %arg9[%get3A, %get3A_738] {strides = array<i32>} : memref<256x64xf32, #tpu.memory_space<vmem>>, vector<16xf32>,
        %mul3A_740 = arith.constant 2 : i32
        %mul3A_741 = arith.muli %mul3A_740, %scan3A_735 : i32
        %add3A_742 = arith.constant 1 : i32
        %add3A_743 = arith.addi %mul3A_741, %add3A_742 : i32
        %get3A_744 = arith.index_cast %add3A_743 : i32 to index
        %get3A_745 = arith.constant 0 : index
        %get3A_746 = tpu.vector_load %arg9[%get3A_744, %get3A_745] {strides = array<i32>} : memref<256x64xf32, #tpu.memory_space<vmem>>, vector<16xf32>,
        %mul3A_747 = arith.mulf %get3A_739, %get3A_746 : vector<16xf32>
        %mul3A_748 = arith.constant 2 : i32
        %mul3A_749 = arith.muli %mul3A_748, %scan3A_735 : i32
        %get3A_750 = arith.index_cast %mul3A_749 : i32 to index
        %get3A_751 = arith.constant 16 : index
        %get3A_752 = tpu.vector_load %arg9[%get3A_750, %get3A_751] {strides = array<i32>} : memref<256x64xf32, #tpu.memory_space<vmem>>, vector<16xf32>,
        %mul3A_753 = arith.constant 2 : i32
        %mul3A_754 = arith.muli %mul3A_753, %scan3A_735 : i32
        %add3A_755 = arith.constant 1 : i32
        %add3A_756 = arith.addi %mul3A_754, %add3A_755 : i32
        %get3A_757 = arith.index_cast %add3A_756 : i32 to index
        %get3A_758 = arith.constant 16 : index
        %get3A_759 = tpu.vector_load %arg9[%get3A_757, %get3A_758] {strides = array<i32>} : memref<256x64xf32, #tpu.memory_space<vmem>>, vector<16xf32>,
        %mul3A_760 = arith.mulf %get3A_752, %get3A_759 : vector<16xf32>
        %mul3A_761 = arith.constant 2 : i32
        %mul3A_762 = arith.muli %mul3A_761, %scan3A_735 : i32
        %get3A_763 = arith.index_cast %mul3A_762 : i32 to index
        %get3A_764 = arith.constant 32 : index
        %get3A_765 = tpu.vector_load %arg9[%get3A_763, %get3A_764] {strides = array<i32>} : memref<256x64xf32, #tpu.memory_space<vmem>>, vector<16xf32>,
        %mul3A_766 = arith.constant 2 : i32
        %mul3A_767 = arith.muli %mul3A_766, %scan3A_735 : i32
        %add3A_768 = arith.constant 1 : i32
        %add3A_769 = arith.addi %mul3A_767, %add3A_768 : i32
        %get3A_770 = arith.index_cast %add3A_769 : i32 to index
        %get3A_771 = arith.constant 32 : index
        %get3A_772 = tpu.vector_load %arg9[%get3A_770, %get3A_771] {strides = array<i32>} : memref<256x64xf32, #tpu.memory_space<vmem>>, vector<16xf32>,
        %mul3A_773 = arith.mulf %get3A_765, %get3A_772 : vector<16xf32>
        %mul3A_774 = arith.constant 2 : i32
        %mul3A_775 = arith.muli %mul3A_774, %scan3A_735 : i32
        %get3A_776 = arith.index_cast %mul3A_775 : i32 to index
        %get3A_777 = arith.constant 48 : index
        %get3A_778 = tpu.vector_load %arg9[%get3A_776, %get3A_777] {strides = array<i32>} : memref<256x64xf32, #tpu.memory_space<vmem>>, vector<16xf32>,
        %mul3A_779 = arith.constant 2 : i32
        %mul3A_780 = arith.muli %mul3A_779, %scan3A_735 : i32
        %add3A_781 = arith.constant 1 : i32
        %add3A_782 = arith.addi %mul3A_780, %add3A_781 : i32
        %get3A_783 = arith.index_cast %add3A_782 : i32 to index
        %get3A_784 = arith.constant 48 : index
        %get3A_785 = tpu.vector_load %arg9[%get3A_783, %get3A_784] {strides = array<i32>} : memref<256x64xf32, #tpu.memory_space<vmem>>, vector<16xf32>,
        %mul3A_786 = arith.mulf %get3A_778, %get3A_785 : vector<16xf32>
        %add3A_787 = arith.addf %mul3A_747, %mul3A_760 : vector<16xf32>
        %add3A_788 = arith.addf %mul3A_773, %mul3A_786 : vector<16xf32>
        %add3A_789 = arith.addf %add3A_787, %add3A_788 : vector<16xf32>
        %broadcast_in_dim3A = arith.constant true
        %broadcast_in_dim3A_790 = vector.broadcast %broadcast_in_dim3A : i1 to vector<16xi1>
        %masked_cumsum3A = tpu.scan <sum>, %add3A_789 masked %broadcast_in_dim3A_790 : vector<16xf32>, vector<16xi1> -> vector<16xf32>
        %broadcast_in_dim3A_791 = vector.broadcast %scan3A_735 : i32 to vector<16xi32>
        tpu.vector_store_idx %arg13[%broadcast_in_dim3A_791], %masked_cumsum3A masked %eq3A_2 : memref<128xf32, #tpu.memory_space<vmem>>[vector<16xi32>], vector<16xf32>, vector<16xi1>
        %scan3A_792 = arith.constant 1 : i32
        %scan3A_793 = arith.addi %scan3A_735, %scan3A_792 : i32
        %mul3A_794 = arith.constant 2 : i32
        %mul3A_795 = arith.muli %mul3A_794, %scan3A_793 : i32
        %get3A_796 = arith.index_cast %mul3A_795 : i32 to index
        %get3A_797 = arith.constant 0 : index
        %get3A_798 = tpu.vector_load %arg9[%get3A_796, %get3A_797] {strides = array<i32>} : memref<256x64xf32, #tpu.memory_space<vmem>>, vector<16xf32>,
        %mul3A_799 = arith.constant 2 : i32
        %mul3A_800 = arith.muli %mul3A_799, %scan3A_793 : i32
        %add3A_801 = arith.constant 1 : i32
        %add3A_802 = arith.addi %mul3A_800, %add3A_801 : i32
        %get3A_803 = arith.index_cast %add3A_802 : i32 to index
        %get3A_804 = arith.constant 0 : index
        %get3A_805 = tpu.vector_load %arg9[%get3A_803, %get3A_804] {strides = array<i32>} : memref<256x64xf32, #tpu.memory_space<vmem>>, vector<16xf32>,
        %mul3A_806 = arith.mulf %get3A_798, %get3A_805 : vector<16xf32>
        %mul3A_807 = arith.constant 2 : i32
        %mul3A_808 = arith.muli %mul3A_807, %scan3A_793 : i32
        %get3A_809 = arith.index_cast %mul3A_808 : i32 to index
        %get3A_810 = arith.constant 16 : index
        %get3A_811 = tpu.vector_load %arg9[%get3A_809, %get3A_810] {strides = array<i32>} : memref<256x64xf32, #tpu.memory_space<vmem>>, vector<16xf32>,
        %mul3A_812 = arith.constant 2 : i32
        %mul3A_813 = arith.muli %mul3A_812, %scan3A_793 : i32
        %add3A_814 = arith.constant 1 : i32
        %add3A_815 = arith.addi %mul3A_813, %add3A_814 : i32
        %get3A_816 = arith.index_cast %add3A_815 : i32 to index
        %get3A_817 = arith.constant 16 : index
        %get3A_818 = tpu.vector_load %arg9[%get3A_816, %get3A_817] {strides = array<i32>} : memref<256x64xf32, #tpu.memory_space<vmem>>, vector<16xf32>,
        %mul3A_819 = arith.mulf %get3A_811, %get3A_818 : vector<16xf32>
        %mul3A_820 = arith.constant 2 : i32
        %mul3A_821 = arith.muli %mul3A_820, %scan3A_793 : i32
        %get3A_822 = arith.index_cast %mul3A_821 : i32 to index
        %get3A_823 = arith.constant 32 : index
        %get3A_824 = tpu.vector_load %arg9[%get3A_822, %get3A_823] {strides = array<i32>} : memref<256x64xf32, #tpu.memory_space<vmem>>, vector<16xf32>,
        %mul3A_825 = arith.constant 2 : i32
        %mul3A_826 = arith.muli %mul3A_825, %scan3A_793 : i32
        %add3A_827 = arith.constant 1 : i32
        %add3A_828 = arith.addi %mul3A_826, %add3A_827 : i32
        %get3A_829 = arith.index_cast %add3A_828 : i32 to index
        %get3A_830 = arith.constant 32 : index
        %get3A_831 = tpu.vector_load %arg9[%get3A_829, %get3A_830] {strides = array<i32>} : memref<256x64xf32, #tpu.memory_space<vmem>>, vector<16xf32>,
        %mul3A_832 = arith.mulf %get3A_824, %get3A_831 : vector<16xf32>
        %mul3A_833 = arith.constant 2 : i32
        %mul3A_834 = arith.muli %mul3A_833, %scan3A_793 : i32
        %get3A_835 = arith.index_cast %mul3A_834 : i32 to index
        %get3A_836 = arith.constant 48 : index
        %get3A_837 = tpu.vector_load %arg9[%get3A_835, %get3A_836] {strides = array<i32>} : memref<256x64xf32, #tpu.memory_space<vmem>>, vector<16xf32>,
        %mul3A_838 = arith.constant 2 : i32
        %mul3A_839 = arith.muli %mul3A_838, %scan3A_793 : i32
        %add3A_840 = arith.constant 1 : i32
        %add3A_841 = arith.addi %mul3A_839, %add3A_840 : i32
        %get3A_842 = arith.index_cast %add3A_841 : i32 to index
        %get3A_843 = arith.constant 48 : index
        %get3A_844 = tpu.vector_load %arg9[%get3A_842, %get3A_843] {strides = array<i32>} : memref<256x64xf32, #tpu.memory_space<vmem>>, vector<16xf32>,
        %mul3A_845 = arith.mulf %get3A_837, %get3A_844 : vector<16xf32>
        %add3A_846 = arith.addf %mul3A_806, %mul3A_819 : vector<16xf32>
        %add3A_847 = arith.addf %mul3A_832, %mul3A_845 : vector<16xf32>
        %add3A_848 = arith.addf %add3A_846, %add3A_847 : vector<16xf32>
        %broadcast_in_dim3A_849 = arith.constant true
        %broadcast_in_dim3A_850 = vector.broadcast %broadcast_in_dim3A_849 : i1 to vector<16xi1>
        %masked_cumsum3A_851 = tpu.scan <sum>, %add3A_848 masked %broadcast_in_dim3A_850 : vector<16xf32>, vector<16xi1> -> vector<16xf32>
        %broadcast_in_dim3A_852 = vector.broadcast %scan3A_793 : i32 to vector<16xi32>
        tpu.vector_store_idx %arg13[%broadcast_in_dim3A_852], %masked_cumsum3A_851 masked %eq3A_2 : memref<128xf32, #tpu.memory_space<vmem>>[vector<16xi32>], vector<16xf32>, vector<16xi1>
        %scan3A_853 = arith.constant 2 : i32
        %scan3A_854 = arith.addi %scan3A_735, %scan3A_853 : i32
        %mul3A_855 = arith.constant 2 : i32
        %mul3A_856 = arith.muli %mul3A_855, %scan3A_854 : i32
        %get3A_857 = arith.index_cast %mul3A_856 : i32 to index
        %get3A_858 = arith.constant 0 : index
        %get3A_859 = tpu.vector_load %arg9[%get3A_857, %get3A_858] {strides = array<i32>} : memref<256x64xf32, #tpu.memory_space<vmem>>, vector<16xf32>,
        %mul3A_860 = arith.constant 2 : i32
        %mul3A_861 = arith.muli %mul3A_860, %scan3A_854 : i32
        %add3A_862 = arith.constant 1 : i32
        %add3A_863 = arith.addi %mul3A_861, %add3A_862 : i32
        %get3A_864 = arith.index_cast %add3A_863 : i32 to index
        %get3A_865 = arith.constant 0 : index
        %get3A_866 = tpu.vector_load %arg9[%get3A_864, %get3A_865] {strides = array<i32>} : memref<256x64xf32, #tpu.memory_space<vmem>>, vector<16xf32>,
        %mul3A_867 = arith.mulf %get3A_859, %get3A_866 : vector<16xf32>
        %mul3A_868 = arith.constant 2 : i32
        %mul3A_869 = arith.muli %mul3A_868, %scan3A_854 : i32
        %get3A_870 = arith.index_cast %mul3A_869 : i32 to index
        %get3A_871 = arith.constant 16 : index
        %get3A_872 = tpu.vector_load %arg9[%get3A_870, %get3A_871] {strides = array<i32>} : memref<256x64xf32, #tpu.memory_space<vmem>>, vector<16xf32>,
        %mul3A_873 = arith.constant 2 : i32
        %mul3A_874 = arith.muli %mul3A_873, %scan3A_854 : i32
        %add3A_875 = arith.constant 1 : i32
        %add3A_876 = arith.addi %mul3A_874, %add3A_875 : i32
        %get3A_877 = arith.index_cast %add3A_876 : i32 to index
        %get3A_878 = arith.constant 16 : index
        %get3A_879 = tpu.vector_load %arg9[%get3A_877, %get3A_878] {strides = array<i32>} : memref<256x64xf32, #tpu.memory_space<vmem>>, vector<16xf32>,
        %mul3A_880 = arith.mulf %get3A_872, %get3A_879 : vector<16xf32>
        %mul3A_881 = arith.constant 2 : i32
        %mul3A_882 = arith.muli %mul3A_881, %scan3A_854 : i32
        %get3A_883 = arith.index_cast %mul3A_882 : i32 to index
        %get3A_884 = arith.constant 32 : index
        %get3A_885 = tpu.vector_load %arg9[%get3A_883, %get3A_884] {strides = array<i32>} : memref<256x64xf32, #tpu.memory_space<vmem>>, vector<16xf32>,
        %mul3A_886 = arith.constant 2 : i32
        %mul3A_887 = arith.muli %mul3A_886, %scan3A_854 : i32
        %add3A_888 = arith.constant 1 : i32
        %add3A_889 = arith.addi %mul3A_887, %add3A_888 : i32
        %get3A_890 = arith.index_cast %add3A_889 : i32 to index
        %get3A_891 = arith.constant 32 : index
        %get3A_892 = tpu.vector_load %arg9[%get3A_890, %get3A_891] {strides = array<i32>} : memref<256x64xf32, #tpu.memory_space<vmem>>, vector<16xf32>,
        %mul3A_893 = arith.mulf %get3A_885, %get3A_892 : vector<16xf32>
        %mul3A_894 = arith.constant 2 : i32
        %mul3A_895 = arith.muli %mul3A_894, %scan3A_854 : i32
        %get3A_896 = arith.index_cast %mul3A_895 : i32 to index
        %get3A_897 = arith.constant 48 : index
        %get3A_898 = tpu.vector_load %arg9[%get3A_896, %get3A_897] {strides = array<i32>} : memref<256x64xf32, #tpu.memory_space<vmem>>, vector<16xf32>,
        %mul3A_899 = arith.constant 2 : i32
        %mul3A_900 = arith.muli %mul3A_899, %scan3A_854 : i32
        %add3A_901 = arith.constant 1 : i32
        %add3A_902 = arith.addi %mul3A_900, %add3A_901 : i32
        %get3A_903 = arith.index_cast %add3A_902 : i32 to index
        %get3A_904 = arith.constant 48 : index
        %get3A_905 = tpu.vector_load %arg9[%get3A_903, %get3A_904] {strides = array<i32>} : memref<256x64xf32, #tpu.memory_space<vmem>>, vector<16xf32>,
        %mul3A_906 = arith.mulf %get3A_898, %get3A_905 : vector<16xf32>
        %add3A_907 = arith.addf %mul3A_867, %mul3A_880 : vector<16xf32>
        %add3A_908 = arith.addf %mul3A_893, %mul3A_906 : vector<16xf32>
        %add3A_909 = arith.addf %add3A_907, %add3A_908 : vector<16xf32>
        %broadcast_in_dim3A_910 = arith.constant true
        %broadcast_in_dim3A_911 = vector.broadcast %broadcast_in_dim3A_910 : i1 to vector<16xi1>
        %masked_cumsum3A_912 = tpu.scan <sum>, %add3A_909 masked %broadcast_in_dim3A_911 : vector<16xf32>, vector<16xi1> -> vector<16xf32>
        %broadcast_in_dim3A_913 = vector.broadcast %scan3A_854 : i32 to vector<16xi32>
        tpu.vector_store_idx %arg13[%broadcast_in_dim3A_913], %masked_cumsum3A_912 masked %eq3A_2 : memref<128xf32, #tpu.memory_space<vmem>>[vector<16xi32>], vector<16xf32>, vector<16xi1>
        %scan3A_914 = arith.constant 3 : i32
        %scan3A_915 = arith.addi %scan3A_735, %scan3A_914 : i32
        %mul3A_916 = arith.constant 2 : i32
        %mul3A_917 = arith.muli %mul3A_916, %scan3A_915 : i32
        %get3A_918 = arith.index_cast %mul3A_917 : i32 to index
        %get3A_919 = arith.constant 0 : index
        %get3A_920 = tpu.vector_load %arg9[%get3A_918, %get3A_919] {strides = array<i32>} : memref<256x64xf32, #tpu.memory_space<vmem>>, vector<16xf32>,
        %mul3A_921 = arith.constant 2 : i32
        %mul3A_922 = arith.muli %mul3A_921, %scan3A_915 : i32
        %add3A_923 = arith.constant 1 : i32
        %add3A_924 = arith.addi %mul3A_922, %add3A_923 : i32
        %get3A_925 = arith.index_cast %add3A_924 : i32 to index
        %get3A_926 = arith.constant 0 : index
        %get3A_927 = tpu.vector_load %arg9[%get3A_925, %get3A_926] {strides = array<i32>} : memref<256x64xf32, #tpu.memory_space<vmem>>, vector<16xf32>,
        %mul3A_928 = arith.mulf %get3A_920, %get3A_927 : vector<16xf32>
        %mul3A_929 = arith.constant 2 : i32
        %mul3A_930 = arith.muli %mul3A_929, %scan3A_915 : i32
        %get3A_931 = arith.index_cast %mul3A_930 : i32 to index
        %get3A_932 = arith.constant 16 : index
        %get3A_933 = tpu.vector_load %arg9[%get3A_931, %get3A_932] {strides = array<i32>} : memref<256x64xf32, #tpu.memory_space<vmem>>, vector<16xf32>,
        %mul3A_934 = arith.constant 2 : i32
        %mul3A_935 = arith.muli %mul3A_934, %scan3A_915 : i32
        %add3A_936 = arith.constant 1 : i32
        %add3A_937 = arith.addi %mul3A_935, %add3A_936 : i32
        %get3A_938 = arith.index_cast %add3A_937 : i32 to index
        %get3A_939 = arith.constant 16 : index
        %get3A_940 = tpu.vector_load %arg9[%get3A_938, %get3A_939] {strides = array<i32>} : memref<256x64xf32, #tpu.memory_space<vmem>>, vector<16xf32>,
        %mul3A_941 = arith.mulf %get3A_933, %get3A_940 : vector<16xf32>
        %mul3A_942 = arith.constant 2 : i32
        %mul3A_943 = arith.muli %mul3A_942, %scan3A_915 : i32
        %get3A_944 = arith.index_cast %mul3A_943 : i32 to index
        %get3A_945 = arith.constant 32 : index
        %get3A_946 = tpu.vector_load %arg9[%get3A_944, %get3A_945] {strides = array<i32>} : memref<256x64xf32, #tpu.memory_space<vmem>>, vector<16xf32>,
        %mul3A_947 = arith.constant 2 : i32
        %mul3A_948 = arith.muli %mul3A_947, %scan3A_915 : i32
        %add3A_949 = arith.constant 1 : i32
        %add3A_950 = arith.addi %mul3A_948, %add3A_949 : i32
        %get3A_951 = arith.index_cast %add3A_950 : i32 to index
        %get3A_952 = arith.constant 32 : index
        %get3A_953 = tpu.vector_load %arg9[%get3A_951, %get3A_952] {strides = array<i32>} : memref<256x64xf32, #tpu.memory_space<vmem>>, vector<16xf32>,
        %mul3A_954 = arith.mulf %get3A_946, %get3A_953 : vector<16xf32>
        %mul3A_955 = arith.constant 2 : i32
        %mul3A_956 = arith.muli %mul3A_955, %scan3A_915 : i32
        %get3A_957 = arith.index_cast %mul3A_956 : i32 to index
        %get3A_958 = arith.constant 48 : index
        %get3A_959 = tpu.vector_load %arg9[%get3A_957, %get3A_958] {strides = array<i32>} : memref<256x64xf32, #tpu.memory_space<vmem>>, vector<16xf32>,
        %mul3A_960 = arith.constant 2 : i32
        %mul3A_961 = arith.muli %mul3A_960, %scan3A_915 : i32
        %add3A_962 = arith.constant 1 : i32
        %add3A_963 = arith.addi %mul3A_961, %add3A_962 : i32
        %get3A_964 = arith.index_cast %add3A_963 : i32 to index
        %get3A_965 = arith.constant 48 : index
        %get3A_966 = tpu.vector_load %arg9[%get3A_964, %get3A_965] {strides = array<i32>} : memref<256x64xf32, #tpu.memory_space<vmem>>, vector<16xf32>,
        %mul3A_967 = arith.mulf %get3A_959, %get3A_966 : vector<16xf32>
        %add3A_968 = arith.addf %mul3A_928, %mul3A_941 : vector<16xf32>
        %add3A_969 = arith.addf %mul3A_954, %mul3A_967 : vector<16xf32>
        %add3A_970 = arith.addf %add3A_968, %add3A_969 : vector<16xf32>
        %broadcast_in_dim3A_971 = arith.constant true
        %broadcast_in_dim3A_972 = vector.broadcast %broadcast_in_dim3A_971 : i1 to vector<16xi1>
        %masked_cumsum3A_973 = tpu.scan <sum>, %add3A_970 masked %broadcast_in_dim3A_972 : vector<16xf32>, vector<16xi1> -> vector<16xf32>
        %broadcast_in_dim3A_974 = vector.broadcast %scan3A_915 : i32 to vector<16xi32>
        tpu.vector_store_idx %arg13[%broadcast_in_dim3A_974], %masked_cumsum3A_973 masked %eq3A_2 : memref<128xf32, #tpu.memory_space<vmem>>[vector<16xi32>], vector<16xf32>, vector<16xi1>
      }
      %scan3A_683 = arith.constant 128 : i32
      %mul3A_684 = arith.constant 25600 : i32
      %mul3A_685 = arith.muli %add3A, %mul3A_684 : i32
      %mul3A_686 = arith.constant 128 : i32
      %mul3A_687 = arith.muli %add3A_653, %mul3A_686 : i32
      %add3A_688 = arith.addi %mul3A_685, %mul3A_687 : i32
      %dma_start3A_689 = tpu.memref_slice %arg4[%add3A_688] : memref<819200xf32, #tpu.memory_space<hbm>> -> memref<128xf32, #tpu.memory_space<hbm>>
      %dma_start3A_690 = tpu.memref_slice %arg4[%add3A_688] : memref<819200xf32, #tpu.memory_space<hbm>> -> memref<128xf32, #tpu.memory_space<hbm>>
      tpu.enqueue_dma source(%arg13 : memref<128xf32, #tpu.memory_space<vmem>>) target(%dma_start3A_690 : memref<128xf32, #tpu.memory_space<hbm>>) target_semaphore(%arg22 : memref<!tpu.dma_semaphore, #tpu.memory_space<semaphore_mem>>)
      %add3A_691 = arith.constant 4 : i32
      %add3A_692 = arith.addi %add3A_653, %add3A_691 : i32
      %jit3A_693 = arith.constant 200 : i32
      %eq3A_694 = arith.constant 0 : i32
      %eq3A_695 = arith.cmpi eq, %jit3A_693, %eq3A_694 : i32
      %jit3A_696 = arith.constant 1 : i32
      %select_n3A_697 = arith.select %eq3A_695, %jit3A_696, %jit3A_693 : i32
      %rem3A_698 = arith.remsi %add3A_692, %select_n3A_697 : i32
      %ne3A_699 = arith.constant 0 : i32
      %ne3A_700 = arith.cmpi ne, %rem3A_698, %ne3A_699 : i32
      %lt3A_701 = arith.constant 0 : i32
      %lt3A_702 = arith.cmpi slt, %rem3A_698, %lt3A_701 : i32
      %lt3A_703 = arith.constant 0 : i32
      %lt3A_704 = arith.cmpi slt, %select_n3A_697, %lt3A_703 : i32
      %ne3A_705 = arith.xori %lt3A_702, %lt3A_704 : i1
      %and3A_706 = arith.andi %ne3A_705, %ne3A_700 : i1
      %add3A_707 = arith.addi %rem3A_698, %select_n3A_697 : i32
      %select_n3A_708 = arith.select %and3A_706, %add3A_707, %rem3A_698 : i32
      %mul3A_709 = arith.constant 2 : i32
      %mul3A_710 = arith.muli %select_n3A_708, %mul3A_709 : i32
      %add3A_711 = arith.constant 0 : i32
      %add3A_712 = arith.addi %mul3A_710, %add3A_711 : i32
      %dma_start3A_713 = arith.constant 0 : i32
      %dma_start3A_714 = arith.constant 0 : i32
      %dma_start3A_715 = tpu.memref_slice %arg9[%dma_start3A_713, %dma_start3A_714] : memref<256x64xf32, #tpu.memory_space<vmem>> -> memref<128x64xf32, #tpu.memory_space<vmem>>
      %dma_start3A_716 = arith.constant 0 : i32
      %dma_start3A_717 = tpu.memref_slice %arg5[%add3A_712, %dma_start3A_716] : memref<400x128xi32, #tpu.memory_space<vmem>> -> memref<1x128xi32, #tpu.memory_space<vmem>>
      %dma_start3A_718 = tpu.memref_squeeze %dma_start3A_717 : memref<1x128xi32, #tpu.memory_space<vmem>> -> memref<128xi32, #tpu.memory_space<vmem>>
      %dma_start3A_719 = arith.constant 0 : i32
      %dma_start3A_720 = arith.constant 0 : i32
      %dma_start3A_721 = tpu.memref_slice %arg2[%dma_start3A_719, %dma_start3A_720] : memref<1000000x64xf32, #tpu.memory_space<hbm>> -> memref<1000000x64xf32, #tpu.memory_space<hbm>>
      tpu.enqueue_indirect_dma source(%dma_start3A_721 : memref<1000000x64xf32, #tpu.memory_space<hbm>>) target(%dma_start3A_715 : memref<128x64xf32, #tpu.memory_space<vmem>>) offsets(%dma_start3A_718 : memref<128xi32, #tpu.memory_space<vmem>>) semaphore(%arg18 : memref<!tpu.dma_semaphore, #tpu.memory_space<semaphore_mem>>)
      %mul3A_722 = arith.constant 2 : i32
      %mul3A_723 = arith.muli %select_n3A_708, %mul3A_722 : i32
      %add3A_724 = arith.constant 1 : i32
      %add3A_725 = arith.addi %mul3A_723, %add3A_724 : i32
      %dma_start3A_726 = arith.constant 128 : i32
      %dma_start3A_727 = arith.constant 0 : i32
      %dma_start3A_728 = tpu.memref_slice %arg9[%dma_start3A_726, %dma_start3A_727] : memref<256x64xf32, #tpu.memory_space<vmem>> -> memref<128x64xf32, #tpu.memory_space<vmem>>
      %dma_start3A_729 = arith.constant 0 : i32
      %dma_start3A_730 = tpu.memref_slice %arg5[%add3A_725, %dma_start3A_729] : memref<400x128xi32, #tpu.memory_space<vmem>> -> memref<1x128xi32, #tpu.memory_space<vmem>>
      %dma_start3A_731 = tpu.memref_squeeze %dma_start3A_730 : memref<1x128xi32, #tpu.memory_space<vmem>> -> memref<128xi32, #tpu.memory_space<vmem>>
      %dma_start3A_732 = arith.constant 0 : i32
      %dma_start3A_733 = arith.constant 0 : i32
      %dma_start3A_734 = tpu.memref_slice %arg2[%dma_start3A_732, %dma_start3A_733] : memref<1000000x64xf32, #tpu.memory_space<hbm>> -> memref<1000000x64xf32, #tpu.memory_space<hbm>>
      tpu.enqueue_indirect_dma source(%dma_start3A_734 : memref<1000000x64xf32, #tpu.memory_space<hbm>>) target(%dma_start3A_728 : memref<128x64xf32, #tpu.memory_space<vmem>>) offsets(%dma_start3A_731 : memref<128xi32, #tpu.memory_space<vmem>>) semaphore(%arg18 : memref<!tpu.dma_semaphore, #tpu.memory_space<semaphore_mem>>)
    }
    %scan3A_303 = arith.constant 49 : i32
    %dma_wait3A_304 = arith.constant 0 : i32
    %dma_wait3A_305 = arith.constant 0 : i32
    %dma_wait3A_306 = arith.constant 0 : i32
    %dma_wait3A_307 = tpu.memref_slice %arg6[%dma_wait3A_305, %dma_wait3A_306] : memref<256x64xf32, #tpu.memory_space<vmem>> -> memref<128x64xf32, #tpu.memory_space<vmem>>
    %dma_wait3A_308 = arith.constant 0 : i32
    %dma_wait3A_309 = tpu.memref_slice %arg5[%dma_wait3A_304, %dma_wait3A_308] : memref<400x128xi32, #tpu.memory_space<vmem>> -> memref<1x128xi32, #tpu.memory_space<vmem>>
    %dma_wait3A_310 = tpu.memref_squeeze %dma_wait3A_309 : memref<1x128xi32, #tpu.memory_space<vmem>> -> memref<128xi32, #tpu.memory_space<vmem>>
    %dma_wait3A_311 = arith.constant 0 : i32
    %dma_wait3A_312 = arith.constant 0 : i32
    %dma_wait3A_313 = tpu.memref_slice %arg2[%dma_wait3A_311, %dma_wait3A_312] : memref<1000000x64xf32, #tpu.memory_space<hbm>> -> memref<1000000x64xf32, #tpu.memory_space<hbm>>
    tpu.wait_indirect_dma semaphore(%arg15 : memref<!tpu.dma_semaphore, #tpu.memory_space<semaphore_mem>>) src(%dma_wait3A_313 : memref<1000000x64xf32, #tpu.memory_space<hbm>>) dst(%dma_wait3A_307 : memref<128x64xf32, #tpu.memory_space<vmem>>)
    %dma_wait3A_314 = arith.constant 1 : i32
    %dma_wait3A_315 = arith.constant 128 : i32
    %dma_wait3A_316 = arith.constant 0 : i32
    %dma_wait3A_317 = tpu.memref_slice %arg6[%dma_wait3A_315, %dma_wait3A_316] : memref<256x64xf32, #tpu.memory_space<vmem>> -> memref<128x64xf32, #tpu.memory_space<vmem>>
    %dma_wait3A_318 = arith.constant 0 : i32
    %dma_wait3A_319 = tpu.memref_slice %arg5[%dma_wait3A_314, %dma_wait3A_318] : memref<400x128xi32, #tpu.memory_space<vmem>> -> memref<1x128xi32, #tpu.memory_space<vmem>>
    %dma_wait3A_320 = tpu.memref_squeeze %dma_wait3A_319 : memref<1x128xi32, #tpu.memory_space<vmem>> -> memref<128xi32, #tpu.memory_space<vmem>>
    %dma_wait3A_321 = arith.constant 0 : i32
    %dma_wait3A_322 = arith.constant 0 : i32
    %dma_wait3A_323 = tpu.memref_slice %arg2[%dma_wait3A_321, %dma_wait3A_322] : memref<1000000x64xf32, #tpu.memory_space<hbm>> -> memref<1000000x64xf32, #tpu.memory_space<hbm>>
    tpu.wait_indirect_dma semaphore(%arg15 : memref<!tpu.dma_semaphore, #tpu.memory_space<semaphore_mem>>) src(%dma_wait3A_323 : memref<1000000x64xf32, #tpu.memory_space<hbm>>) dst(%dma_wait3A_317 : memref<128x64xf32, #tpu.memory_space<vmem>>)
    %dma_wait3A_324 = arith.constant 0 : i32
    %dma_wait3A_325 = tpu.memref_slice %arg4[%dma_wait3A_324] : memref<819200xf32, #tpu.memory_space<hbm>> -> memref<128xf32, #tpu.memory_space<hbm>>
    %dma_wait3A_326 = arith.constant 0 : i32
    %dma_wait3A_327 = tpu.memref_slice %arg4[%dma_wait3A_326] : memref<819200xf32, #tpu.memory_space<hbm>> -> memref<128xf32, #tpu.memory_space<hbm>>
    tpu.wait_dma2 semaphore(%arg19 : memref<!tpu.dma_semaphore, #tpu.memory_space<semaphore_mem>>) src(%arg10 : memref<128xf32, #tpu.memory_space<vmem>>) dst(%dma_wait3A_327 : memref<128xf32, #tpu.memory_space<hbm>>)
    %dma_wait3A_328 = arith.constant 0 : i32
    %dma_wait3A_329 = arith.constant 0 : i32
    %dma_wait3A_330 = arith.constant 0 : i32
    %dma_wait3A_331 = tpu.memref_slice %arg7[%dma_wait3A_329, %dma_wait3A_330] : memref<256x64xf32, #tpu.memory_space<vmem>> -> memref<128x64xf32, #tpu.memory_space<vmem>>
    %dma_wait3A_332 = arith.constant 0 : i32
    %dma_wait3A_333 = tpu.memref_slice %arg5[%dma_wait3A_328, %dma_wait3A_332] : memref<400x128xi32, #tpu.memory_space<vmem>> -> memref<1x128xi32, #tpu.memory_space<vmem>>
    %dma_wait3A_334 = tpu.memref_squeeze %dma_wait3A_333 : memref<1x128xi32, #tpu.memory_space<vmem>> -> memref<128xi32, #tpu.memory_space<vmem>>
    %dma_wait3A_335 = arith.constant 0 : i32
    %dma_wait3A_336 = arith.constant 0 : i32
    %dma_wait3A_337 = tpu.memref_slice %arg2[%dma_wait3A_335, %dma_wait3A_336] : memref<1000000x64xf32, #tpu.memory_space<hbm>> -> memref<1000000x64xf32, #tpu.memory_space<hbm>>
    tpu.wait_indirect_dma semaphore(%arg16 : memref<!tpu.dma_semaphore, #tpu.memory_space<semaphore_mem>>) src(%dma_wait3A_337 : memref<1000000x64xf32, #tpu.memory_space<hbm>>) dst(%dma_wait3A_331 : memref<128x64xf32, #tpu.memory_space<vmem>>)
    %dma_wait3A_338 = arith.constant 1 : i32
    %dma_wait3A_339 = arith.constant 128 : i32
    %dma_wait3A_340 = arith.constant 0 : i32
    %dma_wait3A_341 = tpu.memref_slice %arg7[%dma_wait3A_339, %dma_wait3A_340] : memref<256x64xf32, #tpu.memory_space<vmem>> -> memref<128x64xf32, #tpu.memory_space<vmem>>
    %dma_wait3A_342 = arith.constant 0 : i32
    %dma_wait3A_343 = tpu.memref_slice %arg5[%dma_wait3A_338, %dma_wait3A_342] : memref<400x128xi32, #tpu.memory_space<vmem>> -> memref<1x128xi32, #tpu.memory_space<vmem>>
    %dma_wait3A_344 = tpu.memref_squeeze %dma_wait3A_343 : memref<1x128xi32, #tpu.memory_space<vmem>> -> memref<128xi32, #tpu.memory_space<vmem>>
    %dma_wait3A_345 = arith.constant 0 : i32
    %dma_wait3A_346 = arith.constant 0 : i32
    %dma_wait3A_347 = tpu.memref_slice %arg2[%dma_wait3A_345, %dma_wait3A_346] : memref<1000000x64xf32, #tpu.memory_space<hbm>> -> memref<1000000x64xf32, #tpu.memory_space<hbm>>
    tpu.wait_indirect_dma semaphore(%arg16 : memref<!tpu.dma_semaphore, #tpu.memory_space<semaphore_mem>>) src(%dma_wait3A_347 : memref<1000000x64xf32, #tpu.memory_space<hbm>>) dst(%dma_wait3A_341 : memref<128x64xf32, #tpu.memory_space<vmem>>)
    %dma_wait3A_348 = arith.constant 0 : i32
    %dma_wait3A_349 = tpu.memref_slice %arg4[%dma_wait3A_348] : memref<819200xf32, #tpu.memory_space<hbm>> -> memref<128xf32, #tpu.memory_space<hbm>>
    %dma_wait3A_350 = arith.constant 0 : i32
    %dma_wait3A_351 = tpu.memref_slice %arg4[%dma_wait3A_350] : memref<819200xf32, #tpu.memory_space<hbm>> -> memref<128xf32, #tpu.memory_space<hbm>>
    tpu.wait_dma2 semaphore(%arg20 : memref<!tpu.dma_semaphore, #tpu.memory_space<semaphore_mem>>) src(%arg11 : memref<128xf32, #tpu.memory_space<vmem>>) dst(%dma_wait3A_351 : memref<128xf32, #tpu.memory_space<hbm>>)
    %dma_wait3A_352 = arith.constant 0 : i32
    %dma_wait3A_353 = arith.constant 0 : i32
    %dma_wait3A_354 = arith.constant 0 : i32
    %dma_wait3A_355 = tpu.memref_slice %arg8[%dma_wait3A_353, %dma_wait3A_354] : memref<256x64xf32, #tpu.memory_space<vmem>> -> memref<128x64xf32, #tpu.memory_space<vmem>>
    %dma_wait3A_356 = arith.constant 0 : i32
    %dma_wait3A_357 = tpu.memref_slice %arg5[%dma_wait3A_352, %dma_wait3A_356] : memref<400x128xi32, #tpu.memory_space<vmem>> -> memref<1x128xi32, #tpu.memory_space<vmem>>
    %dma_wait3A_358 = tpu.memref_squeeze %dma_wait3A_357 : memref<1x128xi32, #tpu.memory_space<vmem>> -> memref<128xi32, #tpu.memory_space<vmem>>
    %dma_wait3A_359 = arith.constant 0 : i32
    %dma_wait3A_360 = arith.constant 0 : i32
    %dma_wait3A_361 = tpu.memref_slice %arg2[%dma_wait3A_359, %dma_wait3A_360] : memref<1000000x64xf32, #tpu.memory_space<hbm>> -> memref<1000000x64xf32, #tpu.memory_space<hbm>>
    tpu.wait_indirect_dma semaphore(%arg17 : memref<!tpu.dma_semaphore, #tpu.memory_space<semaphore_mem>>) src(%dma_wait3A_361 : memref<1000000x64xf32, #tpu.memory_space<hbm>>) dst(%dma_wait3A_355 : memref<128x64xf32, #tpu.memory_space<vmem>>)
    %dma_wait3A_362 = arith.constant 1 : i32
    %dma_wait3A_363 = arith.constant 128 : i32
    %dma_wait3A_364 = arith.constant 0 : i32
    %dma_wait3A_365 = tpu.memref_slice %arg8[%dma_wait3A_363, %dma_wait3A_364] : memref<256x64xf32, #tpu.memory_space<vmem>> -> memref<128x64xf32, #tpu.memory_space<vmem>>
    %dma_wait3A_366 = arith.constant 0 : i32
    %dma_wait3A_367 = tpu.memref_slice %arg5[%dma_wait3A_362, %dma_wait3A_366] : memref<400x128xi32, #tpu.memory_space<vmem>> -> memref<1x128xi32, #tpu.memory_space<vmem>>
    %dma_wait3A_368 = tpu.memref_squeeze %dma_wait3A_367 : memref<1x128xi32, #tpu.memory_space<vmem>> -> memref<128xi32, #tpu.memory_space<vmem>>
    %dma_wait3A_369 = arith.constant 0 : i32
    %dma_wait3A_370 = arith.constant 0 : i32
    %dma_wait3A_371 = tpu.memref_slice %arg2[%dma_wait3A_369, %dma_wait3A_370] : memref<1000000x64xf32, #tpu.memory_space<hbm>> -> memref<1000000x64xf32, #tpu.memory_space<hbm>>
    tpu.wait_indirect_dma semaphore(%arg17 : memref<!tpu.dma_semaphore, #tpu.memory_space<semaphore_mem>>) src(%dma_wait3A_371 : memref<1000000x64xf32, #tpu.memory_space<hbm>>) dst(%dma_wait3A_365 : memref<128x64xf32, #tpu.memory_space<vmem>>)
    %dma_wait3A_372 = arith.constant 0 : i32
    %dma_wait3A_373 = tpu.memref_slice %arg4[%dma_wait3A_372] : memref<819200xf32, #tpu.memory_space<hbm>> -> memref<128xf32, #tpu.memory_space<hbm>>
    %dma_wait3A_374 = arith.constant 0 : i32
    %dma_wait3A_375 = tpu.memref_slice %arg4[%dma_wait3A_374] : memref<819200xf32, #tpu.memory_space<hbm>> -> memref<128xf32, #tpu.memory_space<hbm>>
    tpu.wait_dma2 semaphore(%arg21 : memref<!tpu.dma_semaphore, #tpu.memory_space<semaphore_mem>>) src(%arg12 : memref<128xf32, #tpu.memory_space<vmem>>) dst(%dma_wait3A_375 : memref<128xf32, #tpu.memory_space<hbm>>)
    %dma_wait3A_376 = arith.constant 0 : i32
    %dma_wait3A_377 = arith.constant 0 : i32
    %dma_wait3A_378 = arith.constant 0 : i32
    %dma_wait3A_379 = tpu.memref_slice %arg9[%dma_wait3A_377, %dma_wait3A_378] : memref<256x64xf32, #tpu.memory_space<vmem>> -> memref<128x64xf32, #tpu.memory_space<vmem>>
    %dma_wait3A_380 = arith.constant 0 : i32
    %dma_wait3A_381 = tpu.memref_slice %arg5[%dma_wait3A_376, %dma_wait3A_380] : memref<400x128xi32, #tpu.memory_space<vmem>> -> memref<1x128xi32, #tpu.memory_space<vmem>>
    %dma_wait3A_382 = tpu.memref_squeeze %dma_wait3A_381 : memref<1x128xi32, #tpu.memory_space<vmem>> -> memref<128xi32, #tpu.memory_space<vmem>>
    %dma_wait3A_383 = arith.constant 0 : i32
    %dma_wait3A_384 = arith.constant 0 : i32
    %dma_wait3A_385 = tpu.memref_slice %arg2[%dma_wait3A_383, %dma_wait3A_384] : memref<1000000x64xf32, #tpu.memory_space<hbm>> -> memref<1000000x64xf32, #tpu.memory_space<hbm>>
    tpu.wait_indirect_dma semaphore(%arg18 : memref<!tpu.dma_semaphore, #tpu.memory_space<semaphore_mem>>) src(%dma_wait3A_385 : memref<1000000x64xf32, #tpu.memory_space<hbm>>) dst(%dma_wait3A_379 : memref<128x64xf32, #tpu.memory_space<vmem>>)
    %dma_wait3A_386 = arith.constant 1 : i32
    %dma_wait3A_387 = arith.constant 128 : i32
    %dma_wait3A_388 = arith.constant 0 : i32
    %dma_wait3A_389 = tpu.memref_slice %arg9[%dma_wait3A_387, %dma_wait3A_388] : memref<256x64xf32, #tpu.memory_space<vmem>> -> memref<128x64xf32, #tpu.memory_space<vmem>>
    %dma_wait3A_390 = arith.constant 0 : i32
    %dma_wait3A_391 = tpu.memref_slice %arg5[%dma_wait3A_386, %dma_wait3A_390] : memref<400x128xi32, #tpu.memory_space<vmem>> -> memref<1x128xi32, #tpu.memory_space<vmem>>
    %dma_wait3A_392 = tpu.memref_squeeze %dma_wait3A_391 : memref<1x128xi32, #tpu.memory_space<vmem>> -> memref<128xi32, #tpu.memory_space<vmem>>
    %dma_wait3A_393 = arith.constant 0 : i32
    %dma_wait3A_394 = arith.constant 0 : i32
    %dma_wait3A_395 = tpu.memref_slice %arg2[%dma_wait3A_393, %dma_wait3A_394] : memref<1000000x64xf32, #tpu.memory_space<hbm>> -> memref<1000000x64xf32, #tpu.memory_space<hbm>>
    tpu.wait_indirect_dma semaphore(%arg18 : memref<!tpu.dma_semaphore, #tpu.memory_space<semaphore_mem>>) src(%dma_wait3A_395 : memref<1000000x64xf32, #tpu.memory_space<hbm>>) dst(%dma_wait3A_389 : memref<128x64xf32, #tpu.memory_space<vmem>>)
    %dma_wait3A_396 = arith.constant 0 : i32
    %dma_wait3A_397 = tpu.memref_slice %arg4[%dma_wait3A_396] : memref<819200xf32, #tpu.memory_space<hbm>> -> memref<128xf32, #tpu.memory_space<hbm>>
    %dma_wait3A_398 = arith.constant 0 : i32
    %dma_wait3A_399 = tpu.memref_slice %arg4[%dma_wait3A_398] : memref<819200xf32, #tpu.memory_space<hbm>> -> memref<128xf32, #tpu.memory_space<hbm>>
    tpu.wait_dma2 semaphore(%arg22 : memref<!tpu.dma_semaphore, #tpu.memory_space<semaphore_mem>>) src(%arg13 : memref<128xf32, #tpu.memory_space<vmem>>) dst(%dma_wait3A_399 : memref<128xf32, #tpu.memory_space<hbm>>)
    return
  }
}

</mosaic_0001>

<sc_bundles>
// kernel: _scores.3.cloned.1.call-start
scs
__scs_entry_jumppad:
0x0: {  	(pc) =	sbr.rel $0x88, $3  }
0x1: {  	(tag) =	ssettag $0x0;
	lr =	simm.s32 $0x1  }
0x2: {  	[smem:$0x3F9F] =	sst lr;
	_ =	strace $0xD0000000  }
0x3: {  	_ = 	snop  }
0x4: {  	_ = 	snop  }
0x5: {  	_ = 	snop  }
0x6: {  	_ = 	snop  }
0x7: {  	_ = 	snop  }
__scs_overlays_trampoline_lowered:
0x8: {  	[smem:$0x3FAE] =	sst s0  }
0x9: {  	[smem:$0x3FAF] =	sst s1  }
0xa: {  	[smem:$0x3FB0] =	sst s2  }
0xb: {  	[smem:$0x3FB1] =	sst s3  }
0xc: {  	[smem:$0x3FB2] =	sst s4  }
0xd: {  	[smem:$0x3FB3] =	sst s5  }
0xe: {  	[smem:$0x3FB4] =	sst s6  }
0xf: {  	[smem:$0x3FB5] =	sst s7  }
0x10: {  	[smem:$0x3FB6] =	sst s8  }
0x11: {  	[smem:$0x3FB7] =	sst s9;
	s0 =	simm.s32 @!p0 $0x0  }
0x12: {  	s1 =	sld [smem:$0x3F9D];
	s0 =	simm.s32 @p0 $0x1  }
0x13: {  	[smem:$0x3FB8] =	sst s0;
	s0 =	simm.s32 @!p1 $0x0  }
0x14: {  	s2 =	sld [smem:$0x3F9C];
	s0 =	simm.s32 @p1 $0x1  }
0x15: {  	[smem:$0x3FB9] =	sst s0;
	s0 =	simm.s32 @!p2 $0x0  }
0x16: {  	s3 =	sld [smem:$0x3FDB];
	s0 =	simm.s32 @p2 $0x1  }
0x17: {  	s4 =	simm.s32 $0x1BF5;
	[smem:$0x3FBB] =	sst s0  }
0x18: {  	s0 =	sld [smem:$0x3F9E];
	_ =	swait.ge [sflag:s4], $0x0  }
0x19: {  	s7 =	sld [smem:$0x3F9F]  }
0x1a: {  	s8 =	sadd.s32 $0xFFFFE003, lr  }
0x1b: {  	s9 =	sadd.s32 $0xFFFFFEF7, lr;
	s5 =	simm.s32 $0xFFFFFFFF;
	p2 =	slt.u32 s8, $0xFFFFF086  }
0x1c: {  	p1 =	slt.u32 s9, $0xF7A;
	s5 =	simm.s32 @!p2 $0x0  }
0x1d: {  	s5 =	simm.s32 @p1 $0x1;
	p0 =	seq.s32 s7, s2  }
0x1e: {  	s7 =	smul.u32 @!p0 $0xF7A, s2;
	p2 =	seq.s32 @!p0 s5, $0x0  }
0x1f: {  	s9 =	smul.u32 $0xF7A, s1;
	s8 =	simm.s32 @!p0 $0x1BF5;
	p2 =	por !p2, p0  }
0x20: {  	[sflag:s8] =	ssyncset.s32 @!p0 $0xFFFFF086;
	s6 =	sadd.s32 @!p0 s3, s7;
	s7 =	simm.s32 @!p0 $0x108  }
0x21: {  	s3 =	sadd.s32 s3, s9;
	s6 =	sadd.s32 @!p0 $0x88, s6;
	s7 =	simm.s32 @p2 $0x1082  }
0x22: {  	[simem:s7], [sflag:s8] =	dma.local @!p0 [hbm:s6], $0xF7A  }
0x23: {  	s9 =	sor.u32 $0xD0000000, s2;
	s6 =	simm.s32 $0x108;
	_ =	swait.ge @!p0 [sflag:s8], $0x0  }
0x24: {  	s3 =	sadd.s32 $0x88, s3;
	s6 =	simm.s32 @!p1 $0x1082;
	[sflag:s4] =	ssyncset.s32 $0xFFFFF086  }
0x25: {  	[simem:s6], [sflag:s4] =	dma.local [hbm:s3], $0xF7A  }
0x26: {  	[smem:$0x3F9F] =	sst s1;
	(tag) =	ssettag s2;
	_ =	strace s9  }
0x27: {  	s1 =	sld [smem:$0x3FAF]  }
0x28: {  	s2 =	sld [smem:$0x3FB0]  }
0x29: {  	s4 =	sld [smem:$0x3FB2]  }
0x2a: {  	p0 =	seq.s32 s5, $0x0;
	s5 =	sld [smem:$0x3FB3]  }
0x2b: {  	s6 =	sld [smem:$0x3FB4]  }
0x2c: {  	s7 =	sld [smem:$0x3FB5]  }
0x2d: {  	s3 =	simm.s32 $0x108;
	s8 =	sld [smem:$0x3FB6]  }
0x2e: {  	s3 =	simm.s32 @!p0 $0x1082;
	s9 =	sld [smem:$0x3FB7]  }
0x2f: {  	lr =	sadd.s32 s0, s3;
	s0 =	sld [smem:$0x3FAE]  }
0x30: {  	s3 =	sld [smem:$0x3FB1]  }
0x31: {  	[smem:$0x3FBA] =	sst s10  }
0x32: {  	s10 =	sld [smem:$0x3FB8];
	_ =	sdelay $0x3  }
0x33: {  	p0 =	seq.s32 s10, $0x1;
	s10 =	sld [smem:$0x3FBA];
	_ =	sdelay $0x3  }
0x34: {  	[smem:$0x3FBA] =	sst s10  }
0x35: {  	s10 =	sld [smem:$0x3FB9];
	_ =	sdelay $0x3  }
0x36: {  	p1 =	seq.s32 s10, $0x1;
	s10 =	sld [smem:$0x3FBA];
	_ =	sdelay $0x3  }
0x37: {  	[smem:$0x3FBA] =	sst s10  }
0x38: {  	s10 =	sld [smem:$0x3FBB]  }
0x39: {  	_ = 	snop;
	(pc) =	sbr.ind lr, $3  }
0x3a: {  	_ = 	snop  }
0x3b: {  	_ = 	snop  }
0x3c: {  	p2 =	seq.s32 s10, $0x1;
	s10 =	sld [smem:$0x3FBA]  }
0x3d: {  	_ =	shalt  }
0x3e: {  	_ =	shalt  }
0x3f: {  	_ =	shalt  }
0x40: {  	_ =	shalt  }
0x41: {  	_ =	shalt  }
0x42: {  	_ =	shalt  }
0x43: {  	_ =	shalt  }
0x44: {  	_ =	shalt  }
0x45: {  	_ =	shalt  }
0x46: {  	_ =	shalt  }
0x47: {  	_ =	shalt  }
0x48: {  	_ =	shalt  }
0x49: {  	_ =	shalt  }
0x4a: {  	_ =	shalt  }
0x4b: {  	_ =	shalt  }
0x4c: {  	_ =	shalt  }
0x4d: {  	_ =	shalt  }
0x4e: {  	_ =	shalt  }
0x4f: {  	_ =	shalt  }
0x50: {  	_ =	shalt  }
0x51: {  	_ =	shalt  }
0x52: {  	_ =	shalt  }
0x53: {  	_ =	shalt  }
0x54: {  	_ =	shalt  }
0x55: {  	_ =	shalt  }
0x56: {  	_ =	shalt  }
0x57: {  	_ =	shalt  }
0x58: {  	_ =	shalt  }
0x59: {  	_ =	shalt  }
0x5a: {  	_ =	shalt  }
0x5b: {  	_ =	shalt  }
0x5c: {  	_ =	shalt  }
0x5d: {  	_ =	shalt  }
0x5e: {  	_ =	shalt  }
0x5f: {  	_ =	shalt  }
0x60: {  	_ =	shalt  }
0x61: {  	_ =	shalt  }
0x62: {  	_ =	shalt  }
0x63: {  	_ =	shalt  }
0x64: {  	_ =	shalt  }
0x65: {  	_ =	shalt  }
0x66: {  	_ =	shalt  }
0x67: {  	_ =	shalt  }
0x68: {  	_ =	shalt  }
0x69: {  	_ =	shalt  }
0x6a: {  	_ =	shalt  }
0x6b: {  	_ =	shalt  }
0x6c: {  	_ =	shalt  }
0x6d: {  	_ =	shalt  }
0x6e: {  	_ =	shalt  }
0x6f: {  	_ =	shalt  }
0x70: {  	_ =	shalt  }
0x71: {  	_ =	shalt  }
0x72: {  	_ =	shalt  }
0x73: {  	_ =	shalt  }
0x74: {  	_ =	shalt  }
0x75: {  	_ =	shalt  }
0x76: {  	_ =	shalt  }
0x77: {  	_ =	shalt  }
0x78: {  	_ =	shalt  }
0x79: {  	_ =	shalt  }
0x7a: {  	_ =	shalt  }
0x7b: {  	_ =	shalt  }
0x7c: {  	_ =	shalt  }
0x7d: {  	_ =	shalt  }
0x7e: {  	_ =	shalt  }
0x7f: {  	_ =	shalt  }
0x80: {  	_ =	shalt  }
0x81: {  	_ =	shalt  }
0x82: {  	_ =	shalt  }
0x83: {  	_ =	shalt  }
0x84: {  	_ =	shalt  }
0x85: {  	_ =	shalt  }
0x86: {  	_ =	shalt  }
0x87: {  	_ =	shalt  }
.Lfunc_end0:
.L_simem_size_0:
called_computation_lowered:
.L_overlay_start_0:
0x88: {  	s2 =	sld [smem:$0x3FD9]  }
0x89: {  	s3 =	sld [smem:$0x3FFE];
	_ =	sdelay $0x1  }
0x8a: {  	s1 =	srdreg.scid  }
0x8b: {  	s0 =	sand.u32 $0x1, s1  }
0x8c: {  	s17 =	sshll.u32 s0, $0xA;
	s2 =	sadd.s32 s3, s2  }
0x8d: {  	s2 =	sadd.s32 s2, s17  }
0x8e: {  	[smem:$0x3FC6] =	sst s2  }
0x8f: {  	_ = 	snop  }
0x90: {  	s2 =	sld [smem:$0x3FC9]  }
0x91: {  	s18 =	sld [smem:$0x3FD0];
	(tm) =	ssettm $0x1  }
0x92: {  	s4 =	sld [smem:$0x3FFB];
	_ =	sdelay $0x3  }
0x93: {  	_ =	strace s4  }
0x94: {  	s4 =	sld [smem:$0x3FFC];
	_ =	sdelay $0x3  }
0x95: {  	_ =	strace s4  }
0x96: {  	s4 =	sld [smem:$0x3FFD];
	_ =	sdelay $0x3  }
0x97: {  	_ =	strace s4  }
0x98: {  	_ =	strace $0x8FFFFFFF  }
0x99: {  	s19 =	sld [smem:$0x3FDB];
	_ =	sdelay $0x1  }
0x9a: {  	s5 =	simm.s32 $_scs_section_size  }
0x9b: {  	s6 =	simm.s32 $_size__tile_overlayer_lowered;
	s7 =	simm.s32 $_tile_overlayer_lowered  }
0x9c: {  	s22 =	simm.s32 $0x1BFF;
	s21 =	sshll.u32 s7, $0x1;
	s4 =	sadd.s32 s5, s19  }
0x9d: {  	s8 =	simm.s32 $0x0;
	s20 =	sshll.u32 s6, $0x1;
	s6 =	sadd.s32 s21, s4  }
0x9e: {  	[timem:s8], [sflag:s22] =	dma.local [hbm:s6], s20  }
0x9f: {  	_ =	swait.ge [sflag:s22], s20  }
0xa0: {  	s5 =	ssub.s32 $0x0, s20;
	[sflag:s22] =	ssyncset.done $0x0  }
0xa1: {  	[sflag:s22] =	ssyncadd.s32 s5;
	_ =	sdelay $0x1  }
0xa2: {  	s23 =	simm.s32 $0x1B8B  }
0xa3: {  	_ =	swait.ge [sflag:s23], $0x1  }
0xa4: {  	[sflag:s23] =	ssyncset.done $0x0  }
0xa5: {  	s25 =	simm.s32 $0x1B8E;
	s24 =	sld [smem:$0x3FFE];
	[sflag:s23] =	ssyncadd.s32 $0xFFFFFFFF  }
0xa6: {  	s26 =	simm.s32 $execute0_lowered;
	[smem:$0x3FD2] =	sst s25  }
0xa7: {  	s6 =	sshll.u32 s26, $0x1;
	_ =	strace $0x80000046;
	[dreg:$0x1] =	wrdreg $0xFFFFFFFF  }
0xa8: {  	s28 =	simm.s32 $_size_execute0_lowered;
	s4 =	sadd.s32 s4, s6;
	[dreg:$0x0] =	wrdreg $0x0  }
0xa9: {  	s6 =	sshll.u32 s28, $0x1;
	[dreg:$0x2] =	wrdreg s4  }
0xaa: {  	[dreg:$0x3] =	wrdreg s6  }
0xab: {  	[dreg:$0x4] =	wrdreg $0xC0  }
0xac: {  	_ =	task [dreg:s8], $0x5FFFF  }
0xad: {  	[dreg:$0x1] =	wrdreg $0xFFFFFFFF  }
0xae: {  	[dreg:$0x0] =	wrdreg $0x60  }
0xaf: {  	[dreg:$0x2] =	wrdreg s24  }
0xb0: {  	[dreg:$0x3] =	wrdreg s2  }
0xb1: {  	[dreg:$0x4] =	wrdreg s18  }
0xb2: {  	[dreg:$0x5] =	wrdreg $0x9  }
0xb3: {  	_ =	task.clear_ibuf [dreg:s8], $0x6FFFF;
	_ =	strace $0x90000046  }
0xb4: {  	s29 =	simm.s32 $0x9;
	_ =	strace $0x80000048  }
0xb5: {  	_ =	swait.ge [sflag:s29], $0x1  }
0xb6: {  	[sflag:s29] =	ssyncadd.s32 $0xFFFFFFFF  }
0xb7: {  	_ =	strace $0x90000048  }
0xb8: {  	_ =	sfence  }
0xb9: {  	s30 =	sld [smem:$0x0];
	_ =	sdelay $0x2  }
0xba: {  	s31 =	sshll.u32 s1, $0xD;
	s1 =	sshrl.u32 s1, $0x2  }
0xbb: {  	s3 =	sand.u32 $0x4000, s31;
	s1 =	sadd.s32 s1, s30  }
0xbc: {  	s0 =	sor.u32 s3, s0;
	s1 =	sshll.u32 s1, $0x11  }
0xbd: {  	s0 =	sor.u32 s1, s0  }
0xbe: {  	s0 =	sadd.s32 $0x8F2B, s0  }
0xbf: {  	[sflag:s0] =	ssyncadd.remote.s32 $0x1  }
0xc0: {  	_ =	sfence.sel $0xFFFF  }
0xc1: {  	[dreg:$0x0] =	wrdreg $0xFFFFFFFF;
	(pc) =	sbr.abs _section_cstart, $3  }
0xc2: {  	[dreg:$0x1] =	wrdreg $0xFFFFFFFF  }
0xc3: {  	_ =	task.clear_ibuf [dreg:s8], $0x2FFFF;
	_ =	strace $0x9FFFFFFF  }
0xc4: {  	(tm) =	ssettm $0x7FFFFFFF  }
0xc5: {  	_ =	shalt  }
tec
execute0_lowered:
.L_overlay_start_1:
0x0: {  	(tag) =	ssettag $0x1  }
0x1: {  	s0 =	rddreg [dreg:$0x0]  }
0x2: {  	s1 =	srdreg.scid;
	s6 =	rddreg [dreg:$0x1]  }
0x3: {  	s2 =	rddreg [dreg:$0x2];
	s5 =	stileid.u32  }
0x4: {  	s3 =	simm.s32 $0x0;
	s16 =	simm.s32 $0x80;
	s29 =	simm.s32 $0x18800  }
0x5: {  	s31 =	simm.s32 $0x1A800;
	s19 =	simm.s32 $0x4;
	s21 =	simm.s32 $0x1C900  }
0x6: {  	s28 =	simm.s32 $0x5;
	s30 =	simm.s32 $0x1C980;
	s1 =	sand.u32 $0x1, s1  }
0x7: {  	s10 =	simm.s32 $0x9;
	s14 =	simm.s32 $0x0;
	s4 =	sshll.u32 s1, $0x4  }
0x8: {  	[smem:$0x7FF] =	sst s3;
	s1 =	ssub.s32 $0x2, s1;
	s5 =	sor.u32 s5, s4  }
0x9: {  	_ =	strace $0x80000047;
	s7 =	sshrl.u32 s1, $0x1;
	s4 =	smul.u32 $0x6400, s5  }
0xa: {  	s8 =	smul.u32 $0x1900, s5;
	s5 =	sadd.s32 $0xF42800, s0;
	s23 =	ssub.s32 s1, s7  }
0xb: {  	s7 =	simm.s32 $0x6;
	s0 =	smax.u32 s23, $0x1;
	s23 =	simm.s32 $0x3  }
0xc: {  	s9 =	sshrl.u32 s4, $0x3;
	s6 =	sadd.s32 s6, s8;
	[dreg:$0x9] =	wrdreg s0  }
0xd: {  	s11 =	sor.u32 $0x80, s4;
	s24 =	sadd.s32 s2, s9;
	[dreg:$0x5] =	wrdreg s6  }
0xe: {  	s12 =	sor.u32 $0x100, s4;
	s25 =	sadd.s32 $0x10, s24;
	[dreg:$0x4] =	wrdreg s24  }
0xf: {  	s13 =	sor.u32 $0x180, s4;
	s26 =	sadd.s32 $0x20, s24;
	[dreg:$0x6] =	wrdreg s25  }
0x10: {  	s0 =	simm.s32 $0x2;
	s1 =	sadd.s32 $0x30, s24;
	[dreg:$0x7] =	wrdreg s26  }
0x11: {  	s8 =	simm.s32 $0x7;
	s9 =	simm.s32 $0x8;
	[dreg:$0x8] =	wrdreg s1  }
0x12: {  	vm0 =	vcmask $0x3F3C;
	s26 =	simm.s32 $0x16800;
	s1 =	simm.s32 $0x1C800;
	s25 =	simm.s32 $0x1C880  }
.LBB2_1:
0x13: {  	[dreg:$0xa] =	wrdreg s14  }
0x14: {  	s6 =	rddreg [dreg:$0x5];
	s14 =	simm.s32 $0x1  }
0x15: {  	[tilespmem:s3], [sflag:$0x1] =	stream.linear.gather [hbm4b:s6+s3], $0xC800, $0x38;
	[tilespmem:$0x1CA00] =	vst v63  }
0x16: {  	_ =	swait.ge [sflag:s14], $0xC800  }
0x17: {  	[sflag:s14] =	ssyncset.done $0x0  }
0x18: {  	s15 =	simm.s32 $0xC800;
	[sflag:s14] =	ssyncadd.s32 $0xFFFF3800  }
0x19: {  	[tilespmem:s15], [sflag:$0x2] =	stream.indirect.gather [hbm4b:s5+s16], $0x40, s3, s16, $0xb8;
	[tilespmem:$0x1CA00] =	vst v63  }
0x1a: {  	s17 =	simm.s32 $0xE800  }
0x1b: {  	[tilespmem:s17], [sflag:$0x2] =	stream.indirect.gather [hbm4b:s5+s16], $0x40, s16, s16, $0xb8;
	[tilespmem:$0x1CA00] =	vst v63  }
0x1c: {  	s18 =	simm.s32 $0x100;
	s20 =	simm.s32 $0x10800  }
0x1d: {  	[tilespmem:s20], [sflag:$0x3] =	stream.indirect.gather [hbm4b:s5+s16], $0x40, s18, s16, $0xb8;
	[tilespmem:$0x1CA00] =	vst v63  }
0x1e: {  	s22 =	simm.s32 $0x180;
	s24 =	simm.s32 $0x12800  }
0x1f: {  	[tilespmem:s24], [sflag:$0x3] =	stream.indirect.gather [hbm4b:s5+s16], $0x40, s22, s16, $0xb8;
	[tilespmem:$0x1CA00] =	vst v63  }
0x20: {  	s14 =	simm.s32 $0x200;
	s15 =	simm.s32 $0x14800  }
0x21: {  	[tilespmem:s15], [sflag:$0x4] =	stream.indirect.gather [hbm4b:s5+s16], $0x40, s14, s16, $0xb8;
	[tilespmem:$0x1CA00] =	vst v63  }
0x22: {  	s17 =	simm.s32 $0x280  }
0x23: {  	[tilespmem:s26], [sflag:$0x4] =	stream.indirect.gather [hbm4b:s5+s16], $0x40, s17, s16, $0xb8;
	[tilespmem:$0x1CA00] =	vst v63  }
0x24: {  	s18 =	simm.s32 $0x300  }
0x25: {  	[tilespmem:s29], [sflag:$0x5] =	stream.indirect.gather [hbm4b:s5+s16], $0x40, s18, s16, $0xb8;
	[tilespmem:$0x1CA00] =	vst v63  }
0x26: {  	s20 =	simm.s32 $0x380  }
0x27: {  	[tilespmem:s31], [sflag:$0x5] =	stream.indirect.gather [hbm4b:s5+s16], $0x40, s20, s16, $0xb8;
	[tilespmem:$0x1CA00] =	vst v63  }
0x28: {  	_ =	swait.ge [sflag:s0], $0x2000  }
0x29: {  	[sflag:s0] =	ssyncset.done $0x0  }
0x2a: {  	[sflag:s0] =	ssyncadd.s32 $0xFFFFE000  }
0x2b: {  	_ =	swait.ge [sflag:s0], $0x2000  }
0x2c: {  	[sflag:s0] =	ssyncset.done $0x0  }
0x2d: {  	s6 =	simm.s32 $0xC900;
	[sflag:s0] =	ssyncadd.s32 $0xFFFFE000  }
0x2e: {  	v0 =	vld [tilespmem:s6+$0xFFFFFF00]  }
0x2f: {  	v1 =	vld [tilespmem:s6+$0xFFFFFF70]  }
0x30: {  	v2 =	vld [tilespmem:s6+$0xFFFFFF30]  }
0x31: {  	v3 =	vld [tilespmem:s6+$0xFFFFFF60]  }
0x32: {  	v4 =	vld [tilespmem:s6+$0xFFFFFF20]  }
0x33: {  	v5 =	vld [tilespmem:s6+$0xFFFFFF50]  }
0x34: {  	v6 =	vld [tilespmem:s6+$0xFFFFFF10]  }
0x35: {  	v7 =	vld [tilespmem:s6+$0xFFFFFF40];
	_ =	sdelay $0x3  }
0x36: {  	v1 =	vmul.f32 v1, v2;
	v2 =	vmul.f32 v3, v4  }
0x37: {  	v3 =	vmul.f32 v5, v6;
	v0 =	vmul.f32 v7, v0;
	_ =	sdelay $0x1  }
0x38: {  	v0 =	vadd.f32 v3, v0;
	v1 =	vadd.f32 v1, v2;
	_ =	sdelay $0x1  }
0x39: {  	v0 =	vadd.f32 v1, v0;
	_ =	sdelay $0x1  }
0x3a: {  	(xrf2) =	vadd.scan.msk.f32 $0xffff, v0;
	_ =	sdelay $0x2  }
0x3b: {  	v0 =	vmov s3  }
0x3c: {  	v0 =	vand.u32 $0xFFFFFFFC, v0  }
0x3d: {  	v0 =	vbroadcast v0, $0x0;
	_ =	sdelay $0x4  }
0x3e: {  	v1, _, _ =	vpop (xrf2)  }
0x3f: {  	[tilespmem:v0+s1+$0x0] =	vst.idx.msk vm0, v1  }
0x40: {  	v0 =	vld [tilespmem:s6+$0xFFFFFFB0]  }
0x41: {  	v1 =	vld [tilespmem:s6+$0xFFFFFFD0]  }
0x42: {  	v2 =	vld [tilespmem:s6+$0xFFFFFFC0]  }
0x43: {  	v3 =	vld [tilespmem:s6+$0xFFFFFF90]  }
0x44: {  	v4 =	vld [tilespmem:s6+$0xFFFFFFE0]  }
0x45: {  	v5 =	vld [tilespmem:s6+$0xFFFFFFF0]  }
0x46: {  	v6 =	vld [tilespmem:s6+$0xFFFFFFA0]  }
0x47: {  	v7 =	vld [tilespmem:s6+$0xFFFFFF80];
	_ =	sdelay $0x3  }
0x48: {  	v1 =	vmul.f32 v1, v3;
	v0 =	vmul.f32 v5, v0  }
0x49: {  	v3 =	vmul.f32 v4, v6;
	v2 =	vmul.f32 v2, v7;
	_ =	sdelay $0x1  }
0x4a: {  	v1 =	vadd.f32 v1, v2;
	v0 =	vadd.f32 v0, v3;
	_ =	sdelay $0x1  }
0x4b: {  	v0 =	vadd.f32 v0, v1;
	_ =	sdelay $0x1  }
0x4c: {  	(xrf2) =	vadd.scan.msk.f32 $0xffff, v0;
	_ =	sdelay $0x1  }
0x4d: {  	s22 =	simm.s32 $0x1  }
0x4e: {  	v0 =	vmov s22  }
0x4f: {  	v0 =	vand.u32 $0xFFFFFFFD, v0  }
0x50: {  	v0 =	vbroadcast v0, $0x0;
	_ =	sdelay $0x4  }
0x51: {  	v1, _, _ =	vpop (xrf2)  }
0x52: {  	[tilespmem:v0+s1+$0x0] =	vst.idx.msk vm0, v1  }
0x53: {  	v0 =	vld [tilespmem:s6+$0x70]  }
0x54: {  	v1 =	vld [tilespmem:s6+$0x30]  }
0x55: {  	v2 =	vld [tilespmem:s6+$0x0]  }
0x56: {  	v3 =	vld [tilespmem:s6+$0x50]  }
0x57: {  	v4 =	vld [tilespmem:s6+$0x60]  }
0x58: {  	v5 =	vld [tilespmem:s6+$0x40]  }
0x59: {  	v6 =	vld [tilespmem:s6+$0x20]  }
0x5a: {  	v7 =	vld [tilespmem:s6+$0x10];
	_ =	sdelay $0x3  }
0x5b: {  	v0 =	vmul.f32 v0, v1;
	v1 =	vmul.f32 v5, v2  }
0x5c: {  	v2 =	vmul.f32 v4, v6;
	v3 =	vmul.f32 v3, v7;
	_ =	sdelay $0x1  }
0x5d: {  	v1 =	vadd.f32 v3, v1;
	v0 =	vadd.f32 v0, v2;
	_ =	sdelay $0x1  }
0x5e: {  	v0 =	vadd.f32 v0, v1;
	_ =	sdelay $0x1  }
0x5f: {  	(xrf2) =	vadd.scan.msk.f32 $0xffff, v0;
	_ =	sdelay $0x1  }
0x60: {  	s24 =	simm.s32 $0x2  }
0x61: {  	v0 =	vmov s24  }
0x62: {  	v0 =	vand.u32 $0xFFFFFFFE, v0  }
0x63: {  	v0 =	vbroadcast v0, $0x0;
	_ =	sdelay $0x4  }
0x64: {  	v1, _, _ =	vpop (xrf2)  }
0x65: {  	[tilespmem:v0+s1+$0x0] =	vst.idx.msk vm0, v1  }
0x66: {  	v1 =	vld [tilespmem:s6+$0x80]  }
0x67: {  	v2 =	vld [tilespmem:s6+$0xF0]  }
0x68: {  	v0 =	vld [tilespmem:s6+$0xD0]  }
0x69: {  	v3 =	vld [tilespmem:s6+$0xE0]  }
0x6a: {  	v4 =	vld [tilespmem:s6+$0xC0]  }
0x6b: {  	v5 =	vld [tilespmem:s6+$0xB0]  }
0x6c: {  	v6 =	vld [tilespmem:s6+$0xA0]  }
0x6d: {  	s15 =	simm.s32 $0x4;
	s14 =	simm.s32 $0x0;
	v7 =	vld [tilespmem:s6+$0x90]  }
.LBB2_2:
0x6e: {  	p0 =	slt.u32 s15, $0x7C  }
0x6f: {  	s6 =	sadd.s32 $0x200, s6;
	s17 =	smov.u32 s15;
	s15 =	sadd.s32 $0x4, s15  }
0x70: {  	v1 =	vmul.f32 v4, v1  }
0x71: {  	v2 =	vmul.f32 v2, v5  }
0x72: {  	v3 =	vmul.f32 v3, v6  }
0x73: {  	v0 =	vmul.f32 v0, v7  }
0x74: {  	v2 =	vadd.f32 v2, v3  }
0x75: {  	v0 =	vadd.f32 v0, v1;
	_ =	sdelay $0x1  }
0x76: {  	v0 =	vadd.f32 v2, v0;
	_ =	sdelay $0x1  }
0x77: {  	(xrf2) =	vadd.scan.msk.f32 $0xffff, v0;
	_ =	sdelay $0x3  }
0x78: {  	s18 =	sadd.s32 $0x3, s14;
	s14 =	smov.u32 s17  }
0x79: {  	v0 =	vmov s18;
	_ =	sdelay $0x4  }
0x7a: {  	v1, _, _ =	vpop (xrf2)  }
0x7b: {  	[tilespmem:v0+s1+$0x0] =	vst.idx.msk vm0, v1  }
0x7c: {  	v0 =	vld [tilespmem:s6+$0xFFFFFF00]  }
0x7d: {  	v1 =	vld [tilespmem:s6+$0xFFFFFF70]  }
0x7e: {  	v2 =	vld [tilespmem:s6+$0xFFFFFF30]  }
0x7f: {  	v3 =	vld [tilespmem:s6+$0xFFFFFF60]  }
0x80: {  	v4 =	vld [tilespmem:s6+$0xFFFFFF20]  }
0x81: {  	v5 =	vld [tilespmem:s6+$0xFFFFFF50]  }
0x82: {  	v6 =	vld [tilespmem:s6+$0xFFFFFF10]  }
0x83: {  	v7 =	vld [tilespmem:s6+$0xFFFFFF40];
	v1 =	vmul.f32 v1, v2;
	_ =	sdelay $0x1  }
0x84: {  	v2 =	vmul.f32 v3, v4;
	_ =	sdelay $0x1  }
0x85: {  	v3 =	vmul.f32 v5, v6  }
0x86: {  	v0 =	vmul.f32 v7, v0;
	_ =	sdelay $0x1  }
0x87: {  	v1 =	vadd.f32 v1, v2;
	v0 =	vadd.f32 v3, v0;
	_ =	sdelay $0x1  }
0x88: {  	v0 =	vadd.f32 v1, v0;
	_ =	sdelay $0x1  }
0x89: {  	(xrf2) =	vadd.scan.msk.f32 $0xffff, v0;
	_ =	sdelay $0x2  }
0x8a: {  	v0 =	vmov s14  }
0x8b: {  	v0 =	vand.u32 $0xFFFFFFFC, v0  }
0x8c: {  	v0 =	vbroadcast v0, $0x0;
	_ =	sdelay $0x4  }
0x8d: {  	v1, _, _ =	vpop (xrf2)  }
0x8e: {  	[tilespmem:v0+s1+$0x0] =	vst.idx.msk vm0, v1  }
0x8f: {  	v0 =	vld [tilespmem:s6+$0xFFFFFFB0]  }
0x90: {  	v1 =	vld [tilespmem:s6+$0xFFFFFFD0]  }
0x91: {  	v2 =	vld [tilespmem:s6+$0xFFFFFFC0]  }
0x92: {  	v3 =	vld [tilespmem:s6+$0xFFFFFF90]  }
0x93: {  	v4 =	vld [tilespmem:s6+$0xFFFFFFE0]  }
0x94: {  	v5 =	vld [tilespmem:s6+$0xFFFFFFF0]  }
0x95: {  	v6 =	vld [tilespmem:s6+$0xFFFFFFA0]  }
0x96: {  	v7 =	vld [tilespmem:s6+$0xFFFFFF80];
	_ =	sdelay $0x2  }
0x97: {  	v1 =	vmul.f32 v1, v3;
	v0 =	vmul.f32 v5, v0  }
0x98: {  	v3 =	vmul.f32 v4, v6  }
0x99: {  	v2 =	vmul.f32 v2, v7;
	_ =	sdelay $0x1  }
0x9a: {  	v0 =	vadd.f32 v0, v3;
	v1 =	vadd.f32 v1, v2;
	_ =	sdelay $0x1  }
0x9b: {  	v0 =	vadd.f32 v0, v1;
	_ =	sdelay $0x1  }
0x9c: {  	(xrf2) =	vadd.scan.msk.f32 $0xffff, v0;
	_ =	sdelay $0x1  }
0x9d: {  	s17 =	sadd.s32 $0x1, s14  }
0x9e: {  	v0 =	vmov s17  }
0x9f: {  	v0 =	vand.u32 $0xFFFFFFFD, v0  }
0xa0: {  	v0 =	vbroadcast v0, $0x0;
	_ =	sdelay $0x4  }
0xa1: {  	v1, _, _ =	vpop (xrf2)  }
0xa2: {  	[tilespmem:v0+s1+$0x0] =	vst.idx.msk vm0, v1  }
0xa3: {  	v0 =	vld [tilespmem:s6+$0x70]  }
0xa4: {  	v1 =	vld [tilespmem:s6+$0x30]  }
0xa5: {  	v2 =	vld [tilespmem:s6+$0x0]  }
0xa6: {  	v3 =	vld [tilespmem:s6+$0x50]  }
0xa7: {  	v4 =	vld [tilespmem:s6+$0x60]  }
0xa8: {  	v5 =	vld [tilespmem:s6+$0x40]  }
0xa9: {  	v6 =	vld [tilespmem:s6+$0x20];
	v0 =	vmul.f32 v0, v1  }
0xaa: {  	v1 =	vld [tilespmem:s6+$0x10];
	_ =	sdelay $0x2  }
0xab: {  	v2 =	vmul.f32 v5, v2  }
0xac: {  	v4 =	vmul.f32 v4, v6  }
0xad: {  	v1 =	vmul.f32 v3, v1;
	_ =	sdelay $0x1  }
0xae: {  	v0 =	vadd.f32 v0, v4;
	v1 =	vadd.f32 v1, v2;
	_ =	sdelay $0x1  }
0xaf: {  	v0 =	vadd.f32 v0, v1;
	_ =	sdelay $0x1  }
0xb0: {  	(xrf2) =	vadd.scan.msk.f32 $0xffff, v0;
	_ =	sdelay $0x1  }
0xb1: {  	s17 =	sadd.s32 $0x2, s14  }
0xb2: {  	v0 =	vmov s17  }
0xb3: {  	v0 =	vand.u32 $0xFFFFFFFE, v0  }
0xb4: {  	v0 =	vbroadcast v0, $0x0;
	_ =	sdelay $0x4  }
0xb5: {  	v1, _, _ =	vpop (xrf2)  }
0xb6: {  	[tilespmem:v0+s1+$0x0] =	vst.idx.msk vm0, v1  }
0xb7: {  	v1 =	vld [tilespmem:s6+$0x80]  }
0xb8: {  	v2 =	vld [tilespmem:s6+$0xF0]  }
0xb9: {  	v0 =	vld [tilespmem:s6+$0xD0]  }
.Ltmp0:
0xba: {  	v3 =	vld [tilespmem:s6+$0xE0];
	(pc) =	sbr.rel @p0 .LBB2_2-.Ltmp0, $4  }
0xbb: {  	v4 =	vld [tilespmem:s6+$0xC0]  }
0xbc: {  	v5 =	vld [tilespmem:s6+$0xB0]  }
0xbd: {  	v6 =	vld [tilespmem:s6+$0xA0]  }
0xbe: {  	v7 =	vld [tilespmem:s6+$0x90]  }
0xbf: {  	_ =	sdelay $0x2  }
0xc0: {  	v1 =	vmul.f32 v4, v1;
	v2 =	vmul.f32 v2, v5  }
0xc1: {  	v3 =	vmul.f32 v3, v6;
	v0 =	vmul.f32 v0, v7;
	_ =	sdelay $0x1  }
0xc2: {  	v2 =	vadd.f32 v2, v3;
	v0 =	vadd.f32 v0, v1;
	_ =	sdelay $0x1  }
0xc3: {  	v0 =	vadd.f32 v2, v0;
	_ =	sdelay $0x1  }
0xc4: {  	(xrf2) =	vadd.scan.msk.f32 $0xffff, v0;
	_ =	sdelay $0x4  }
0xc5: {  	s6 =	sadd.s32 $0x3, s14  }
0xc6: {  	v0 =	vmov s6;
	_ =	sdelay $0x3  }
0xc7: {  	v1, _, _ =	vpop (xrf2)  }
0xc8: {  	s15 =	rddreg [dreg:$0x4];
	s6 =	simm.s32 $0x0;
	[tilespmem:v0+s1+$0x0] =	vst.idx.msk vm0, v1  }
0xc9: {  	[hbm4b:s15+s6] =	stream.linear.scatter [tilespmem:s1], [sflag:$0x6], $0x80, $0x38;
	[tilespmem:$0x1CA00] =	vst v63  }
0xca: {  	s17 =	simm.s32 $0xC800;
	s15 =	simm.s32 $0x400  }
0xcb: {  	[tilespmem:s17], [sflag:$0x2] =	stream.indirect.gather [hbm4b:s5+s16], $0x40, s15, s16, $0xb8;
	[tilespmem:$0x1CA00] =	vst v63  }
0xcc: {  	s18 =	simm.s32 $0xE800;
	s20 =	simm.s32 $0x480  }
0xcd: {  	[tilespmem:s18], [sflag:$0x2] =	stream.indirect.gather [hbm4b:s5+s16], $0x40, s20, s16, $0xb8;
	[tilespmem:$0x1CA00] =	vst v63  }
0xce: {  	_ =	swait.ge [sflag:s23], $0x2000  }
0xcf: {  	[sflag:s23] =	ssyncset.done $0x0  }
0xd0: {  	[sflag:s23] =	ssyncadd.s32 $0xFFFFE000  }
0xd1: {  	_ =	swait.ge [sflag:s23], $0x2000  }
0xd2: {  	[sflag:s23] =	ssyncset.done $0x0  }
0xd3: {  	s14 =	simm.s32 $0x10900;
	[sflag:s23] =	ssyncadd.s32 $0xFFFFE000  }
0xd4: {  	v0 =	vld [tilespmem:s14+$0xFFFFFF00]  }
0xd5: {  	v1 =	vld [tilespmem:s14+$0xFFFFFF70]  }
0xd6: {  	v2 =	vld [tilespmem:s14+$0xFFFFFF30]  }
0xd7: {  	v3 =	vld [tilespmem:s14+$0xFFFFFF60]  }
0xd8: {  	v4 =	vld [tilespmem:s14+$0xFFFFFF20]  }
0xd9: {  	v5 =	vld [tilespmem:s14+$0xFFFFFF50]  }
0xda: {  	v6 =	vld [tilespmem:s14+$0xFFFFFF10]  }
0xdb: {  	v7 =	vld [tilespmem:s14+$0xFFFFFF40];
	_ =	sdelay $0x3  }
0xdc: {  	v1 =	vmul.f32 v1, v2;
	v2 =	vmul.f32 v3, v4  }
0xdd: {  	v3 =	vmul.f32 v5, v6;
	v0 =	vmul.f32 v7, v0;
	_ =	sdelay $0x1  }
0xde: {  	v0 =	vadd.f32 v3, v0;
	v1 =	vadd.f32 v1, v2;
	_ =	sdelay $0x1  }
0xdf: {  	v0 =	vadd.f32 v1, v0;
	_ =	sdelay $0x1  }
0xe0: {  	(xrf2) =	vadd.scan.msk.f32 $0xffff, v0;
	_ =	sdelay $0x2  }
0xe1: {  	v0 =	vmov s6  }
0xe2: {  	v0 =	vand.u32 $0xFFFFFFFC, v0  }
0xe3: {  	v0 =	vbroadcast v0, $0x0;
	_ =	sdelay $0x4  }
0xe4: {  	v1, _, _ =	vpop (xrf2)  }
0xe5: {  	[tilespmem:v0+s25+$0x0] =	vst.idx.msk vm0, v1  }
0xe6: {  	v0 =	vld [tilespmem:s14+$0xFFFFFFB0]  }
0xe7: {  	v1 =	vld [tilespmem:s14+$0xFFFFFFD0]  }
0xe8: {  	v2 =	vld [tilespmem:s14+$0xFFFFFFC0]  }
0xe9: {  	v3 =	vld [tilespmem:s14+$0xFFFFFF90]  }
0xea: {  	v4 =	vld [tilespmem:s14+$0xFFFFFFE0]  }
0xeb: {  	v5 =	vld [tilespmem:s14+$0xFFFFFFF0]  }
0xec: {  	v6 =	vld [tilespmem:s14+$0xFFFFFFA0]  }
0xed: {  	v7 =	vld [tilespmem:s14+$0xFFFFFF80];
	_ =	sdelay $0x3  }
0xee: {  	v1 =	vmul.f32 v1, v3;
	v0 =	vmul.f32 v5, v0  }
0xef: {  	v3 =	vmul.f32 v4, v6;
	v2 =	vmul.f32 v2, v7;
	_ =	sdelay $0x1  }
0xf0: {  	v1 =	vadd.f32 v1, v2;
	v0 =	vadd.f32 v0, v3;
	_ =	sdelay $0x1  }
0xf1: {  	v0 =	vadd.f32 v0, v1;
	_ =	sdelay $0x1  }
0xf2: {  	(xrf2) =	vadd.scan.msk.f32 $0xffff, v0;
	_ =	sdelay $0x1  }
0xf3: {  	s22 =	simm.s32 $0x1  }
0xf4: {  	v0 =	vmov s22  }
0xf5: {  	v0 =	vand.u32 $0xFFFFFFFD, v0  }
0xf6: {  	v0 =	vbroadcast v0, $0x0;
	_ =	sdelay $0x4  }
0xf7: {  	v1, _, _ =	vpop (xrf2)  }
0xf8: {  	[tilespmem:v0+s25+$0x0] =	vst.idx.msk vm0, v1  }
0xf9: {  	v0 =	vld [tilespmem:s14+$0x70]  }
0xfa: {  	v1 =	vld [tilespmem:s14+$0x30]  }
0xfb: {  	v2 =	vld [tilespmem:s14+$0x0]  }
0xfc: {  	v3 =	vld [tilespmem:s14+$0x50]  }
0xfd: {  	v4 =	vld [tilespmem:s14+$0x60]  }
0xfe: {  	v5 =	vld [tilespmem:s14+$0x40]  }
0xff: {  	v6 =	vld [tilespmem:s14+$0x20]  }
0x100: {  	v7 =	vld [tilespmem:s14+$0x10];
	_ =	sdelay $0x3  }
0x101: {  	v0 =	vmul.f32 v0, v1;
	v1 =	vmul.f32 v5, v2  }
0x102: {  	v2 =	vmul.f32 v4, v6;
	v3 =	vmul.f32 v3, v7;
	_ =	sdelay $0x1  }
0x103: {  	v1 =	vadd.f32 v3, v1;
	v0 =	vadd.f32 v0, v2;
	_ =	sdelay $0x1  }
0x104: {  	v0 =	vadd.f32 v0, v1;
	_ =	sdelay $0x1  }
0x105: {  	(xrf2) =	vadd.scan.msk.f32 $0xffff, v0;
	_ =	sdelay $0x1  }
0x106: {  	s24 =	simm.s32 $0x2  }
0x107: {  	v0 =	vmov s24  }
0x108: {  	v0 =	vand.u32 $0xFFFFFFFE, v0  }
0x109: {  	v0 =	vbroadcast v0, $0x0;
	_ =	sdelay $0x4  }
0x10a: {  	v1, _, _ =	vpop (xrf2)  }
0x10b: {  	[tilespmem:v0+s25+$0x0] =	vst.idx.msk vm0, v1  }
0x10c: {  	v1 =	vld [tilespmem:s14+$0x80]  }
0x10d: {  	v2 =	vld [tilespmem:s14+$0xF0]  }
0x10e: {  	v0 =	vld [tilespmem:s14+$0xD0]  }
0x10f: {  	v3 =	vld [tilespmem:s14+$0xE0]  }
0x110: {  	v4 =	vld [tilespmem:s14+$0xC0]  }
0x111: {  	v5 =	vld [tilespmem:s14+$0xB0]  }
0x112: {  	v6 =	vld [tilespmem:s14+$0xA0]  }
0x113: {  	s15 =	simm.s32 $0x4;
	v7 =	vld [tilespmem:s14+$0x90]  }
.LBB2_4:
0x114: {  	p0 =	slt.u32 s15, $0x7C  }
0x115: {  	s14 =	sadd.s32 $0x200, s14;
	s17 =	smov.u32 s15;
	s15 =	sadd.s32 $0x4, s15  }
0x116: {  	v1 =	vmul.f32 v4, v1  }
0x117: {  	v2 =	vmul.f32 v2, v5  }
0x118: {  	v3 =	vmul.f32 v3, v6  }
0x119: {  	v0 =	vmul.f32 v0, v7  }
0x11a: {  	v2 =	vadd.f32 v2, v3  }
0x11b: {  	v0 =	vadd.f32 v0, v1;
	_ =	sdelay $0x1  }
0x11c: {  	v0 =	vadd.f32 v2, v0;
	_ =	sdelay $0x1  }
0x11d: {  	(xrf2) =	vadd.scan.msk.f32 $0xffff, v0;
	_ =	sdelay $0x3  }
0x11e: {  	s18 =	sadd.s32 $0x3, s6;
	s6 =	smov.u32 s17  }
0x11f: {  	v0 =	vmov s18;
	_ =	sdelay $0x4  }
0x120: {  	v1, _, _ =	vpop (xrf2)  }
0x121: {  	[tilespmem:v0+s25+$0x0] =	vst.idx.msk vm0, v1  }
0x122: {  	v0 =	vld [tilespmem:s14+$0xFFFFFF00]  }
0x123: {  	v1 =	vld [tilespmem:s14+$0xFFFFFF70]  }
0x124: {  	v2 =	vld [tilespmem:s14+$0xFFFFFF30]  }
0x125: {  	v3 =	vld [tilespmem:s14+$0xFFFFFF60]  }
0x126: {  	v4 =	vld [tilespmem:s14+$0xFFFFFF20]  }
0x127: {  	v5 =	vld [tilespmem:s14+$0xFFFFFF50]  }
0x128: {  	v6 =	vld [tilespmem:s14+$0xFFFFFF10]  }
0x129: {  	v7 =	vld [tilespmem:s14+$0xFFFFFF40];
	v1 =	vmul.f32 v1, v2;
	_ =	sdelay $0x1  }
0x12a: {  	v2 =	vmul.f32 v3, v4;
	_ =	sdelay $0x1  }
0x12b: {  	v3 =	vmul.f32 v5, v6  }
0x12c: {  	v0 =	vmul.f32 v7, v0;
	_ =	sdelay $0x1  }
0x12d: {  	v1 =	vadd.f32 v1, v2;
	v0 =	vadd.f32 v3, v0;
	_ =	sdelay $0x1  }
0x12e: {  	v0 =	vadd.f32 v1, v0;
	_ =	sdelay $0x1  }
0x12f: {  	(xrf2) =	vadd.scan.msk.f32 $0xffff, v0;
	_ =	sdelay $0x2  }
0x130: {  	v0 =	vmov s6  }
0x131: {  	v0 =	vand.u32 $0xFFFFFFFC, v0  }
0x132: {  	v0 =	vbroadcast v0, $0x0;
	_ =	sdelay $0x4  }
0x133: {  	v1, _, _ =	vpop (xrf2)  }
0x134: {  	[tilespmem:v0+s25+$0x0] =	vst.idx.msk vm0, v1  }
0x135: {  	v0 =	vld [tilespmem:s14+$0xFFFFFFB0]  }
0x136: {  	v1 =	vld [tilespmem:s14+$0xFFFFFFD0]  }
0x137: {  	v2 =	vld [tilespmem:s14+$0xFFFFFFC0]  }
0x138: {  	v3 =	vld [tilespmem:s14+$0xFFFFFF90]  }
0x139: {  	v4 =	vld [tilespmem:s14+$0xFFFFFFE0]  }
0x13a: {  	v5 =	vld [tilespmem:s14+$0xFFFFFFF0]  }
0x13b: {  	v6 =	vld [tilespmem:s14+$0xFFFFFFA0]  }
0x13c: {  	v7 =	vld [tilespmem:s14+$0xFFFFFF80];
	_ =	sdelay $0x2  }
0x13d: {  	v1 =	vmul.f32 v1, v3;
	v0 =	vmul.f32 v5, v0  }
0x13e: {  	v3 =	vmul.f32 v4, v6  }
0x13f: {  	v2 =	vmul.f32 v2, v7;
	_ =	sdelay $0x1  }
0x140: {  	v0 =	vadd.f32 v0, v3;
	v1 =	vadd.f32 v1, v2;
	_ =	sdelay $0x1  }
0x141: {  	v0 =	vadd.f32 v0, v1;
	_ =	sdelay $0x1  }
0x142: {  	(xrf2) =	vadd.scan.msk.f32 $0xffff, v0;
	_ =	sdelay $0x1  }
0x143: {  	s17 =	sadd.s32 $0x1, s6  }
0x144: {  	v0 =	vmov s17  }
0x145: {  	v0 =	vand.u32 $0xFFFFFFFD, v0  }
0x146: {  	v0 =	vbroadcast v0, $0x0;
	_ =	sdelay $0x4  }
0x147: {  	v1, _, _ =	vpop (xrf2)  }
0x148: {  	[tilespmem:v0+s25+$0x0] =	vst.idx.msk vm0, v1  }
0x149: {  	v0 =	vld [tilespmem:s14+$0x70]  }
0x14a: {  	v1 =	vld [tilespmem:s14+$0x30]  }
0x14b: {  	v2 =	vld [tilespmem:s14+$0x0]  }
0x14c: {  	v3 =	vld [tilespmem:s14+$0x50]  }
0x14d: {  	v4 =	vld [tilespmem:s14+$0x60]  }
0x14e: {  	v5 =	vld [tilespmem:s14+$0x40]  }
0x14f: {  	v6 =	vld [tilespmem:s14+$0x20];
	v0 =	vmul.f32 v0, v1  }
0x150: {  	v1 =	vld [tilespmem:s14+$0x10];
	_ =	sdelay $0x2  }
0x151: {  	v2 =	vmul.f32 v5, v2  }
0x152: {  	v4 =	vmul.f32 v4, v6  }
0x153: {  	v1 =	vmul.f32 v3, v1;
	_ =	sdelay $0x1  }
0x154: {  	v0 =	vadd.f32 v0, v4;
	v1 =	vadd.f32 v1, v2;
	_ =	sdelay $0x1  }
0x155: {  	v0 =	vadd.f32 v0, v1;
	_ =	sdelay $0x1  }
0x156: {  	(xrf2) =	vadd.scan.msk.f32 $0xffff, v0;
	_ =	sdelay $0x1  }
0x157: {  	s17 =	sadd.s32 $0x2, s6  }
0x158: {  	v0 =	vmov s17  }
0x159: {  	v0 =	vand.u32 $0xFFFFFFFE, v0  }
0x15a: {  	v0 =	vbroadcast v0, $0x0;
	_ =	sdelay $0x4  }
0x15b: {  	v1, _, _ =	vpop (xrf2)  }
0x15c: {  	[tilespmem:v0+s25+$0x0] =	vst.idx.msk vm0, v1  }
0x15d: {  	v1 =	vld [tilespmem:s14+$0x80]  }
0x15e: {  	v2 =	vld [tilespmem:s14+$0xF0]  }
0x15f: {  	v0 =	vld [tilespmem:s14+$0xD0]  }
.Ltmp1:
0x160: {  	v3 =	vld [tilespmem:s14+$0xE0];
	(pc) =	sbr.rel @p0 .LBB2_4-.Ltmp1, $4  }
0x161: {  	v4 =	vld [tilespmem:s14+$0xC0]  }
0x162: {  	v5 =	vld [tilespmem:s14+$0xB0]  }
0x163: {  	v6 =	vld [tilespmem:s14+$0xA0]  }
0x164: {  	v7 =	vld [tilespmem:s14+$0x90]  }
0x165: {  	_ =	sdelay $0x2  }
0x166: {  	v1 =	vmul.f32 v4, v1;
	v2 =	vmul.f32 v2, v5  }
0x167: {  	v3 =	vmul.f32 v3, v6;
	v0 =	vmul.f32 v0, v7;
	_ =	sdelay $0x1  }
0x168: {  	v2 =	vadd.f32 v2, v3;
	v0 =	vadd.f32 v0, v1;
	_ =	sdelay $0x1  }
0x169: {  	v0 =	vadd.f32 v2, v0;
	_ =	sdelay $0x1  }
0x16a: {  	(xrf2) =	vadd.scan.msk.f32 $0xffff, v0;
	_ =	sdelay $0x4  }
0x16b: {  	s6 =	sadd.s32 $0x3, s6  }
0x16c: {  	v0 =	vmov s6;
	_ =	sdelay $0x3  }
0x16d: {  	v1, _, _ =	vpop (xrf2)  }
0x16e: {  	s14 =	rddreg [dreg:$0x6];
	s6 =	simm.s32 $0x0;
	[tilespmem:v0+s25+$0x0] =	vst.idx.msk vm0, v1  }
0x16f: {  	[hbm4b:s14+s6] =	stream.linear.scatter [tilespmem:s25], [sflag:$0x7], $0x80, $0x38;
	[tilespmem:$0x1CA00] =	vst v63  }
0x170: {  	s17 =	simm.s32 $0x10800;
	s15 =	simm.s32 $0x500  }
0x171: {  	[tilespmem:s17], [sflag:$0x3] =	stream.indirect.gather [hbm4b:s5+s16], $0x40, s15, s16, $0xb8;
	[tilespmem:$0x1CA00] =	vst v63  }
0x172: {  	s18 =	simm.s32 $0x12800;
	s20 =	simm.s32 $0x580  }
0x173: {  	[tilespmem:s18], [sflag:$0x3] =	stream.indirect.gather [hbm4b:s5+s16], $0x40, s20, s16, $0xb8;
	[tilespmem:$0x1CA00] =	vst v63  }
0x174: {  	_ =	swait.ge [sflag:s19], $0x2000  }
0x175: {  	[sflag:s19] =	ssyncset.done $0x0  }
0x176: {  	[sflag:s19] =	ssyncadd.s32 $0xFFFFE000  }
0x177: {  	_ =	swait.ge [sflag:s19], $0x2000  }
0x178: {  	[sflag:s19] =	ssyncset.done $0x0  }
0x179: {  	s14 =	simm.s32 $0x14900;
	[sflag:s19] =	ssyncadd.s32 $0xFFFFE000  }
0x17a: {  	v0 =	vld [tilespmem:s14+$0xFFFFFF00]  }
0x17b: {  	v1 =	vld [tilespmem:s14+$0xFFFFFF70]  }
0x17c: {  	v2 =	vld [tilespmem:s14+$0xFFFFFF30]  }
0x17d: {  	v3 =	vld [tilespmem:s14+$0xFFFFFF60]  }
0x17e: {  	v4 =	vld [tilespmem:s14+$0xFFFFFF20]  }
0x17f: {  	v5 =	vld [tilespmem:s14+$0xFFFFFF50]  }
0x180: {  	v6 =	vld [tilespmem:s14+$0xFFFFFF10]  }
0x181: {  	v7 =	vld [tilespmem:s14+$0xFFFFFF40];
	_ =	sdelay $0x3  }
0x182: {  	v1 =	vmul.f32 v1, v2;
	v2 =	vmul.f32 v3, v4  }
0x183: {  	v3 =	vmul.f32 v5, v6;
	v0 =	vmul.f32 v7, v0;
	_ =	sdelay $0x1  }
0x184: {  	v0 =	vadd.f32 v3, v0;
	v1 =	vadd.f32 v1, v2;
	_ =	sdelay $0x1  }
0x185: {  	v0 =	vadd.f32 v1, v0;
	_ =	sdelay $0x1  }
0x186: {  	(xrf2) =	vadd.scan.msk.f32 $0xffff, v0;
	_ =	sdelay $0x2  }
0x187: {  	v0 =	vmov s6  }
0x188: {  	v0 =	vand.u32 $0xFFFFFFFC, v0  }
0x189: {  	v0 =	vbroadcast v0, $0x0;
	_ =	sdelay $0x4  }
0x18a: {  	v1, _, _ =	vpop (xrf2)  }
0x18b: {  	[tilespmem:v0+s21+$0x0] =	vst.idx.msk vm0, v1  }
0x18c: {  	v0 =	vld [tilespmem:s14+$0xFFFFFFB0]  }
0x18d: {  	v1 =	vld [tilespmem:s14+$0xFFFFFFD0]  }
0x18e: {  	v2 =	vld [tilespmem:s14+$0xFFFFFFC0]  }
0x18f: {  	v3 =	vld [tilespmem:s14+$0xFFFFFF90]  }
0x190: {  	v4 =	vld [tilespmem:s14+$0xFFFFFFE0]  }
0x191: {  	v5 =	vld [tilespmem:s14+$0xFFFFFFF0]  }
0x192: {  	v6 =	vld [tilespmem:s14+$0xFFFFFFA0]  }
0x193: {  	v7 =	vld [tilespmem:s14+$0xFFFFFF80];
	_ =	sdelay $0x3  }
0x194: {  	v1 =	vmul.f32 v1, v3;
	v0 =	vmul.f32 v5, v0  }
0x195: {  	v3 =	vmul.f32 v4, v6;
	v2 =	vmul.f32 v2, v7;
	_ =	sdelay $0x1  }
0x196: {  	v1 =	vadd.f32 v1, v2;
	v0 =	vadd.f32 v0, v3;
	_ =	sdelay $0x1  }
0x197: {  	v0 =	vadd.f32 v0, v1;
	_ =	sdelay $0x1  }
0x198: {  	(xrf2) =	vadd.scan.msk.f32 $0xffff, v0;
	_ =	sdelay $0x1  }
0x199: {  	s22 =	simm.s32 $0x1  }
0x19a: {  	v0 =	vmov s22  }
0x19b: {  	v0 =	vand.u32 $0xFFFFFFFD, v0  }
0x19c: {  	v0 =	vbroadcast v0, $0x0;
	_ =	sdelay $0x4  }
0x19d: {  	v1, _, _ =	vpop (xrf2)  }
0x19e: {  	[tilespmem:v0+s21+$0x0] =	vst.idx.msk vm0, v1  }
0x19f: {  	v0 =	vld [tilespmem:s14+$0x70]  }
0x1a0: {  	v1 =	vld [tilespmem:s14+$0x30]  }
0x1a1: {  	v2 =	vld [tilespmem:s14+$0x0]  }
0x1a2: {  	v3 =	vld [tilespmem:s14+$0x50]  }
0x1a3: {  	v4 =	vld [tilespmem:s14+$0x60]  }
0x1a4: {  	v5 =	vld [tilespmem:s14+$0x40]  }
0x1a5: {  	v6 =	vld [tilespmem:s14+$0x20]  }
0x1a6: {  	v7 =	vld [tilespmem:s14+$0x10];
	_ =	sdelay $0x3  }
0x1a7: {  	v0 =	vmul.f32 v0, v1;
	v1 =	vmul.f32 v5, v2  }
0x1a8: {  	v2 =	vmul.f32 v4, v6;
	v3 =	vmul.f32 v3, v7;
	_ =	sdelay $0x1  }
0x1a9: {  	v1 =	vadd.f32 v3, v1;
	v0 =	vadd.f32 v0, v2;
	_ =	sdelay $0x1  }
0x1aa: {  	v0 =	vadd.f32 v0, v1;
	_ =	sdelay $0x1  }
0x1ab: {  	(xrf2) =	vadd.scan.msk.f32 $0xffff, v0;
	_ =	sdelay $0x1  }
0x1ac: {  	s24 =	simm.s32 $0x2  }
0x1ad: {  	v0 =	vmov s24  }
0x1ae: {  	v0 =	vand.u32 $0xFFFFFFFE, v0  }
0x1af: {  	v0 =	vbroadcast v0, $0x0;
	_ =	sdelay $0x4  }
0x1b0: {  	v1, _, _ =	vpop (xrf2)  }
0x1b1: {  	[tilespmem:v0+s21+$0x0] =	vst.idx.msk vm0, v1  }
0x1b2: {  	v1 =	vld [tilespmem:s14+$0x80]  }
0x1b3: {  	v2 =	vld [tilespmem:s14+$0xF0]  }
0x1b4: {  	v0 =	vld [tilespmem:s14+$0xD0]  }
0x1b5: {  	v3 =	vld [tilespmem:s14+$0xE0]  }
0x1b6: {  	v4 =	vld [tilespmem:s14+$0xC0]  }
0x1b7: {  	v5 =	vld [tilespmem:s14+$0xB0]  }
0x1b8: {  	v6 =	vld [tilespmem:s14+$0xA0]  }
0x1b9: {  	s15 =	simm.s32 $0x4;
	v7 =	vld [tilespmem:s14+$0x90]  }
.LBB2_6:
0x1ba: {  	p0 =	slt.u32 s15, $0x7C  }
0x1bb: {  	s14 =	sadd.s32 $0x200, s14;
	s17 =	smov.u32 s15;
	s15 =	sadd.s32 $0x4, s15  }
0x1bc: {  	v1 =	vmul.f32 v4, v1  }
0x1bd: {  	v2 =	vmul.f32 v2, v5  }
0x1be: {  	v3 =	vmul.f32 v3, v6  }
0x1bf: {  	v0 =	vmul.f32 v0, v7  }
0x1c0: {  	v2 =	vadd.f32 v2, v3  }
0x1c1: {  	v0 =	vadd.f32 v0, v1;
	_ =	sdelay $0x1  }
0x1c2: {  	v0 =	vadd.f32 v2, v0;
	_ =	sdelay $0x1  }
0x1c3: {  	(xrf2) =	vadd.scan.msk.f32 $0xffff, v0;
	_ =	sdelay $0x3  }
0x1c4: {  	s18 =	sadd.s32 $0x3, s6;
	s6 =	smov.u32 s17  }
0x1c5: {  	v0 =	vmov s18;
	_ =	sdelay $0x4  }
0x1c6: {  	v1, _, _ =	vpop (xrf2)  }
0x1c7: {  	[tilespmem:v0+s21+$0x0] =	vst.idx.msk vm0, v1  }
0x1c8: {  	v0 =	vld [tilespmem:s14+$0xFFFFFF00]  }
0x1c9: {  	v1 =	vld [tilespmem:s14+$0xFFFFFF70]  }
0x1ca: {  	v2 =	vld [tilespmem:s14+$0xFFFFFF30]  }
0x1cb: {  	v3 =	vld [tilespmem:s14+$0xFFFFFF60]  }
0x1cc: {  	v4 =	vld [tilespmem:s14+$0xFFFFFF20]  }
0x1cd: {  	v5 =	vld [tilespmem:s14+$0xFFFFFF50]  }
0x1ce: {  	v6 =	vld [tilespmem:s14+$0xFFFFFF10]  }
0x1cf: {  	v7 =	vld [tilespmem:s14+$0xFFFFFF40];
	v1 =	vmul.f32 v1, v2;
	_ =	sdelay $0x1  }
0x1d0: {  	v2 =	vmul.f32 v3, v4;
	_ =	sdelay $0x1  }
0x1d1: {  	v3 =	vmul.f32 v5, v6  }
0x1d2: {  	v0 =	vmul.f32 v7, v0;
	_ =	sdelay $0x1  }
0x1d3: {  	v1 =	vadd.f32 v1, v2;
	v0 =	vadd.f32 v3, v0;
	_ =	sdelay $0x1  }
0x1d4: {  	v0 =	vadd.f32 v1, v0;
	_ =	sdelay $0x1  }
0x1d5: {  	(xrf2) =	vadd.scan.msk.f32 $0xffff, v0;
	_ =	sdelay $0x2  }
0x1d6: {  	v0 =	vmov s6  }
0x1d7: {  	v0 =	vand.u32 $0xFFFFFFFC, v0  }
0x1d8: {  	v0 =	vbroadcast v0, $0x0;
	_ =	sdelay $0x4  }
0x1d9: {  	v1, _, _ =	vpop (xrf2)  }
0x1da: {  	[tilespmem:v0+s21+$0x0] =	vst.idx.msk vm0, v1  }
0x1db: {  	v0 =	vld [tilespmem:s14+$0xFFFFFFB0]  }
0x1dc: {  	v1 =	vld [tilespmem:s14+$0xFFFFFFD0]  }
0x1dd: {  	v2 =	vld [tilespmem:s14+$0xFFFFFFC0]  }
0x1de: {  	v3 =	vld [tilespmem:s14+$0xFFFFFF90]  }
0x1df: {  	v4 =	vld [tilespmem:s14+$0xFFFFFFE0]  }
0x1e0: {  	v5 =	vld [tilespmem:s14+$0xFFFFFFF0]  }
0x1e1: {  	v6 =	vld [tilespmem:s14+$0xFFFFFFA0]  }
0x1e2: {  	v7 =	vld [tilespmem:s14+$0xFFFFFF80];
	_ =	sdelay $0x2  }
0x1e3: {  	v1 =	vmul.f32 v1, v3;
	v0 =	vmul.f32 v5, v0  }
0x1e4: {  	v3 =	vmul.f32 v4, v6  }
0x1e5: {  	v2 =	vmul.f32 v2, v7;
	_ =	sdelay $0x1  }
0x1e6: {  	v0 =	vadd.f32 v0, v3;
	v1 =	vadd.f32 v1, v2;
	_ =	sdelay $0x1  }
0x1e7: {  	v0 =	vadd.f32 v0, v1;
	_ =	sdelay $0x1  }
0x1e8: {  	(xrf2) =	vadd.scan.msk.f32 $0xffff, v0;
	_ =	sdelay $0x1  }
0x1e9: {  	s17 =	sadd.s32 $0x1, s6  }
0x1ea: {  	v0 =	vmov s17  }
0x1eb: {  	v0 =	vand.u32 $0xFFFFFFFD, v0  }
0x1ec: {  	v0 =	vbroadcast v0, $0x0;
	_ =	sdelay $0x4  }
0x1ed: {  	v1, _, _ =	vpop (xrf2)  }
0x1ee: {  	[tilespmem:v0+s21+$0x0] =	vst.idx.msk vm0, v1  }
0x1ef: {  	v0 =	vld [tilespmem:s14+$0x70]  }
0x1f0: {  	v1 =	vld [tilespmem:s14+$0x30]  }
0x1f1: {  	v2 =	vld [tilespmem:s14+$0x0]  }
0x1f2: {  	v3 =	vld [tilespmem:s14+$0x50]  }
0x1f3: {  	v4 =	vld [tilespmem:s14+$0x60]  }
0x1f4: {  	v5 =	vld [tilespmem:s14+$0x40]  }
0x1f5: {  	v6 =	vld [tilespmem:s14+$0x20];
	v0 =	vmul.f32 v0, v1  }
0x1f6: {  	v1 =	vld [tilespmem:s14+$0x10];
	_ =	sdelay $0x2  }
0x1f7: {  	v2 =	vmul.f32 v5, v2  }
0x1f8: {  	v4 =	vmul.f32 v4, v6  }
0x1f9: {  	v1 =	vmul.f32 v3, v1;
	_ =	sdelay $0x1  }
0x1fa: {  	v0 =	vadd.f32 v0, v4;
	v1 =	vadd.f32 v1, v2;
	_ =	sdelay $0x1  }
0x1fb: {  	v0 =	vadd.f32 v0, v1;
	_ =	sdelay $0x1  }
0x1fc: {  	(xrf2) =	vadd.scan.msk.f32 $0xffff, v0;
	_ =	sdelay $0x1  }
0x1fd: {  	s17 =	sadd.s32 $0x2, s6  }
0x1fe: {  	v0 =	vmov s17  }
0x1ff: {  	v0 =	vand.u32 $0xFFFFFFFE, v0  }
0x200: {  	v0 =	vbroadcast v0, $0x0;
	_ =	sdelay $0x4  }
0x201: {  	v1, _, _ =	vpop (xrf2)  }
0x202: {  	[tilespmem:v0+s21+$0x0] =	vst.idx.msk vm0, v1  }
0x203: {  	v1 =	vld [tilespmem:s14+$0x80]  }
0x204: {  	v2 =	vld [tilespmem:s14+$0xF0]  }
0x205: {  	v0 =	vld [tilespmem:s14+$0xD0]  }
.Ltmp2:
0x206: {  	v3 =	vld [tilespmem:s14+$0xE0];
	(pc) =	sbr.rel @p0 .LBB2_6-.Ltmp2, $4  }
0x207: {  	v4 =	vld [tilespmem:s14+$0xC0]  }
0x208: {  	v5 =	vld [tilespmem:s14+$0xB0]  }
0x209: {  	v6 =	vld [tilespmem:s14+$0xA0]  }
0x20a: {  	v7 =	vld [tilespmem:s14+$0x90]  }
0x20b: {  	_ =	sdelay $0x2  }
0x20c: {  	v1 =	vmul.f32 v4, v1;
	v2 =	vmul.f32 v2, v5  }
0x20d: {  	v3 =	vmul.f32 v3, v6;
	v0 =	vmul.f32 v0, v7;
	_ =	sdelay $0x1  }
0x20e: {  	v2 =	vadd.f32 v2, v3;
	v0 =	vadd.f32 v0, v1;
	_ =	sdelay $0x1  }
0x20f: {  	v0 =	vadd.f32 v2, v0;
	_ =	sdelay $0x1  }
0x210: {  	(xrf2) =	vadd.scan.msk.f32 $0xffff, v0;
	_ =	sdelay $0x4  }
0x211: {  	s6 =	sadd.s32 $0x3, s6  }
0x212: {  	v0 =	vmov s6;
	_ =	sdelay $0x3  }
0x213: {  	v1, _, _ =	vpop (xrf2)  }
0x214: {  	s14 =	rddreg [dreg:$0x7];
	s6 =	simm.s32 $0x0;
	[tilespmem:v0+s21+$0x0] =	vst.idx.msk vm0, v1  }
0x215: {  	[hbm4b:s14+s6] =	stream.linear.scatter [tilespmem:s21], [sflag:$0x8], $0x80, $0x38;
	[tilespmem:$0x1CA00] =	vst v63  }
0x216: {  	s18 =	simm.s32 $0x14800;
	s15 =	simm.s32 $0x600  }
0x217: {  	[tilespmem:s18], [sflag:$0x4] =	stream.indirect.gather [hbm4b:s5+s16], $0x40, s15, s16, $0xb8;
	[tilespmem:$0x1CA00] =	vst v63  }
0x218: {  	s20 =	simm.s32 $0x680  }
0x219: {  	[tilespmem:s26], [sflag:$0x4] =	stream.indirect.gather [hbm4b:s5+s16], $0x40, s20, s16, $0xb8;
	[tilespmem:$0x1CA00] =	vst v63  }
0x21a: {  	_ =	swait.ge [sflag:s28], $0x2000  }
0x21b: {  	[sflag:s28] =	ssyncset.done $0x0  }
0x21c: {  	[sflag:s28] =	ssyncadd.s32 $0xFFFFE000  }
0x21d: {  	_ =	swait.ge [sflag:s28], $0x2000  }
0x21e: {  	[sflag:s28] =	ssyncset.done $0x0  }
0x21f: {  	s14 =	simm.s32 $0x18900;
	[sflag:s28] =	ssyncadd.s32 $0xFFFFE000  }
0x220: {  	v0 =	vld [tilespmem:s14+$0xFFFFFF00]  }
0x221: {  	v1 =	vld [tilespmem:s14+$0xFFFFFF70]  }
0x222: {  	v2 =	vld [tilespmem:s14+$0xFFFFFF30]  }
0x223: {  	v3 =	vld [tilespmem:s14+$0xFFFFFF60]  }
0x224: {  	v4 =	vld [tilespmem:s14+$0xFFFFFF20]  }
0x225: {  	v5 =	vld [tilespmem:s14+$0xFFFFFF50]  }
0x226: {  	v6 =	vld [tilespmem:s14+$0xFFFFFF10]  }
0x227: {  	v7 =	vld [tilespmem:s14+$0xFFFFFF40];
	_ =	sdelay $0x3  }
0x228: {  	v1 =	vmul.f32 v1, v2;
	v2 =	vmul.f32 v3, v4  }
0x229: {  	v3 =	vmul.f32 v5, v6;
	v0 =	vmul.f32 v7, v0;
	_ =	sdelay $0x1  }
0x22a: {  	v0 =	vadd.f32 v3, v0;
	v1 =	vadd.f32 v1, v2;
	_ =	sdelay $0x1  }
0x22b: {  	v0 =	vadd.f32 v1, v0;
	_ =	sdelay $0x1  }
0x22c: {  	(xrf2) =	vadd.scan.msk.f32 $0xffff, v0;
	_ =	sdelay $0x2  }
0x22d: {  	v0 =	vmov s6  }
0x22e: {  	v0 =	vand.u32 $0xFFFFFFFC, v0  }
0x22f: {  	v0 =	vbroadcast v0, $0x0;
	_ =	sdelay $0x4  }
0x230: {  	v1, _, _ =	vpop (xrf2)  }
0x231: {  	[tilespmem:v0+s30+$0x0] =	vst.idx.msk vm0, v1  }
0x232: {  	v0 =	vld [tilespmem:s14+$0xFFFFFFB0]  }
0x233: {  	v1 =	vld [tilespmem:s14+$0xFFFFFFD0]  }
0x234: {  	v2 =	vld [tilespmem:s14+$0xFFFFFFC0]  }
0x235: {  	v3 =	vld [tilespmem:s14+$0xFFFFFF90]  }
0x236: {  	v4 =	vld [tilespmem:s14+$0xFFFFFFE0]  }
0x237: {  	v5 =	vld [tilespmem:s14+$0xFFFFFFF0]  }
0x238: {  	v6 =	vld [tilespmem:s14+$0xFFFFFFA0]  }
0x239: {  	v7 =	vld [tilespmem:s14+$0xFFFFFF80];
	_ =	sdelay $0x3  }
0x23a: {  	v1 =	vmul.f32 v1, v3;
	v0 =	vmul.f32 v5, v0  }
0x23b: {  	v3 =	vmul.f32 v4, v6;
	v2 =	vmul.f32 v2, v7;
	_ =	sdelay $0x1  }
0x23c: {  	v1 =	vadd.f32 v1, v2;
	v0 =	vadd.f32 v0, v3;
	_ =	sdelay $0x1  }
0x23d: {  	v0 =	vadd.f32 v0, v1;
	_ =	sdelay $0x1  }
0x23e: {  	(xrf2) =	vadd.scan.msk.f32 $0xffff, v0;
	_ =	sdelay $0x1  }
0x23f: {  	s22 =	simm.s32 $0x1  }
0x240: {  	v0 =	vmov s22  }
0x241: {  	v0 =	vand.u32 $0xFFFFFFFD, v0  }
0x242: {  	v0 =	vbroadcast v0, $0x0;
	_ =	sdelay $0x4  }
0x243: {  	v1, _, _ =	vpop (xrf2)  }
0x244: {  	[tilespmem:v0+s30+$0x0] =	vst.idx.msk vm0, v1  }
0x245: {  	v0 =	vld [tilespmem:s14+$0x70]  }
0x246: {  	v1 =	vld [tilespmem:s14+$0x30]  }
0x247: {  	v2 =	vld [tilespmem:s14+$0x0]  }
0x248: {  	v3 =	vld [tilespmem:s14+$0x50]  }
0x249: {  	v4 =	vld [tilespmem:s14+$0x60]  }
0x24a: {  	v5 =	vld [tilespmem:s14+$0x40]  }
0x24b: {  	v6 =	vld [tilespmem:s14+$0x20]  }
0x24c: {  	v7 =	vld [tilespmem:s14+$0x10];
	_ =	sdelay $0x3  }
0x24d: {  	v0 =	vmul.f32 v0, v1;
	v1 =	vmul.f32 v5, v2  }
0x24e: {  	v2 =	vmul.f32 v4, v6;
	v3 =	vmul.f32 v3, v7;
	_ =	sdelay $0x1  }
0x24f: {  	v1 =	vadd.f32 v3, v1;
	v0 =	vadd.f32 v0, v2;
	_ =	sdelay $0x1  }
0x250: {  	v0 =	vadd.f32 v0, v1;
	_ =	sdelay $0x1  }
0x251: {  	(xrf2) =	vadd.scan.msk.f32 $0xffff, v0;
	_ =	sdelay $0x1  }
0x252: {  	s24 =	simm.s32 $0x2  }
0x253: {  	v0 =	vmov s24  }
0x254: {  	v0 =	vand.u32 $0xFFFFFFFE, v0  }
0x255: {  	v0 =	vbroadcast v0, $0x0;
	_ =	sdelay $0x4  }
0x256: {  	v1, _, _ =	vpop (xrf2)  }
0x257: {  	[tilespmem:v0+s30+$0x0] =	vst.idx.msk vm0, v1  }
0x258: {  	v1 =	vld [tilespmem:s14+$0x80]  }
0x259: {  	v2 =	vld [tilespmem:s14+$0xF0]  }
0x25a: {  	v0 =	vld [tilespmem:s14+$0xD0]  }
0x25b: {  	v3 =	vld [tilespmem:s14+$0xE0]  }
0x25c: {  	v4 =	vld [tilespmem:s14+$0xC0]  }
0x25d: {  	v5 =	vld [tilespmem:s14+$0xB0]  }
0x25e: {  	v6 =	vld [tilespmem:s14+$0xA0]  }
0x25f: {  	s15 =	simm.s32 $0x4;
	v7 =	vld [tilespmem:s14+$0x90]  }
.LBB2_8:
0x260: {  	p0 =	slt.u32 s15, $0x7C  }
0x261: {  	s14 =	sadd.s32 $0x200, s14;
	s17 =	smov.u32 s15;
	s15 =	sadd.s32 $0x4, s15  }
0x262: {  	v1 =	vmul.f32 v4, v1  }
0x263: {  	v2 =	vmul.f32 v2, v5  }
0x264: {  	v3 =	vmul.f32 v3, v6  }
0x265: {  	v0 =	vmul.f32 v0, v7  }
0x266: {  	v2 =	vadd.f32 v2, v3  }
0x267: {  	v0 =	vadd.f32 v0, v1;
	_ =	sdelay $0x1  }
0x268: {  	v0 =	vadd.f32 v2, v0;
	_ =	sdelay $0x1  }
0x269: {  	(xrf2) =	vadd.scan.msk.f32 $0xffff, v0;
	_ =	sdelay $0x3  }
0x26a: {  	s18 =	sadd.s32 $0x3, s6;
	s6 =	smov.u32 s17  }
0x26b: {  	v0 =	vmov s18;
	_ =	sdelay $0x4  }
0x26c: {  	v1, _, _ =	vpop (xrf2)  }
0x26d: {  	[tilespmem:v0+s30+$0x0] =	vst.idx.msk vm0, v1  }
0x26e: {  	v0 =	vld [tilespmem:s14+$0xFFFFFF00]  }
0x26f: {  	v1 =	vld [tilespmem:s14+$0xFFFFFF70]  }
0x270: {  	v2 =	vld [tilespmem:s14+$0xFFFFFF30]  }
0x271: {  	v3 =	vld [tilespmem:s14+$0xFFFFFF60]  }
0x272: {  	v4 =	vld [tilespmem:s14+$0xFFFFFF20]  }
0x273: {  	v5 =	vld [tilespmem:s14+$0xFFFFFF50]  }
0x274: {  	v6 =	vld [tilespmem:s14+$0xFFFFFF10]  }
0x275: {  	v7 =	vld [tilespmem:s14+$0xFFFFFF40];
	v1 =	vmul.f32 v1, v2;
	_ =	sdelay $0x1  }
0x276: {  	v2 =	vmul.f32 v3, v4;
	_ =	sdelay $0x1  }
0x277: {  	v3 =	vmul.f32 v5, v6  }
0x278: {  	v0 =	vmul.f32 v7, v0;
	_ =	sdelay $0x1  }
0x279: {  	v1 =	vadd.f32 v1, v2;
	v0 =	vadd.f32 v3, v0;
	_ =	sdelay $0x1  }
0x27a: {  	v0 =	vadd.f32 v1, v0;
	_ =	sdelay $0x1  }
0x27b: {  	(xrf2) =	vadd.scan.msk.f32 $0xffff, v0;
	_ =	sdelay $0x2  }
0x27c: {  	v0 =	vmov s6  }
0x27d: {  	v0 =	vand.u32 $0xFFFFFFFC, v0  }
0x27e: {  	v0 =	vbroadcast v0, $0x0;
	_ =	sdelay $0x4  }
0x27f: {  	v1, _, _ =	vpop (xrf2)  }
0x280: {  	[tilespmem:v0+s30+$0x0] =	vst.idx.msk vm0, v1  }
0x281: {  	v0 =	vld [tilespmem:s14+$0xFFFFFFB0]  }
0x282: {  	v1 =	vld [tilespmem:s14+$0xFFFFFFD0]  }
0x283: {  	v2 =	vld [tilespmem:s14+$0xFFFFFFC0]  }
0x284: {  	v3 =	vld [tilespmem:s14+$0xFFFFFF90]  }
0x285: {  	v4 =	vld [tilespmem:s14+$0xFFFFFFE0]  }
0x286: {  	v5 =	vld [tilespmem:s14+$0xFFFFFFF0]  }
0x287: {  	v6 =	vld [tilespmem:s14+$0xFFFFFFA0]  }
0x288: {  	v7 =	vld [tilespmem:s14+$0xFFFFFF80];
	_ =	sdelay $0x2  }
0x289: {  	v1 =	vmul.f32 v1, v3;
	v0 =	vmul.f32 v5, v0  }
0x28a: {  	v3 =	vmul.f32 v4, v6  }
0x28b: {  	v2 =	vmul.f32 v2, v7;
	_ =	sdelay $0x1  }
0x28c: {  	v0 =	vadd.f32 v0, v3;
	v1 =	vadd.f32 v1, v2;
	_ =	sdelay $0x1  }
0x28d: {  	v0 =	vadd.f32 v0, v1;
	_ =	sdelay $0x1  }
0x28e: {  	(xrf2) =	vadd.scan.msk.f32 $0xffff, v0;
	_ =	sdelay $0x1  }
0x28f: {  	s17 =	sadd.s32 $0x1, s6  }
0x290: {  	v0 =	vmov s17  }
0x291: {  	v0 =	vand.u32 $0xFFFFFFFD, v0  }
0x292: {  	v0 =	vbroadcast v0, $0x0;
	_ =	sdelay $0x4  }
0x293: {  	v1, _, _ =	vpop (xrf2)  }
0x294: {  	[tilespmem:v0+s30+$0x0] =	vst.idx.msk vm0, v1  }
0x295: {  	v0 =	vld [tilespmem:s14+$0x70]  }
0x296: {  	v1 =	vld [tilespmem:s14+$0x30]  }
0x297: {  	v2 =	vld [tilespmem:s14+$0x0]  }
0x298: {  	v3 =	vld [tilespmem:s14+$0x50]  }
0x299: {  	v4 =	vld [tilespmem:s14+$0x60]  }
0x29a: {  	v5 =	vld [tilespmem:s14+$0x40]  }
0x29b: {  	v6 =	vld [tilespmem:s14+$0x20];
	v0 =	vmul.f32 v0, v1  }
0x29c: {  	v1 =	vld [tilespmem:s14+$0x10];
	_ =	sdelay $0x2  }
0x29d: {  	v2 =	vmul.f32 v5, v2  }
0x29e: {  	v4 =	vmul.f32 v4, v6  }
0x29f: {  	v1 =	vmul.f32 v3, v1;
	_ =	sdelay $0x1  }
0x2a0: {  	v0 =	vadd.f32 v0, v4;
	v1 =	vadd.f32 v1, v2;
	_ =	sdelay $0x1  }
0x2a1: {  	v0 =	vadd.f32 v0, v1;
	_ =	sdelay $0x1  }
0x2a2: {  	(xrf2) =	vadd.scan.msk.f32 $0xffff, v0;
	_ =	sdelay $0x1  }
0x2a3: {  	s17 =	sadd.s32 $0x2, s6  }
0x2a4: {  	v0 =	vmov s17  }
0x2a5: {  	v0 =	vand.u32 $0xFFFFFFFE, v0  }
0x2a6: {  	v0 =	vbroadcast v0, $0x0;
	_ =	sdelay $0x4  }
0x2a7: {  	v1, _, _ =	vpop (xrf2)  }
0x2a8: {  	[tilespmem:v0+s30+$0x0] =	vst.idx.msk vm0, v1  }
0x2a9: {  	v1 =	vld [tilespmem:s14+$0x80]  }
0x2aa: {  	v2 =	vld [tilespmem:s14+$0xF0]  }
0x2ab: {  	v0 =	vld [tilespmem:s14+$0xD0]  }
.Ltmp3:
0x2ac: {  	v3 =	vld [tilespmem:s14+$0xE0];
	(pc) =	sbr.rel @p0 .LBB2_8-.Ltmp3, $4  }
0x2ad: {  	v4 =	vld [tilespmem:s14+$0xC0]  }
0x2ae: {  	v5 =	vld [tilespmem:s14+$0xB0]  }
0x2af: {  	v6 =	vld [tilespmem:s14+$0xA0]  }
0x2b0: {  	v7 =	vld [tilespmem:s14+$0x90]  }
0x2b1: {  	_ =	sdelay $0x2  }
0x2b2: {  	v1 =	vmul.f32 v4, v1;
	v2 =	vmul.f32 v2, v5  }
0x2b3: {  	v3 =	vmul.f32 v3, v6;
	v0 =	vmul.f32 v0, v7;
	_ =	sdelay $0x1  }
0x2b4: {  	v2 =	vadd.f32 v2, v3;
	v0 =	vadd.f32 v0, v1;
	_ =	sdelay $0x1  }
0x2b5: {  	v0 =	vadd.f32 v2, v0;
	_ =	sdelay $0x1  }
0x2b6: {  	(xrf2) =	vadd.scan.msk.f32 $0xffff, v0;
	_ =	sdelay $0x4  }
0x2b7: {  	s6 =	sadd.s32 $0x3, s6  }
0x2b8: {  	v62 =	vmov s6;
	_ =	sdelay $0x3  }
0x2b9: {  	v63, _, _ =	vpop (xrf2)  }
0x2ba: {  	s20 =	rddreg [dreg:$0x8];
	[tilespmem:v62+s30+$0x0] =	vst.idx.msk vm0, v63  }
0x2bb: {  	[hbm4b:s20+s3] =	stream.linear.scatter [tilespmem:s30], [sflag:$0x9], $0x80, $0x38;
	[tilespmem:$0x1CA00] =	vst v63  }
0x2bc: {  	s22 =	simm.s32 $0x700  }
0x2bd: {  	[tilespmem:s29], [sflag:$0x5] =	stream.indirect.gather [hbm4b:s5+s16], $0x40, s22, s16, $0xb8;
	[tilespmem:$0x1CA00] =	vst v63  }
0x2be: {  	s24 =	simm.s32 $0x780;
	s6 =	simm.s32 $0x1  }
0x2bf: {  	[tilespmem:s31], [sflag:$0x5] =	stream.indirect.gather [hbm4b:s5+s16], $0x40, s24, s16, $0xb8;
	[tilespmem:$0x1CA00] =	vst v63  }
.LBB2_10:
0x2c0: {  	_ =	swait.ge [sflag:s0], $0x2000  }
0x2c1: {  	[sflag:s0] =	ssyncset.done $0x0  }
0x2c2: {  	[sflag:s0] =	ssyncadd.s32 $0xFFFFE000  }
0x2c3: {  	_ =	swait.ge [sflag:s0], $0x2000  }
0x2c4: {  	[sflag:s0] =	ssyncset.done $0x0  }
0x2c5: {  	[sflag:s0] =	ssyncadd.s32 $0xFFFFE000  }
0x2c6: {  	_ =	swait.ge [sflag:s7], $0x80  }
0x2c7: {  	[sflag:s7] =	ssyncset.done $0x0  }
0x2c8: {  	s14 =	simm.s32 $0xC900;
	[sflag:s7] =	ssyncadd.s32 $0xFFFFFF80  }
0x2c9: {  	v0 =	vld [tilespmem:s14+$0xFFFFFF00]  }
0x2ca: {  	v1 =	vld [tilespmem:s14+$0xFFFFFF70]  }
0x2cb: {  	v2 =	vld [tilespmem:s14+$0xFFFFFF30]  }
0x2cc: {  	v3 =	vld [tilespmem:s14+$0xFFFFFF60]  }
0x2cd: {  	v4 =	vld [tilespmem:s14+$0xFFFFFF20]  }
0x2ce: {  	v5 =	vld [tilespmem:s14+$0xFFFFFF50]  }
0x2cf: {  	v6 =	vld [tilespmem:s14+$0xFFFFFF10]  }
0x2d0: {  	v7 =	vld [tilespmem:s14+$0xFFFFFF40];
	_ =	sdelay $0x3  }
0x2d1: {  	v1 =	vmul.f32 v1, v2;
	v2 =	vmul.f32 v3, v4  }
0x2d2: {  	v3 =	vmul.f32 v5, v6;
	v0 =	vmul.f32 v7, v0;
	_ =	sdelay $0x1  }
0x2d3: {  	v0 =	vadd.f32 v3, v0;
	v1 =	vadd.f32 v1, v2;
	_ =	sdelay $0x1  }
0x2d4: {  	v0 =	vadd.f32 v1, v0;
	_ =	sdelay $0x1  }
0x2d5: {  	(xrf2) =	vadd.scan.msk.f32 $0xffff, v0;
	_ =	sdelay $0x1  }
0x2d6: {  	s15 =	simm.s32 $0x0  }
0x2d7: {  	v0 =	vmov s15  }
0x2d8: {  	v0 =	vand.u32 $0xFFFFFFFC, v0  }
0x2d9: {  	v0 =	vbroadcast v0, $0x0;
	_ =	sdelay $0x4  }
0x2da: {  	v1, _, _ =	vpop (xrf2)  }
0x2db: {  	[tilespmem:v0+s1+$0x0] =	vst.idx.msk vm0, v1  }
0x2dc: {  	v0 =	vld [tilespmem:s14+$0xFFFFFFB0]  }
0x2dd: {  	v1 =	vld [tilespmem:s14+$0xFFFFFFD0]  }
0x2de: {  	v2 =	vld [tilespmem:s14+$0xFFFFFFC0]  }
0x2df: {  	v3 =	vld [tilespmem:s14+$0xFFFFFF90]  }
0x2e0: {  	v4 =	vld [tilespmem:s14+$0xFFFFFFE0]  }
0x2e1: {  	v5 =	vld [tilespmem:s14+$0xFFFFFFF0]  }
0x2e2: {  	v6 =	vld [tilespmem:s14+$0xFFFFFFA0]  }
0x2e3: {  	v7 =	vld [tilespmem:s14+$0xFFFFFF80];
	_ =	sdelay $0x3  }
0x2e4: {  	v1 =	vmul.f32 v1, v3;
	v0 =	vmul.f32 v5, v0  }
0x2e5: {  	v3 =	vmul.f32 v4, v6;
	v2 =	vmul.f32 v2, v7;
	_ =	sdelay $0x1  }
0x2e6: {  	v1 =	vadd.f32 v1, v2;
	v0 =	vadd.f32 v0, v3;
	_ =	sdelay $0x1  }
0x2e7: {  	v0 =	vadd.f32 v0, v1;
	_ =	sdelay $0x1  }
0x2e8: {  	(xrf2) =	vadd.scan.msk.f32 $0xffff, v0;
	_ =	sdelay $0x1  }
0x2e9: {  	s17 =	simm.s32 $0x1  }
0x2ea: {  	v0 =	vmov s17  }
0x2eb: {  	v0 =	vand.u32 $0xFFFFFFFD, v0  }
0x2ec: {  	v0 =	vbroadcast v0, $0x0;
	_ =	sdelay $0x4  }
0x2ed: {  	v1, _, _ =	vpop (xrf2)  }
0x2ee: {  	[tilespmem:v0+s1+$0x0] =	vst.idx.msk vm0, v1  }
0x2ef: {  	v0 =	vld [tilespmem:s14+$0x70]  }
0x2f0: {  	v1 =	vld [tilespmem:s14+$0x30]  }
0x2f1: {  	v2 =	vld [tilespmem:s14+$0x0]  }
0x2f2: {  	v3 =	vld [tilespmem:s14+$0x50]  }
0x2f3: {  	v4 =	vld [tilespmem:s14+$0x60]  }
0x2f4: {  	v5 =	vld [tilespmem:s14+$0x40]  }
0x2f5: {  	v6 =	vld [tilespmem:s14+$0x20]  }
0x2f6: {  	v7 =	vld [tilespmem:s14+$0x10];
	_ =	sdelay $0x3  }
0x2f7: {  	v0 =	vmul.f32 v0, v1;
	v1 =	vmul.f32 v5, v2  }
0x2f8: {  	v2 =	vmul.f32 v4, v6;
	v3 =	vmul.f32 v3, v7;
	_ =	sdelay $0x1  }
0x2f9: {  	v1 =	vadd.f32 v3, v1;
	v0 =	vadd.f32 v0, v2;
	_ =	sdelay $0x1  }
0x2fa: {  	v0 =	vadd.f32 v0, v1;
	_ =	sdelay $0x1  }
0x2fb: {  	(xrf2) =	vadd.scan.msk.f32 $0xffff, v0;
	_ =	sdelay $0x1  }
0x2fc: {  	s24 =	simm.s32 $0x2  }
0x2fd: {  	v0 =	vmov s24  }
0x2fe: {  	v0 =	vand.u32 $0xFFFFFFFE, v0  }
0x2ff: {  	v0 =	vbroadcast v0, $0x0;
	_ =	sdelay $0x4  }
0x300: {  	v1, _, _ =	vpop (xrf2)  }
0x301: {  	[tilespmem:v0+s1+$0x0] =	vst.idx.msk vm0, v1  }
0x302: {  	v1 =	vld [tilespmem:s14+$0x80]  }
0x303: {  	v2 =	vld [tilespmem:s14+$0xF0]  }
0x304: {  	v0 =	vld [tilespmem:s14+$0xD0]  }
0x305: {  	v3 =	vld [tilespmem:s14+$0xE0]  }
0x306: {  	v4 =	vld [tilespmem:s14+$0xC0]  }
0x307: {  	v5 =	vld [tilespmem:s14+$0xB0]  }
0x308: {  	v6 =	vld [tilespmem:s14+$0xA0]  }
0x309: {  	s17 =	simm.s32 $0x4;
	v7 =	vld [tilespmem:s14+$0x90]  }
.LBB2_11:
0x30a: {  	p0 =	slt.u32 s17, $0x7C  }
0x30b: {  	s14 =	sadd.s32 $0x200, s14;
	s18 =	smov.u32 s17;
	s17 =	sadd.s32 $0x4, s17  }
0x30c: {  	v1 =	vmul.f32 v4, v1  }
0x30d: {  	v2 =	vmul.f32 v2, v5  }
0x30e: {  	v3 =	vmul.f32 v3, v6  }
0x30f: {  	v0 =	vmul.f32 v0, v7  }
0x310: {  	v2 =	vadd.f32 v2, v3  }
0x311: {  	v0 =	vadd.f32 v0, v1;
	_ =	sdelay $0x1  }
0x312: {  	v0 =	vadd.f32 v2, v0;
	_ =	sdelay $0x1  }
0x313: {  	(xrf2) =	vadd.scan.msk.f32 $0xffff, v0;
	_ =	sdelay $0x3  }
0x314: {  	s20 =	sadd.s32 $0x3, s15;
	s15 =	smov.u32 s18  }
0x315: {  	v0 =	vmov s20;
	_ =	sdelay $0x4  }
0x316: {  	v1, _, _ =	vpop (xrf2)  }
0x317: {  	[tilespmem:v0+s1+$0x0] =	vst.idx.msk vm0, v1  }
0x318: {  	v0 =	vld [tilespmem:s14+$0xFFFFFF00]  }
0x319: {  	v1 =	vld [tilespmem:s14+$0xFFFFFF70]  }
0x31a: {  	v2 =	vld [tilespmem:s14+$0xFFFFFF30]  }
0x31b: {  	v3 =	vld [tilespmem:s14+$0xFFFFFF60]  }
0x31c: {  	v4 =	vld [tilespmem:s14+$0xFFFFFF20]  }
0x31d: {  	v5 =	vld [tilespmem:s14+$0xFFFFFF50]  }
0x31e: {  	v6 =	vld [tilespmem:s14+$0xFFFFFF10]  }
0x31f: {  	v7 =	vld [tilespmem:s14+$0xFFFFFF40];
	v1 =	vmul.f32 v1, v2;
	_ =	sdelay $0x1  }
0x320: {  	v2 =	vmul.f32 v3, v4;
	_ =	sdelay $0x1  }
0x321: {  	v3 =	vmul.f32 v5, v6  }
0x322: {  	v0 =	vmul.f32 v7, v0;
	_ =	sdelay $0x1  }
0x323: {  	v1 =	vadd.f32 v1, v2;
	v0 =	vadd.f32 v3, v0;
	_ =	sdelay $0x1  }
0x324: {  	v0 =	vadd.f32 v1, v0;
	_ =	sdelay $0x1  }
0x325: {  	(xrf2) =	vadd.scan.msk.f32 $0xffff, v0;
	_ =	sdelay $0x2  }
0x326: {  	v0 =	vmov s15  }
0x327: {  	v0 =	vand.u32 $0xFFFFFFFC, v0  }
0x328: {  	v0 =	vbroadcast v0, $0x0;
	_ =	sdelay $0x4  }
0x329: {  	v1, _, _ =	vpop (xrf2)  }
0x32a: {  	[tilespmem:v0+s1+$0x0] =	vst.idx.msk vm0, v1  }
0x32b: {  	v0 =	vld [tilespmem:s14+$0xFFFFFFB0]  }
0x32c: {  	v1 =	vld [tilespmem:s14+$0xFFFFFFD0]  }
0x32d: {  	v2 =	vld [tilespmem:s14+$0xFFFFFFC0]  }
0x32e: {  	v3 =	vld [tilespmem:s14+$0xFFFFFF90]  }
0x32f: {  	v4 =	vld [tilespmem:s14+$0xFFFFFFE0]  }
0x330: {  	v5 =	vld [tilespmem:s14+$0xFFFFFFF0]  }
0x331: {  	v6 =	vld [tilespmem:s14+$0xFFFFFFA0]  }
0x332: {  	v7 =	vld [tilespmem:s14+$0xFFFFFF80];
	_ =	sdelay $0x2  }
0x333: {  	v1 =	vmul.f32 v1, v3;
	v0 =	vmul.f32 v5, v0  }
0x334: {  	v3 =	vmul.f32 v4, v6  }
0x335: {  	v2 =	vmul.f32 v2, v7;
	_ =	sdelay $0x1  }
0x336: {  	v0 =	vadd.f32 v0, v3;
	v1 =	vadd.f32 v1, v2;
	_ =	sdelay $0x1  }
0x337: {  	v0 =	vadd.f32 v0, v1;
	_ =	sdelay $0x1  }
0x338: {  	(xrf2) =	vadd.scan.msk.f32 $0xffff, v0;
	_ =	sdelay $0x1  }
0x339: {  	s18 =	sadd.s32 $0x1, s15  }
0x33a: {  	v0 =	vmov s18  }
0x33b: {  	v0 =	vand.u32 $0xFFFFFFFD, v0  }
0x33c: {  	v0 =	vbroadcast v0, $0x0;
	_ =	sdelay $0x4  }
0x33d: {  	v1, _, _ =	vpop (xrf2)  }
0x33e: {  	[tilespmem:v0+s1+$0x0] =	vst.idx.msk vm0, v1  }
0x33f: {  	v0 =	vld [tilespmem:s14+$0x70]  }
0x340: {  	v1 =	vld [tilespmem:s14+$0x30]  }
0x341: {  	v2 =	vld [tilespmem:s14+$0x0]  }
0x342: {  	v3 =	vld [tilespmem:s14+$0x50]  }
0x343: {  	v4 =	vld [tilespmem:s14+$0x60]  }
0x344: {  	v5 =	vld [tilespmem:s14+$0x40]  }
0x345: {  	v6 =	vld [tilespmem:s14+$0x20];
	v0 =	vmul.f32 v0, v1  }
0x346: {  	v1 =	vld [tilespmem:s14+$0x10];
	_ =	sdelay $0x2  }
0x347: {  	v2 =	vmul.f32 v5, v2  }
0x348: {  	v4 =	vmul.f32 v4, v6  }
0x349: {  	v1 =	vmul.f32 v3, v1;
	_ =	sdelay $0x1  }
0x34a: {  	v0 =	vadd.f32 v0, v4;
	v1 =	vadd.f32 v1, v2;
	_ =	sdelay $0x1  }
0x34b: {  	v0 =	vadd.f32 v0, v1;
	_ =	sdelay $0x1  }
0x34c: {  	(xrf2) =	vadd.scan.msk.f32 $0xffff, v0;
	_ =	sdelay $0x1  }
0x34d: {  	s18 =	sadd.s32 $0x2, s15  }
0x34e: {  	v0 =	vmov s18  }
0x34f: {  	v0 =	vand.u32 $0xFFFFFFFE, v0  }
0x350: {  	v0 =	vbroadcast v0, $0x0;
	_ =	sdelay $0x4  }
0x351: {  	v1, _, _ =	vpop (xrf2)  }
0x352: {  	[tilespmem:v0+s1+$0x0] =	vst.idx.msk vm0, v1  }
0x353: {  	v1 =	vld [tilespmem:s14+$0x80]  }
0x354: {  	v2 =	vld [tilespmem:s14+$0xF0]  }
0x355: {  	v0 =	vld [tilespmem:s14+$0xD0]  }
.Ltmp4:
0x356: {  	v3 =	vld [tilespmem:s14+$0xE0];
	(pc) =	sbr.rel @p0 .LBB2_11-.Ltmp4, $4  }
0x357: {  	v4 =	vld [tilespmem:s14+$0xC0]  }
0x358: {  	v5 =	vld [tilespmem:s14+$0xB0]  }
0x359: {  	v6 =	vld [tilespmem:s14+$0xA0]  }
0x35a: {  	v7 =	vld [tilespmem:s14+$0x90]  }
0x35b: {  	_ =	sdelay $0x2  }
0x35c: {  	v1 =	vmul.f32 v4, v1;
	v2 =	vmul.f32 v2, v5  }
0x35d: {  	v3 =	vmul.f32 v3, v6;
	v0 =	vmul.f32 v0, v7;
	_ =	sdelay $0x1  }
0x35e: {  	v2 =	vadd.f32 v2, v3;
	v0 =	vadd.f32 v0, v1;
	_ =	sdelay $0x1  }
0x35f: {  	v0 =	vadd.f32 v2, v0;
	_ =	sdelay $0x1  }
0x360: {  	(xrf2) =	vadd.scan.msk.f32 $0xffff, v0;
	_ =	sdelay $0x4  }
0x361: {  	s14 =	sadd.s32 $0x3, s15  }
0x362: {  	v0 =	vmov s14;
	_ =	sdelay $0x1  }
0x363: {  	s15 =	sshll.u32 s6, $0x9  }
0x364: {  	s20 =	sadd.s32 s4, s15  }
0x365: {  	s17 =	sshrl.u32 s20, $0x3;
	s14 =	sshll.u32 s6, $0x2;
	v1, _, _ =	vpop (xrf2)  }
0x366: {  	s18 =	sadd.s32 s2, s17;
	s17 =	simm.s32 $0x0;
	s22 =	sadd.s32 $0x4, s14;
	[tilespmem:v0+s1+$0x0] =	vst.idx.msk vm0, v1  }
0x367: {  	[hbm4b:s18+s17] =	stream.linear.scatter [tilespmem:s1], [sflag:$0x6], $0x80, $0x38;
	[tilespmem:$0x1CA00] =	vst v63  }
0x368: {  	p0 =	seq.s32 s22, $0xC8;
	s18 =	sshll.u32 s22, $0xA  }
0x369: {  	s18 =	simm.s32 @p0 $0x0  }
0x36a: {  	s20 =	simm.s32 $0xC800;
	s18 =	sshrl.u32 s18, $0x2  }
0x36b: {  	[tilespmem:s20], [sflag:$0x2] =	stream.indirect.gather [hbm4b:s5+s16], $0x40, s18, s16, $0xb8;
	[tilespmem:$0x1CA00] =	vst v63  }
0x36c: {  	s24 =	simm.s32 $0xE800;
	s18 =	sor.u32 $0x80, s18  }
0x36d: {  	[tilespmem:s24], [sflag:$0x2] =	stream.indirect.gather [hbm4b:s5+s16], $0x40, s18, s16, $0xb8;
	[tilespmem:$0x1CA00] =	vst v63  }
0x36e: {  	_ =	swait.ge [sflag:s23], $0x2000  }
0x36f: {  	[sflag:s23] =	ssyncset.done $0x0  }
0x370: {  	[sflag:s23] =	ssyncadd.s32 $0xFFFFE000  }
0x371: {  	_ =	swait.ge [sflag:s23], $0x2000  }
0x372: {  	[sflag:s23] =	ssyncset.done $0x0  }
0x373: {  	[sflag:s23] =	ssyncadd.s32 $0xFFFFE000  }
0x374: {  	_ =	swait.ge [sflag:s8], $0x80  }
0x375: {  	[sflag:s8] =	ssyncset.done $0x0  }
0x376: {  	s18 =	simm.s32 $0x10900;
	[sflag:s8] =	ssyncadd.s32 $0xFFFFFF80  }
0x377: {  	v0 =	vld [tilespmem:s18+$0xFFFFFF00]  }
0x378: {  	v1 =	vld [tilespmem:s18+$0xFFFFFF70]  }
0x379: {  	v2 =	vld [tilespmem:s18+$0xFFFFFF30]  }
0x37a: {  	v3 =	vld [tilespmem:s18+$0xFFFFFF60]  }
0x37b: {  	v4 =	vld [tilespmem:s18+$0xFFFFFF20]  }
0x37c: {  	v5 =	vld [tilespmem:s18+$0xFFFFFF50]  }
0x37d: {  	v6 =	vld [tilespmem:s18+$0xFFFFFF10]  }
0x37e: {  	v7 =	vld [tilespmem:s18+$0xFFFFFF40];
	_ =	sdelay $0x3  }
0x37f: {  	v1 =	vmul.f32 v1, v2;
	v2 =	vmul.f32 v3, v4  }
0x380: {  	v3 =	vmul.f32 v5, v6;
	v0 =	vmul.f32 v7, v0;
	_ =	sdelay $0x1  }
0x381: {  	v0 =	vadd.f32 v3, v0;
	v1 =	vadd.f32 v1, v2;
	_ =	sdelay $0x1  }
0x382: {  	v0 =	vadd.f32 v1, v0;
	_ =	sdelay $0x1  }
0x383: {  	(xrf2) =	vadd.scan.msk.f32 $0xffff, v0;
	_ =	sdelay $0x2  }
0x384: {  	v0 =	vmov s17  }
0x385: {  	v0 =	vand.u32 $0xFFFFFFFC, v0  }
0x386: {  	v0 =	vbroadcast v0, $0x0;
	_ =	sdelay $0x4  }
0x387: {  	v1, _, _ =	vpop (xrf2)  }
0x388: {  	[tilespmem:v0+s25+$0x0] =	vst.idx.msk vm0, v1  }
0x389: {  	v0 =	vld [tilespmem:s18+$0xFFFFFFB0]  }
0x38a: {  	v1 =	vld [tilespmem:s18+$0xFFFFFFD0]  }
0x38b: {  	v2 =	vld [tilespmem:s18+$0xFFFFFFC0]  }
0x38c: {  	v3 =	vld [tilespmem:s18+$0xFFFFFF90]  }
0x38d: {  	v4 =	vld [tilespmem:s18+$0xFFFFFFE0]  }
0x38e: {  	v5 =	vld [tilespmem:s18+$0xFFFFFFF0]  }
0x38f: {  	v6 =	vld [tilespmem:s18+$0xFFFFFFA0]  }
0x390: {  	v7 =	vld [tilespmem:s18+$0xFFFFFF80];
	_ =	sdelay $0x3  }
0x391: {  	v1 =	vmul.f32 v1, v3;
	v0 =	vmul.f32 v5, v0  }
0x392: {  	v3 =	vmul.f32 v4, v6;
	v2 =	vmul.f32 v2, v7;
	_ =	sdelay $0x1  }
0x393: {  	v1 =	vadd.f32 v1, v2;
	v0 =	vadd.f32 v0, v3;
	_ =	sdelay $0x1  }
0x394: {  	v0 =	vadd.f32 v0, v1;
	_ =	sdelay $0x1  }
0x395: {  	(xrf2) =	vadd.scan.msk.f32 $0xffff, v0;
	_ =	sdelay $0x1  }
0x396: {  	s22 =	simm.s32 $0x1  }
0x397: {  	v0 =	vmov s22  }
0x398: {  	v0 =	vand.u32 $0xFFFFFFFD, v0  }
0x399: {  	v0 =	vbroadcast v0, $0x0;
	_ =	sdelay $0x4  }
0x39a: {  	v1, _, _ =	vpop (xrf2)  }
0x39b: {  	[tilespmem:v0+s25+$0x0] =	vst.idx.msk vm0, v1  }
0x39c: {  	v0 =	vld [tilespmem:s18+$0x70]  }
0x39d: {  	v1 =	vld [tilespmem:s18+$0x30]  }
0x39e: {  	v2 =	vld [tilespmem:s18+$0x0]  }
0x39f: {  	v3 =	vld [tilespmem:s18+$0x50]  }
0x3a0: {  	v4 =	vld [tilespmem:s18+$0x60]  }
0x3a1: {  	v5 =	vld [tilespmem:s18+$0x40]  }
0x3a2: {  	v6 =	vld [tilespmem:s18+$0x20]  }
0x3a3: {  	v7 =	vld [tilespmem:s18+$0x10];
	_ =	sdelay $0x3  }
0x3a4: {  	v0 =	vmul.f32 v0, v1;
	v1 =	vmul.f32 v5, v2  }
0x3a5: {  	v2 =	vmul.f32 v4, v6;
	v3 =	vmul.f32 v3, v7;
	_ =	sdelay $0x1  }
0x3a6: {  	v1 =	vadd.f32 v3, v1;
	v0 =	vadd.f32 v0, v2;
	_ =	sdelay $0x1  }
0x3a7: {  	v0 =	vadd.f32 v0, v1;
	_ =	sdelay $0x1  }
0x3a8: {  	(xrf2) =	vadd.scan.msk.f32 $0xffff, v0;
	_ =	sdelay $0x1  }
0x3a9: {  	s24 =	simm.s32 $0x2  }
0x3aa: {  	v0 =	vmov s24  }
0x3ab: {  	v0 =	vand.u32 $0xFFFFFFFE, v0  }
0x3ac: {  	v0 =	vbroadcast v0, $0x0;
	_ =	sdelay $0x4  }
0x3ad: {  	v1, _, _ =	vpop (xrf2)  }
0x3ae: {  	[tilespmem:v0+s25+$0x0] =	vst.idx.msk vm0, v1  }
0x3af: {  	v1 =	vld [tilespmem:s18+$0x80]  }
0x3b0: {  	v2 =	vld [tilespmem:s18+$0xF0]  }
0x3b1: {  	v0 =	vld [tilespmem:s18+$0xD0]  }
0x3b2: {  	v3 =	vld [tilespmem:s18+$0xE0]  }
0x3b3: {  	v4 =	vld [tilespmem:s18+$0xC0]  }
0x3b4: {  	v5 =	vld [tilespmem:s18+$0xB0]  }
0x3b5: {  	v6 =	vld [tilespmem:s18+$0xA0]  }
0x3b6: {  	s20 =	simm.s32 $0x4;
	v7 =	vld [tilespmem:s18+$0x90]  }
.LBB2_13:
0x3b7: {  	p0 =	slt.u32 s20, $0x7C  }
0x3b8: {  	s18 =	sadd.s32 $0x200, s18;
	s22 =	smov.u32 s20;
	s20 =	sadd.s32 $0x4, s20  }
0x3b9: {  	v1 =	vmul.f32 v4, v1  }
0x3ba: {  	v2 =	vmul.f32 v2, v5  }
0x3bb: {  	v3 =	vmul.f32 v3, v6  }
0x3bc: {  	v0 =	vmul.f32 v0, v7  }
0x3bd: {  	v2 =	vadd.f32 v2, v3  }
0x3be: {  	v0 =	vadd.f32 v0, v1;
	_ =	sdelay $0x1  }
0x3bf: {  	v0 =	vadd.f32 v2, v0;
	_ =	sdelay $0x1  }
0x3c0: {  	(xrf2) =	vadd.scan.msk.f32 $0xffff, v0;
	_ =	sdelay $0x3  }
0x3c1: {  	s24 =	sadd.s32 $0x3, s17;
	s17 =	smov.u32 s22  }
0x3c2: {  	v0 =	vmov s24;
	_ =	sdelay $0x4  }
0x3c3: {  	v1, _, _ =	vpop (xrf2)  }
0x3c4: {  	[tilespmem:v0+s25+$0x0] =	vst.idx.msk vm0, v1  }
0x3c5: {  	v0 =	vld [tilespmem:s18+$0xFFFFFF00]  }
0x3c6: {  	v1 =	vld [tilespmem:s18+$0xFFFFFF70]  }
0x3c7: {  	v2 =	vld [tilespmem:s18+$0xFFFFFF30]  }
0x3c8: {  	v3 =	vld [tilespmem:s18+$0xFFFFFF60]  }
0x3c9: {  	v4 =	vld [tilespmem:s18+$0xFFFFFF20]  }
0x3ca: {  	v5 =	vld [tilespmem:s18+$0xFFFFFF50]  }
0x3cb: {  	v6 =	vld [tilespmem:s18+$0xFFFFFF10]  }
0x3cc: {  	v7 =	vld [tilespmem:s18+$0xFFFFFF40];
	v1 =	vmul.f32 v1, v2;
	_ =	sdelay $0x1  }
0x3cd: {  	v2 =	vmul.f32 v3, v4;
	_ =	sdelay $0x1  }
0x3ce: {  	v3 =	vmul.f32 v5, v6  }
0x3cf: {  	v0 =	vmul.f32 v7, v0;
	_ =	sdelay $0x1  }
0x3d0: {  	v1 =	vadd.f32 v1, v2;
	v0 =	vadd.f32 v3, v0;
	_ =	sdelay $0x1  }
0x3d1: {  	v0 =	vadd.f32 v1, v0;
	_ =	sdelay $0x1  }
0x3d2: {  	(xrf2) =	vadd.scan.msk.f32 $0xffff, v0;
	_ =	sdelay $0x2  }
0x3d3: {  	v0 =	vmov s17  }
0x3d4: {  	v0 =	vand.u32 $0xFFFFFFFC, v0  }
0x3d5: {  	v0 =	vbroadcast v0, $0x0;
	_ =	sdelay $0x4  }
0x3d6: {  	v1, _, _ =	vpop (xrf2)  }
0x3d7: {  	[tilespmem:v0+s25+$0x0] =	vst.idx.msk vm0, v1  }
0x3d8: {  	v0 =	vld [tilespmem:s18+$0xFFFFFFB0]  }
0x3d9: {  	v1 =	vld [tilespmem:s18+$0xFFFFFFD0]  }
0x3da: {  	v2 =	vld [tilespmem:s18+$0xFFFFFFC0]  }
0x3db: {  	v3 =	vld [tilespmem:s18+$0xFFFFFF90]  }
0x3dc: {  	v4 =	vld [tilespmem:s18+$0xFFFFFFE0]  }
0x3dd: {  	v5 =	vld [tilespmem:s18+$0xFFFFFFF0]  }
0x3de: {  	v6 =	vld [tilespmem:s18+$0xFFFFFFA0]  }
0x3df: {  	v7 =	vld [tilespmem:s18+$0xFFFFFF80];
	_ =	sdelay $0x2  }
0x3e0: {  	v1 =	vmul.f32 v1, v3;
	v0 =	vmul.f32 v5, v0  }
0x3e1: {  	v3 =	vmul.f32 v4, v6  }
0x3e2: {  	v2 =	vmul.f32 v2, v7;
	_ =	sdelay $0x1  }
0x3e3: {  	v0 =	vadd.f32 v0, v3;
	v1 =	vadd.f32 v1, v2;
	_ =	sdelay $0x1  }
0x3e4: {  	v0 =	vadd.f32 v0, v1;
	_ =	sdelay $0x1  }
0x3e5: {  	(xrf2) =	vadd.scan.msk.f32 $0xffff, v0;
	_ =	sdelay $0x1  }
0x3e6: {  	s22 =	sadd.s32 $0x1, s17  }
0x3e7: {  	v0 =	vmov s22  }
0x3e8: {  	v0 =	vand.u32 $0xFFFFFFFD, v0  }
0x3e9: {  	v0 =	vbroadcast v0, $0x0;
	_ =	sdelay $0x4  }
0x3ea: {  	v1, _, _ =	vpop (xrf2)  }
0x3eb: {  	[tilespmem:v0+s25+$0x0] =	vst.idx.msk vm0, v1  }
0x3ec: {  	v0 =	vld [tilespmem:s18+$0x70]  }
0x3ed: {  	v1 =	vld [tilespmem:s18+$0x30]  }
0x3ee: {  	v2 =	vld [tilespmem:s18+$0x0]  }
0x3ef: {  	v3 =	vld [tilespmem:s18+$0x50]  }
0x3f0: {  	v4 =	vld [tilespmem:s18+$0x60]  }
0x3f1: {  	v5 =	vld [tilespmem:s18+$0x40]  }
0x3f2: {  	v6 =	vld [tilespmem:s18+$0x20];
	v0 =	vmul.f32 v0, v1  }
0x3f3: {  	v1 =	vld [tilespmem:s18+$0x10];
	_ =	sdelay $0x2  }
0x3f4: {  	v2 =	vmul.f32 v5, v2  }
0x3f5: {  	v4 =	vmul.f32 v4, v6  }
0x3f6: {  	v1 =	vmul.f32 v3, v1;
	_ =	sdelay $0x1  }
0x3f7: {  	v0 =	vadd.f32 v0, v4;
	v1 =	vadd.f32 v1, v2;
	_ =	sdelay $0x1  }
0x3f8: {  	v0 =	vadd.f32 v0, v1;
	_ =	sdelay $0x1  }
0x3f9: {  	(xrf2) =	vadd.scan.msk.f32 $0xffff, v0;
	_ =	sdelay $0x1  }
0x3fa: {  	s22 =	sadd.s32 $0x2, s17  }
0x3fb: {  	v0 =	vmov s22  }
0x3fc: {  	v0 =	vand.u32 $0xFFFFFFFE, v0  }
0x3fd: {  	v0 =	vbroadcast v0, $0x0;
	_ =	sdelay $0x4  }
0x3fe: {  	v1, _, _ =	vpop (xrf2)  }
0x3ff: {  	[tilespmem:v0+s25+$0x0] =	vst.idx.msk vm0, v1  }
0x400: {  	v1 =	vld [tilespmem:s18+$0x80]  }
0x401: {  	v2 =	vld [tilespmem:s18+$0xF0]  }
0x402: {  	v0 =	vld [tilespmem:s18+$0xD0]  }
.Ltmp5:
0x403: {  	v3 =	vld [tilespmem:s18+$0xE0];
	(pc) =	sbr.rel @p0 .LBB2_13-.Ltmp5, $4  }
0x404: {  	v4 =	vld [tilespmem:s18+$0xC0]  }
0x405: {  	v5 =	vld [tilespmem:s18+$0xB0]  }
0x406: {  	v6 =	vld [tilespmem:s18+$0xA0]  }
0x407: {  	v7 =	vld [tilespmem:s18+$0x90]  }
0x408: {  	_ =	sdelay $0x2  }
0x409: {  	v1 =	vmul.f32 v4, v1;
	v2 =	vmul.f32 v2, v5  }
0x40a: {  	v3 =	vmul.f32 v3, v6;
	v0 =	vmul.f32 v0, v7;
	_ =	sdelay $0x1  }
0x40b: {  	v2 =	vadd.f32 v2, v3;
	v0 =	vadd.f32 v0, v1;
	_ =	sdelay $0x1  }
0x40c: {  	v0 =	vadd.f32 v2, v0;
	_ =	sdelay $0x1  }
0x40d: {  	(xrf2) =	vadd.scan.msk.f32 $0xffff, v0;
	_ =	sdelay $0x4  }
0x40e: {  	s17 =	sadd.s32 $0x3, s17;
	s18 =	sadd.s32 $0x5, s14  }
0x40f: {  	s24 =	smulhi.u32 $0x51EB851F, s18;
	v0 =	vmov s17;
	_ =	sdelay $0x1  }
0x410: {  	s22 =	sshrl.u32 s24, $0x6  }
0x411: {  	s20 =	sadd.s32 s15, s11;
	s22 =	smul.u32 $0xC8, s22  }
0x412: {  	s20 =	sshrl.u32 s20, $0x3;
	v1, _, _ =	vpop (xrf2)  }
0x413: {  	s20 =	sadd.s32 s2, s20;
	s18 =	ssub.s32 s18, s22;
	s17 =	simm.s32 $0x0;
	[tilespmem:v0+s25+$0x0] =	vst.idx.msk vm0, v1  }
0x414: {  	[hbm4b:s20+s17] =	stream.linear.scatter [tilespmem:s25], [sflag:$0x7], $0x80, $0x38;
	[tilespmem:$0x1CA00] =	vst v63  }
0x415: {  	s22 =	simm.s32 $0x10800;
	s18 =	sshll.u32 s18, $0x8  }
0x416: {  	[tilespmem:s22], [sflag:$0x3] =	stream.indirect.gather [hbm4b:s5+s16], $0x40, s18, s16, $0xb8;
	[tilespmem:$0x1CA00] =	vst v63  }
0x417: {  	s24 =	simm.s32 $0x12800;
	s18 =	sor.u32 $0x80, s18  }
0x418: {  	[tilespmem:s24], [sflag:$0x3] =	stream.indirect.gather [hbm4b:s5+s16], $0x40, s18, s16, $0xb8;
	[tilespmem:$0x1CA00] =	vst v63  }
0x419: {  	_ =	swait.ge [sflag:s19], $0x2000  }
0x41a: {  	[sflag:s19] =	ssyncset.done $0x0  }
0x41b: {  	[sflag:s19] =	ssyncadd.s32 $0xFFFFE000  }
0x41c: {  	_ =	swait.ge [sflag:s19], $0x2000  }
0x41d: {  	[sflag:s19] =	ssyncset.done $0x0  }
0x41e: {  	[sflag:s19] =	ssyncadd.s32 $0xFFFFE000  }
0x41f: {  	_ =	swait.ge [sflag:s9], $0x80  }
0x420: {  	[sflag:s9] =	ssyncset.done $0x0  }
0x421: {  	s18 =	simm.s32 $0x14900;
	[sflag:s9] =	ssyncadd.s32 $0xFFFFFF80  }
0x422: {  	v0 =	vld [tilespmem:s18+$0xFFFFFF00]  }
0x423: {  	v1 =	vld [tilespmem:s18+$0xFFFFFF70]  }
0x424: {  	v2 =	vld [tilespmem:s18+$0xFFFFFF30]  }
0x425: {  	v3 =	vld [tilespmem:s18+$0xFFFFFF60]  }
0x426: {  	v4 =	vld [tilespmem:s18+$0xFFFFFF20]  }
0x427: {  	v5 =	vld [tilespmem:s18+$0xFFFFFF50]  }
0x428: {  	v6 =	vld [tilespmem:s18+$0xFFFFFF10]  }
0x429: {  	v7 =	vld [tilespmem:s18+$0xFFFFFF40];
	_ =	sdelay $0x3  }
0x42a: {  	v1 =	vmul.f32 v1, v2;
	v2 =	vmul.f32 v3, v4  }
0x42b: {  	v3 =	vmul.f32 v5, v6;
	v0 =	vmul.f32 v7, v0;
	_ =	sdelay $0x1  }
0x42c: {  	v0 =	vadd.f32 v3, v0;
	v1 =	vadd.f32 v1, v2;
	_ =	sdelay $0x1  }
0x42d: {  	v0 =	vadd.f32 v1, v0;
	_ =	sdelay $0x1  }
0x42e: {  	(xrf2) =	vadd.scan.msk.f32 $0xffff, v0;
	_ =	sdelay $0x2  }
0x42f: {  	v0 =	vmov s17  }
0x430: {  	v0 =	vand.u32 $0xFFFFFFFC, v0  }
0x431: {  	v0 =	vbroadcast v0, $0x0;
	_ =	sdelay $0x4  }
0x432: {  	v1, _, _ =	vpop (xrf2)  }
0x433: {  	[tilespmem:v0+s21+$0x0] =	vst.idx.msk vm0, v1  }
0x434: {  	v0 =	vld [tilespmem:s18+$0xFFFFFFB0]  }
0x435: {  	v1 =	vld [tilespmem:s18+$0xFFFFFFD0]  }
0x436: {  	v2 =	vld [tilespmem:s18+$0xFFFFFFC0]  }
0x437: {  	v3 =	vld [tilespmem:s18+$0xFFFFFF90]  }
0x438: {  	v4 =	vld [tilespmem:s18+$0xFFFFFFE0]  }
0x439: {  	v5 =	vld [tilespmem:s18+$0xFFFFFFF0]  }
0x43a: {  	v6 =	vld [tilespmem:s18+$0xFFFFFFA0]  }
0x43b: {  	v7 =	vld [tilespmem:s18+$0xFFFFFF80];
	_ =	sdelay $0x3  }
0x43c: {  	v1 =	vmul.f32 v1, v3;
	v0 =	vmul.f32 v5, v0  }
0x43d: {  	v3 =	vmul.f32 v4, v6;
	v2 =	vmul.f32 v2, v7;
	_ =	sdelay $0x1  }
0x43e: {  	v1 =	vadd.f32 v1, v2;
	v0 =	vadd.f32 v0, v3;
	_ =	sdelay $0x1  }
0x43f: {  	v0 =	vadd.f32 v0, v1;
	_ =	sdelay $0x1  }
0x440: {  	(xrf2) =	vadd.scan.msk.f32 $0xffff, v0;
	_ =	sdelay $0x1  }
0x441: {  	s22 =	simm.s32 $0x1  }
0x442: {  	v0 =	vmov s22  }
0x443: {  	v0 =	vand.u32 $0xFFFFFFFD, v0  }
0x444: {  	v0 =	vbroadcast v0, $0x0;
	_ =	sdelay $0x4  }
0x445: {  	v1, _, _ =	vpop (xrf2)  }
0x446: {  	[tilespmem:v0+s21+$0x0] =	vst.idx.msk vm0, v1  }
0x447: {  	v0 =	vld [tilespmem:s18+$0x70]  }
0x448: {  	v1 =	vld [tilespmem:s18+$0x30]  }
0x449: {  	v2 =	vld [tilespmem:s18+$0x0]  }
0x44a: {  	v3 =	vld [tilespmem:s18+$0x50]  }
0x44b: {  	v4 =	vld [tilespmem:s18+$0x60]  }
0x44c: {  	v5 =	vld [tilespmem:s18+$0x40]  }
0x44d: {  	v6 =	vld [tilespmem:s18+$0x20]  }
0x44e: {  	v7 =	vld [tilespmem:s18+$0x10];
	_ =	sdelay $0x3  }
0x44f: {  	v0 =	vmul.f32 v0, v1;
	v1 =	vmul.f32 v5, v2  }
0x450: {  	v2 =	vmul.f32 v4, v6;
	v3 =	vmul.f32 v3, v7;
	_ =	sdelay $0x1  }
0x451: {  	v1 =	vadd.f32 v3, v1;
	v0 =	vadd.f32 v0, v2;
	_ =	sdelay $0x1  }
0x452: {  	v0 =	vadd.f32 v0, v1;
	_ =	sdelay $0x1  }
0x453: {  	(xrf2) =	vadd.scan.msk.f32 $0xffff, v0;
	_ =	sdelay $0x1  }
0x454: {  	s24 =	simm.s32 $0x2  }
0x455: {  	v0 =	vmov s24  }
0x456: {  	v0 =	vand.u32 $0xFFFFFFFE, v0  }
0x457: {  	v0 =	vbroadcast v0, $0x0;
	_ =	sdelay $0x4  }
0x458: {  	v1, _, _ =	vpop (xrf2)  }
0x459: {  	[tilespmem:v0+s21+$0x0] =	vst.idx.msk vm0, v1  }
0x45a: {  	v1 =	vld [tilespmem:s18+$0x80]  }
0x45b: {  	v2 =	vld [tilespmem:s18+$0xF0]  }
0x45c: {  	v0 =	vld [tilespmem:s18+$0xD0]  }
0x45d: {  	v3 =	vld [tilespmem:s18+$0xE0]  }
0x45e: {  	v4 =	vld [tilespmem:s18+$0xC0]  }
0x45f: {  	v5 =	vld [tilespmem:s18+$0xB0]  }
0x460: {  	v6 =	vld [tilespmem:s18+$0xA0]  }
0x461: {  	s20 =	simm.s32 $0x4;
	v7 =	vld [tilespmem:s18+$0x90]  }
.LBB2_15:
0x462: {  	p0 =	slt.u32 s20, $0x7C  }
0x463: {  	s18 =	sadd.s32 $0x200, s18;
	s22 =	smov.u32 s20;
	s20 =	sadd.s32 $0x4, s20  }
0x464: {  	v1 =	vmul.f32 v4, v1  }
0x465: {  	v2 =	vmul.f32 v2, v5  }
0x466: {  	v3 =	vmul.f32 v3, v6  }
0x467: {  	v0 =	vmul.f32 v0, v7  }
0x468: {  	v2 =	vadd.f32 v2, v3  }
0x469: {  	v0 =	vadd.f32 v0, v1;
	_ =	sdelay $0x1  }
0x46a: {  	v0 =	vadd.f32 v2, v0;
	_ =	sdelay $0x1  }
0x46b: {  	(xrf2) =	vadd.scan.msk.f32 $0xffff, v0;
	_ =	sdelay $0x3  }
0x46c: {  	s24 =	sadd.s32 $0x3, s17;
	s17 =	smov.u32 s22  }
0x46d: {  	v0 =	vmov s24;
	_ =	sdelay $0x4  }
0x46e: {  	v1, _, _ =	vpop (xrf2)  }
0x46f: {  	[tilespmem:v0+s21+$0x0] =	vst.idx.msk vm0, v1  }
0x470: {  	v0 =	vld [tilespmem:s18+$0xFFFFFF00]  }
0x471: {  	v1 =	vld [tilespmem:s18+$0xFFFFFF70]  }
0x472: {  	v2 =	vld [tilespmem:s18+$0xFFFFFF30]  }
0x473: {  	v3 =	vld [tilespmem:s18+$0xFFFFFF60]  }
0x474: {  	v4 =	vld [tilespmem:s18+$0xFFFFFF20]  }
0x475: {  	v5 =	vld [tilespmem:s18+$0xFFFFFF50]  }
0x476: {  	v6 =	vld [tilespmem:s18+$0xFFFFFF10]  }
0x477: {  	v7 =	vld [tilespmem:s18+$0xFFFFFF40];
	v1 =	vmul.f32 v1, v2;
	_ =	sdelay $0x1  }
0x478: {  	v2 =	vmul.f32 v3, v4;
	_ =	sdelay $0x1  }
0x479: {  	v3 =	vmul.f32 v5, v6  }
0x47a: {  	v0 =	vmul.f32 v7, v0;
	_ =	sdelay $0x1  }
0x47b: {  	v1 =	vadd.f32 v1, v2;
	v0 =	vadd.f32 v3, v0;
	_ =	sdelay $0x1  }
0x47c: {  	v0 =	vadd.f32 v1, v0;
	_ =	sdelay $0x1  }
0x47d: {  	(xrf2) =	vadd.scan.msk.f32 $0xffff, v0;
	_ =	sdelay $0x2  }
0x47e: {  	v0 =	vmov s17  }
0x47f: {  	v0 =	vand.u32 $0xFFFFFFFC, v0  }
0x480: {  	v0 =	vbroadcast v0, $0x0;
	_ =	sdelay $0x4  }
0x481: {  	v1, _, _ =	vpop (xrf2)  }
0x482: {  	[tilespmem:v0+s21+$0x0] =	vst.idx.msk vm0, v1  }
0x483: {  	v0 =	vld [tilespmem:s18+$0xFFFFFFB0]  }
0x484: {  	v1 =	vld [tilespmem:s18+$0xFFFFFFD0]  }
0x485: {  	v2 =	vld [tilespmem:s18+$0xFFFFFFC0]  }
0x486: {  	v3 =	vld [tilespmem:s18+$0xFFFFFF90]  }
0x487: {  	v4 =	vld [tilespmem:s18+$0xFFFFFFE0]  }
0x488: {  	v5 =	vld [tilespmem:s18+$0xFFFFFFF0]  }
0x489: {  	v6 =	vld [tilespmem:s18+$0xFFFFFFA0]  }
0x48a: {  	v7 =	vld [tilespmem:s18+$0xFFFFFF80];
	_ =	sdelay $0x2  }
0x48b: {  	v1 =	vmul.f32 v1, v3;
	v0 =	vmul.f32 v5, v0  }
0x48c: {  	v3 =	vmul.f32 v4, v6  }
0x48d: {  	v2 =	vmul.f32 v2, v7;
	_ =	sdelay $0x1  }
0x48e: {  	v0 =	vadd.f32 v0, v3;
	v1 =	vadd.f32 v1, v2;
	_ =	sdelay $0x1  }
0x48f: {  	v0 =	vadd.f32 v0, v1;
	_ =	sdelay $0x1  }
0x490: {  	(xrf2) =	vadd.scan.msk.f32 $0xffff, v0;
	_ =	sdelay $0x1  }
0x491: {  	s22 =	sadd.s32 $0x1, s17  }
0x492: {  	v0 =	vmov s22  }
0x493: {  	v0 =	vand.u32 $0xFFFFFFFD, v0  }
0x494: {  	v0 =	vbroadcast v0, $0x0;
	_ =	sdelay $0x4  }
0x495: {  	v1, _, _ =	vpop (xrf2)  }
0x496: {  	[tilespmem:v0+s21+$0x0] =	vst.idx.msk vm0, v1  }
0x497: {  	v0 =	vld [tilespmem:s18+$0x70]  }
0x498: {  	v1 =	vld [tilespmem:s18+$0x30]  }
0x499: {  	v2 =	vld [tilespmem:s18+$0x0]  }
0x49a: {  	v3 =	vld [tilespmem:s18+$0x50]  }
0x49b: {  	v4 =	vld [tilespmem:s18+$0x60]  }
0x49c: {  	v5 =	vld [tilespmem:s18+$0x40]  }
0x49d: {  	v6 =	vld [tilespmem:s18+$0x20];
	v0 =	vmul.f32 v0, v1  }
0x49e: {  	v1 =	vld [tilespmem:s18+$0x10];
	_ =	sdelay $0x2  }
0x49f: {  	v2 =	vmul.f32 v5, v2  }
0x4a0: {  	v4 =	vmul.f32 v4, v6  }
0x4a1: {  	v1 =	vmul.f32 v3, v1;
	_ =	sdelay $0x1  }
0x4a2: {  	v0 =	vadd.f32 v0, v4;
	v1 =	vadd.f32 v1, v2;
	_ =	sdelay $0x1  }
0x4a3: {  	v0 =	vadd.f32 v0, v1;
	_ =	sdelay $0x1  }
0x4a4: {  	(xrf2) =	vadd.scan.msk.f32 $0xffff, v0;
	_ =	sdelay $0x1  }
0x4a5: {  	s22 =	sadd.s32 $0x2, s17  }
0x4a6: {  	v0 =	vmov s22  }
0x4a7: {  	v0 =	vand.u32 $0xFFFFFFFE, v0  }
0x4a8: {  	v0 =	vbroadcast v0, $0x0;
	_ =	sdelay $0x4  }
0x4a9: {  	v1, _, _ =	vpop (xrf2)  }
0x4aa: {  	[tilespmem:v0+s21+$0x0] =	vst.idx.msk vm0, v1  }
0x4ab: {  	v1 =	vld [tilespmem:s18+$0x80]  }
0x4ac: {  	v2 =	vld [tilespmem:s18+$0xF0]  }
0x4ad: {  	v0 =	vld [tilespmem:s18+$0xD0]  }
.Ltmp6:
0x4ae: {  	v3 =	vld [tilespmem:s18+$0xE0];
	(pc) =	sbr.rel @p0 .LBB2_15-.Ltmp6, $4  }
0x4af: {  	v4 =	vld [tilespmem:s18+$0xC0]  }
0x4b0: {  	v5 =	vld [tilespmem:s18+$0xB0]  }
0x4b1: {  	v6 =	vld [tilespmem:s18+$0xA0]  }
0x4b2: {  	v7 =	vld [tilespmem:s18+$0x90]  }
0x4b3: {  	_ =	sdelay $0x2  }
0x4b4: {  	v1 =	vmul.f32 v4, v1;
	v2 =	vmul.f32 v2, v5  }
0x4b5: {  	v3 =	vmul.f32 v3, v6;
	v0 =	vmul.f32 v0, v7;
	_ =	sdelay $0x1  }
0x4b6: {  	v2 =	vadd.f32 v2, v3;
	v0 =	vadd.f32 v0, v1;
	_ =	sdelay $0x1  }
0x4b7: {  	v0 =	vadd.f32 v2, v0;
	_ =	sdelay $0x1  }
0x4b8: {  	(xrf2) =	vadd.scan.msk.f32 $0xffff, v0;
	_ =	sdelay $0x4  }
0x4b9: {  	s17 =	sadd.s32 $0x3, s17;
	s18 =	sadd.s32 $0x6, s14  }
0x4ba: {  	s22 =	smulhi.u32 $0x51EB851F, s18;
	v0 =	vmov s17;
	_ =	sdelay $0x1  }
0x4bb: {  	s22 =	sshrl.u32 s22, $0x6  }
0x4bc: {  	s20 =	sadd.s32 s15, s12;
	s22 =	smul.u32 $0xC8, s22  }
0x4bd: {  	s20 =	sshrl.u32 s20, $0x3;
	v1, _, _ =	vpop (xrf2)  }
0x4be: {  	s20 =	sadd.s32 s2, s20;
	s18 =	ssub.s32 s18, s22;
	s17 =	simm.s32 $0x0;
	[tilespmem:v0+s21+$0x0] =	vst.idx.msk vm0, v1  }
0x4bf: {  	[hbm4b:s20+s17] =	stream.linear.scatter [tilespmem:s21], [sflag:$0x8], $0x80, $0x38;
	[tilespmem:$0x1CA00] =	vst v63  }
0x4c0: {  	s24 =	simm.s32 $0x14800;
	s18 =	sshll.u32 s18, $0x8  }
0x4c1: {  	[tilespmem:s24], [sflag:$0x4] =	stream.indirect.gather [hbm4b:s5+s16], $0x40, s18, s16, $0xb8;
	[tilespmem:$0x1CA00] =	vst v63  }
0x4c2: {  	s18 =	sor.u32 $0x80, s18  }
0x4c3: {  	[tilespmem:s26], [sflag:$0x4] =	stream.indirect.gather [hbm4b:s5+s16], $0x40, s18, s16, $0xb8;
	[tilespmem:$0x1CA00] =	vst v63  }
0x4c4: {  	_ =	swait.ge [sflag:s28], $0x2000  }
0x4c5: {  	[sflag:s28] =	ssyncset.done $0x0  }
0x4c6: {  	[sflag:s28] =	ssyncadd.s32 $0xFFFFE000  }
0x4c7: {  	_ =	swait.ge [sflag:s28], $0x2000  }
0x4c8: {  	[sflag:s28] =	ssyncset.done $0x0  }
0x4c9: {  	[sflag:s28] =	ssyncadd.s32 $0xFFFFE000  }
0x4ca: {  	_ =	swait.ge [sflag:s10], $0x80  }
0x4cb: {  	[sflag:s10] =	ssyncset.done $0x0  }
0x4cc: {  	s18 =	simm.s32 $0x18900;
	[sflag:s10] =	ssyncadd.s32 $0xFFFFFF80  }
0x4cd: {  	v0 =	vld [tilespmem:s18+$0xFFFFFF00]  }
0x4ce: {  	v1 =	vld [tilespmem:s18+$0xFFFFFF70]  }
0x4cf: {  	v2 =	vld [tilespmem:s18+$0xFFFFFF30]  }
0x4d0: {  	v3 =	vld [tilespmem:s18+$0xFFFFFF60]  }
0x4d1: {  	v4 =	vld [tilespmem:s18+$0xFFFFFF20]  }
0x4d2: {  	v5 =	vld [tilespmem:s18+$0xFFFFFF50]  }
0x4d3: {  	v6 =	vld [tilespmem:s18+$0xFFFFFF10]  }
0x4d4: {  	v7 =	vld [tilespmem:s18+$0xFFFFFF40];
	_ =	sdelay $0x3  }
0x4d5: {  	v1 =	vmul.f32 v1, v2;
	v2 =	vmul.f32 v3, v4  }
0x4d6: {  	v3 =	vmul.f32 v5, v6;
	v0 =	vmul.f32 v7, v0;
	_ =	sdelay $0x1  }
0x4d7: {  	v0 =	vadd.f32 v3, v0;
	v1 =	vadd.f32 v1, v2;
	_ =	sdelay $0x1  }
0x4d8: {  	v0 =	vadd.f32 v1, v0;
	_ =	sdelay $0x1  }
0x4d9: {  	(xrf2) =	vadd.scan.msk.f32 $0xffff, v0;
	_ =	sdelay $0x2  }
0x4da: {  	v0 =	vmov s17  }
0x4db: {  	v0 =	vand.u32 $0xFFFFFFFC, v0  }
0x4dc: {  	v0 =	vbroadcast v0, $0x0;
	_ =	sdelay $0x4  }
0x4dd: {  	v1, _, _ =	vpop (xrf2)  }
0x4de: {  	[tilespmem:v0+s30+$0x0] =	vst.idx.msk vm0, v1  }
0x4df: {  	v0 =	vld [tilespmem:s18+$0xFFFFFFB0]  }
0x4e0: {  	v1 =	vld [tilespmem:s18+$0xFFFFFFD0]  }
0x4e1: {  	v2 =	vld [tilespmem:s18+$0xFFFFFFC0]  }
0x4e2: {  	v3 =	vld [tilespmem:s18+$0xFFFFFF90]  }
0x4e3: {  	v4 =	vld [tilespmem:s18+$0xFFFFFFE0]  }
0x4e4: {  	v5 =	vld [tilespmem:s18+$0xFFFFFFF0]  }
0x4e5: {  	v6 =	vld [tilespmem:s18+$0xFFFFFFA0]  }
0x4e6: {  	v7 =	vld [tilespmem:s18+$0xFFFFFF80];
	_ =	sdelay $0x3  }
0x4e7: {  	v1 =	vmul.f32 v1, v3;
	v0 =	vmul.f32 v5, v0  }
0x4e8: {  	v3 =	vmul.f32 v4, v6;
	v2 =	vmul.f32 v2, v7;
	_ =	sdelay $0x1  }
0x4e9: {  	v1 =	vadd.f32 v1, v2;
	v0 =	vadd.f32 v0, v3;
	_ =	sdelay $0x1  }
0x4ea: {  	v0 =	vadd.f32 v0, v1;
	_ =	sdelay $0x1  }
0x4eb: {  	(xrf2) =	vadd.scan.msk.f32 $0xffff, v0;
	_ =	sdelay $0x1  }
0x4ec: {  	s22 =	simm.s32 $0x1  }
0x4ed: {  	v0 =	vmov s22  }
0x4ee: {  	v0 =	vand.u32 $0xFFFFFFFD, v0  }
0x4ef: {  	v0 =	vbroadcast v0, $0x0;
	_ =	sdelay $0x4  }
0x4f0: {  	v1, _, _ =	vpop (xrf2)  }
0x4f1: {  	[tilespmem:v0+s30+$0x0] =	vst.idx.msk vm0, v1  }
0x4f2: {  	v0 =	vld [tilespmem:s18+$0x70]  }
0x4f3: {  	v1 =	vld [tilespmem:s18+$0x30]  }
0x4f4: {  	v2 =	vld [tilespmem:s18+$0x0]  }
0x4f5: {  	v3 =	vld [tilespmem:s18+$0x50]  }
0x4f6: {  	v4 =	vld [tilespmem:s18+$0x60]  }
0x4f7: {  	v5 =	vld [tilespmem:s18+$0x40]  }
0x4f8: {  	v6 =	vld [tilespmem:s18+$0x20]  }
0x4f9: {  	v7 =	vld [tilespmem:s18+$0x10];
	_ =	sdelay $0x3  }
0x4fa: {  	v0 =	vmul.f32 v0, v1;
	v1 =	vmul.f32 v5, v2  }
0x4fb: {  	v2 =	vmul.f32 v4, v6;
	v3 =	vmul.f32 v3, v7;
	_ =	sdelay $0x1  }
0x4fc: {  	v1 =	vadd.f32 v3, v1;
	v0 =	vadd.f32 v0, v2;
	_ =	sdelay $0x1  }
0x4fd: {  	v0 =	vadd.f32 v0, v1;
	_ =	sdelay $0x1  }
0x4fe: {  	(xrf2) =	vadd.scan.msk.f32 $0xffff, v0;
	_ =	sdelay $0x1  }
0x4ff: {  	s24 =	simm.s32 $0x2  }
0x500: {  	v0 =	vmov s24  }
0x501: {  	v0 =	vand.u32 $0xFFFFFFFE, v0  }
0x502: {  	v0 =	vbroadcast v0, $0x0;
	_ =	sdelay $0x4  }
0x503: {  	v1, _, _ =	vpop (xrf2)  }
0x504: {  	[tilespmem:v0+s30+$0x0] =	vst.idx.msk vm0, v1  }
0x505: {  	v1 =	vld [tilespmem:s18+$0x80]  }
0x506: {  	v2 =	vld [tilespmem:s18+$0xF0]  }
0x507: {  	v0 =	vld [tilespmem:s18+$0xD0]  }
0x508: {  	v3 =	vld [tilespmem:s18+$0xE0]  }
0x509: {  	v4 =	vld [tilespmem:s18+$0xC0]  }
0x50a: {  	v5 =	vld [tilespmem:s18+$0xB0]  }
0x50b: {  	v6 =	vld [tilespmem:s18+$0xA0]  }
0x50c: {  	s20 =	simm.s32 $0x4;
	v7 =	vld [tilespmem:s18+$0x90]  }
.LBB2_17:
0x50d: {  	p0 =	slt.u32 s20, $0x7C  }
0x50e: {  	s18 =	sadd.s32 $0x200, s18;
	s22 =	smov.u32 s20;
	s20 =	sadd.s32 $0x4, s20  }
0x50f: {  	v1 =	vmul.f32 v4, v1  }
0x510: {  	v2 =	vmul.f32 v2, v5  }
0x511: {  	v3 =	vmul.f32 v3, v6  }
0x512: {  	v0 =	vmul.f32 v0, v7  }
0x513: {  	v2 =	vadd.f32 v2, v3  }
0x514: {  	v0 =	vadd.f32 v0, v1;
	_ =	sdelay $0x1  }
0x515: {  	v0 =	vadd.f32 v2, v0;
	_ =	sdelay $0x1  }
0x516: {  	(xrf2) =	vadd.scan.msk.f32 $0xffff, v0;
	_ =	sdelay $0x3  }
0x517: {  	s24 =	sadd.s32 $0x3, s17;
	s17 =	smov.u32 s22  }
0x518: {  	v0 =	vmov s24;
	_ =	sdelay $0x4  }
0x519: {  	v1, _, _ =	vpop (xrf2)  }
0x51a: {  	[tilespmem:v0+s30+$0x0] =	vst.idx.msk vm0, v1  }
0x51b: {  	v0 =	vld [tilespmem:s18+$0xFFFFFF00]  }
0x51c: {  	v1 =	vld [tilespmem:s18+$0xFFFFFF70]  }
0x51d: {  	v2 =	vld [tilespmem:s18+$0xFFFFFF30]  }
0x51e: {  	v3 =	vld [tilespmem:s18+$0xFFFFFF60]  }
0x51f: {  	v4 =	vld [tilespmem:s18+$0xFFFFFF20]  }
0x520: {  	v5 =	vld [tilespmem:s18+$0xFFFFFF50]  }
0x521: {  	v6 =	vld [tilespmem:s18+$0xFFFFFF10]  }
0x522: {  	v7 =	vld [tilespmem:s18+$0xFFFFFF40];
	v1 =	vmul.f32 v1, v2;
	_ =	sdelay $0x1  }
0x523: {  	v2 =	vmul.f32 v3, v4;
	_ =	sdelay $0x1  }
0x524: {  	v3 =	vmul.f32 v5, v6  }
0x525: {  	v0 =	vmul.f32 v7, v0;
	_ =	sdelay $0x1  }
0x526: {  	v1 =	vadd.f32 v1, v2;
	v0 =	vadd.f32 v3, v0;
	_ =	sdelay $0x1  }
0x527: {  	v0 =	vadd.f32 v1, v0;
	_ =	sdelay $0x1  }
0x528: {  	(xrf2) =	vadd.scan.msk.f32 $0xffff, v0;
	_ =	sdelay $0x2  }
0x529: {  	v0 =	vmov s17  }
0x52a: {  	v0 =	vand.u32 $0xFFFFFFFC, v0  }
0x52b: {  	v0 =	vbroadcast v0, $0x0;
	_ =	sdelay $0x4  }
0x52c: {  	v1, _, _ =	vpop (xrf2)  }
0x52d: {  	[tilespmem:v0+s30+$0x0] =	vst.idx.msk vm0, v1  }
0x52e: {  	v0 =	vld [tilespmem:s18+$0xFFFFFFB0]  }
0x52f: {  	v1 =	vld [tilespmem:s18+$0xFFFFFFD0]  }
0x530: {  	v2 =	vld [tilespmem:s18+$0xFFFFFFC0]  }
0x531: {  	v3 =	vld [tilespmem:s18+$0xFFFFFF90]  }
0x532: {  	v4 =	vld [tilespmem:s18+$0xFFFFFFE0]  }
0x533: {  	v5 =	vld [tilespmem:s18+$0xFFFFFFF0]  }
0x534: {  	v6 =	vld [tilespmem:s18+$0xFFFFFFA0]  }
0x535: {  	v7 =	vld [tilespmem:s18+$0xFFFFFF80];
	_ =	sdelay $0x2  }
0x536: {  	v1 =	vmul.f32 v1, v3;
	v0 =	vmul.f32 v5, v0  }
0x537: {  	v3 =	vmul.f32 v4, v6  }
0x538: {  	v2 =	vmul.f32 v2, v7;
	_ =	sdelay $0x1  }
0x539: {  	v0 =	vadd.f32 v0, v3;
	v1 =	vadd.f32 v1, v2;
	_ =	sdelay $0x1  }
0x53a: {  	v0 =	vadd.f32 v0, v1;
	_ =	sdelay $0x1  }
0x53b: {  	(xrf2) =	vadd.scan.msk.f32 $0xffff, v0;
	_ =	sdelay $0x1  }
0x53c: {  	s22 =	sadd.s32 $0x1, s17  }
0x53d: {  	v0 =	vmov s22  }
0x53e: {  	v0 =	vand.u32 $0xFFFFFFFD, v0  }
0x53f: {  	v0 =	vbroadcast v0, $0x0;
	_ =	sdelay $0x4  }
0x540: {  	v1, _, _ =	vpop (xrf2)  }
0x541: {  	[tilespmem:v0+s30+$0x0] =	vst.idx.msk vm0, v1  }
0x542: {  	v0 =	vld [tilespmem:s18+$0x70]  }
0x543: {  	v1 =	vld [tilespmem:s18+$0x30]  }
0x544: {  	v2 =	vld [tilespmem:s18+$0x0]  }
0x545: {  	v3 =	vld [tilespmem:s18+$0x50]  }
0x546: {  	v4 =	vld [tilespmem:s18+$0x60]  }
0x547: {  	v5 =	vld [tilespmem:s18+$0x40]  }
0x548: {  	v6 =	vld [tilespmem:s18+$0x20];
	v0 =	vmul.f32 v0, v1  }
0x549: {  	v1 =	vld [tilespmem:s18+$0x10];
	_ =	sdelay $0x2  }
0x54a: {  	v2 =	vmul.f32 v5, v2  }
0x54b: {  	v4 =	vmul.f32 v4, v6  }
0x54c: {  	v1 =	vmul.f32 v3, v1;
	_ =	sdelay $0x1  }
0x54d: {  	v0 =	vadd.f32 v0, v4;
	v1 =	vadd.f32 v1, v2;
	_ =	sdelay $0x1  }
0x54e: {  	v0 =	vadd.f32 v0, v1;
	_ =	sdelay $0x1  }
0x54f: {  	(xrf2) =	vadd.scan.msk.f32 $0xffff, v0;
	_ =	sdelay $0x1  }
0x550: {  	s22 =	sadd.s32 $0x2, s17  }
0x551: {  	v0 =	vmov s22  }
0x552: {  	v0 =	vand.u32 $0xFFFFFFFE, v0  }
0x553: {  	v0 =	vbroadcast v0, $0x0;
	_ =	sdelay $0x4  }
0x554: {  	v1, _, _ =	vpop (xrf2)  }
0x555: {  	[tilespmem:v0+s30+$0x0] =	vst.idx.msk vm0, v1  }
0x556: {  	v1 =	vld [tilespmem:s18+$0x80]  }
0x557: {  	v2 =	vld [tilespmem:s18+$0xF0]  }
0x558: {  	v0 =	vld [tilespmem:s18+$0xD0]  }
.Ltmp7:
0x559: {  	v3 =	vld [tilespmem:s18+$0xE0];
	(pc) =	sbr.rel @p0 .LBB2_17-.Ltmp7, $4  }
0x55a: {  	v4 =	vld [tilespmem:s18+$0xC0]  }
0x55b: {  	v5 =	vld [tilespmem:s18+$0xB0]  }
0x55c: {  	v6 =	vld [tilespmem:s18+$0xA0]  }
0x55d: {  	v7 =	vld [tilespmem:s18+$0x90]  }
0x55e: {  	_ =	sdelay $0x2  }
0x55f: {  	v1 =	vmul.f32 v4, v1;
	v2 =	vmul.f32 v2, v5  }
0x560: {  	v3 =	vmul.f32 v3, v6;
	v0 =	vmul.f32 v0, v7;
	_ =	sdelay $0x1  }
0x561: {  	v2 =	vadd.f32 v2, v3;
	v0 =	vadd.f32 v0, v1;
	_ =	sdelay $0x1  }
0x562: {  	v0 =	vadd.f32 v2, v0;
	_ =	sdelay $0x1  }
0x563: {  	(xrf2) =	vadd.scan.msk.f32 $0xffff, v0;
	_ =	sdelay $0x4  }
0x564: {  	s17 =	sadd.s32 $0x3, s17  }
0x565: {  	v62 =	vmov s17  }
0x566: {  	s14 =	sadd.s32 $0x7, s14  }
0x567: {  	s24 =	smulhi.u32 $0x51EB851F, s14  }
0x568: {  	s15 =	sadd.s32 s15, s13  }
0x569: {  	s6 =	sadd.s32 $0x1, s6;
	s15 =	sshrl.u32 s15, $0x3;
	s17 =	sshrl.u32 s24, $0x6;
	v63, _, _ =	vpop (xrf2)  }
0x56a: {  	p0 =	sne.s32 s6, $0x32;
	s15 =	sadd.s32 s2, s15;
	s17 =	smul.u32 $0xC8, s17;
	[tilespmem:v62+s30+$0x0] =	vst.idx.msk vm0, v63  }
0x56b: {  	[hbm4b:s15+s3] =	stream.linear.scatter [tilespmem:s30], [sflag:$0x9], $0x80, $0x38;
	[tilespmem:$0x1CA00] =	vst v63  }
.Ltmp8:
0x56c: {  	s14 =	ssub.s32 s14, s17;
	(pc) =	sbr.rel @p0 .LBB2_10-.Ltmp8, $4  }
0x56d: {  	s14 =	sshll.u32 s14, $0x8  }
0x56e: {  	[tilespmem:s29], [sflag:$0x5] =	stream.indirect.gather [hbm4b:s5+s16], $0x40, s14, s16, $0xb8;
	[tilespmem:$0x1CA00] =	vst v63  }
0x56f: {  	s14 =	sor.u32 $0x80, s14  }
0x570: {  	[tilespmem:s31], [sflag:$0x5] =	stream.indirect.gather [hbm4b:s5+s16], $0x40, s14, s16, $0xb8;
	[tilespmem:$0x1CA00] =	vst v63  }
0x571: {  	_ =	swait.ge [sflag:s0], $0x2000  }
0x572: {  	[sflag:s0] =	ssyncset.done $0x0  }
0x573: {  	[sflag:s0] =	ssyncadd.s32 $0xFFFFE000  }
0x574: {  	_ =	swait.ge [sflag:s0], $0x2000  }
0x575: {  	[sflag:s0] =	ssyncset.done $0x0  }
0x576: {  	[sflag:s0] =	ssyncadd.s32 $0xFFFFE000  }
0x577: {  	_ =	swait.ge [sflag:s7], $0x80  }
0x578: {  	[sflag:s7] =	ssyncset.done $0x0  }
0x579: {  	[sflag:s7] =	ssyncadd.s32 $0xFFFFFF80  }
0x57a: {  	_ =	swait.ge [sflag:s23], $0x2000  }
0x57b: {  	[sflag:s23] =	ssyncset.done $0x0  }
0x57c: {  	[sflag:s23] =	ssyncadd.s32 $0xFFFFE000  }
0x57d: {  	_ =	swait.ge [sflag:s23], $0x2000  }
0x57e: {  	[sflag:s23] =	ssyncset.done $0x0  }
0x57f: {  	[sflag:s23] =	ssyncadd.s32 $0xFFFFE000  }
0x580: {  	_ =	swait.ge [sflag:s8], $0x80  }
0x581: {  	[sflag:s8] =	ssyncset.done $0x0  }
0x582: {  	[sflag:s8] =	ssyncadd.s32 $0xFFFFFF80  }
0x583: {  	_ =	swait.ge [sflag:s19], $0x2000  }
0x584: {  	[sflag:s19] =	ssyncset.done $0x0  }
0x585: {  	[sflag:s19] =	ssyncadd.s32 $0xFFFFE000  }
0x586: {  	_ =	swait.ge [sflag:s19], $0x2000  }
0x587: {  	[sflag:s19] =	ssyncset.done $0x0  }
0x588: {  	[sflag:s19] =	ssyncadd.s32 $0xFFFFE000  }
0x589: {  	_ =	swait.ge [sflag:s9], $0x80  }
0x58a: {  	[sflag:s9] =	ssyncset.done $0x0  }
0x58b: {  	[sflag:s9] =	ssyncadd.s32 $0xFFFFFF80  }
0x58c: {  	_ =	swait.ge [sflag:s28], $0x2000  }
0x58d: {  	[sflag:s28] =	ssyncset.done $0x0  }
0x58e: {  	[sflag:s28] =	ssyncadd.s32 $0xFFFFE000  }
0x58f: {  	_ =	swait.ge [sflag:s28], $0x2000  }
0x590: {  	[sflag:s28] =	ssyncset.done $0x0  }
0x591: {  	[sflag:s28] =	ssyncadd.s32 $0xFFFFE000  }
0x592: {  	_ =	swait.ge [sflag:s10], $0x80  }
0x593: {  	s14 =	rddreg [dreg:$0xa]  }
0x594: {  	s6 =	rddreg [dreg:$0x9];
	s14 =	sadd.s32 $0x1, s14  }
0x595: {  	p0 =	sne.s32 s14, s6  }
.Ltmp9:
0x596: {  	_ = 	snop;
	(pc) =	sbr.rel @p0 .LBB2_1-.Ltmp9, $3  }
0x597: {  	_ =	sdelay $0x1  }
0x598: {  	[sflag:s10] =	ssyncset.done $0x0  }
0x599: {  	[sflag:s10] =	ssyncadd.s32 $0xFFFFFF80  }
0x59a: {  	_ =	sfence.sel $0x180000  }
0x59b: {  	[bflag:$0x0] =	sbarrier.arrive $0xFFFF  }
0x59c: {  	_ =	strace $0x90000047  }
0x59d: {  	s0 =	stileid.u32;
	[bflag:$0x2] =	sbarrier.arrive $0xFFFF  }
0x59e: {  	p0 =	sne.s32 s0, $0x0;
	s0 =	rddreg [dreg:$0x3]  }
0x59f: {  	s0 =	sadd.s32 @!p0 $0x100000, s0  }
0x5a0: {  	[sflag:s0] =	ssyncadd.tile.s32 @!p0 $0x1;
	_ =	shalt  }
.Lfunc_end2:
_tile_overlayer_lowered:
.L_overlay_start_2:
0x5a1: {  	(tag) =	ssettag $0x2  }
0x5a2: {  	s0 =	rddreg [dreg:$0x0];
	s2 =	stileid.u32  }
0x5a3: {  	s1 =	rddreg [dreg:$0x1];
	p0 =	sne.s32 s2, $0x0  }
0x5a4: {  	s3 =	rddreg [dreg:$0x2];
	[bflag:$0x3] =	sbarrier.arrive $0xFFFF;
	s2 =	simm.s32 @!p0 $0x1C0A  }
0x5a5: {  	[timem:s3], [sflag:s2] =	dma.local @!p0 [hbm:s0], s1  }
0x5a6: {  	s0 =	simm.s32 @!p0 $0xA  }
0x5a7: {  	_ =	swait.ge @!p0 [sflag:s0], s1  }
0x5a8: {  	s1 =	ssub.s32 @!p0 $0x0, s1;
	[sflag:s0] =	ssyncset.done @!p0 $0x0  }
0x5a9: {  	[sflag:s0] =	ssyncadd.s32 @!p0 s1  }
0x5aa: {  	[bflag:$0x3] =	sbarrier.arrive $0xFFFF  }
0x5ab: {  	_ =	shalt  }

</sc_bundles>
